<compile_context>
chip_gen: v7x
topology: tpu7x:2x2x1
jax: 0.10.2.dev20260603
libtpu: 0.0.44.dev20260713+nightly
codegen_flags: <defaults>
</compile_context>

<pallas_src>
import jax
import jax.numpy as jnp
from jax import lax
from jax.experimental import pallas as pl
from jax.experimental.pallas import tpu as pltpu
from jax.experimental.pallas import tpu_sc as plsc

BLK = 1000




def _sc_edge_scatter(g, src, dst):
    n, w = g.shape
    e = src.shape[0]
    mesh = plsc.VectorSubcoreMesh(core_axis_name="c", subcore_axis_name="s")
    nc, ns = mesh.num_cores, mesh.num_subcores
    nw = nc * ns
    epw = e // nw
    zr = k = 80
    nch = epw // k
    nzch = n // zr
    jmax = (nzch + ns - 1) // ns
    wl = w // 16
    assert e % nw == 0 and epw % k == 0 and n % zr == 0

    def body(g_hbm, src_hbm, dst_hbm, out_acc, acc_sh, sidx, didx, didx2,
             rows, semi, semg, sems):
        cid = lax.axis_index("c")
        sid = lax.axis_index("s")
        wid = cid * ns + sid
        base = wid * epw
        zv = jnp.zeros((16,), jnp.float32)

        def zfill(i, _):
            rows[0, i // wl, pl.ds((i % wl) * 16, 16)] = zv
            return 0

        lax.fori_loop(0, zr * wl, zfill, 0)
        for j in range(jmax):
            c = sid + j * ns

            @pl.when(c < nzch)
            def _():
                pltpu.sync_copy(rows.at[0], acc_sh.at[pl.ds(c * zr, zr)])
        plsc.subcore_barrier()

        def stage(c, b):
            pltpu.async_copy(src_hbm.at[pl.ds(base + c * k, k)], sidx.at[b], semi)
            pltpu.async_copy(dst_hbm.at[pl.ds(base + c * k, k)], didx.at[b], semi)

        def stage_wait(c, b):
            pltpu.make_async_copy(
                src_hbm.at[pl.ds(base + c * k, k)], sidx.at[b], semi).wait()
            pltpu.make_async_copy(
                dst_hbm.at[pl.ds(base + c * k, k)], didx.at[b], semi).wait()

        def gath(c, b):
            pltpu.async_copy(g_hbm.at[sidx.at[b]], rows.at[b], semg)

        def gath_wait(c, b):
            pltpu.make_async_copy(g_hbm.at[sidx.at[b]], rows.at[b], semg).wait()

        nb = 3
        stage(0, 0)
        stage(1, 1)
        stage(2, 2)
        stage_wait(0, 0)
        gath(0, 0)
        stage_wait(1, 1)
        gath(1, 1)

        def scat_wait(b):
            pltpu.make_async_copy(
                rows.at[b], acc_sh.at[didx2.at[b]], sems).wait()

        def chunk(c, b):
            gath_wait(c, b)
            for j in range(k // 16):
                didx2[b, pl.ds(j * 16, 16)] = didx[b, pl.ds(j * 16, 16)]
            pltpu.async_copy(rows.at[b], acc_sh.at[didx2.at[b]], sems,
                             add=True)

            @pl.when(c + nb < nch)
            def _():
                stage(c + nb, b)

            @pl.when(c >= 1)
            def _():
                scat_wait((c - 1) % nb)

            @pl.when(c + 2 < nch)
            def _():
                stage_wait(c + 2, (b + 2) % nb)
                gath(c + 2, (b + 2) % nb)

        def loop3(i, _):
            c0 = i * nb
            for u in range(nb):
                @pl.when(c0 + u < nch)
                def _():
                    chunk(c0 + u, u)

            return 0

        lax.fori_loop(0, (nch + nb - 1) // nb, loop3, 0)
        scat_wait((nch - 1) % nb)
        plsc.subcore_barrier()
        for j in range(jmax):
            c = sid + j * ns

            @pl.when(c < nzch)
            def _():
                pltpu.sync_copy(acc_sh.at[pl.ds(c * zr, zr)],
                                out_acc.at[cid, pl.ds(c * zr, zr)])

    f = pl.kernel(
        body,
        out_type=jax.ShapeDtypeStruct((nc, n, w), jnp.float32),
        mesh=mesh,
        scratch_types=[
            pltpu.VMEM_SHARED((n, w), jnp.float32),
            pltpu.VMEM((3, k), jnp.int32),
            pltpu.VMEM((3, k), jnp.int32),
            pltpu.VMEM((3, k), jnp.int32),
            pltpu.VMEM((3, k, w), jnp.float32),
            pltpu.SemaphoreType.DMA,
            pltpu.SemaphoreType.DMA,
            pltpu.SemaphoreType.DMA,
        ],
    )
    return f(g, src, dst)


def _sc_degree(dst, n):
    e = dst.shape[0]
    w = 128
    mesh = plsc.VectorSubcoreMesh(core_axis_name="c", subcore_axis_name="s")
    nc, ns = mesh.num_cores, mesh.num_subcores
    nw = nc * ns
    epw = e // nw
    zr = k = 80
    nch = epw // k
    nzch = n // zr
    jmax = (nzch + ns - 1) // ns
    wl = w // 16
    assert e % nw == 0 and epw % k == 0 and n % zr == 0

    def body(dst_hbm, out_deg, deg_sh, didx, onesb, semi):
        cid = lax.axis_index("c")
        sid = lax.axis_index("s")
        wid = cid * ns + sid
        base = wid * epw
        zv = jnp.zeros((16,), jnp.float32)
        ov = jnp.ones((16,), jnp.float32)

        def zfill(i, _):
            onesb[i // wl, pl.ds((i % wl) * 16, 16)] = zv
            return 0

        lax.fori_loop(0, k * wl, zfill, 0)
        for j in range(jmax):
            c = sid + j * ns

            @pl.when(c < nzch)
            def _():
                pltpu.sync_copy(onesb, deg_sh.at[pl.ds(c * zr, zr)])

        def ofill(i, _):
            onesb[i // wl, pl.ds((i % wl) * 16, 16)] = ov
            return 0

        lax.fori_loop(0, k * wl, ofill, 0)
        plsc.subcore_barrier()

        def stage(c, b):
            pltpu.async_copy(dst_hbm.at[pl.ds(base + c * k, k)], didx.at[b], semi)

        def stage_wait(c, b):
            pltpu.make_async_copy(
                dst_hbm.at[pl.ds(base + c * k, k)], didx.at[b], semi).wait()

        stage(0, 0)

        def chunk(c, b):
            stage_wait(c, b)

            @pl.when(c + 1 < nch)
            def _():
                stage(c + 1, 1 - b)

            pltpu.sync_copy(onesb, deg_sh.at[didx.at[b]], add=True)

        def loop2(i, _):
            c0 = i * 2

            @pl.when(c0 < nch)
            def _():
                chunk(c0, 0)

            @pl.when(c0 + 1 < nch)
            def _():
                chunk(c0 + 1, 1)

            return 0

        lax.fori_loop(0, (nch + 1) // 2, loop2, 0)
        plsc.subcore_barrier()
        for j in range(jmax):
            c = sid + j * ns

            @pl.when(c < nzch)
            def _():
                pltpu.sync_copy(deg_sh.at[pl.ds(c * zr, zr)],
                                out_deg.at[cid, pl.ds(c * zr, zr)])

    f = pl.kernel(
        body,
        out_type=jax.ShapeDtypeStruct((nc, n, w), jnp.float32),
        mesh=mesh,
        scratch_types=[
            pltpu.VMEM_SHARED((n, w), jnp.float32),
            pltpu.VMEM((2, k), jnp.int32),
            pltpu.VMEM((k, w), jnp.float32),
            pltpu.SemaphoreType.DMA,
        ],
    )
    return f(dst)




def _mm_dual_body(x_ref, wa_ref, wb_ref, a_ref, b_ref):
    x = x_ref[...]
    a_ref[...] = jnp.dot(x, wa_ref[...], preferred_element_type=jnp.float32)
    b_ref[...] = jnp.dot(x, wb_ref[...], preferred_element_type=jnp.float32)


def _mm_dual(x, wa, wb):
    n, d = x.shape
    ha, hb = wa.shape[1], wb.shape[1]
    return pl.pallas_call(
        _mm_dual_body,
        grid=(n // BLK,),
        in_specs=[
            pl.BlockSpec((BLK, d), lambda i: (i, 0)),
            pl.BlockSpec((d, ha), lambda i: (0, 0)),
            pl.BlockSpec((d, hb), lambda i: (0, 0)),
        ],
        out_specs=[
            pl.BlockSpec((BLK, ha), lambda i: (i, 0)),
            pl.BlockSpec((BLK, hb), lambda i: (i, 0)),
        ],
        out_shape=[
            jax.ShapeDtypeStruct((n, ha), jnp.float32),
            jax.ShapeDtypeStruct((n, hb), jnp.float32),
        ],
    )(x, wa, wb)


def _invdeg_body(degp_ref, out_ref):
    d = degp_ref[0] + degp_ref[1]
    e0 = (lax.broadcasted_iota(jnp.int32, (d.shape[1], 1), 0) == 0)
    deg = jnp.dot(d, e0.astype(jnp.float32),
                  preferred_element_type=jnp.float32)
    out_ref[...] = 1.0 / jnp.maximum(deg, 1.0)


def _invdeg(degp):
    nc, n, w = degp.shape
    return pl.pallas_call(
        _invdeg_body,
        grid=(n // BLK,),
        in_specs=[pl.BlockSpec((nc, BLK, w), lambda i: (0, i, 0))],
        out_specs=pl.BlockSpec((BLK, 1), lambda i: (i, 0)),
        out_shape=jax.ShapeDtypeStruct((n, 1), jnp.float32),
    )(degp)


def _mid_body(self0_ref, s0p_ref, invd_ref, b0_ref, h1_ref):
    s0 = s0p_ref[0] + s0p_ref[1]
    h1_ref[...] = jnp.maximum(
        self0_ref[...] + s0 * invd_ref[...] + b0_ref[...], 0.0)


def _mid(self0, s0p, invd, b0):
    n, h = self0.shape
    nc = s0p.shape[0]
    return pl.pallas_call(
        _mid_body,
        grid=(n // BLK,),
        in_specs=[
            pl.BlockSpec((BLK, h), lambda i: (i, 0)),
            pl.BlockSpec((nc, BLK, h), lambda i: (0, i, 0)),
            pl.BlockSpec((BLK, 1), lambda i: (i, 0)),
            pl.BlockSpec((1, h), lambda i: (0, 0)),
        ],
        out_specs=pl.BlockSpec((BLK, h), lambda i: (i, 0)),
        out_shape=jax.ShapeDtypeStruct((n, h), jnp.float32),
    )(self0, s0p, invd, b0)


def _final_body(h1_ref, s1p_ref, invd_ref, b1_ref, w1s_ref, w1n_ref, out_ref):
    hn = (s1p_ref[0] + s1p_ref[1]) * invd_ref[...]
    out_ref[...] = (
        jnp.dot(h1_ref[...], w1s_ref[...], preferred_element_type=jnp.float32)
        + jnp.dot(hn, w1n_ref[...], preferred_element_type=jnp.float32)
        + b1_ref[...])


def _final(h1, s1p, invd, b1, w1s, w1n):
    n, h = h1.shape
    nc = s1p.shape[0]
    c = w1s.shape[1]
    return pl.pallas_call(
        _final_body,
        grid=(n // BLK,),
        in_specs=[
            pl.BlockSpec((BLK, h), lambda i: (i, 0)),
            pl.BlockSpec((nc, BLK, h), lambda i: (0, i, 0)),
            pl.BlockSpec((BLK, 1), lambda i: (i, 0)),
            pl.BlockSpec((1, c), lambda i: (0, 0)),
            pl.BlockSpec((h, c), lambda i: (0, 0)),
            pl.BlockSpec((h, c), lambda i: (0, 0)),
        ],
        out_specs=pl.BlockSpec((BLK, c), lambda i: (i, 0)),
        out_shape=jax.ShapeDtypeStruct((n, c), jnp.float32),
    )(h1, s1p, invd, b1, w1s, w1n)




def kernel(inputs, graph, W0_self, W0_neigh, b0, W1_self, W1_neigh, b1):
    n = inputs.shape[0]
    gi = graph.astype(jnp.int32)
    src, dst = gi[0], gi[1]
    degp = _sc_degree(dst, n)
    invd = _invdeg(degp)
    self0, g0 = _mm_dual(inputs, W0_self, W0_neigh)
    s0p = _sc_edge_scatter(g0, src, dst)
    h1 = _mid(self0, s0p, invd, b0.reshape(1, -1))
    s1p = _sc_edge_scatter(h1, src, dst)
    return _final(h1, s1p, invd, b1.reshape(1, -1), W1_self, W1_neigh)

# --- scband reference (transcript-rebuilt; emitter-appended) ---
"""Pipeline reference for scband-graph-sage-77575699300503 (READ-ONLY COPY).

The authoritative reference and input builder live on the scoring server;
editing this copy changes nothing except your own understanding.
"""

import jax, jax.numpy as jnp
import numpy as np

N = 10000
E = 320000
D = 128
H = 128
C = 64


def setup_inputs(seed: int = 0) -> dict:
    key = jax.random.key(seed)
    ks = jax.random.split(key, 8)
    inputs = jax.random.normal(ks[0], (N, D), dtype=jnp.float32)
    graph = jax.random.randint(ks[1], (2, E), 0, N).astype(jnp.int64)
    s0 = 1.0 / np.sqrt(D)
    s1 = 1.0 / np.sqrt(H)
    W0_self = jax.random.uniform(ks[2], (D, H), jnp.float32, -s0, s0)
    W0_neigh = jax.random.uniform(ks[3], (D, H), jnp.float32, -s0, s0)
    b0 = jnp.zeros((H,), jnp.float32)
    W1_self = jax.random.uniform(ks[4], (H, C), jnp.float32, -s1, s1)
    W1_neigh = jax.random.uniform(ks[5], (H, C), jnp.float32, -s1, s1)
    b1 = jnp.zeros((C,), jnp.float32)
    return {
        "inputs": inputs,
        "graph": graph,
        "W0_self": W0_self,
        "W0_neigh": W0_neigh,
        "b0": b0,
        "W1_self": W1_self,
        "W1_neigh": W1_neigh,
        "b1": b1,
    }


def _sage_conv(h, graph, W_self, W_neigh, b):
    # DGL SAGEConv with 'mean' aggregator: fc_self(h) + fc_neigh(mean_{u in N(v)} h_u)
    src = graph[0]
    dst = graph[1]
    msgs = jnp.take(h, src, axis=0)
    agg = jax.ops.segment_sum(msgs, dst, num_segments=N)
    deg = jax.ops.segment_sum(jnp.ones((E,), h.dtype), dst, num_segments=N)
    h_neigh = agg / jnp.maximum(deg, 1.0)[:, None]
    return h @ W_self + h_neigh @ W_neigh + b


def reference(inputs, graph, W0_self, W0_neigh, b0, W1_self, W1_neigh, b1):
    # dropout p=0.0 -> identity
    h = inputs
    h = _sage_conv(h, graph, W0_self, W0_neigh, b0)
    h = jax.nn.relu(h)
    h = _sage_conv(h, graph, W1_self, W1_neigh, b1)
    return h

if __name__ == "__main__":
    import jax
    _d = setup_inputs()
    print(jax.jit(kernel)(*tuple(_d.values())))

</pallas_src>

<mosaic_0001>
#map = affine_map<(d0, d1) -> (0, 0)>
#map1 = affine_map<(d0, d1) -> (0)>
#map2 = affine_map<(d0, d1) -> (0, 0, 0)>
module attributes {stable_mosaic.version = 14 : i64} {
  func.func @body(%arg0: i32, %arg1: i32, %arg2: memref<10000x128xf32, #tpu.memory_space<hbm>>, %arg3: memref<320000xi32, #tpu.memory_space<hbm>>, %arg4: memref<320000xi32, #tpu.memory_space<hbm>>, %arg5: memref<2x10000x128xf32, #tpu.memory_space<hbm>>, %arg6: memref<10000x128xf32, #tpu.memory_space<vmem_shared>>, %arg7: memref<3x80xi32, #tpu.memory_space<vmem>>, %arg8: memref<3x80xi32, #tpu.memory_space<vmem>>, %arg9: memref<3x80xi32, #tpu.memory_space<vmem>>, %arg10: memref<3x80x128xf32, #tpu.memory_space<vmem>>, %arg11: memref<!tpu.dma_semaphore, #tpu.memory_space<semaphore_mem>>, %arg12: memref<!tpu.dma_semaphore, #tpu.memory_space<semaphore_mem>>, %arg13: memref<!tpu.dma_semaphore, #tpu.memory_space<semaphore_mem>>) attributes {dimension_semantics = [#tpu.dimension_semantics<core_parallel>, #tpu.dimension_semantics<subcore_parallel>], iteration_bounds = array<i64: 2, 16>, scalar_prefetch = 0 : i64, scratch_operands = 8 : i64, tpu.core_type = #tpu.core_type<sc_vector_subcore>, window_params = [{transform_indices = #map}, {transform_indices = #map1}, {transform_indices = #map1}, {transform_indices = #map2}]} {
    %mul3A = arith.constant 16 : i32
    %mul3A_0 = arith.muli %arg0, %mul3A : i32
    %add3A = arith.addi %mul3A_0, %arg1 : i32
    %mul3A_1 = arith.constant 10000 : i32
    %mul3A_2 = arith.muli %add3A, %mul3A_1 : i32
    %broadcast_in_dim3A = arith.constant 0.000000e+00 : f32
    %broadcast_in_dim3A_3 = vector.broadcast %broadcast_in_dim3A : f32 to vector<16xf32>
    %scan3A = arith.constant 0 : i32
    %scan3A_4 = arith.constant 0 : i32
    %scan3A_5 = arith.constant 640 : i32
    %scan3A_6 = arith.addi %scan3A_4, %scan3A_5 : i32
    %scan3A_7 = arith.constant 1 : i32
    %scan3A_8 = scf.for %scan3A_271 = %scan3A_4 to %scan3A_6 step %scan3A_7 iter_args(%scan3A_272 = %scan3A) -> (i32)  : i32 {
      %jit3A = arith.constant 8 : i32
      %div3A = arith.divsi %scan3A_271, %jit3A : i32
      %sign3A = arith.constant 0 : i32
      %sign3A_273 = arith.cmpi sgt, %scan3A_271, %sign3A : i32
      %sign3A_274 = arith.extui %sign3A_273 : i1 to i32
      %sign3A_275 = arith.constant 0 : i32
      %sign3A_276 = arith.cmpi slt, %scan3A_271, %sign3A_275 : i32
      %sign3A_277 = arith.extui %sign3A_276 : i1 to i32
      %sign3A_278 = arith.subi %sign3A_274, %sign3A_277 : i32
      %sign3A_279 = arith.constant 0 : i32
      %sign3A_280 = arith.cmpi sgt, %jit3A, %sign3A_279 : i32
      %sign3A_281 = arith.extui %sign3A_280 : i1 to i32
      %sign3A_282 = arith.constant 0 : i32
      %sign3A_283 = arith.cmpi slt, %jit3A, %sign3A_282 : i32
      %sign3A_284 = arith.extui %sign3A_283 : i1 to i32
      %sign3A_285 = arith.subi %sign3A_281, %sign3A_284 : i32
      %ne3A = arith.cmpi ne, %sign3A_278, %sign3A_285 : i32
      %rem3A = arith.remsi %scan3A_271, %jit3A : i32
      %ne3A_286 = arith.constant 0 : i32
      %ne3A_287 = arith.cmpi ne, %rem3A, %ne3A_286 : i32
      %and3A = arith.andi %ne3A, %ne3A_287 : i1
      %sub3A = arith.constant 1 : i32
      %sub3A_288 = arith.subi %div3A, %sub3A : i32
      %select_n3A = arith.select %and3A, %sub3A_288, %div3A : i32
      %jit3A_289 = arith.constant 8 : i32
      %eq3A = arith.constant 0 : i32
      %eq3A_290 = arith.cmpi eq, %jit3A_289, %eq3A : i32
      %jit3A_291 = arith.constant 1 : i32
      %select_n3A_292 = arith.select %eq3A_290, %jit3A_291, %jit3A_289 : i32
      %rem3A_293 = arith.remsi %scan3A_271, %select_n3A_292 : i32
      %ne3A_294 = arith.constant 0 : i32
      %ne3A_295 = arith.cmpi ne, %rem3A_293, %ne3A_294 : i32
      %lt3A_296 = arith.constant 0 : i32
      %lt3A_297 = arith.cmpi slt, %rem3A_293, %lt3A_296 : i32
      %lt3A_298 = arith.constant 0 : i32
      %lt3A_299 = arith.cmpi slt, %select_n3A_292, %lt3A_298 : i32
      %ne3A_300 = arith.xori %lt3A_297, %lt3A_299 : i1
      %and3A_301 = arith.andi %ne3A_300, %ne3A_295 : i1
      %add3A_302 = arith.addi %rem3A_293, %select_n3A_292 : i32
      %select_n3A_303 = arith.select %and3A_301, %add3A_302, %rem3A_293 : i32
      %mul3A_304 = arith.constant 16 : i32
      %mul3A_305 = arith.muli %select_n3A_303, %mul3A_304 : i32
      %swap3A = arith.constant 0 : i32
      %swap3A_306 = arith.index_cast %swap3A : i32 to index
      %swap3A_307 = arith.index_cast %select_n3A : i32 to index
      %swap3A_308 = arith.index_cast %mul3A_305 : i32 to index
      %swap3A_309 = tpu.vector_load %arg10[%swap3A_306, %swap3A_307, %swap3A_308] {strides = array<i32>} : memref<3x80x128xf32, #tpu.memory_space<vmem>>, vector<1x1x16xf32>,
      %swap3A_310 = vector.shape_cast %swap3A_309 : vector<1x1x16xf32> to vector<16xf32>
      %swap3A_311 = vector.shape_cast %broadcast_in_dim3A_3 : vector<16xf32> to vector<1x1x16xf32>
      tpu.vector_store %arg10[%swap3A_306, %swap3A_307, %swap3A_308], %swap3A_311 {strides = array<i32>} : memref<3x80x128xf32, #tpu.memory_space<vmem>>, vector<1x1x16xf32>,
      %scan3A_312 = arith.constant 0 : i32
      scf.yield %scan3A_312 : i32
    }
    %scan3A_9 = arith.constant 640 : i32
    %add3A_10 = arith.constant 0 : i32
    %add3A_11 = arith.addi %arg1, %add3A_10 : i32
    %lt3A = arith.constant 125 : i32
    %lt3A_12 = arith.cmpi slt, %add3A_11, %lt3A : i32
    %convert_element_type3A = arith.extui %lt3A_12 : i1 to i32
    %cond3A = arith.constant 0 : i32
    %cond3A_13 = arith.cmpi ne, %convert_element_type3A, %cond3A : i32
    scf.if %cond3A_13 {
      %mul3A_271 = arith.constant 80 : i32
      %mul3A_272 = arith.muli %add3A_11, %mul3A_271 : i32
      %run_scoped3A = arith.constant 0 : i32
      "tpu.region"() ({
        %run_scoped3A_273 = tpu.sem_alloc : memref<!tpu.dma_semaphore, #tpu.memory_space<semaphore_mem>>
        %dma_start3A_274 = arith.constant 0 : i32
        %dma_start3A_275 = arith.constant 0 : i32
        %dma_start3A_276 = tpu.memref_slice %arg10[%run_scoped3A, %dma_start3A_274, %dma_start3A_275] : memref<3x80x128xf32, #tpu.memory_space<vmem>> -> memref<1x80x128xf32, #tpu.memory_space<vmem>>
        %dma_start3A_277 = tpu.memref_squeeze %dma_start3A_276 : memref<1x80x128xf32, #tpu.memory_space<vmem>> -> memref<80x128xf32, #tpu.memory_space<vmem>>
        %dma_start3A_278 = arith.constant 0 : i32
        %dma_start3A_279 = tpu.memref_slice %arg6[%mul3A_272, %dma_start3A_278] : memref<10000x128xf32, #tpu.memory_space<vmem_shared>> -> memref<80x128xf32, #tpu.memory_space<vmem_shared>>
        %dma_start3A_280 = arith.constant 0 : i32
        %dma_start3A_281 = tpu.memref_slice %arg6[%mul3A_272, %dma_start3A_280] : memref<10000x128xf32, #tpu.memory_space<vmem_shared>> -> memref<80x128xf32, #tpu.memory_space<vmem_shared>>
        %dma_start3A_282 = arith.constant 0 : i32
        %dma_start3A_283 = arith.constant 0 : i32
        %dma_start3A_284 = tpu.memref_slice %arg10[%run_scoped3A, %dma_start3A_282, %dma_start3A_283] : memref<3x80x128xf32, #tpu.memory_space<vmem>> -> memref<1x80x128xf32, #tpu.memory_space<vmem>>
        %dma_start3A_285 = tpu.memref_squeeze %dma_start3A_284 : memref<1x80x128xf32, #tpu.memory_space<vmem>> -> memref<80x128xf32, #tpu.memory_space<vmem>>
        tpu.enqueue_dma source(%dma_start3A_285 : memref<80x128xf32, #tpu.memory_space<vmem>>) target(%dma_start3A_281 : memref<80x128xf32, #tpu.memory_space<vmem_shared>>) target_semaphore(%run_scoped3A_273 : memref<!tpu.dma_semaphore, #tpu.memory_space<semaphore_mem>>)
        %dma_wait3A_286 = arith.constant 0 : i32
        %dma_wait3A_287 = arith.constant 0 : i32
        %dma_wait3A_288 = tpu.memref_slice %arg10[%run_scoped3A, %dma_wait3A_286, %dma_wait3A_287] : memref<3x80x128xf32, #tpu.memory_space<vmem>> -> memref<1x80x128xf32, #tpu.memory_space<vmem>>
        %dma_wait3A_289 = tpu.memref_squeeze %dma_wait3A_288 : memref<1x80x128xf32, #tpu.memory_space<vmem>> -> memref<80x128xf32, #tpu.memory_space<vmem>>
        %dma_wait3A_290 = arith.constant 0 : i32
        %dma_wait3A_291 = tpu.memref_slice %arg6[%mul3A_272, %dma_wait3A_290] : memref<10000x128xf32, #tpu.memory_space<vmem_shared>> -> memref<80x128xf32, #tpu.memory_space<vmem_shared>>
        %dma_wait3A_292 = arith.constant 0 : i32
        %dma_wait3A_293 = tpu.memref_slice %arg6[%mul3A_272, %dma_wait3A_292] : memref<10000x128xf32, #tpu.memory_space<vmem_shared>> -> memref<80x128xf32, #tpu.memory_space<vmem_shared>>
        %dma_wait3A_294 = arith.constant 0 : i32
        %dma_wait3A_295 = arith.constant 0 : i32
        %dma_wait3A_296 = tpu.memref_slice %arg10[%run_scoped3A, %dma_wait3A_294, %dma_wait3A_295] : memref<3x80x128xf32, #tpu.memory_space<vmem>> -> memref<1x80x128xf32, #tpu.memory_space<vmem>>
        %dma_wait3A_297 = tpu.memref_squeeze %dma_wait3A_296 : memref<1x80x128xf32, #tpu.memory_space<vmem>> -> memref<80x128xf32, #tpu.memory_space<vmem>>
        tpu.wait_dma2 semaphore(%run_scoped3A_273 : memref<!tpu.dma_semaphore, #tpu.memory_space<semaphore_mem>>) src(%dma_wait3A_297 : memref<80x128xf32, #tpu.memory_space<vmem>>) dst(%dma_wait3A_293 : memref<80x128xf32, #tpu.memory_space<vmem_shared>>)
        tpu.yield
      }) : () -> ()
    } else {
    }
    %add3A_14 = arith.constant 16 : i32
    %add3A_15 = arith.addi %arg1, %add3A_14 : i32
    %lt3A_16 = arith.constant 125 : i32
    %lt3A_17 = arith.cmpi slt, %add3A_15, %lt3A_16 : i32
    %convert_element_type3A_18 = arith.extui %lt3A_17 : i1 to i32
    %cond3A_19 = arith.constant 0 : i32
    %cond3A_20 = arith.cmpi ne, %convert_element_type3A_18, %cond3A_19 : i32
    scf.if %cond3A_20 {
      %mul3A_271 = arith.constant 80 : i32
      %mul3A_272 = arith.muli %add3A_15, %mul3A_271 : i32
      %run_scoped3A = arith.constant 0 : i32
      "tpu.region"() ({
        %run_scoped3A_273 = tpu.sem_alloc : memref<!tpu.dma_semaphore, #tpu.memory_space<semaphore_mem>>
        %dma_start3A_274 = arith.constant 0 : i32
        %dma_start3A_275 = arith.constant 0 : i32
        %dma_start3A_276 = tpu.memref_slice %arg10[%run_scoped3A, %dma_start3A_274, %dma_start3A_275] : memref<3x80x128xf32, #tpu.memory_space<vmem>> -> memref<1x80x128xf32, #tpu.memory_space<vmem>>
        %dma_start3A_277 = tpu.memref_squeeze %dma_start3A_276 : memref<1x80x128xf32, #tpu.memory_space<vmem>> -> memref<80x128xf32, #tpu.memory_space<vmem>>
        %dma_start3A_278 = arith.constant 0 : i32
        %dma_start3A_279 = tpu.memref_slice %arg6[%mul3A_272, %dma_start3A_278] : memref<10000x128xf32, #tpu.memory_space<vmem_shared>> -> memref<80x128xf32, #tpu.memory_space<vmem_shared>>
        %dma_start3A_280 = arith.constant 0 : i32
        %dma_start3A_281 = tpu.memref_slice %arg6[%mul3A_272, %dma_start3A_280] : memref<10000x128xf32, #tpu.memory_space<vmem_shared>> -> memref<80x128xf32, #tpu.memory_space<vmem_shared>>
        %dma_start3A_282 = arith.constant 0 : i32
        %dma_start3A_283 = arith.constant 0 : i32
        %dma_start3A_284 = tpu.memref_slice %arg10[%run_scoped3A, %dma_start3A_282, %dma_start3A_283] : memref<3x80x128xf32, #tpu.memory_space<vmem>> -> memref<1x80x128xf32, #tpu.memory_space<vmem>>
        %dma_start3A_285 = tpu.memref_squeeze %dma_start3A_284 : memref<1x80x128xf32, #tpu.memory_space<vmem>> -> memref<80x128xf32, #tpu.memory_space<vmem>>
        tpu.enqueue_dma source(%dma_start3A_285 : memref<80x128xf32, #tpu.memory_space<vmem>>) target(%dma_start3A_281 : memref<80x128xf32, #tpu.memory_space<vmem_shared>>) target_semaphore(%run_scoped3A_273 : memref<!tpu.dma_semaphore, #tpu.memory_space<semaphore_mem>>)
        %dma_wait3A_286 = arith.constant 0 : i32
        %dma_wait3A_287 = arith.constant 0 : i32
        %dma_wait3A_288 = tpu.memref_slice %arg10[%run_scoped3A, %dma_wait3A_286, %dma_wait3A_287] : memref<3x80x128xf32, #tpu.memory_space<vmem>> -> memref<1x80x128xf32, #tpu.memory_space<vmem>>
        %dma_wait3A_289 = tpu.memref_squeeze %dma_wait3A_288 : memref<1x80x128xf32, #tpu.memory_space<vmem>> -> memref<80x128xf32, #tpu.memory_space<vmem>>
        %dma_wait3A_290 = arith.constant 0 : i32
        %dma_wait3A_291 = tpu.memref_slice %arg6[%mul3A_272, %dma_wait3A_290] : memref<10000x128xf32, #tpu.memory_space<vmem_shared>> -> memref<80x128xf32, #tpu.memory_space<vmem_shared>>
        %dma_wait3A_292 = arith.constant 0 : i32
        %dma_wait3A_293 = tpu.memref_slice %arg6[%mul3A_272, %dma_wait3A_292] : memref<10000x128xf32, #tpu.memory_space<vmem_shared>> -> memref<80x128xf32, #tpu.memory_space<vmem_shared>>
        %dma_wait3A_294 = arith.constant 0 : i32
        %dma_wait3A_295 = arith.constant 0 : i32
        %dma_wait3A_296 = tpu.memref_slice %arg10[%run_scoped3A, %dma_wait3A_294, %dma_wait3A_295] : memref<3x80x128xf32, #tpu.memory_space<vmem>> -> memref<1x80x128xf32, #tpu.memory_space<vmem>>
        %dma_wait3A_297 = tpu.memref_squeeze %dma_wait3A_296 : memref<1x80x128xf32, #tpu.memory_space<vmem>> -> memref<80x128xf32, #tpu.memory_space<vmem>>
        tpu.wait_dma2 semaphore(%run_scoped3A_273 : memref<!tpu.dma_semaphore, #tpu.memory_space<semaphore_mem>>) src(%dma_wait3A_297 : memref<80x128xf32, #tpu.memory_space<vmem>>) dst(%dma_wait3A_293 : memref<80x128xf32, #tpu.memory_space<vmem_shared>>)
        tpu.yield
      }) : () -> ()
    } else {
    }
    %add3A_21 = arith.constant 32 : i32
    %add3A_22 = arith.addi %arg1, %add3A_21 : i32
    %lt3A_23 = arith.constant 125 : i32
    %lt3A_24 = arith.cmpi slt, %add3A_22, %lt3A_23 : i32
    %convert_element_type3A_25 = arith.extui %lt3A_24 : i1 to i32
    %cond3A_26 = arith.constant 0 : i32
    %cond3A_27 = arith.cmpi ne, %convert_element_type3A_25, %cond3A_26 : i32
    scf.if %cond3A_27 {
      %mul3A_271 = arith.constant 80 : i32
      %mul3A_272 = arith.muli %add3A_22, %mul3A_271 : i32
      %run_scoped3A = arith.constant 0 : i32
      "tpu.region"() ({
        %run_scoped3A_273 = tpu.sem_alloc : memref<!tpu.dma_semaphore, #tpu.memory_space<semaphore_mem>>
        %dma_start3A_274 = arith.constant 0 : i32
        %dma_start3A_275 = arith.constant 0 : i32
        %dma_start3A_276 = tpu.memref_slice %arg10[%run_scoped3A, %dma_start3A_274, %dma_start3A_275] : memref<3x80x128xf32, #tpu.memory_space<vmem>> -> memref<1x80x128xf32, #tpu.memory_space<vmem>>
        %dma_start3A_277 = tpu.memref_squeeze %dma_start3A_276 : memref<1x80x128xf32, #tpu.memory_space<vmem>> -> memref<80x128xf32, #tpu.memory_space<vmem>>
        %dma_start3A_278 = arith.constant 0 : i32
        %dma_start3A_279 = tpu.memref_slice %arg6[%mul3A_272, %dma_start3A_278] : memref<10000x128xf32, #tpu.memory_space<vmem_shared>> -> memref<80x128xf32, #tpu.memory_space<vmem_shared>>
        %dma_start3A_280 = arith.constant 0 : i32
        %dma_start3A_281 = tpu.memref_slice %arg6[%mul3A_272, %dma_start3A_280] : memref<10000x128xf32, #tpu.memory_space<vmem_shared>> -> memref<80x128xf32, #tpu.memory_space<vmem_shared>>
        %dma_start3A_282 = arith.constant 0 : i32
        %dma_start3A_283 = arith.constant 0 : i32
        %dma_start3A_284 = tpu.memref_slice %arg10[%run_scoped3A, %dma_start3A_282, %dma_start3A_283] : memref<3x80x128xf32, #tpu.memory_space<vmem>> -> memref<1x80x128xf32, #tpu.memory_space<vmem>>
        %dma_start3A_285 = tpu.memref_squeeze %dma_start3A_284 : memref<1x80x128xf32, #tpu.memory_space<vmem>> -> memref<80x128xf32, #tpu.memory_space<vmem>>
        tpu.enqueue_dma source(%dma_start3A_285 : memref<80x128xf32, #tpu.memory_space<vmem>>) target(%dma_start3A_281 : memref<80x128xf32, #tpu.memory_space<vmem_shared>>) target_semaphore(%run_scoped3A_273 : memref<!tpu.dma_semaphore, #tpu.memory_space<semaphore_mem>>)
        %dma_wait3A_286 = arith.constant 0 : i32
        %dma_wait3A_287 = arith.constant 0 : i32
        %dma_wait3A_288 = tpu.memref_slice %arg10[%run_scoped3A, %dma_wait3A_286, %dma_wait3A_287] : memref<3x80x128xf32, #tpu.memory_space<vmem>> -> memref<1x80x128xf32, #tpu.memory_space<vmem>>
        %dma_wait3A_289 = tpu.memref_squeeze %dma_wait3A_288 : memref<1x80x128xf32, #tpu.memory_space<vmem>> -> memref<80x128xf32, #tpu.memory_space<vmem>>
        %dma_wait3A_290 = arith.constant 0 : i32
        %dma_wait3A_291 = tpu.memref_slice %arg6[%mul3A_272, %dma_wait3A_290] : memref<10000x128xf32, #tpu.memory_space<vmem_shared>> -> memref<80x128xf32, #tpu.memory_space<vmem_shared>>
        %dma_wait3A_292 = arith.constant 0 : i32
        %dma_wait3A_293 = tpu.memref_slice %arg6[%mul3A_272, %dma_wait3A_292] : memref<10000x128xf32, #tpu.memory_space<vmem_shared>> -> memref<80x128xf32, #tpu.memory_space<vmem_shared>>
        %dma_wait3A_294 = arith.constant 0 : i32
        %dma_wait3A_295 = arith.constant 0 : i32
        %dma_wait3A_296 = tpu.memref_slice %arg10[%run_scoped3A, %dma_wait3A_294, %dma_wait3A_295] : memref<3x80x128xf32, #tpu.memory_space<vmem>> -> memref<1x80x128xf32, #tpu.memory_space<vmem>>
        %dma_wait3A_297 = tpu.memref_squeeze %dma_wait3A_296 : memref<1x80x128xf32, #tpu.memory_space<vmem>> -> memref<80x128xf32, #tpu.memory_space<vmem>>
        tpu.wait_dma2 semaphore(%run_scoped3A_273 : memref<!tpu.dma_semaphore, #tpu.memory_space<semaphore_mem>>) src(%dma_wait3A_297 : memref<80x128xf32, #tpu.memory_space<vmem>>) dst(%dma_wait3A_293 : memref<80x128xf32, #tpu.memory_space<vmem_shared>>)
        tpu.yield
      }) : () -> ()
    } else {
    }
    %add3A_28 = arith.constant 48 : i32
    %add3A_29 = arith.addi %arg1, %add3A_28 : i32
    %lt3A_30 = arith.constant 125 : i32
    %lt3A_31 = arith.cmpi slt, %add3A_29, %lt3A_30 : i32
    %convert_element_type3A_32 = arith.extui %lt3A_31 : i1 to i32
    %cond3A_33 = arith.constant 0 : i32
    %cond3A_34 = arith.cmpi ne, %convert_element_type3A_32, %cond3A_33 : i32
    scf.if %cond3A_34 {
      %mul3A_271 = arith.constant 80 : i32
      %mul3A_272 = arith.muli %add3A_29, %mul3A_271 : i32
      %run_scoped3A = arith.constant 0 : i32
      "tpu.region"() ({
        %run_scoped3A_273 = tpu.sem_alloc : memref<!tpu.dma_semaphore, #tpu.memory_space<semaphore_mem>>
        %dma_start3A_274 = arith.constant 0 : i32
        %dma_start3A_275 = arith.constant 0 : i32
        %dma_start3A_276 = tpu.memref_slice %arg10[%run_scoped3A, %dma_start3A_274, %dma_start3A_275] : memref<3x80x128xf32, #tpu.memory_space<vmem>> -> memref<1x80x128xf32, #tpu.memory_space<vmem>>
        %dma_start3A_277 = tpu.memref_squeeze %dma_start3A_276 : memref<1x80x128xf32, #tpu.memory_space<vmem>> -> memref<80x128xf32, #tpu.memory_space<vmem>>
        %dma_start3A_278 = arith.constant 0 : i32
        %dma_start3A_279 = tpu.memref_slice %arg6[%mul3A_272, %dma_start3A_278] : memref<10000x128xf32, #tpu.memory_space<vmem_shared>> -> memref<80x128xf32, #tpu.memory_space<vmem_shared>>
        %dma_start3A_280 = arith.constant 0 : i32
        %dma_start3A_281 = tpu.memref_slice %arg6[%mul3A_272, %dma_start3A_280] : memref<10000x128xf32, #tpu.memory_space<vmem_shared>> -> memref<80x128xf32, #tpu.memory_space<vmem_shared>>
        %dma_start3A_282 = arith.constant 0 : i32
        %dma_start3A_283 = arith.constant 0 : i32
        %dma_start3A_284 = tpu.memref_slice %arg10[%run_scoped3A, %dma_start3A_282, %dma_start3A_283] : memref<3x80x128xf32, #tpu.memory_space<vmem>> -> memref<1x80x128xf32, #tpu.memory_space<vmem>>
        %dma_start3A_285 = tpu.memref_squeeze %dma_start3A_284 : memref<1x80x128xf32, #tpu.memory_space<vmem>> -> memref<80x128xf32, #tpu.memory_space<vmem>>
        tpu.enqueue_dma source(%dma_start3A_285 : memref<80x128xf32, #tpu.memory_space<vmem>>) target(%dma_start3A_281 : memref<80x128xf32, #tpu.memory_space<vmem_shared>>) target_semaphore(%run_scoped3A_273 : memref<!tpu.dma_semaphore, #tpu.memory_space<semaphore_mem>>)
        %dma_wait3A_286 = arith.constant 0 : i32
        %dma_wait3A_287 = arith.constant 0 : i32
        %dma_wait3A_288 = tpu.memref_slice %arg10[%run_scoped3A, %dma_wait3A_286, %dma_wait3A_287] : memref<3x80x128xf32, #tpu.memory_space<vmem>> -> memref<1x80x128xf32, #tpu.memory_space<vmem>>
        %dma_wait3A_289 = tpu.memref_squeeze %dma_wait3A_288 : memref<1x80x128xf32, #tpu.memory_space<vmem>> -> memref<80x128xf32, #tpu.memory_space<vmem>>
        %dma_wait3A_290 = arith.constant 0 : i32
        %dma_wait3A_291 = tpu.memref_slice %arg6[%mul3A_272, %dma_wait3A_290] : memref<10000x128xf32, #tpu.memory_space<vmem_shared>> -> memref<80x128xf32, #tpu.memory_space<vmem_shared>>
        %dma_wait3A_292 = arith.constant 0 : i32
        %dma_wait3A_293 = tpu.memref_slice %arg6[%mul3A_272, %dma_wait3A_292] : memref<10000x128xf32, #tpu.memory_space<vmem_shared>> -> memref<80x128xf32, #tpu.memory_space<vmem_shared>>
        %dma_wait3A_294 = arith.constant 0 : i32
        %dma_wait3A_295 = arith.constant 0 : i32
        %dma_wait3A_296 = tpu.memref_slice %arg10[%run_scoped3A, %dma_wait3A_294, %dma_wait3A_295] : memref<3x80x128xf32, #tpu.memory_space<vmem>> -> memref<1x80x128xf32, #tpu.memory_space<vmem>>
        %dma_wait3A_297 = tpu.memref_squeeze %dma_wait3A_296 : memref<1x80x128xf32, #tpu.memory_space<vmem>> -> memref<80x128xf32, #tpu.memory_space<vmem>>
        tpu.wait_dma2 semaphore(%run_scoped3A_273 : memref<!tpu.dma_semaphore, #tpu.memory_space<semaphore_mem>>) src(%dma_wait3A_297 : memref<80x128xf32, #tpu.memory_space<vmem>>) dst(%dma_wait3A_293 : memref<80x128xf32, #tpu.memory_space<vmem_shared>>)
        tpu.yield
      }) : () -> ()
    } else {
    }
    %add3A_35 = arith.constant 64 : i32
    %add3A_36 = arith.addi %arg1, %add3A_35 : i32
    %lt3A_37 = arith.constant 125 : i32
    %lt3A_38 = arith.cmpi slt, %add3A_36, %lt3A_37 : i32
    %convert_element_type3A_39 = arith.extui %lt3A_38 : i1 to i32
    %cond3A_40 = arith.constant 0 : i32
    %cond3A_41 = arith.cmpi ne, %convert_element_type3A_39, %cond3A_40 : i32
    scf.if %cond3A_41 {
      %mul3A_271 = arith.constant 80 : i32
      %mul3A_272 = arith.muli %add3A_36, %mul3A_271 : i32
      %run_scoped3A = arith.constant 0 : i32
      "tpu.region"() ({
        %run_scoped3A_273 = tpu.sem_alloc : memref<!tpu.dma_semaphore, #tpu.memory_space<semaphore_mem>>
        %dma_start3A_274 = arith.constant 0 : i32
        %dma_start3A_275 = arith.constant 0 : i32
        %dma_start3A_276 = tpu.memref_slice %arg10[%run_scoped3A, %dma_start3A_274, %dma_start3A_275] : memref<3x80x128xf32, #tpu.memory_space<vmem>> -> memref<1x80x128xf32, #tpu.memory_space<vmem>>
        %dma_start3A_277 = tpu.memref_squeeze %dma_start3A_276 : memref<1x80x128xf32, #tpu.memory_space<vmem>> -> memref<80x128xf32, #tpu.memory_space<vmem>>
        %dma_start3A_278 = arith.constant 0 : i32
        %dma_start3A_279 = tpu.memref_slice %arg6[%mul3A_272, %dma_start3A_278] : memref<10000x128xf32, #tpu.memory_space<vmem_shared>> -> memref<80x128xf32, #tpu.memory_space<vmem_shared>>
        %dma_start3A_280 = arith.constant 0 : i32
        %dma_start3A_281 = tpu.memref_slice %arg6[%mul3A_272, %dma_start3A_280] : memref<10000x128xf32, #tpu.memory_space<vmem_shared>> -> memref<80x128xf32, #tpu.memory_space<vmem_shared>>
        %dma_start3A_282 = arith.constant 0 : i32
        %dma_start3A_283 = arith.constant 0 : i32
        %dma_start3A_284 = tpu.memref_slice %arg10[%run_scoped3A, %dma_start3A_282, %dma_start3A_283] : memref<3x80x128xf32, #tpu.memory_space<vmem>> -> memref<1x80x128xf32, #tpu.memory_space<vmem>>
        %dma_start3A_285 = tpu.memref_squeeze %dma_start3A_284 : memref<1x80x128xf32, #tpu.memory_space<vmem>> -> memref<80x128xf32, #tpu.memory_space<vmem>>
        tpu.enqueue_dma source(%dma_start3A_285 : memref<80x128xf32, #tpu.memory_space<vmem>>) target(%dma_start3A_281 : memref<80x128xf32, #tpu.memory_space<vmem_shared>>) target_semaphore(%run_scoped3A_273 : memref<!tpu.dma_semaphore, #tpu.memory_space<semaphore_mem>>)
        %dma_wait3A_286 = arith.constant 0 : i32
        %dma_wait3A_287 = arith.constant 0 : i32
        %dma_wait3A_288 = tpu.memref_slice %arg10[%run_scoped3A, %dma_wait3A_286, %dma_wait3A_287] : memref<3x80x128xf32, #tpu.memory_space<vmem>> -> memref<1x80x128xf32, #tpu.memory_space<vmem>>
        %dma_wait3A_289 = tpu.memref_squeeze %dma_wait3A_288 : memref<1x80x128xf32, #tpu.memory_space<vmem>> -> memref<80x128xf32, #tpu.memory_space<vmem>>
        %dma_wait3A_290 = arith.constant 0 : i32
        %dma_wait3A_291 = tpu.memref_slice %arg6[%mul3A_272, %dma_wait3A_290] : memref<10000x128xf32, #tpu.memory_space<vmem_shared>> -> memref<80x128xf32, #tpu.memory_space<vmem_shared>>
        %dma_wait3A_292 = arith.constant 0 : i32
        %dma_wait3A_293 = tpu.memref_slice %arg6[%mul3A_272, %dma_wait3A_292] : memref<10000x128xf32, #tpu.memory_space<vmem_shared>> -> memref<80x128xf32, #tpu.memory_space<vmem_shared>>
        %dma_wait3A_294 = arith.constant 0 : i32
        %dma_wait3A_295 = arith.constant 0 : i32
        %dma_wait3A_296 = tpu.memref_slice %arg10[%run_scoped3A, %dma_wait3A_294, %dma_wait3A_295] : memref<3x80x128xf32, #tpu.memory_space<vmem>> -> memref<1x80x128xf32, #tpu.memory_space<vmem>>
        %dma_wait3A_297 = tpu.memref_squeeze %dma_wait3A_296 : memref<1x80x128xf32, #tpu.memory_space<vmem>> -> memref<80x128xf32, #tpu.memory_space<vmem>>
        tpu.wait_dma2 semaphore(%run_scoped3A_273 : memref<!tpu.dma_semaphore, #tpu.memory_space<semaphore_mem>>) src(%dma_wait3A_297 : memref<80x128xf32, #tpu.memory_space<vmem>>) dst(%dma_wait3A_293 : memref<80x128xf32, #tpu.memory_space<vmem_shared>>)
        tpu.yield
      }) : () -> ()
    } else {
    }
    %add3A_42 = arith.constant 80 : i32
    %add3A_43 = arith.addi %arg1, %add3A_42 : i32
    %lt3A_44 = arith.constant 125 : i32
    %lt3A_45 = arith.cmpi slt, %add3A_43, %lt3A_44 : i32
    %convert_element_type3A_46 = arith.extui %lt3A_45 : i1 to i32
    %cond3A_47 = arith.constant 0 : i32
    %cond3A_48 = arith.cmpi ne, %convert_element_type3A_46, %cond3A_47 : i32
    scf.if %cond3A_48 {
      %mul3A_271 = arith.constant 80 : i32
      %mul3A_272 = arith.muli %add3A_43, %mul3A_271 : i32
      %run_scoped3A = arith.constant 0 : i32
      "tpu.region"() ({
        %run_scoped3A_273 = tpu.sem_alloc : memref<!tpu.dma_semaphore, #tpu.memory_space<semaphore_mem>>
        %dma_start3A_274 = arith.constant 0 : i32
        %dma_start3A_275 = arith.constant 0 : i32
        %dma_start3A_276 = tpu.memref_slice %arg10[%run_scoped3A, %dma_start3A_274, %dma_start3A_275] : memref<3x80x128xf32, #tpu.memory_space<vmem>> -> memref<1x80x128xf32, #tpu.memory_space<vmem>>
        %dma_start3A_277 = tpu.memref_squeeze %dma_start3A_276 : memref<1x80x128xf32, #tpu.memory_space<vmem>> -> memref<80x128xf32, #tpu.memory_space<vmem>>
        %dma_start3A_278 = arith.constant 0 : i32
        %dma_start3A_279 = tpu.memref_slice %arg6[%mul3A_272, %dma_start3A_278] : memref<10000x128xf32, #tpu.memory_space<vmem_shared>> -> memref<80x128xf32, #tpu.memory_space<vmem_shared>>
        %dma_start3A_280 = arith.constant 0 : i32
        %dma_start3A_281 = tpu.memref_slice %arg6[%mul3A_272, %dma_start3A_280] : memref<10000x128xf32, #tpu.memory_space<vmem_shared>> -> memref<80x128xf32, #tpu.memory_space<vmem_shared>>
        %dma_start3A_282 = arith.constant 0 : i32
        %dma_start3A_283 = arith.constant 0 : i32
        %dma_start3A_284 = tpu.memref_slice %arg10[%run_scoped3A, %dma_start3A_282, %dma_start3A_283] : memref<3x80x128xf32, #tpu.memory_space<vmem>> -> memref<1x80x128xf32, #tpu.memory_space<vmem>>
        %dma_start3A_285 = tpu.memref_squeeze %dma_start3A_284 : memref<1x80x128xf32, #tpu.memory_space<vmem>> -> memref<80x128xf32, #tpu.memory_space<vmem>>
        tpu.enqueue_dma source(%dma_start3A_285 : memref<80x128xf32, #tpu.memory_space<vmem>>) target(%dma_start3A_281 : memref<80x128xf32, #tpu.memory_space<vmem_shared>>) target_semaphore(%run_scoped3A_273 : memref<!tpu.dma_semaphore, #tpu.memory_space<semaphore_mem>>)
        %dma_wait3A_286 = arith.constant 0 : i32
        %dma_wait3A_287 = arith.constant 0 : i32
        %dma_wait3A_288 = tpu.memref_slice %arg10[%run_scoped3A, %dma_wait3A_286, %dma_wait3A_287] : memref<3x80x128xf32, #tpu.memory_space<vmem>> -> memref<1x80x128xf32, #tpu.memory_space<vmem>>
        %dma_wait3A_289 = tpu.memref_squeeze %dma_wait3A_288 : memref<1x80x128xf32, #tpu.memory_space<vmem>> -> memref<80x128xf32, #tpu.memory_space<vmem>>
        %dma_wait3A_290 = arith.constant 0 : i32
        %dma_wait3A_291 = tpu.memref_slice %arg6[%mul3A_272, %dma_wait3A_290] : memref<10000x128xf32, #tpu.memory_space<vmem_shared>> -> memref<80x128xf32, #tpu.memory_space<vmem_shared>>
        %dma_wait3A_292 = arith.constant 0 : i32
        %dma_wait3A_293 = tpu.memref_slice %arg6[%mul3A_272, %dma_wait3A_292] : memref<10000x128xf32, #tpu.memory_space<vmem_shared>> -> memref<80x128xf32, #tpu.memory_space<vmem_shared>>
        %dma_wait3A_294 = arith.constant 0 : i32
        %dma_wait3A_295 = arith.constant 0 : i32
        %dma_wait3A_296 = tpu.memref_slice %arg10[%run_scoped3A, %dma_wait3A_294, %dma_wait3A_295] : memref<3x80x128xf32, #tpu.memory_space<vmem>> -> memref<1x80x128xf32, #tpu.memory_space<vmem>>
        %dma_wait3A_297 = tpu.memref_squeeze %dma_wait3A_296 : memref<1x80x128xf32, #tpu.memory_space<vmem>> -> memref<80x128xf32, #tpu.memory_space<vmem>>
        tpu.wait_dma2 semaphore(%run_scoped3A_273 : memref<!tpu.dma_semaphore, #tpu.memory_space<semaphore_mem>>) src(%dma_wait3A_297 : memref<80x128xf32, #tpu.memory_space<vmem>>) dst(%dma_wait3A_293 : memref<80x128xf32, #tpu.memory_space<vmem_shared>>)
        tpu.yield
      }) : () -> ()
    } else {
    }
    %add3A_49 = arith.constant 96 : i32
    %add3A_50 = arith.addi %arg1, %add3A_49 : i32
    %lt3A_51 = arith.constant 125 : i32
    %lt3A_52 = arith.cmpi slt, %add3A_50, %lt3A_51 : i32
    %convert_element_type3A_53 = arith.extui %lt3A_52 : i1 to i32
    %cond3A_54 = arith.constant 0 : i32
    %cond3A_55 = arith.cmpi ne, %convert_element_type3A_53, %cond3A_54 : i32
    scf.if %cond3A_55 {
      %mul3A_271 = arith.constant 80 : i32
      %mul3A_272 = arith.muli %add3A_50, %mul3A_271 : i32
      %run_scoped3A = arith.constant 0 : i32
      "tpu.region"() ({
        %run_scoped3A_273 = tpu.sem_alloc : memref<!tpu.dma_semaphore, #tpu.memory_space<semaphore_mem>>
        %dma_start3A_274 = arith.constant 0 : i32
        %dma_start3A_275 = arith.constant 0 : i32
        %dma_start3A_276 = tpu.memref_slice %arg10[%run_scoped3A, %dma_start3A_274, %dma_start3A_275] : memref<3x80x128xf32, #tpu.memory_space<vmem>> -> memref<1x80x128xf32, #tpu.memory_space<vmem>>
        %dma_start3A_277 = tpu.memref_squeeze %dma_start3A_276 : memref<1x80x128xf32, #tpu.memory_space<vmem>> -> memref<80x128xf32, #tpu.memory_space<vmem>>
        %dma_start3A_278 = arith.constant 0 : i32
        %dma_start3A_279 = tpu.memref_slice %arg6[%mul3A_272, %dma_start3A_278] : memref<10000x128xf32, #tpu.memory_space<vmem_shared>> -> memref<80x128xf32, #tpu.memory_space<vmem_shared>>
        %dma_start3A_280 = arith.constant 0 : i32
        %dma_start3A_281 = tpu.memref_slice %arg6[%mul3A_272, %dma_start3A_280] : memref<10000x128xf32, #tpu.memory_space<vmem_shared>> -> memref<80x128xf32, #tpu.memory_space<vmem_shared>>
        %dma_start3A_282 = arith.constant 0 : i32
        %dma_start3A_283 = arith.constant 0 : i32
        %dma_start3A_284 = tpu.memref_slice %arg10[%run_scoped3A, %dma_start3A_282, %dma_start3A_283] : memref<3x80x128xf32, #tpu.memory_space<vmem>> -> memref<1x80x128xf32, #tpu.memory_space<vmem>>
        %dma_start3A_285 = tpu.memref_squeeze %dma_start3A_284 : memref<1x80x128xf32, #tpu.memory_space<vmem>> -> memref<80x128xf32, #tpu.memory_space<vmem>>
        tpu.enqueue_dma source(%dma_start3A_285 : memref<80x128xf32, #tpu.memory_space<vmem>>) target(%dma_start3A_281 : memref<80x128xf32, #tpu.memory_space<vmem_shared>>) target_semaphore(%run_scoped3A_273 : memref<!tpu.dma_semaphore, #tpu.memory_space<semaphore_mem>>)
        %dma_wait3A_286 = arith.constant 0 : i32
        %dma_wait3A_287 = arith.constant 0 : i32
        %dma_wait3A_288 = tpu.memref_slice %arg10[%run_scoped3A, %dma_wait3A_286, %dma_wait3A_287] : memref<3x80x128xf32, #tpu.memory_space<vmem>> -> memref<1x80x128xf32, #tpu.memory_space<vmem>>
        %dma_wait3A_289 = tpu.memref_squeeze %dma_wait3A_288 : memref<1x80x128xf32, #tpu.memory_space<vmem>> -> memref<80x128xf32, #tpu.memory_space<vmem>>
        %dma_wait3A_290 = arith.constant 0 : i32
        %dma_wait3A_291 = tpu.memref_slice %arg6[%mul3A_272, %dma_wait3A_290] : memref<10000x128xf32, #tpu.memory_space<vmem_shared>> -> memref<80x128xf32, #tpu.memory_space<vmem_shared>>
        %dma_wait3A_292 = arith.constant 0 : i32
        %dma_wait3A_293 = tpu.memref_slice %arg6[%mul3A_272, %dma_wait3A_292] : memref<10000x128xf32, #tpu.memory_space<vmem_shared>> -> memref<80x128xf32, #tpu.memory_space<vmem_shared>>
        %dma_wait3A_294 = arith.constant 0 : i32
        %dma_wait3A_295 = arith.constant 0 : i32
        %dma_wait3A_296 = tpu.memref_slice %arg10[%run_scoped3A, %dma_wait3A_294, %dma_wait3A_295] : memref<3x80x128xf32, #tpu.memory_space<vmem>> -> memref<1x80x128xf32, #tpu.memory_space<vmem>>
        %dma_wait3A_297 = tpu.memref_squeeze %dma_wait3A_296 : memref<1x80x128xf32, #tpu.memory_space<vmem>> -> memref<80x128xf32, #tpu.memory_space<vmem>>
        tpu.wait_dma2 semaphore(%run_scoped3A_273 : memref<!tpu.dma_semaphore, #tpu.memory_space<semaphore_mem>>) src(%dma_wait3A_297 : memref<80x128xf32, #tpu.memory_space<vmem>>) dst(%dma_wait3A_293 : memref<80x128xf32, #tpu.memory_space<vmem_shared>>)
        tpu.yield
      }) : () -> ()
    } else {
    }
    %add3A_56 = arith.constant 112 : i32
    %add3A_57 = arith.addi %arg1, %add3A_56 : i32
    %lt3A_58 = arith.constant 125 : i32
    %lt3A_59 = arith.cmpi slt, %add3A_57, %lt3A_58 : i32
    %convert_element_type3A_60 = arith.extui %lt3A_59 : i1 to i32
    %cond3A_61 = arith.constant 0 : i32
    %cond3A_62 = arith.cmpi ne, %convert_element_type3A_60, %cond3A_61 : i32
    scf.if %cond3A_62 {
      %mul3A_271 = arith.constant 80 : i32
      %mul3A_272 = arith.muli %add3A_57, %mul3A_271 : i32
      %run_scoped3A = arith.constant 0 : i32
      "tpu.region"() ({
        %run_scoped3A_273 = tpu.sem_alloc : memref<!tpu.dma_semaphore, #tpu.memory_space<semaphore_mem>>
        %dma_start3A_274 = arith.constant 0 : i32
        %dma_start3A_275 = arith.constant 0 : i32
        %dma_start3A_276 = tpu.memref_slice %arg10[%run_scoped3A, %dma_start3A_274, %dma_start3A_275] : memref<3x80x128xf32, #tpu.memory_space<vmem>> -> memref<1x80x128xf32, #tpu.memory_space<vmem>>
        %dma_start3A_277 = tpu.memref_squeeze %dma_start3A_276 : memref<1x80x128xf32, #tpu.memory_space<vmem>> -> memref<80x128xf32, #tpu.memory_space<vmem>>
        %dma_start3A_278 = arith.constant 0 : i32
        %dma_start3A_279 = tpu.memref_slice %arg6[%mul3A_272, %dma_start3A_278] : memref<10000x128xf32, #tpu.memory_space<vmem_shared>> -> memref<80x128xf32, #tpu.memory_space<vmem_shared>>
        %dma_start3A_280 = arith.constant 0 : i32
        %dma_start3A_281 = tpu.memref_slice %arg6[%mul3A_272, %dma_start3A_280] : memref<10000x128xf32, #tpu.memory_space<vmem_shared>> -> memref<80x128xf32, #tpu.memory_space<vmem_shared>>
        %dma_start3A_282 = arith.constant 0 : i32
        %dma_start3A_283 = arith.constant 0 : i32
        %dma_start3A_284 = tpu.memref_slice %arg10[%run_scoped3A, %dma_start3A_282, %dma_start3A_283] : memref<3x80x128xf32, #tpu.memory_space<vmem>> -> memref<1x80x128xf32, #tpu.memory_space<vmem>>
        %dma_start3A_285 = tpu.memref_squeeze %dma_start3A_284 : memref<1x80x128xf32, #tpu.memory_space<vmem>> -> memref<80x128xf32, #tpu.memory_space<vmem>>
        tpu.enqueue_dma source(%dma_start3A_285 : memref<80x128xf32, #tpu.memory_space<vmem>>) target(%dma_start3A_281 : memref<80x128xf32, #tpu.memory_space<vmem_shared>>) target_semaphore(%run_scoped3A_273 : memref<!tpu.dma_semaphore, #tpu.memory_space<semaphore_mem>>)
        %dma_wait3A_286 = arith.constant 0 : i32
        %dma_wait3A_287 = arith.constant 0 : i32
        %dma_wait3A_288 = tpu.memref_slice %arg10[%run_scoped3A, %dma_wait3A_286, %dma_wait3A_287] : memref<3x80x128xf32, #tpu.memory_space<vmem>> -> memref<1x80x128xf32, #tpu.memory_space<vmem>>
        %dma_wait3A_289 = tpu.memref_squeeze %dma_wait3A_288 : memref<1x80x128xf32, #tpu.memory_space<vmem>> -> memref<80x128xf32, #tpu.memory_space<vmem>>
        %dma_wait3A_290 = arith.constant 0 : i32
        %dma_wait3A_291 = tpu.memref_slice %arg6[%mul3A_272, %dma_wait3A_290] : memref<10000x128xf32, #tpu.memory_space<vmem_shared>> -> memref<80x128xf32, #tpu.memory_space<vmem_shared>>
        %dma_wait3A_292 = arith.constant 0 : i32
        %dma_wait3A_293 = tpu.memref_slice %arg6[%mul3A_272, %dma_wait3A_292] : memref<10000x128xf32, #tpu.memory_space<vmem_shared>> -> memref<80x128xf32, #tpu.memory_space<vmem_shared>>
        %dma_wait3A_294 = arith.constant 0 : i32
        %dma_wait3A_295 = arith.constant 0 : i32
        %dma_wait3A_296 = tpu.memref_slice %arg10[%run_scoped3A, %dma_wait3A_294, %dma_wait3A_295] : memref<3x80x128xf32, #tpu.memory_space<vmem>> -> memref<1x80x128xf32, #tpu.memory_space<vmem>>
        %dma_wait3A_297 = tpu.memref_squeeze %dma_wait3A_296 : memref<1x80x128xf32, #tpu.memory_space<vmem>> -> memref<80x128xf32, #tpu.memory_space<vmem>>
        tpu.wait_dma2 semaphore(%run_scoped3A_273 : memref<!tpu.dma_semaphore, #tpu.memory_space<semaphore_mem>>) src(%dma_wait3A_297 : memref<80x128xf32, #tpu.memory_space<vmem>>) dst(%dma_wait3A_293 : memref<80x128xf32, #tpu.memory_space<vmem_shared>>)
        tpu.yield
      }) : () -> ()
    } else {
    }
    %barrier3A = arith.constant 0 : index
    tpu.barrier barrier_id(%barrier3A)
    %add3A_63 = arith.constant 0 : i32
    %add3A_64 = arith.addi %mul3A_2, %add3A_63 : i32
    %dma_start3A = arith.constant 0 : i32
    %dma_start3A_65 = arith.constant 0 : i32
    %dma_start3A_66 = tpu.memref_slice %arg7[%dma_start3A, %dma_start3A_65] : memref<3x80xi32, #tpu.memory_space<vmem>> -> memref<1x80xi32, #tpu.memory_space<vmem>>
    %dma_start3A_67 = tpu.memref_squeeze %dma_start3A_66 : memref<1x80xi32, #tpu.memory_space<vmem>> -> memref<80xi32, #tpu.memory_space<vmem>>
    %dma_start3A_68 = tpu.memref_slice %arg3[%add3A_64] : memref<320000xi32, #tpu.memory_space<hbm>> -> memref<80xi32, #tpu.memory_space<hbm>>
    %dma_start3A_69 = arith.constant 0 : i32
    %dma_start3A_70 = tpu.memref_slice %arg7[%dma_start3A, %dma_start3A_69] : memref<3x80xi32, #tpu.memory_space<vmem>> -> memref<1x80xi32, #tpu.memory_space<vmem>>
    %dma_start3A_71 = tpu.memref_squeeze %dma_start3A_70 : memref<1x80xi32, #tpu.memory_space<vmem>> -> memref<80xi32, #tpu.memory_space<vmem>>
    %dma_start3A_72 = tpu.memref_slice %arg3[%add3A_64] : memref<320000xi32, #tpu.memory_space<hbm>> -> memref<80xi32, #tpu.memory_space<hbm>>
    tpu.enqueue_dma source(%dma_start3A_72 : memref<80xi32, #tpu.memory_space<hbm>>) target(%dma_start3A_71 : memref<80xi32, #tpu.memory_space<vmem>>) target_semaphore(%arg11 : memref<!tpu.dma_semaphore, #tpu.memory_space<semaphore_mem>>)
    %add3A_73 = arith.constant 0 : i32
    %add3A_74 = arith.addi %mul3A_2, %add3A_73 : i32
    %dma_start3A_75 = arith.constant 0 : i32
    %dma_start3A_76 = arith.constant 0 : i32
    %dma_start3A_77 = tpu.memref_slice %arg8[%dma_start3A_75, %dma_start3A_76] : memref<3x80xi32, #tpu.memory_space<vmem>> -> memref<1x80xi32, #tpu.memory_space<vmem>>
    %dma_start3A_78 = tpu.memref_squeeze %dma_start3A_77 : memref<1x80xi32, #tpu.memory_space<vmem>> -> memref<80xi32, #tpu.memory_space<vmem>>
    %dma_start3A_79 = tpu.memref_slice %arg4[%add3A_74] : memref<320000xi32, #tpu.memory_space<hbm>> -> memref<80xi32, #tpu.memory_space<hbm>>
    %dma_start3A_80 = arith.constant 0 : i32
    %dma_start3A_81 = tpu.memref_slice %arg8[%dma_start3A_75, %dma_start3A_80] : memref<3x80xi32, #tpu.memory_space<vmem>> -> memref<1x80xi32, #tpu.memory_space<vmem>>
    %dma_start3A_82 = tpu.memref_squeeze %dma_start3A_81 : memref<1x80xi32, #tpu.memory_space<vmem>> -> memref<80xi32, #tpu.memory_space<vmem>>
    %dma_start3A_83 = tpu.memref_slice %arg4[%add3A_74] : memref<320000xi32, #tpu.memory_space<hbm>> -> memref<80xi32, #tpu.memory_space<hbm>>
    tpu.enqueue_dma source(%dma_start3A_83 : memref<80xi32, #tpu.memory_space<hbm>>) target(%dma_start3A_82 : memref<80xi32, #tpu.memory_space<vmem>>) target_semaphore(%arg11 : memref<!tpu.dma_semaphore, #tpu.memory_space<semaphore_mem>>)
    %add3A_84 = arith.constant 80 : i32
    %add3A_85 = arith.addi %mul3A_2, %add3A_84 : i32
    %dma_start3A_86 = arith.constant 1 : i32
    %dma_start3A_87 = arith.constant 0 : i32
    %dma_start3A_88 = tpu.memref_slice %arg7[%dma_start3A_86, %dma_start3A_87] : memref<3x80xi32, #tpu.memory_space<vmem>> -> memref<1x80xi32, #tpu.memory_space<vmem>>
    %dma_start3A_89 = tpu.memref_squeeze %dma_start3A_88 : memref<1x80xi32, #tpu.memory_space<vmem>> -> memref<80xi32, #tpu.memory_space<vmem>>
    %dma_start3A_90 = tpu.memref_slice %arg3[%add3A_85] : memref<320000xi32, #tpu.memory_space<hbm>> -> memref<80xi32, #tpu.memory_space<hbm>>
    %dma_start3A_91 = arith.constant 0 : i32
    %dma_start3A_92 = tpu.memref_slice %arg7[%dma_start3A_86, %dma_start3A_91] : memref<3x80xi32, #tpu.memory_space<vmem>> -> memref<1x80xi32, #tpu.memory_space<vmem>>
    %dma_start3A_93 = tpu.memref_squeeze %dma_start3A_92 : memref<1x80xi32, #tpu.memory_space<vmem>> -> memref<80xi32, #tpu.memory_space<vmem>>
    %dma_start3A_94 = tpu.memref_slice %arg3[%add3A_85] : memref<320000xi32, #tpu.memory_space<hbm>> -> memref<80xi32, #tpu.memory_space<hbm>>
    tpu.enqueue_dma source(%dma_start3A_94 : memref<80xi32, #tpu.memory_space<hbm>>) target(%dma_start3A_93 : memref<80xi32, #tpu.memory_space<vmem>>) target_semaphore(%arg11 : memref<!tpu.dma_semaphore, #tpu.memory_space<semaphore_mem>>)
    %add3A_95 = arith.constant 80 : i32
    %add3A_96 = arith.addi %mul3A_2, %add3A_95 : i32
    %dma_start3A_97 = arith.constant 1 : i32
    %dma_start3A_98 = arith.constant 0 : i32
    %dma_start3A_99 = tpu.memref_slice %arg8[%dma_start3A_97, %dma_start3A_98] : memref<3x80xi32, #tpu.memory_space<vmem>> -> memref<1x80xi32, #tpu.memory_space<vmem>>
    %dma_start3A_100 = tpu.memref_squeeze %dma_start3A_99 : memref<1x80xi32, #tpu.memory_space<vmem>> -> memref<80xi32, #tpu.memory_space<vmem>>
    %dma_start3A_101 = tpu.memref_slice %arg4[%add3A_96] : memref<320000xi32, #tpu.memory_space<hbm>> -> memref<80xi32, #tpu.memory_space<hbm>>
    %dma_start3A_102 = arith.constant 0 : i32
    %dma_start3A_103 = tpu.memref_slice %arg8[%dma_start3A_97, %dma_start3A_102] : memref<3x80xi32, #tpu.memory_space<vmem>> -> memref<1x80xi32, #tpu.memory_space<vmem>>
    %dma_start3A_104 = tpu.memref_squeeze %dma_start3A_103 : memref<1x80xi32, #tpu.memory_space<vmem>> -> memref<80xi32, #tpu.memory_space<vmem>>
    %dma_start3A_105 = tpu.memref_slice %arg4[%add3A_96] : memref<320000xi32, #tpu.memory_space<hbm>> -> memref<80xi32, #tpu.memory_space<hbm>>
    tpu.enqueue_dma source(%dma_start3A_105 : memref<80xi32, #tpu.memory_space<hbm>>) target(%dma_start3A_104 : memref<80xi32, #tpu.memory_space<vmem>>) target_semaphore(%arg11 : memref<!tpu.dma_semaphore, #tpu.memory_space<semaphore_mem>>)
    %add3A_106 = arith.constant 160 : i32
    %add3A_107 = arith.addi %mul3A_2, %add3A_106 : i32
    %dma_start3A_108 = arith.constant 2 : i32
    %dma_start3A_109 = arith.constant 0 : i32
    %dma_start3A_110 = tpu.memref_slice %arg7[%dma_start3A_108, %dma_start3A_109] : memref<3x80xi32, #tpu.memory_space<vmem>> -> memref<1x80xi32, #tpu.memory_space<vmem>>
    %dma_start3A_111 = tpu.memref_squeeze %dma_start3A_110 : memref<1x80xi32, #tpu.memory_space<vmem>> -> memref<80xi32, #tpu.memory_space<vmem>>
    %dma_start3A_112 = tpu.memref_slice %arg3[%add3A_107] : memref<320000xi32, #tpu.memory_space<hbm>> -> memref<80xi32, #tpu.memory_space<hbm>>
    %dma_start3A_113 = arith.constant 0 : i32
    %dma_start3A_114 = tpu.memref_slice %arg7[%dma_start3A_108, %dma_start3A_113] : memref<3x80xi32, #tpu.memory_space<vmem>> -> memref<1x80xi32, #tpu.memory_space<vmem>>
    %dma_start3A_115 = tpu.memref_squeeze %dma_start3A_114 : memref<1x80xi32, #tpu.memory_space<vmem>> -> memref<80xi32, #tpu.memory_space<vmem>>
    %dma_start3A_116 = tpu.memref_slice %arg3[%add3A_107] : memref<320000xi32, #tpu.memory_space<hbm>> -> memref<80xi32, #tpu.memory_space<hbm>>
    tpu.enqueue_dma source(%dma_start3A_116 : memref<80xi32, #tpu.memory_space<hbm>>) target(%dma_start3A_115 : memref<80xi32, #tpu.memory_space<vmem>>) target_semaphore(%arg11 : memref<!tpu.dma_semaphore, #tpu.memory_space<semaphore_mem>>)
    %add3A_117 = arith.constant 160 : i32
    %add3A_118 = arith.addi %mul3A_2, %add3A_117 : i32
    %dma_start3A_119 = arith.constant 2 : i32
    %dma_start3A_120 = arith.constant 0 : i32
    %dma_start3A_121 = tpu.memref_slice %arg8[%dma_start3A_119, %dma_start3A_120] : memref<3x80xi32, #tpu.memory_space<vmem>> -> memref<1x80xi32, #tpu.memory_space<vmem>>
    %dma_start3A_122 = tpu.memref_squeeze %dma_start3A_121 : memref<1x80xi32, #tpu.memory_space<vmem>> -> memref<80xi32, #tpu.memory_space<vmem>>
    %dma_start3A_123 = tpu.memref_slice %arg4[%add3A_118] : memref<320000xi32, #tpu.memory_space<hbm>> -> memref<80xi32, #tpu.memory_space<hbm>>
    %dma_start3A_124 = arith.constant 0 : i32
    %dma_start3A_125 = tpu.memref_slice %arg8[%dma_start3A_119, %dma_start3A_124] : memref<3x80xi32, #tpu.memory_space<vmem>> -> memref<1x80xi32, #tpu.memory_space<vmem>>
    %dma_start3A_126 = tpu.memref_squeeze %dma_start3A_125 : memref<1x80xi32, #tpu.memory_space<vmem>> -> memref<80xi32, #tpu.memory_space<vmem>>
    %dma_start3A_127 = tpu.memref_slice %arg4[%add3A_118] : memref<320000xi32, #tpu.memory_space<hbm>> -> memref<80xi32, #tpu.memory_space<hbm>>
    tpu.enqueue_dma source(%dma_start3A_127 : memref<80xi32, #tpu.memory_space<hbm>>) target(%dma_start3A_126 : memref<80xi32, #tpu.memory_space<vmem>>) target_semaphore(%arg11 : memref<!tpu.dma_semaphore, #tpu.memory_space<semaphore_mem>>)
    %add3A_128 = arith.constant 0 : i32
    %add3A_129 = arith.addi %mul3A_2, %add3A_128 : i32
    %dma_wait3A = arith.constant 0 : i32
    %dma_wait3A_130 = arith.constant 0 : i32
    %dma_wait3A_131 = tpu.memref_slice %arg7[%dma_wait3A, %dma_wait3A_130] : memref<3x80xi32, #tpu.memory_space<vmem>> -> memref<1x80xi32, #tpu.memory_space<vmem>>
    %dma_wait3A_132 = tpu.memref_squeeze %dma_wait3A_131 : memref<1x80xi32, #tpu.memory_space<vmem>> -> memref<80xi32, #tpu.memory_space<vmem>>
    %dma_wait3A_133 = tpu.memref_slice %arg3[%add3A_129] : memref<320000xi32, #tpu.memory_space<hbm>> -> memref<80xi32, #tpu.memory_space<hbm>>
    %dma_wait3A_134 = arith.constant 0 : i32
    %dma_wait3A_135 = tpu.memref_slice %arg7[%dma_wait3A, %dma_wait3A_134] : memref<3x80xi32, #tpu.memory_space<vmem>> -> memref<1x80xi32, #tpu.memory_space<vmem>>
    %dma_wait3A_136 = tpu.memref_squeeze %dma_wait3A_135 : memref<1x80xi32, #tpu.memory_space<vmem>> -> memref<80xi32, #tpu.memory_space<vmem>>
    %dma_wait3A_137 = tpu.memref_slice %arg3[%add3A_129] : memref<320000xi32, #tpu.memory_space<hbm>> -> memref<80xi32, #tpu.memory_space<hbm>>
    tpu.wait_dma2 semaphore(%arg11 : memref<!tpu.dma_semaphore, #tpu.memory_space<semaphore_mem>>) src(%dma_wait3A_137 : memref<80xi32, #tpu.memory_space<hbm>>) dst(%dma_wait3A_136 : memref<80xi32, #tpu.memory_space<vmem>>)
    %add3A_138 = arith.constant 0 : i32
    %add3A_139 = arith.addi %mul3A_2, %add3A_138 : i32
    %dma_wait3A_140 = arith.constant 0 : i32
    %dma_wait3A_141 = arith.constant 0 : i32
    %dma_wait3A_142 = tpu.memref_slice %arg8[%dma_wait3A_140, %dma_wait3A_141] : memref<3x80xi32, #tpu.memory_space<vmem>> -> memref<1x80xi32, #tpu.memory_space<vmem>>
    %dma_wait3A_143 = tpu.memref_squeeze %dma_wait3A_142 : memref<1x80xi32, #tpu.memory_space<vmem>> -> memref<80xi32, #tpu.memory_space<vmem>>
    %dma_wait3A_144 = tpu.memref_slice %arg4[%add3A_139] : memref<320000xi32, #tpu.memory_space<hbm>> -> memref<80xi32, #tpu.memory_space<hbm>>
    %dma_wait3A_145 = arith.constant 0 : i32
    %dma_wait3A_146 = tpu.memref_slice %arg8[%dma_wait3A_140, %dma_wait3A_145] : memref<3x80xi32, #tpu.memory_space<vmem>> -> memref<1x80xi32, #tpu.memory_space<vmem>>
    %dma_wait3A_147 = tpu.memref_squeeze %dma_wait3A_146 : memref<1x80xi32, #tpu.memory_space<vmem>> -> memref<80xi32, #tpu.memory_space<vmem>>
    %dma_wait3A_148 = tpu.memref_slice %arg4[%add3A_139] : memref<320000xi32, #tpu.memory_space<hbm>> -> memref<80xi32, #tpu.memory_space<hbm>>
    tpu.wait_dma2 semaphore(%arg11 : memref<!tpu.dma_semaphore, #tpu.memory_space<semaphore_mem>>) src(%dma_wait3A_148 : memref<80xi32, #tpu.memory_space<hbm>>) dst(%dma_wait3A_147 : memref<80xi32, #tpu.memory_space<vmem>>)
    %dma_start3A_149 = arith.constant 0 : i32
    %dma_start3A_150 = arith.constant 0 : i32
    %dma_start3A_151 = arith.constant 0 : i32
    %dma_start3A_152 = arith.constant 0 : i32
    %dma_start3A_153 = tpu.memref_slice %arg10[%dma_start3A_150, %dma_start3A_151, %dma_start3A_152] : memref<3x80x128xf32, #tpu.memory_space<vmem>> -> memref<1x80x128xf32, #tpu.memory_space<vmem>>
    %dma_start3A_154 = tpu.memref_squeeze %dma_start3A_153 : memref<1x80x128xf32, #tpu.memory_space<vmem>> -> memref<80x128xf32, #tpu.memory_space<vmem>>
    %dma_start3A_155 = arith.constant 0 : i32
    %dma_start3A_156 = tpu.memref_slice %arg7[%dma_start3A_149, %dma_start3A_155] : memref<3x80xi32, #tpu.memory_space<vmem>> -> memref<1x80xi32, #tpu.memory_space<vmem>>
    %dma_start3A_157 = tpu.memref_squeeze %dma_start3A_156 : memref<1x80xi32, #tpu.memory_space<vmem>> -> memref<80xi32, #tpu.memory_space<vmem>>
    %dma_start3A_158 = arith.constant 0 : i32
    %dma_start3A_159 = arith.constant 0 : i32
    %dma_start3A_160 = tpu.memref_slice %arg2[%dma_start3A_158, %dma_start3A_159] : memref<10000x128xf32, #tpu.memory_space<hbm>> -> memref<10000x128xf32, #tpu.memory_space<hbm>>
    tpu.enqueue_indirect_dma source(%dma_start3A_160 : memref<10000x128xf32, #tpu.memory_space<hbm>>) target(%dma_start3A_154 : memref<80x128xf32, #tpu.memory_space<vmem>>) offsets(%dma_start3A_157 : memref<80xi32, #tpu.memory_space<vmem>>) semaphore(%arg12 : memref<!tpu.dma_semaphore, #tpu.memory_space<semaphore_mem>>)
    %add3A_161 = arith.constant 80 : i32
    %add3A_162 = arith.addi %mul3A_2, %add3A_161 : i32
    %dma_wait3A_163 = arith.constant 1 : i32
    %dma_wait3A_164 = arith.constant 0 : i32
    %dma_wait3A_165 = tpu.memref_slice %arg7[%dma_wait3A_163, %dma_wait3A_164] : memref<3x80xi32, #tpu.memory_space<vmem>> -> memref<1x80xi32, #tpu.memory_space<vmem>>
    %dma_wait3A_166 = tpu.memref_squeeze %dma_wait3A_165 : memref<1x80xi32, #tpu.memory_space<vmem>> -> memref<80xi32, #tpu.memory_space<vmem>>
    %dma_wait3A_167 = tpu.memref_slice %arg3[%add3A_162] : memref<320000xi32, #tpu.memory_space<hbm>> -> memref<80xi32, #tpu.memory_space<hbm>>
    %dma_wait3A_168 = arith.constant 0 : i32
    %dma_wait3A_169 = tpu.memref_slice %arg7[%dma_wait3A_163, %dma_wait3A_168] : memref<3x80xi32, #tpu.memory_space<vmem>> -> memref<1x80xi32, #tpu.memory_space<vmem>>
    %dma_wait3A_170 = tpu.memref_squeeze %dma_wait3A_169 : memref<1x80xi32, #tpu.memory_space<vmem>> -> memref<80xi32, #tpu.memory_space<vmem>>
    %dma_wait3A_171 = tpu.memref_slice %arg3[%add3A_162] : memref<320000xi32, #tpu.memory_space<hbm>> -> memref<80xi32, #tpu.memory_space<hbm>>
    tpu.wait_dma2 semaphore(%arg11 : memref<!tpu.dma_semaphore, #tpu.memory_space<semaphore_mem>>) src(%dma_wait3A_171 : memref<80xi32, #tpu.memory_space<hbm>>) dst(%dma_wait3A_170 : memref<80xi32, #tpu.memory_space<vmem>>)
    %add3A_172 = arith.constant 80 : i32
    %add3A_173 = arith.addi %mul3A_2, %add3A_172 : i32
    %dma_wait3A_174 = arith.constant 1 : i32
    %dma_wait3A_175 = arith.constant 0 : i32
    %dma_wait3A_176 = tpu.memref_slice %arg8[%dma_wait3A_174, %dma_wait3A_175] : memref<3x80xi32, #tpu.memory_space<vmem>> -> memref<1x80xi32, #tpu.memory_space<vmem>>
    %dma_wait3A_177 = tpu.memref_squeeze %dma_wait3A_176 : memref<1x80xi32, #tpu.memory_space<vmem>> -> memref<80xi32, #tpu.memory_space<vmem>>
    %dma_wait3A_178 = tpu.memref_slice %arg4[%add3A_173] : memref<320000xi32, #tpu.memory_space<hbm>> -> memref<80xi32, #tpu.memory_space<hbm>>
    %dma_wait3A_179 = arith.constant 0 : i32
    %dma_wait3A_180 = tpu.memref_slice %arg8[%dma_wait3A_174, %dma_wait3A_179] : memref<3x80xi32, #tpu.memory_space<vmem>> -> memref<1x80xi32, #tpu.memory_space<vmem>>
    %dma_wait3A_181 = tpu.memref_squeeze %dma_wait3A_180 : memref<1x80xi32, #tpu.memory_space<vmem>> -> memref<80xi32, #tpu.memory_space<vmem>>
    %dma_wait3A_182 = tpu.memref_slice %arg4[%add3A_173] : memref<320000xi32, #tpu.memory_space<hbm>> -> memref<80xi32, #tpu.memory_space<hbm>>
    tpu.wait_dma2 semaphore(%arg11 : memref<!tpu.dma_semaphore, #tpu.memory_space<semaphore_mem>>) src(%dma_wait3A_182 : memref<80xi32, #tpu.memory_space<hbm>>) dst(%dma_wait3A_181 : memref<80xi32, #tpu.memory_space<vmem>>)
    %dma_start3A_183 = arith.constant 1 : i32
    %dma_start3A_184 = arith.constant 1 : i32
    %dma_start3A_185 = arith.constant 0 : i32
    %dma_start3A_186 = arith.constant 0 : i32
    %dma_start3A_187 = tpu.memref_slice %arg10[%dma_start3A_184, %dma_start3A_185, %dma_start3A_186] : memref<3x80x128xf32, #tpu.memory_space<vmem>> -> memref<1x80x128xf32, #tpu.memory_space<vmem>>
    %dma_start3A_188 = tpu.memref_squeeze %dma_start3A_187 : memref<1x80x128xf32, #tpu.memory_space<vmem>> -> memref<80x128xf32, #tpu.memory_space<vmem>>
    %dma_start3A_189 = arith.constant 0 : i32
    %dma_start3A_190 = tpu.memref_slice %arg7[%dma_start3A_183, %dma_start3A_189] : memref<3x80xi32, #tpu.memory_space<vmem>> -> memref<1x80xi32, #tpu.memory_space<vmem>>
    %dma_start3A_191 = tpu.memref_squeeze %dma_start3A_190 : memref<1x80xi32, #tpu.memory_space<vmem>> -> memref<80xi32, #tpu.memory_space<vmem>>
    %dma_start3A_192 = arith.constant 0 : i32
    %dma_start3A_193 = arith.constant 0 : i32
    %dma_start3A_194 = tpu.memref_slice %arg2[%dma_start3A_192, %dma_start3A_193] : memref<10000x128xf32, #tpu.memory_space<hbm>> -> memref<10000x128xf32, #tpu.memory_space<hbm>>
    tpu.enqueue_indirect_dma source(%dma_start3A_194 : memref<10000x128xf32, #tpu.memory_space<hbm>>) target(%dma_start3A_188 : memref<80x128xf32, #tpu.memory_space<vmem>>) offsets(%dma_start3A_191 : memref<80xi32, #tpu.memory_space<vmem>>) semaphore(%arg12 : memref<!tpu.dma_semaphore, #tpu.memory_space<semaphore_mem>>)
    %scan3A_195 = arith.constant 0 : i32
    %scan3A_196 = arith.constant 0 : i32
    %scan3A_197 = arith.constant 42 : i32
    %scan3A_198 = arith.addi %scan3A_196, %scan3A_197 : i32
    %scan3A_199 = arith.constant 1 : i32
    %scan3A_200 = scf.for %scan3A_271 = %scan3A_196 to %scan3A_198 step %scan3A_199 iter_args(%scan3A_272 = %scan3A_195) -> (i32)  : i32 {
      %mul3A_273 = arith.constant 3 : i32
      %mul3A_274 = arith.muli %scan3A_271, %mul3A_273 : i32
      %add3A_275 = arith.constant 0 : i32
      %add3A_276 = arith.addi %mul3A_274, %add3A_275 : i32
      %lt3A_277 = arith.constant 125 : i32
      %lt3A_278 = arith.cmpi slt, %add3A_276, %lt3A_277 : i32
      %convert_element_type3A_279 = arith.extui %lt3A_278 : i1 to i32
      %cond3A_280 = arith.constant 0 : i32
      %cond3A_281 = arith.cmpi ne, %convert_element_type3A_279, %cond3A_280 : i32
      scf.if %cond3A_281 {
        %add3A_297 = arith.constant 0 : i32
        %add3A_298 = arith.addi %mul3A_274, %add3A_297 : i32
        %dma_wait3A_299 = arith.constant 0 : i32
        %dma_wait3A_300 = arith.constant 0 : i32
        %dma_wait3A_301 = arith.constant 0 : i32
        %dma_wait3A_302 = arith.constant 0 : i32
        %dma_wait3A_303 = tpu.memref_slice %arg10[%dma_wait3A_300, %dma_wait3A_301, %dma_wait3A_302] : memref<3x80x128xf32, #tpu.memory_space<vmem>> -> memref<1x80x128xf32, #tpu.memory_space<vmem>>
        %dma_wait3A_304 = tpu.memref_squeeze %dma_wait3A_303 : memref<1x80x128xf32, #tpu.memory_space<vmem>> -> memref<80x128xf32, #tpu.memory_space<vmem>>
        %dma_wait3A_305 = arith.constant 0 : i32
        %dma_wait3A_306 = tpu.memref_slice %arg7[%dma_wait3A_299, %dma_wait3A_305] : memref<3x80xi32, #tpu.memory_space<vmem>> -> memref<1x80xi32, #tpu.memory_space<vmem>>
        %dma_wait3A_307 = tpu.memref_squeeze %dma_wait3A_306 : memref<1x80xi32, #tpu.memory_space<vmem>> -> memref<80xi32, #tpu.memory_space<vmem>>
        %dma_wait3A_308 = arith.constant 0 : i32
        %dma_wait3A_309 = arith.constant 0 : i32
        %dma_wait3A_310 = tpu.memref_slice %arg2[%dma_wait3A_308, %dma_wait3A_309] : memref<10000x128xf32, #tpu.memory_space<hbm>> -> memref<10000x128xf32, #tpu.memory_space<hbm>>
        tpu.wait_indirect_dma semaphore(%arg12 : memref<!tpu.dma_semaphore, #tpu.memory_space<semaphore_mem>>) src(%dma_wait3A_310 : memref<10000x128xf32, #tpu.memory_space<hbm>>) dst(%dma_wait3A_304 : memref<80x128xf32, #tpu.memory_space<vmem>>)
        %get3A = arith.constant 0 : i32
        %get3A_311 = arith.index_cast %get3A : i32 to index
        %get3A_312 = arith.constant 0 : index
        %get3A_313 = tpu.vector_load %arg8[%get3A_311, %get3A_312] {strides = array<i32>} : memref<3x80xi32, #tpu.memory_space<vmem>>, vector<1x16xi32>,
        %get3A_314 = vector.shape_cast %get3A_313 : vector<1x16xi32> to vector<16xi32>
        %swap3A = arith.constant 0 : i32
        %swap3A_315 = arith.index_cast %swap3A : i32 to index
        %swap3A_316 = arith.constant 0 : index
        %swap3A_317 = tpu.vector_load %arg9[%swap3A_315, %swap3A_316] {strides = array<i32>} : memref<3x80xi32, #tpu.memory_space<vmem>>, vector<1x16xi32>,
        %swap3A_318 = vector.shape_cast %swap3A_317 : vector<1x16xi32> to vector<16xi32>
        %swap3A_319 = vector.shape_cast %get3A_314 : vector<16xi32> to vector<1x16xi32>
        tpu.vector_store %arg9[%swap3A_315, %swap3A_316], %swap3A_319 {strides = array<i32>} : memref<3x80xi32, #tpu.memory_space<vmem>>, vector<1x16xi32>,
        %get3A_320 = arith.constant 0 : i32
        %get3A_321 = arith.index_cast %get3A_320 : i32 to index
        %get3A_322 = arith.constant 16 : index
        %get3A_323 = tpu.vector_load %arg8[%get3A_321, %get3A_322] {strides = array<i32>} : memref<3x80xi32, #tpu.memory_space<vmem>>, vector<1x16xi32>,
        %get3A_324 = vector.shape_cast %get3A_323 : vector<1x16xi32> to vector<16xi32>
        %swap3A_325 = arith.constant 0 : i32
        %swap3A_326 = arith.index_cast %swap3A_325 : i32 to index
        %swap3A_327 = arith.constant 16 : index
        %swap3A_328 = tpu.vector_load %arg9[%swap3A_326, %swap3A_327] {strides = array<i32>} : memref<3x80xi32, #tpu.memory_space<vmem>>, vector<1x16xi32>,
        %swap3A_329 = vector.shape_cast %swap3A_328 : vector<1x16xi32> to vector<16xi32>
        %swap3A_330 = vector.shape_cast %get3A_324 : vector<16xi32> to vector<1x16xi32>
        tpu.vector_store %arg9[%swap3A_326, %swap3A_327], %swap3A_330 {strides = array<i32>} : memref<3x80xi32, #tpu.memory_space<vmem>>, vector<1x16xi32>,
        %get3A_331 = arith.constant 0 : i32
        %get3A_332 = arith.index_cast %get3A_331 : i32 to index
        %get3A_333 = arith.constant 32 : index
        %get3A_334 = tpu.vector_load %arg8[%get3A_332, %get3A_333] {strides = array<i32>} : memref<3x80xi32, #tpu.memory_space<vmem>>, vector<1x16xi32>,
        %get3A_335 = vector.shape_cast %get3A_334 : vector<1x16xi32> to vector<16xi32>
        %swap3A_336 = arith.constant 0 : i32
        %swap3A_337 = arith.index_cast %swap3A_336 : i32 to index
        %swap3A_338 = arith.constant 32 : index
        %swap3A_339 = tpu.vector_load %arg9[%swap3A_337, %swap3A_338] {strides = array<i32>} : memref<3x80xi32, #tpu.memory_space<vmem>>, vector<1x16xi32>,
        %swap3A_340 = vector.shape_cast %swap3A_339 : vector<1x16xi32> to vector<16xi32>
        %swap3A_341 = vector.shape_cast %get3A_335 : vector<16xi32> to vector<1x16xi32>
        tpu.vector_store %arg9[%swap3A_337, %swap3A_338], %swap3A_341 {strides = array<i32>} : memref<3x80xi32, #tpu.memory_space<vmem>>, vector<1x16xi32>,
        %get3A_342 = arith.constant 0 : i32
        %get3A_343 = arith.index_cast %get3A_342 : i32 to index
        %get3A_344 = arith.constant 48 : index
        %get3A_345 = tpu.vector_load %arg8[%get3A_343, %get3A_344] {strides = array<i32>} : memref<3x80xi32, #tpu.memory_space<vmem>>, vector<1x16xi32>,
        %get3A_346 = vector.shape_cast %get3A_345 : vector<1x16xi32> to vector<16xi32>
        %swap3A_347 = arith.constant 0 : i32
        %swap3A_348 = arith.index_cast %swap3A_347 : i32 to index
        %swap3A_349 = arith.constant 48 : index
        %swap3A_350 = tpu.vector_load %arg9[%swap3A_348, %swap3A_349] {strides = array<i32>} : memref<3x80xi32, #tpu.memory_space<vmem>>, vector<1x16xi32>,
        %swap3A_351 = vector.shape_cast %swap3A_350 : vector<1x16xi32> to vector<16xi32>
        %swap3A_352 = vector.shape_cast %get3A_346 : vector<16xi32> to vector<1x16xi32>
        tpu.vector_store %arg9[%swap3A_348, %swap3A_349], %swap3A_352 {strides = array<i32>} : memref<3x80xi32, #tpu.memory_space<vmem>>, vector<1x16xi32>,
        %get3A_353 = arith.constant 0 : i32
        %get3A_354 = arith.index_cast %get3A_353 : i32 to index
        %get3A_355 = arith.constant 64 : index
        %get3A_356 = tpu.vector_load %arg8[%get3A_354, %get3A_355] {strides = array<i32>} : memref<3x80xi32, #tpu.memory_space<vmem>>, vector<1x16xi32>,
        %get3A_357 = vector.shape_cast %get3A_356 : vector<1x16xi32> to vector<16xi32>
        %swap3A_358 = arith.constant 0 : i32
        %swap3A_359 = arith.index_cast %swap3A_358 : i32 to index
        %swap3A_360 = arith.constant 64 : index
        %swap3A_361 = tpu.vector_load %arg9[%swap3A_359, %swap3A_360] {strides = array<i32>} : memref<3x80xi32, #tpu.memory_space<vmem>>, vector<1x16xi32>,
        %swap3A_362 = vector.shape_cast %swap3A_361 : vector<1x16xi32> to vector<16xi32>
        %swap3A_363 = vector.shape_cast %get3A_357 : vector<16xi32> to vector<1x16xi32>
        tpu.vector_store %arg9[%swap3A_359, %swap3A_360], %swap3A_363 {strides = array<i32>} : memref<3x80xi32, #tpu.memory_space<vmem>>, vector<1x16xi32>,
        %dma_start3A_364 = arith.constant 0 : i32
        %dma_start3A_365 = arith.constant 0 : i32
        %dma_start3A_366 = arith.constant 0 : i32
        %dma_start3A_367 = arith.constant 0 : i32
        %dma_start3A_368 = tpu.memref_slice %arg10[%dma_start3A_364, %dma_start3A_366, %dma_start3A_367] : memref<3x80x128xf32, #tpu.memory_space<vmem>> -> memref<1x80x128xf32, #tpu.memory_space<vmem>>
        %dma_start3A_369 = tpu.memref_squeeze %dma_start3A_368 : memref<1x80x128xf32, #tpu.memory_space<vmem>> -> memref<80x128xf32, #tpu.memory_space<vmem>>
        %dma_start3A_370 = arith.constant 0 : i32
        %dma_start3A_371 = tpu.memref_slice %arg9[%dma_start3A_365, %dma_start3A_370] : memref<3x80xi32, #tpu.memory_space<vmem>> -> memref<1x80xi32, #tpu.memory_space<vmem>>
        %dma_start3A_372 = tpu.memref_squeeze %dma_start3A_371 : memref<1x80xi32, #tpu.memory_space<vmem>> -> memref<80xi32, #tpu.memory_space<vmem>>
        %dma_start3A_373 = arith.constant 0 : i32
        %dma_start3A_374 = arith.constant 0 : i32
        %dma_start3A_375 = tpu.memref_slice %arg6[%dma_start3A_373, %dma_start3A_374] : memref<10000x128xf32, #tpu.memory_space<vmem_shared>> -> memref<10000x128xf32, #tpu.memory_space<vmem_shared>>
        tpu.enqueue_indirect_dma source(%dma_start3A_369 : memref<80x128xf32, #tpu.memory_space<vmem>>) target(%dma_start3A_375 : memref<10000x128xf32, #tpu.memory_space<vmem_shared>>) offsets(%dma_start3A_372 : memref<80xi32, #tpu.memory_space<vmem>>) semaphore(%arg13 : memref<!tpu.dma_semaphore, #tpu.memory_space<semaphore_mem>>) {add = true}
        %add3A_376 = arith.constant 3 : i32
        %add3A_377 = arith.addi %add3A_298, %add3A_376 : i32
        %lt3A_378 = arith.constant 125 : i32
        %lt3A_379 = arith.cmpi slt, %add3A_377, %lt3A_378 : i32
        %convert_element_type3A_380 = arith.extui %lt3A_379 : i1 to i32
        %cond3A_381 = arith.constant 0 : i32
        %cond3A_382 = arith.cmpi ne, %convert_element_type3A_380, %cond3A_381 : i32
        scf.if %cond3A_382 {
          %add3A_394 = arith.constant 3 : i32
          %add3A_395 = arith.addi %add3A_298, %add3A_394 : i32
          %mul3A_396 = arith.constant 80 : i32
          %mul3A_397 = arith.muli %add3A_395, %mul3A_396 : i32
          %add3A_398 = arith.addi %mul3A_2, %mul3A_397 : i32
          %dma_start3A_399 = arith.constant 0 : i32
          %dma_start3A_400 = arith.constant 0 : i32
          %dma_start3A_401 = tpu.memref_slice %arg7[%dma_start3A_399, %dma_start3A_400] : memref<3x80xi32, #tpu.memory_space<vmem>> -> memref<1x80xi32, #tpu.memory_space<vmem>>
          %dma_start3A_402 = tpu.memref_squeeze %dma_start3A_401 : memref<1x80xi32, #tpu.memory_space<vmem>> -> memref<80xi32, #tpu.memory_space<vmem>>
          %dma_start3A_403 = tpu.memref_slice %arg3[%add3A_398] : memref<320000xi32, #tpu.memory_space<hbm>> -> memref<80xi32, #tpu.memory_space<hbm>>
          %dma_start3A_404 = arith.constant 0 : i32
          %dma_start3A_405 = tpu.memref_slice %arg7[%dma_start3A_399, %dma_start3A_404] : memref<3x80xi32, #tpu.memory_space<vmem>> -> memref<1x80xi32, #tpu.memory_space<vmem>>
          %dma_start3A_406 = tpu.memref_squeeze %dma_start3A_405 : memref<1x80xi32, #tpu.memory_space<vmem>> -> memref<80xi32, #tpu.memory_space<vmem>>
          %dma_start3A_407 = tpu.memref_slice %arg3[%add3A_398] : memref<320000xi32, #tpu.memory_space<hbm>> -> memref<80xi32, #tpu.memory_space<hbm>>
          tpu.enqueue_dma source(%dma_start3A_407 : memref<80xi32, #tpu.memory_space<hbm>>) target(%dma_start3A_406 : memref<80xi32, #tpu.memory_space<vmem>>) target_semaphore(%arg11 : memref<!tpu.dma_semaphore, #tpu.memory_space<semaphore_mem>>)
          %mul3A_408 = arith.constant 80 : i32
          %mul3A_409 = arith.muli %add3A_395, %mul3A_408 : i32
          %add3A_410 = arith.addi %mul3A_2, %mul3A_409 : i32
          %dma_start3A_411 = arith.constant 0 : i32
          %dma_start3A_412 = arith.constant 0 : i32
          %dma_start3A_413 = tpu.memref_slice %arg8[%dma_start3A_411, %dma_start3A_412] : memref<3x80xi32, #tpu.memory_space<vmem>> -> memref<1x80xi32, #tpu.memory_space<vmem>>
          %dma_start3A_414 = tpu.memref_squeeze %dma_start3A_413 : memref<1x80xi32, #tpu.memory_space<vmem>> -> memref<80xi32, #tpu.memory_space<vmem>>
          %dma_start3A_415 = tpu.memref_slice %arg4[%add3A_410] : memref<320000xi32, #tpu.memory_space<hbm>> -> memref<80xi32, #tpu.memory_space<hbm>>
          %dma_start3A_416 = arith.constant 0 : i32
          %dma_start3A_417 = tpu.memref_slice %arg8[%dma_start3A_411, %dma_start3A_416] : memref<3x80xi32, #tpu.memory_space<vmem>> -> memref<1x80xi32, #tpu.memory_space<vmem>>
          %dma_start3A_418 = tpu.memref_squeeze %dma_start3A_417 : memref<1x80xi32, #tpu.memory_space<vmem>> -> memref<80xi32, #tpu.memory_space<vmem>>
          %dma_start3A_419 = tpu.memref_slice %arg4[%add3A_410] : memref<320000xi32, #tpu.memory_space<hbm>> -> memref<80xi32, #tpu.memory_space<hbm>>
          tpu.enqueue_dma source(%dma_start3A_419 : memref<80xi32, #tpu.memory_space<hbm>>) target(%dma_start3A_418 : memref<80xi32, #tpu.memory_space<vmem>>) target_semaphore(%arg11 : memref<!tpu.dma_semaphore, #tpu.memory_space<semaphore_mem>>)
        } else {
        }
        %ge3A = arith.constant 1 : i32
        %ge3A_383 = arith.cmpi sge, %add3A_298, %ge3A : i32
        %convert_element_type3A_384 = arith.extui %ge3A_383 : i1 to i32
        %cond3A_385 = arith.constant 0 : i32
        %cond3A_386 = arith.cmpi ne, %convert_element_type3A_384, %cond3A_385 : i32
        scf.if %cond3A_386 {
          %sub3A = arith.constant 1 : i32
          %sub3A_394 = arith.subi %add3A_298, %sub3A : i32
          %jit3A = arith.constant 3 : i32
          %eq3A = arith.constant 0 : i32
          %eq3A_395 = arith.cmpi eq, %jit3A, %eq3A : i32
          %jit3A_396 = arith.constant 1 : i32
          %select_n3A = arith.select %eq3A_395, %jit3A_396, %jit3A : i32
          %rem3A = arith.remsi %sub3A_394, %select_n3A : i32
          %ne3A = arith.constant 0 : i32
          %ne3A_397 = arith.cmpi ne, %rem3A, %ne3A : i32
          %lt3A_398 = arith.constant 0 : i32
          %lt3A_399 = arith.cmpi slt, %rem3A, %lt3A_398 : i32
          %lt3A_400 = arith.constant 0 : i32
          %lt3A_401 = arith.cmpi slt, %select_n3A, %lt3A_400 : i32
          %ne3A_402 = arith.xori %lt3A_399, %lt3A_401 : i1
          %and3A = arith.andi %ne3A_402, %ne3A_397 : i1
          %add3A_403 = arith.addi %rem3A, %select_n3A : i32
          %select_n3A_404 = arith.select %and3A, %add3A_403, %rem3A : i32
          %dma_wait3A_405 = arith.constant 0 : i32
          %dma_wait3A_406 = arith.constant 0 : i32
          %dma_wait3A_407 = tpu.memref_slice %arg10[%select_n3A_404, %dma_wait3A_405, %dma_wait3A_406] : memref<3x80x128xf32, #tpu.memory_space<vmem>> -> memref<1x80x128xf32, #tpu.memory_space<vmem>>
          %dma_wait3A_408 = tpu.memref_squeeze %dma_wait3A_407 : memref<1x80x128xf32, #tpu.memory_space<vmem>> -> memref<80x128xf32, #tpu.memory_space<vmem>>
          %dma_wait3A_409 = arith.constant 0 : i32
          %dma_wait3A_410 = tpu.memref_slice %arg9[%select_n3A_404, %dma_wait3A_409] : memref<3x80xi32, #tpu.memory_space<vmem>> -> memref<1x80xi32, #tpu.memory_space<vmem>>
          %dma_wait3A_411 = tpu.memref_squeeze %dma_wait3A_410 : memref<1x80xi32, #tpu.memory_space<vmem>> -> memref<80xi32, #tpu.memory_space<vmem>>
          %dma_wait3A_412 = arith.constant 0 : i32
          %dma_wait3A_413 = arith.constant 0 : i32
          %dma_wait3A_414 = tpu.memref_slice %arg6[%dma_wait3A_412, %dma_wait3A_413] : memref<10000x128xf32, #tpu.memory_space<vmem_shared>> -> memref<10000x128xf32, #tpu.memory_space<vmem_shared>>
          tpu.wait_indirect_dma semaphore(%arg13 : memref<!tpu.dma_semaphore, #tpu.memory_space<semaphore_mem>>) src(%dma_wait3A_408 : memref<80x128xf32, #tpu.memory_space<vmem>>) dst(%dma_wait3A_414 : memref<10000x128xf32, #tpu.memory_space<vmem_shared>>)
        } else {
        }
        %add3A_387 = arith.constant 2 : i32
        %add3A_388 = arith.addi %add3A_298, %add3A_387 : i32
        %lt3A_389 = arith.constant 125 : i32
        %lt3A_390 = arith.cmpi slt, %add3A_388, %lt3A_389 : i32
        %convert_element_type3A_391 = arith.extui %lt3A_390 : i1 to i32
        %cond3A_392 = arith.constant 0 : i32
        %cond3A_393 = arith.cmpi ne, %convert_element_type3A_391, %cond3A_392 : i32
        scf.if %cond3A_393 {
          %add3A_394 = arith.constant 2 : i32
          %add3A_395 = arith.addi %add3A_298, %add3A_394 : i32
          %mul3A_396 = arith.constant 80 : i32
          %mul3A_397 = arith.muli %add3A_395, %mul3A_396 : i32
          %add3A_398 = arith.addi %mul3A_2, %mul3A_397 : i32
          %dma_wait3A_399 = arith.constant 2 : i32
          %dma_wait3A_400 = arith.constant 0 : i32
          %dma_wait3A_401 = tpu.memref_slice %arg7[%dma_wait3A_399, %dma_wait3A_400] : memref<3x80xi32, #tpu.memory_space<vmem>> -> memref<1x80xi32, #tpu.memory_space<vmem>>
          %dma_wait3A_402 = tpu.memref_squeeze %dma_wait3A_401 : memref<1x80xi32, #tpu.memory_space<vmem>> -> memref<80xi32, #tpu.memory_space<vmem>>
          %dma_wait3A_403 = tpu.memref_slice %arg3[%add3A_398] : memref<320000xi32, #tpu.memory_space<hbm>> -> memref<80xi32, #tpu.memory_space<hbm>>
          %dma_wait3A_404 = arith.constant 0 : i32
          %dma_wait3A_405 = tpu.memref_slice %arg7[%dma_wait3A_399, %dma_wait3A_404] : memref<3x80xi32, #tpu.memory_space<vmem>> -> memref<1x80xi32, #tpu.memory_space<vmem>>
          %dma_wait3A_406 = tpu.memref_squeeze %dma_wait3A_405 : memref<1x80xi32, #tpu.memory_space<vmem>> -> memref<80xi32, #tpu.memory_space<vmem>>
          %dma_wait3A_407 = tpu.memref_slice %arg3[%add3A_398] : memref<320000xi32, #tpu.memory_space<hbm>> -> memref<80xi32, #tpu.memory_space<hbm>>
          tpu.wait_dma2 semaphore(%arg11 : memref<!tpu.dma_semaphore, #tpu.memory_space<semaphore_mem>>) src(%dma_wait3A_407 : memref<80xi32, #tpu.memory_space<hbm>>) dst(%dma_wait3A_406 : memref<80xi32, #tpu.memory_space<vmem>>)
          %mul3A_408 = arith.constant 80 : i32
          %mul3A_409 = arith.muli %add3A_395, %mul3A_408 : i32
          %add3A_410 = arith.addi %mul3A_2, %mul3A_409 : i32
          %dma_wait3A_411 = arith.constant 2 : i32
          %dma_wait3A_412 = arith.constant 0 : i32
          %dma_wait3A_413 = tpu.memref_slice %arg8[%dma_wait3A_411, %dma_wait3A_412] : memref<3x80xi32, #tpu.memory_space<vmem>> -> memref<1x80xi32, #tpu.memory_space<vmem>>
          %dma_wait3A_414 = tpu.memref_squeeze %dma_wait3A_413 : memref<1x80xi32, #tpu.memory_space<vmem>> -> memref<80xi32, #tpu.memory_space<vmem>>
          %dma_wait3A_415 = tpu.memref_slice %arg4[%add3A_410] : memref<320000xi32, #tpu.memory_space<hbm>> -> memref<80xi32, #tpu.memory_space<hbm>>
          %dma_wait3A_416 = arith.constant 0 : i32
          %dma_wait3A_417 = tpu.memref_slice %arg8[%dma_wait3A_411, %dma_wait3A_416] : memref<3x80xi32, #tpu.memory_space<vmem>> -> memref<1x80xi32, #tpu.memory_space<vmem>>
          %dma_wait3A_418 = tpu.memref_squeeze %dma_wait3A_417 : memref<1x80xi32, #tpu.memory_space<vmem>> -> memref<80xi32, #tpu.memory_space<vmem>>
          %dma_wait3A_419 = tpu.memref_slice %arg4[%add3A_410] : memref<320000xi32, #tpu.memory_space<hbm>> -> memref<80xi32, #tpu.memory_space<hbm>>
          tpu.wait_dma2 semaphore(%arg11 : memref<!tpu.dma_semaphore, #tpu.memory_space<semaphore_mem>>) src(%dma_wait3A_419 : memref<80xi32, #tpu.memory_space<hbm>>) dst(%dma_wait3A_418 : memref<80xi32, #tpu.memory_space<vmem>>)
          %add3A_420 = arith.constant 2 : i32
          %add3A_421 = arith.addi %add3A_298, %add3A_420 : i32
          %dma_start3A_422 = arith.constant 2 : i32
          %dma_start3A_423 = arith.constant 2 : i32
          %dma_start3A_424 = arith.constant 0 : i32
          %dma_start3A_425 = arith.constant 0 : i32
          %dma_start3A_426 = tpu.memref_slice %arg10[%dma_start3A_423, %dma_start3A_424, %dma_start3A_425] : memref<3x80x128xf32, #tpu.memory_space<vmem>> -> memref<1x80x128xf32, #tpu.memory_space<vmem>>
          %dma_start3A_427 = tpu.memref_squeeze %dma_start3A_426 : memref<1x80x128xf32, #tpu.memory_space<vmem>> -> memref<80x128xf32, #tpu.memory_space<vmem>>
          %dma_start3A_428 = arith.constant 0 : i32
          %dma_start3A_429 = tpu.memref_slice %arg7[%dma_start3A_422, %dma_start3A_428] : memref<3x80xi32, #tpu.memory_space<vmem>> -> memref<1x80xi32, #tpu.memory_space<vmem>>
          %dma_start3A_430 = tpu.memref_squeeze %dma_start3A_429 : memref<1x80xi32, #tpu.memory_space<vmem>> -> memref<80xi32, #tpu.memory_space<vmem>>
          %dma_start3A_431 = arith.constant 0 : i32
          %dma_start3A_432 = arith.constant 0 : i32
          %dma_start3A_433 = tpu.memref_slice %arg2[%dma_start3A_431, %dma_start3A_432] : memref<10000x128xf32, #tpu.memory_space<hbm>> -> memref<10000x128xf32, #tpu.memory_space<hbm>>
          tpu.enqueue_indirect_dma source(%dma_start3A_433 : memref<10000x128xf32, #tpu.memory_space<hbm>>) target(%dma_start3A_427 : memref<80x128xf32, #tpu.memory_space<vmem>>) offsets(%dma_start3A_430 : memref<80xi32, #tpu.memory_space<vmem>>) semaphore(%arg12 : memref<!tpu.dma_semaphore, #tpu.memory_space<semaphore_mem>>)
        } else {
        }
      } else {
      }
      %add3A_282 = arith.constant 1 : i32
      %add3A_283 = arith.addi %mul3A_274, %add3A_282 : i32
      %lt3A_284 = arith.constant 125 : i32
      %lt3A_285 = arith.cmpi slt, %add3A_283, %lt3A_284 : i32
      %convert_element_type3A_286 = arith.extui %lt3A_285 : i1 to i32
      %cond3A_287 = arith.constant 0 : i32
      %cond3A_288 = arith.cmpi ne, %convert_element_type3A_286, %cond3A_287 : i32
      scf.if %cond3A_288 {
        %add3A_297 = arith.constant 1 : i32
        %add3A_298 = arith.addi %mul3A_274, %add3A_297 : i32
        %dma_wait3A_299 = arith.constant 1 : i32
        %dma_wait3A_300 = arith.constant 1 : i32
        %dma_wait3A_301 = arith.constant 0 : i32
        %dma_wait3A_302 = arith.constant 0 : i32
        %dma_wait3A_303 = tpu.memref_slice %arg10[%dma_wait3A_300, %dma_wait3A_301, %dma_wait3A_302] : memref<3x80x128xf32, #tpu.memory_space<vmem>> -> memref<1x80x128xf32, #tpu.memory_space<vmem>>
        %dma_wait3A_304 = tpu.memref_squeeze %dma_wait3A_303 : memref<1x80x128xf32, #tpu.memory_space<vmem>> -> memref<80x128xf32, #tpu.memory_space<vmem>>
        %dma_wait3A_305 = arith.constant 0 : i32
        %dma_wait3A_306 = tpu.memref_slice %arg7[%dma_wait3A_299, %dma_wait3A_305] : memref<3x80xi32, #tpu.memory_space<vmem>> -> memref<1x80xi32, #tpu.memory_space<vmem>>
        %dma_wait3A_307 = tpu.memref_squeeze %dma_wait3A_306 : memref<1x80xi32, #tpu.memory_space<vmem>> -> memref<80xi32, #tpu.memory_space<vmem>>
        %dma_wait3A_308 = arith.constant 0 : i32
        %dma_wait3A_309 = arith.constant 0 : i32
        %dma_wait3A_310 = tpu.memref_slice %arg2[%dma_wait3A_308, %dma_wait3A_309] : memref<10000x128xf32, #tpu.memory_space<hbm>> -> memref<10000x128xf32, #tpu.memory_space<hbm>>
        tpu.wait_indirect_dma semaphore(%arg12 : memref<!tpu.dma_semaphore, #tpu.memory_space<semaphore_mem>>) src(%dma_wait3A_310 : memref<10000x128xf32, #tpu.memory_space<hbm>>) dst(%dma_wait3A_304 : memref<80x128xf32, #tpu.memory_space<vmem>>)
        %get3A = arith.constant 1 : i32
        %get3A_311 = arith.index_cast %get3A : i32 to index
        %get3A_312 = arith.constant 0 : index
        %get3A_313 = tpu.vector_load %arg8[%get3A_311, %get3A_312] {strides = array<i32>} : memref<3x80xi32, #tpu.memory_space<vmem>>, vector<1x16xi32>,
        %get3A_314 = vector.shape_cast %get3A_313 : vector<1x16xi32> to vector<16xi32>
        %swap3A = arith.constant 1 : i32
        %swap3A_315 = arith.index_cast %swap3A : i32 to index
        %swap3A_316 = arith.constant 0 : index
        %swap3A_317 = tpu.vector_load %arg9[%swap3A_315, %swap3A_316] {strides = array<i32>} : memref<3x80xi32, #tpu.memory_space<vmem>>, vector<1x16xi32>,
        %swap3A_318 = vector.shape_cast %swap3A_317 : vector<1x16xi32> to vector<16xi32>
        %swap3A_319 = vector.shape_cast %get3A_314 : vector<16xi32> to vector<1x16xi32>
        tpu.vector_store %arg9[%swap3A_315, %swap3A_316], %swap3A_319 {strides = array<i32>} : memref<3x80xi32, #tpu.memory_space<vmem>>, vector<1x16xi32>,
        %get3A_320 = arith.constant 1 : i32
        %get3A_321 = arith.index_cast %get3A_320 : i32 to index
        %get3A_322 = arith.constant 16 : index
        %get3A_323 = tpu.vector_load %arg8[%get3A_321, %get3A_322] {strides = array<i32>} : memref<3x80xi32, #tpu.memory_space<vmem>>, vector<1x16xi32>,
        %get3A_324 = vector.shape_cast %get3A_323 : vector<1x16xi32> to vector<16xi32>
        %swap3A_325 = arith.constant 1 : i32
        %swap3A_326 = arith.index_cast %swap3A_325 : i32 to index
        %swap3A_327 = arith.constant 16 : index
        %swap3A_328 = tpu.vector_load %arg9[%swap3A_326, %swap3A_327] {strides = array<i32>} : memref<3x80xi32, #tpu.memory_space<vmem>>, vector<1x16xi32>,
        %swap3A_329 = vector.shape_cast %swap3A_328 : vector<1x16xi32> to vector<16xi32>
        %swap3A_330 = vector.shape_cast %get3A_324 : vector<16xi32> to vector<1x16xi32>
        tpu.vector_store %arg9[%swap3A_326, %swap3A_327], %swap3A_330 {strides = array<i32>} : memref<3x80xi32, #tpu.memory_space<vmem>>, vector<1x16xi32>,
        %get3A_331 = arith.constant 1 : i32
        %get3A_332 = arith.index_cast %get3A_331 : i32 to index
        %get3A_333 = arith.constant 32 : index
        %get3A_334 = tpu.vector_load %arg8[%get3A_332, %get3A_333] {strides = array<i32>} : memref<3x80xi32, #tpu.memory_space<vmem>>, vector<1x16xi32>,
        %get3A_335 = vector.shape_cast %get3A_334 : vector<1x16xi32> to vector<16xi32>
        %swap3A_336 = arith.constant 1 : i32
        %swap3A_337 = arith.index_cast %swap3A_336 : i32 to index
        %swap3A_338 = arith.constant 32 : index
        %swap3A_339 = tpu.vector_load %arg9[%swap3A_337, %swap3A_338] {strides = array<i32>} : memref<3x80xi32, #tpu.memory_space<vmem>>, vector<1x16xi32>,
        %swap3A_340 = vector.shape_cast %swap3A_339 : vector<1x16xi32> to vector<16xi32>
        %swap3A_341 = vector.shape_cast %get3A_335 : vector<16xi32> to vector<1x16xi32>
        tpu.vector_store %arg9[%swap3A_337, %swap3A_338], %swap3A_341 {strides = array<i32>} : memref<3x80xi32, #tpu.memory_space<vmem>>, vector<1x16xi32>,
        %get3A_342 = arith.constant 1 : i32
        %get3A_343 = arith.index_cast %get3A_342 : i32 to index
        %get3A_344 = arith.constant 48 : index
        %get3A_345 = tpu.vector_load %arg8[%get3A_343, %get3A_344] {strides = array<i32>} : memref<3x80xi32, #tpu.memory_space<vmem>>, vector<1x16xi32>,
        %get3A_346 = vector.shape_cast %get3A_345 : vector<1x16xi32> to vector<16xi32>
        %swap3A_347 = arith.constant 1 : i32
        %swap3A_348 = arith.index_cast %swap3A_347 : i32 to index
        %swap3A_349 = arith.constant 48 : index
        %swap3A_350 = tpu.vector_load %arg9[%swap3A_348, %swap3A_349] {strides = array<i32>} : memref<3x80xi32, #tpu.memory_space<vmem>>, vector<1x16xi32>,
        %swap3A_351 = vector.shape_cast %swap3A_350 : vector<1x16xi32> to vector<16xi32>
        %swap3A_352 = vector.shape_cast %get3A_346 : vector<16xi32> to vector<1x16xi32>
        tpu.vector_store %arg9[%swap3A_348, %swap3A_349], %swap3A_352 {strides = array<i32>} : memref<3x80xi32, #tpu.memory_space<vmem>>, vector<1x16xi32>,
        %get3A_353 = arith.constant 1 : i32
        %get3A_354 = arith.index_cast %get3A_353 : i32 to index
        %get3A_355 = arith.constant 64 : index
        %get3A_356 = tpu.vector_load %arg8[%get3A_354, %get3A_355] {strides = array<i32>} : memref<3x80xi32, #tpu.memory_space<vmem>>, vector<1x16xi32>,
        %get3A_357 = vector.shape_cast %get3A_356 : vector<1x16xi32> to vector<16xi32>
        %swap3A_358 = arith.constant 1 : i32
        %swap3A_359 = arith.index_cast %swap3A_358 : i32 to index
        %swap3A_360 = arith.constant 64 : index
        %swap3A_361 = tpu.vector_load %arg9[%swap3A_359, %swap3A_360] {strides = array<i32>} : memref<3x80xi32, #tpu.memory_space<vmem>>, vector<1x16xi32>,
        %swap3A_362 = vector.shape_cast %swap3A_361 : vector<1x16xi32> to vector<16xi32>
        %swap3A_363 = vector.shape_cast %get3A_357 : vector<16xi32> to vector<1x16xi32>
        tpu.vector_store %arg9[%swap3A_359, %swap3A_360], %swap3A_363 {strides = array<i32>} : memref<3x80xi32, #tpu.memory_space<vmem>>, vector<1x16xi32>,
        %dma_start3A_364 = arith.constant 1 : i32
        %dma_start3A_365 = arith.constant 1 : i32
        %dma_start3A_366 = arith.constant 0 : i32
        %dma_start3A_367 = arith.constant 0 : i32
        %dma_start3A_368 = tpu.memref_slice %arg10[%dma_start3A_364, %dma_start3A_366, %dma_start3A_367] : memref<3x80x128xf32, #tpu.memory_space<vmem>> -> memref<1x80x128xf32, #tpu.memory_space<vmem>>
        %dma_start3A_369 = tpu.memref_squeeze %dma_start3A_368 : memref<1x80x128xf32, #tpu.memory_space<vmem>> -> memref<80x128xf32, #tpu.memory_space<vmem>>
        %dma_start3A_370 = arith.constant 0 : i32
        %dma_start3A_371 = tpu.memref_slice %arg9[%dma_start3A_365, %dma_start3A_370] : memref<3x80xi32, #tpu.memory_space<vmem>> -> memref<1x80xi32, #tpu.memory_space<vmem>>
        %dma_start3A_372 = tpu.memref_squeeze %dma_start3A_371 : memref<1x80xi32, #tpu.memory_space<vmem>> -> memref<80xi32, #tpu.memory_space<vmem>>
        %dma_start3A_373 = arith.constant 0 : i32
        %dma_start3A_374 = arith.constant 0 : i32
        %dma_start3A_375 = tpu.memref_slice %arg6[%dma_start3A_373, %dma_start3A_374] : memref<10000x128xf32, #tpu.memory_space<vmem_shared>> -> memref<10000x128xf32, #tpu.memory_space<vmem_shared>>
        tpu.enqueue_indirect_dma source(%dma_start3A_369 : memref<80x128xf32, #tpu.memory_space<vmem>>) target(%dma_start3A_375 : memref<10000x128xf32, #tpu.memory_space<vmem_shared>>) offsets(%dma_start3A_372 : memref<80xi32, #tpu.memory_space<vmem>>) semaphore(%arg13 : memref<!tpu.dma_semaphore, #tpu.memory_space<semaphore_mem>>) {add = true}
        %add3A_376 = arith.constant 3 : i32
        %add3A_377 = arith.addi %add3A_298, %add3A_376 : i32
        %lt3A_378 = arith.constant 125 : i32
        %lt3A_379 = arith.cmpi slt, %add3A_377, %lt3A_378 : i32
        %convert_element_type3A_380 = arith.extui %lt3A_379 : i1 to i32
        %cond3A_381 = arith.constant 0 : i32
        %cond3A_382 = arith.cmpi ne, %convert_element_type3A_380, %cond3A_381 : i32
        scf.if %cond3A_382 {
          %add3A_394 = arith.constant 3 : i32
          %add3A_395 = arith.addi %add3A_298, %add3A_394 : i32
          %mul3A_396 = arith.constant 80 : i32
          %mul3A_397 = arith.muli %add3A_395, %mul3A_396 : i32
          %add3A_398 = arith.addi %mul3A_2, %mul3A_397 : i32
          %dma_start3A_399 = arith.constant 1 : i32
          %dma_start3A_400 = arith.constant 0 : i32
          %dma_start3A_401 = tpu.memref_slice %arg7[%dma_start3A_399, %dma_start3A_400] : memref<3x80xi32, #tpu.memory_space<vmem>> -> memref<1x80xi32, #tpu.memory_space<vmem>>
          %dma_start3A_402 = tpu.memref_squeeze %dma_start3A_401 : memref<1x80xi32, #tpu.memory_space<vmem>> -> memref<80xi32, #tpu.memory_space<vmem>>
          %dma_start3A_403 = tpu.memref_slice %arg3[%add3A_398] : memref<320000xi32, #tpu.memory_space<hbm>> -> memref<80xi32, #tpu.memory_space<hbm>>
          %dma_start3A_404 = arith.constant 0 : i32
          %dma_start3A_405 = tpu.memref_slice %arg7[%dma_start3A_399, %dma_start3A_404] : memref<3x80xi32, #tpu.memory_space<vmem>> -> memref<1x80xi32, #tpu.memory_space<vmem>>
          %dma_start3A_406 = tpu.memref_squeeze %dma_start3A_405 : memref<1x80xi32, #tpu.memory_space<vmem>> -> memref<80xi32, #tpu.memory_space<vmem>>
          %dma_start3A_407 = tpu.memref_slice %arg3[%add3A_398] : memref<320000xi32, #tpu.memory_space<hbm>> -> memref<80xi32, #tpu.memory_space<hbm>>
          tpu.enqueue_dma source(%dma_start3A_407 : memref<80xi32, #tpu.memory_space<hbm>>) target(%dma_start3A_406 : memref<80xi32, #tpu.memory_space<vmem>>) target_semaphore(%arg11 : memref<!tpu.dma_semaphore, #tpu.memory_space<semaphore_mem>>)
          %mul3A_408 = arith.constant 80 : i32
          %mul3A_409 = arith.muli %add3A_395, %mul3A_408 : i32
          %add3A_410 = arith.addi %mul3A_2, %mul3A_409 : i32
          %dma_start3A_411 = arith.constant 1 : i32
          %dma_start3A_412 = arith.constant 0 : i32
          %dma_start3A_413 = tpu.memref_slice %arg8[%dma_start3A_411, %dma_start3A_412] : memref<3x80xi32, #tpu.memory_space<vmem>> -> memref<1x80xi32, #tpu.memory_space<vmem>>
          %dma_start3A_414 = tpu.memref_squeeze %dma_start3A_413 : memref<1x80xi32, #tpu.memory_space<vmem>> -> memref<80xi32, #tpu.memory_space<vmem>>
          %dma_start3A_415 = tpu.memref_slice %arg4[%add3A_410] : memref<320000xi32, #tpu.memory_space<hbm>> -> memref<80xi32, #tpu.memory_space<hbm>>
          %dma_start3A_416 = arith.constant 0 : i32
          %dma_start3A_417 = tpu.memref_slice %arg8[%dma_start3A_411, %dma_start3A_416] : memref<3x80xi32, #tpu.memory_space<vmem>> -> memref<1x80xi32, #tpu.memory_space<vmem>>
          %dma_start3A_418 = tpu.memref_squeeze %dma_start3A_417 : memref<1x80xi32, #tpu.memory_space<vmem>> -> memref<80xi32, #tpu.memory_space<vmem>>
          %dma_start3A_419 = tpu.memref_slice %arg4[%add3A_410] : memref<320000xi32, #tpu.memory_space<hbm>> -> memref<80xi32, #tpu.memory_space<hbm>>
          tpu.enqueue_dma source(%dma_start3A_419 : memref<80xi32, #tpu.memory_space<hbm>>) target(%dma_start3A_418 : memref<80xi32, #tpu.memory_space<vmem>>) target_semaphore(%arg11 : memref<!tpu.dma_semaphore, #tpu.memory_space<semaphore_mem>>)
        } else {
        }
        %ge3A = arith.constant 1 : i32
        %ge3A_383 = arith.cmpi sge, %add3A_298, %ge3A : i32
        %convert_element_type3A_384 = arith.extui %ge3A_383 : i1 to i32
        %cond3A_385 = arith.constant 0 : i32
        %cond3A_386 = arith.cmpi ne, %convert_element_type3A_384, %cond3A_385 : i32
        scf.if %cond3A_386 {
          %sub3A = arith.constant 1 : i32
          %sub3A_394 = arith.subi %add3A_298, %sub3A : i32
          %jit3A = arith.constant 3 : i32
          %eq3A = arith.constant 0 : i32
          %eq3A_395 = arith.cmpi eq, %jit3A, %eq3A : i32
          %jit3A_396 = arith.constant 1 : i32
          %select_n3A = arith.select %eq3A_395, %jit3A_396, %jit3A : i32
          %rem3A = arith.remsi %sub3A_394, %select_n3A : i32
          %ne3A = arith.constant 0 : i32
          %ne3A_397 = arith.cmpi ne, %rem3A, %ne3A : i32
          %lt3A_398 = arith.constant 0 : i32
          %lt3A_399 = arith.cmpi slt, %rem3A, %lt3A_398 : i32
          %lt3A_400 = arith.constant 0 : i32
          %lt3A_401 = arith.cmpi slt, %select_n3A, %lt3A_400 : i32
          %ne3A_402 = arith.xori %lt3A_399, %lt3A_401 : i1
          %and3A = arith.andi %ne3A_402, %ne3A_397 : i1
          %add3A_403 = arith.addi %rem3A, %select_n3A : i32
          %select_n3A_404 = arith.select %and3A, %add3A_403, %rem3A : i32
          %dma_wait3A_405 = arith.constant 0 : i32
          %dma_wait3A_406 = arith.constant 0 : i32
          %dma_wait3A_407 = tpu.memref_slice %arg10[%select_n3A_404, %dma_wait3A_405, %dma_wait3A_406] : memref<3x80x128xf32, #tpu.memory_space<vmem>> -> memref<1x80x128xf32, #tpu.memory_space<vmem>>
          %dma_wait3A_408 = tpu.memref_squeeze %dma_wait3A_407 : memref<1x80x128xf32, #tpu.memory_space<vmem>> -> memref<80x128xf32, #tpu.memory_space<vmem>>
          %dma_wait3A_409 = arith.constant 0 : i32
          %dma_wait3A_410 = tpu.memref_slice %arg9[%select_n3A_404, %dma_wait3A_409] : memref<3x80xi32, #tpu.memory_space<vmem>> -> memref<1x80xi32, #tpu.memory_space<vmem>>
          %dma_wait3A_411 = tpu.memref_squeeze %dma_wait3A_410 : memref<1x80xi32, #tpu.memory_space<vmem>> -> memref<80xi32, #tpu.memory_space<vmem>>
          %dma_wait3A_412 = arith.constant 0 : i32
          %dma_wait3A_413 = arith.constant 0 : i32
          %dma_wait3A_414 = tpu.memref_slice %arg6[%dma_wait3A_412, %dma_wait3A_413] : memref<10000x128xf32, #tpu.memory_space<vmem_shared>> -> memref<10000x128xf32, #tpu.memory_space<vmem_shared>>
          tpu.wait_indirect_dma semaphore(%arg13 : memref<!tpu.dma_semaphore, #tpu.memory_space<semaphore_mem>>) src(%dma_wait3A_408 : memref<80x128xf32, #tpu.memory_space<vmem>>) dst(%dma_wait3A_414 : memref<10000x128xf32, #tpu.memory_space<vmem_shared>>)
        } else {
        }
        %add3A_387 = arith.constant 2 : i32
        %add3A_388 = arith.addi %add3A_298, %add3A_387 : i32
        %lt3A_389 = arith.constant 125 : i32
        %lt3A_390 = arith.cmpi slt, %add3A_388, %lt3A_389 : i32
        %convert_element_type3A_391 = arith.extui %lt3A_390 : i1 to i32
        %cond3A_392 = arith.constant 0 : i32
        %cond3A_393 = arith.cmpi ne, %convert_element_type3A_391, %cond3A_392 : i32
        scf.if %cond3A_393 {
          %add3A_394 = arith.constant 2 : i32
          %add3A_395 = arith.addi %add3A_298, %add3A_394 : i32
          %mul3A_396 = arith.constant 80 : i32
          %mul3A_397 = arith.muli %add3A_395, %mul3A_396 : i32
          %add3A_398 = arith.addi %mul3A_2, %mul3A_397 : i32
          %dma_wait3A_399 = arith.constant 0 : i32
          %dma_wait3A_400 = arith.constant 0 : i32
          %dma_wait3A_401 = tpu.memref_slice %arg7[%dma_wait3A_399, %dma_wait3A_400] : memref<3x80xi32, #tpu.memory_space<vmem>> -> memref<1x80xi32, #tpu.memory_space<vmem>>
          %dma_wait3A_402 = tpu.memref_squeeze %dma_wait3A_401 : memref<1x80xi32, #tpu.memory_space<vmem>> -> memref<80xi32, #tpu.memory_space<vmem>>
          %dma_wait3A_403 = tpu.memref_slice %arg3[%add3A_398] : memref<320000xi32, #tpu.memory_space<hbm>> -> memref<80xi32, #tpu.memory_space<hbm>>
          %dma_wait3A_404 = arith.constant 0 : i32
          %dma_wait3A_405 = tpu.memref_slice %arg7[%dma_wait3A_399, %dma_wait3A_404] : memref<3x80xi32, #tpu.memory_space<vmem>> -> memref<1x80xi32, #tpu.memory_space<vmem>>
          %dma_wait3A_406 = tpu.memref_squeeze %dma_wait3A_405 : memref<1x80xi32, #tpu.memory_space<vmem>> -> memref<80xi32, #tpu.memory_space<vmem>>
          %dma_wait3A_407 = tpu.memref_slice %arg3[%add3A_398] : memref<320000xi32, #tpu.memory_space<hbm>> -> memref<80xi32, #tpu.memory_space<hbm>>
          tpu.wait_dma2 semaphore(%arg11 : memref<!tpu.dma_semaphore, #tpu.memory_space<semaphore_mem>>) src(%dma_wait3A_407 : memref<80xi32, #tpu.memory_space<hbm>>) dst(%dma_wait3A_406 : memref<80xi32, #tpu.memory_space<vmem>>)
          %mul3A_408 = arith.constant 80 : i32
          %mul3A_409 = arith.muli %add3A_395, %mul3A_408 : i32
          %add3A_410 = arith.addi %mul3A_2, %mul3A_409 : i32
          %dma_wait3A_411 = arith.constant 0 : i32
          %dma_wait3A_412 = arith.constant 0 : i32
          %dma_wait3A_413 = tpu.memref_slice %arg8[%dma_wait3A_411, %dma_wait3A_412] : memref<3x80xi32, #tpu.memory_space<vmem>> -> memref<1x80xi32, #tpu.memory_space<vmem>>
          %dma_wait3A_414 = tpu.memref_squeeze %dma_wait3A_413 : memref<1x80xi32, #tpu.memory_space<vmem>> -> memref<80xi32, #tpu.memory_space<vmem>>
          %dma_wait3A_415 = tpu.memref_slice %arg4[%add3A_410] : memref<320000xi32, #tpu.memory_space<hbm>> -> memref<80xi32, #tpu.memory_space<hbm>>
          %dma_wait3A_416 = arith.constant 0 : i32
          %dma_wait3A_417 = tpu.memref_slice %arg8[%dma_wait3A_411, %dma_wait3A_416] : memref<3x80xi32, #tpu.memory_space<vmem>> -> memref<1x80xi32, #tpu.memory_space<vmem>>
          %dma_wait3A_418 = tpu.memref_squeeze %dma_wait3A_417 : memref<1x80xi32, #tpu.memory_space<vmem>> -> memref<80xi32, #tpu.memory_space<vmem>>
          %dma_wait3A_419 = tpu.memref_slice %arg4[%add3A_410] : memref<320000xi32, #tpu.memory_space<hbm>> -> memref<80xi32, #tpu.memory_space<hbm>>
          tpu.wait_dma2 semaphore(%arg11 : memref<!tpu.dma_semaphore, #tpu.memory_space<semaphore_mem>>) src(%dma_wait3A_419 : memref<80xi32, #tpu.memory_space<hbm>>) dst(%dma_wait3A_418 : memref<80xi32, #tpu.memory_space<vmem>>)
          %add3A_420 = arith.constant 2 : i32
          %add3A_421 = arith.addi %add3A_298, %add3A_420 : i32
          %dma_start3A_422 = arith.constant 0 : i32
          %dma_start3A_423 = arith.constant 0 : i32
          %dma_start3A_424 = arith.constant 0 : i32
          %dma_start3A_425 = arith.constant 0 : i32
          %dma_start3A_426 = tpu.memref_slice %arg10[%dma_start3A_423, %dma_start3A_424, %dma_start3A_425] : memref<3x80x128xf32, #tpu.memory_space<vmem>> -> memref<1x80x128xf32, #tpu.memory_space<vmem>>
          %dma_start3A_427 = tpu.memref_squeeze %dma_start3A_426 : memref<1x80x128xf32, #tpu.memory_space<vmem>> -> memref<80x128xf32, #tpu.memory_space<vmem>>
          %dma_start3A_428 = arith.constant 0 : i32
          %dma_start3A_429 = tpu.memref_slice %arg7[%dma_start3A_422, %dma_start3A_428] : memref<3x80xi32, #tpu.memory_space<vmem>> -> memref<1x80xi32, #tpu.memory_space<vmem>>
          %dma_start3A_430 = tpu.memref_squeeze %dma_start3A_429 : memref<1x80xi32, #tpu.memory_space<vmem>> -> memref<80xi32, #tpu.memory_space<vmem>>
          %dma_start3A_431 = arith.constant 0 : i32
          %dma_start3A_432 = arith.constant 0 : i32
          %dma_start3A_433 = tpu.memref_slice %arg2[%dma_start3A_431, %dma_start3A_432] : memref<10000x128xf32, #tpu.memory_space<hbm>> -> memref<10000x128xf32, #tpu.memory_space<hbm>>
          tpu.enqueue_indirect_dma source(%dma_start3A_433 : memref<10000x128xf32, #tpu.memory_space<hbm>>) target(%dma_start3A_427 : memref<80x128xf32, #tpu.memory_space<vmem>>) offsets(%dma_start3A_430 : memref<80xi32, #tpu.memory_space<vmem>>) semaphore(%arg12 : memref<!tpu.dma_semaphore, #tpu.memory_space<semaphore_mem>>)
        } else {
        }
      } else {
      }
      %add3A_289 = arith.constant 2 : i32
      %add3A_290 = arith.addi %mul3A_274, %add3A_289 : i32
      %lt3A_291 = arith.constant 125 : i32
      %lt3A_292 = arith.cmpi slt, %add3A_290, %lt3A_291 : i32
      %convert_element_type3A_293 = arith.extui %lt3A_292 : i1 to i32
      %cond3A_294 = arith.constant 0 : i32
      %cond3A_295 = arith.cmpi ne, %convert_element_type3A_293, %cond3A_294 : i32
      scf.if %cond3A_295 {
        %add3A_297 = arith.constant 2 : i32
        %add3A_298 = arith.addi %mul3A_274, %add3A_297 : i32
        %dma_wait3A_299 = arith.constant 2 : i32
        %dma_wait3A_300 = arith.constant 2 : i32
        %dma_wait3A_301 = arith.constant 0 : i32
        %dma_wait3A_302 = arith.constant 0 : i32
        %dma_wait3A_303 = tpu.memref_slice %arg10[%dma_wait3A_300, %dma_wait3A_301, %dma_wait3A_302] : memref<3x80x128xf32, #tpu.memory_space<vmem>> -> memref<1x80x128xf32, #tpu.memory_space<vmem>>
        %dma_wait3A_304 = tpu.memref_squeeze %dma_wait3A_303 : memref<1x80x128xf32, #tpu.memory_space<vmem>> -> memref<80x128xf32, #tpu.memory_space<vmem>>
        %dma_wait3A_305 = arith.constant 0 : i32
        %dma_wait3A_306 = tpu.memref_slice %arg7[%dma_wait3A_299, %dma_wait3A_305] : memref<3x80xi32, #tpu.memory_space<vmem>> -> memref<1x80xi32, #tpu.memory_space<vmem>>
        %dma_wait3A_307 = tpu.memref_squeeze %dma_wait3A_306 : memref<1x80xi32, #tpu.memory_space<vmem>> -> memref<80xi32, #tpu.memory_space<vmem>>
        %dma_wait3A_308 = arith.constant 0 : i32
        %dma_wait3A_309 = arith.constant 0 : i32
        %dma_wait3A_310 = tpu.memref_slice %arg2[%dma_wait3A_308, %dma_wait3A_309] : memref<10000x128xf32, #tpu.memory_space<hbm>> -> memref<10000x128xf32, #tpu.memory_space<hbm>>
        tpu.wait_indirect_dma semaphore(%arg12 : memref<!tpu.dma_semaphore, #tpu.memory_space<semaphore_mem>>) src(%dma_wait3A_310 : memref<10000x128xf32, #tpu.memory_space<hbm>>) dst(%dma_wait3A_304 : memref<80x128xf32, #tpu.memory_space<vmem>>)
        %get3A = arith.constant 2 : i32
        %get3A_311 = arith.index_cast %get3A : i32 to index
        %get3A_312 = arith.constant 0 : index
        %get3A_313 = tpu.vector_load %arg8[%get3A_311, %get3A_312] {strides = array<i32>} : memref<3x80xi32, #tpu.memory_space<vmem>>, vector<1x16xi32>,
        %get3A_314 = vector.shape_cast %get3A_313 : vector<1x16xi32> to vector<16xi32>
        %swap3A = arith.constant 2 : i32
        %swap3A_315 = arith.index_cast %swap3A : i32 to index
        %swap3A_316 = arith.constant 0 : index
        %swap3A_317 = tpu.vector_load %arg9[%swap3A_315, %swap3A_316] {strides = array<i32>} : memref<3x80xi32, #tpu.memory_space<vmem>>, vector<1x16xi32>,
        %swap3A_318 = vector.shape_cast %swap3A_317 : vector<1x16xi32> to vector<16xi32>
        %swap3A_319 = vector.shape_cast %get3A_314 : vector<16xi32> to vector<1x16xi32>
        tpu.vector_store %arg9[%swap3A_315, %swap3A_316], %swap3A_319 {strides = array<i32>} : memref<3x80xi32, #tpu.memory_space<vmem>>, vector<1x16xi32>,
        %get3A_320 = arith.constant 2 : i32
        %get3A_321 = arith.index_cast %get3A_320 : i32 to index
        %get3A_322 = arith.constant 16 : index
        %get3A_323 = tpu.vector_load %arg8[%get3A_321, %get3A_322] {strides = array<i32>} : memref<3x80xi32, #tpu.memory_space<vmem>>, vector<1x16xi32>,
        %get3A_324 = vector.shape_cast %get3A_323 : vector<1x16xi32> to vector<16xi32>
        %swap3A_325 = arith.constant 2 : i32
        %swap3A_326 = arith.index_cast %swap3A_325 : i32 to index
        %swap3A_327 = arith.constant 16 : index
        %swap3A_328 = tpu.vector_load %arg9[%swap3A_326, %swap3A_327] {strides = array<i32>} : memref<3x80xi32, #tpu.memory_space<vmem>>, vector<1x16xi32>,
        %swap3A_329 = vector.shape_cast %swap3A_328 : vector<1x16xi32> to vector<16xi32>
        %swap3A_330 = vector.shape_cast %get3A_324 : vector<16xi32> to vector<1x16xi32>
        tpu.vector_store %arg9[%swap3A_326, %swap3A_327], %swap3A_330 {strides = array<i32>} : memref<3x80xi32, #tpu.memory_space<vmem>>, vector<1x16xi32>,
        %get3A_331 = arith.constant 2 : i32
        %get3A_332 = arith.index_cast %get3A_331 : i32 to index
        %get3A_333 = arith.constant 32 : index
        %get3A_334 = tpu.vector_load %arg8[%get3A_332, %get3A_333] {strides = array<i32>} : memref<3x80xi32, #tpu.memory_space<vmem>>, vector<1x16xi32>,
        %get3A_335 = vector.shape_cast %get3A_334 : vector<1x16xi32> to vector<16xi32>
        %swap3A_336 = arith.constant 2 : i32
        %swap3A_337 = arith.index_cast %swap3A_336 : i32 to index
        %swap3A_338 = arith.constant 32 : index
        %swap3A_339 = tpu.vector_load %arg9[%swap3A_337, %swap3A_338] {strides = array<i32>} : memref<3x80xi32, #tpu.memory_space<vmem>>, vector<1x16xi32>,
        %swap3A_340 = vector.shape_cast %swap3A_339 : vector<1x16xi32> to vector<16xi32>
        %swap3A_341 = vector.shape_cast %get3A_335 : vector<16xi32> to vector<1x16xi32>
        tpu.vector_store %arg9[%swap3A_337, %swap3A_338], %swap3A_341 {strides = array<i32>} : memref<3x80xi32, #tpu.memory_space<vmem>>, vector<1x16xi32>,
        %get3A_342 = arith.constant 2 : i32
        %get3A_343 = arith.index_cast %get3A_342 : i32 to index
        %get3A_344 = arith.constant 48 : index
        %get3A_345 = tpu.vector_load %arg8[%get3A_343, %get3A_344] {strides = array<i32>} : memref<3x80xi32, #tpu.memory_space<vmem>>, vector<1x16xi32>,
        %get3A_346 = vector.shape_cast %get3A_345 : vector<1x16xi32> to vector<16xi32>
        %swap3A_347 = arith.constant 2 : i32
        %swap3A_348 = arith.index_cast %swap3A_347 : i32 to index
        %swap3A_349 = arith.constant 48 : index
        %swap3A_350 = tpu.vector_load %arg9[%swap3A_348, %swap3A_349] {strides = array<i32>} : memref<3x80xi32, #tpu.memory_space<vmem>>, vector<1x16xi32>,
        %swap3A_351 = vector.shape_cast %swap3A_350 : vector<1x16xi32> to vector<16xi32>
        %swap3A_352 = vector.shape_cast %get3A_346 : vector<16xi32> to vector<1x16xi32>
        tpu.vector_store %arg9[%swap3A_348, %swap3A_349], %swap3A_352 {strides = array<i32>} : memref<3x80xi32, #tpu.memory_space<vmem>>, vector<1x16xi32>,
        %get3A_353 = arith.constant 2 : i32
        %get3A_354 = arith.index_cast %get3A_353 : i32 to index
        %get3A_355 = arith.constant 64 : index
        %get3A_356 = tpu.vector_load %arg8[%get3A_354, %get3A_355] {strides = array<i32>} : memref<3x80xi32, #tpu.memory_space<vmem>>, vector<1x16xi32>,
        %get3A_357 = vector.shape_cast %get3A_356 : vector<1x16xi32> to vector<16xi32>
        %swap3A_358 = arith.constant 2 : i32
        %swap3A_359 = arith.index_cast %swap3A_358 : i32 to index
        %swap3A_360 = arith.constant 64 : index
        %swap3A_361 = tpu.vector_load %arg9[%swap3A_359, %swap3A_360] {strides = array<i32>} : memref<3x80xi32, #tpu.memory_space<vmem>>, vector<1x16xi32>,
        %swap3A_362 = vector.shape_cast %swap3A_361 : vector<1x16xi32> to vector<16xi32>
        %swap3A_363 = vector.shape_cast %get3A_357 : vector<16xi32> to vector<1x16xi32>
        tpu.vector_store %arg9[%swap3A_359, %swap3A_360], %swap3A_363 {strides = array<i32>} : memref<3x80xi32, #tpu.memory_space<vmem>>, vector<1x16xi32>,
        %dma_start3A_364 = arith.constant 2 : i32
        %dma_start3A_365 = arith.constant 2 : i32
        %dma_start3A_366 = arith.constant 0 : i32
        %dma_start3A_367 = arith.constant 0 : i32
        %dma_start3A_368 = tpu.memref_slice %arg10[%dma_start3A_364, %dma_start3A_366, %dma_start3A_367] : memref<3x80x128xf32, #tpu.memory_space<vmem>> -> memref<1x80x128xf32, #tpu.memory_space<vmem>>
        %dma_start3A_369 = tpu.memref_squeeze %dma_start3A_368 : memref<1x80x128xf32, #tpu.memory_space<vmem>> -> memref<80x128xf32, #tpu.memory_space<vmem>>
        %dma_start3A_370 = arith.constant 0 : i32
        %dma_start3A_371 = tpu.memref_slice %arg9[%dma_start3A_365, %dma_start3A_370] : memref<3x80xi32, #tpu.memory_space<vmem>> -> memref<1x80xi32, #tpu.memory_space<vmem>>
        %dma_start3A_372 = tpu.memref_squeeze %dma_start3A_371 : memref<1x80xi32, #tpu.memory_space<vmem>> -> memref<80xi32, #tpu.memory_space<vmem>>
        %dma_start3A_373 = arith.constant 0 : i32
        %dma_start3A_374 = arith.constant 0 : i32
        %dma_start3A_375 = tpu.memref_slice %arg6[%dma_start3A_373, %dma_start3A_374] : memref<10000x128xf32, #tpu.memory_space<vmem_shared>> -> memref<10000x128xf32, #tpu.memory_space<vmem_shared>>
        tpu.enqueue_indirect_dma source(%dma_start3A_369 : memref<80x128xf32, #tpu.memory_space<vmem>>) target(%dma_start3A_375 : memref<10000x128xf32, #tpu.memory_space<vmem_shared>>) offsets(%dma_start3A_372 : memref<80xi32, #tpu.memory_space<vmem>>) semaphore(%arg13 : memref<!tpu.dma_semaphore, #tpu.memory_space<semaphore_mem>>) {add = true}
        %add3A_376 = arith.constant 3 : i32
        %add3A_377 = arith.addi %add3A_298, %add3A_376 : i32
        %lt3A_378 = arith.constant 125 : i32
        %lt3A_379 = arith.cmpi slt, %add3A_377, %lt3A_378 : i32
        %convert_element_type3A_380 = arith.extui %lt3A_379 : i1 to i32
        %cond3A_381 = arith.constant 0 : i32
        %cond3A_382 = arith.cmpi ne, %convert_element_type3A_380, %cond3A_381 : i32
        scf.if %cond3A_382 {
          %add3A_394 = arith.constant 3 : i32
          %add3A_395 = arith.addi %add3A_298, %add3A_394 : i32
          %mul3A_396 = arith.constant 80 : i32
          %mul3A_397 = arith.muli %add3A_395, %mul3A_396 : i32
          %add3A_398 = arith.addi %mul3A_2, %mul3A_397 : i32
          %dma_start3A_399 = arith.constant 2 : i32
          %dma_start3A_400 = arith.constant 0 : i32
          %dma_start3A_401 = tpu.memref_slice %arg7[%dma_start3A_399, %dma_start3A_400] : memref<3x80xi32, #tpu.memory_space<vmem>> -> memref<1x80xi32, #tpu.memory_space<vmem>>
          %dma_start3A_402 = tpu.memref_squeeze %dma_start3A_401 : memref<1x80xi32, #tpu.memory_space<vmem>> -> memref<80xi32, #tpu.memory_space<vmem>>
          %dma_start3A_403 = tpu.memref_slice %arg3[%add3A_398] : memref<320000xi32, #tpu.memory_space<hbm>> -> memref<80xi32, #tpu.memory_space<hbm>>
          %dma_start3A_404 = arith.constant 0 : i32
          %dma_start3A_405 = tpu.memref_slice %arg7[%dma_start3A_399, %dma_start3A_404] : memref<3x80xi32, #tpu.memory_space<vmem>> -> memref<1x80xi32, #tpu.memory_space<vmem>>
          %dma_start3A_406 = tpu.memref_squeeze %dma_start3A_405 : memref<1x80xi32, #tpu.memory_space<vmem>> -> memref<80xi32, #tpu.memory_space<vmem>>
          %dma_start3A_407 = tpu.memref_slice %arg3[%add3A_398] : memref<320000xi32, #tpu.memory_space<hbm>> -> memref<80xi32, #tpu.memory_space<hbm>>
          tpu.enqueue_dma source(%dma_start3A_407 : memref<80xi32, #tpu.memory_space<hbm>>) target(%dma_start3A_406 : memref<80xi32, #tpu.memory_space<vmem>>) target_semaphore(%arg11 : memref<!tpu.dma_semaphore, #tpu.memory_space<semaphore_mem>>)
          %mul3A_408 = arith.constant 80 : i32
          %mul3A_409 = arith.muli %add3A_395, %mul3A_408 : i32
          %add3A_410 = arith.addi %mul3A_2, %mul3A_409 : i32
          %dma_start3A_411 = arith.constant 2 : i32
          %dma_start3A_412 = arith.constant 0 : i32
          %dma_start3A_413 = tpu.memref_slice %arg8[%dma_start3A_411, %dma_start3A_412] : memref<3x80xi32, #tpu.memory_space<vmem>> -> memref<1x80xi32, #tpu.memory_space<vmem>>
          %dma_start3A_414 = tpu.memref_squeeze %dma_start3A_413 : memref<1x80xi32, #tpu.memory_space<vmem>> -> memref<80xi32, #tpu.memory_space<vmem>>
          %dma_start3A_415 = tpu.memref_slice %arg4[%add3A_410] : memref<320000xi32, #tpu.memory_space<hbm>> -> memref<80xi32, #tpu.memory_space<hbm>>
          %dma_start3A_416 = arith.constant 0 : i32
          %dma_start3A_417 = tpu.memref_slice %arg8[%dma_start3A_411, %dma_start3A_416] : memref<3x80xi32, #tpu.memory_space<vmem>> -> memref<1x80xi32, #tpu.memory_space<vmem>>
          %dma_start3A_418 = tpu.memref_squeeze %dma_start3A_417 : memref<1x80xi32, #tpu.memory_space<vmem>> -> memref<80xi32, #tpu.memory_space<vmem>>
          %dma_start3A_419 = tpu.memref_slice %arg4[%add3A_410] : memref<320000xi32, #tpu.memory_space<hbm>> -> memref<80xi32, #tpu.memory_space<hbm>>
          tpu.enqueue_dma source(%dma_start3A_419 : memref<80xi32, #tpu.memory_space<hbm>>) target(%dma_start3A_418 : memref<80xi32, #tpu.memory_space<vmem>>) target_semaphore(%arg11 : memref<!tpu.dma_semaphore, #tpu.memory_space<semaphore_mem>>)
        } else {
        }
        %ge3A = arith.constant 1 : i32
        %ge3A_383 = arith.cmpi sge, %add3A_298, %ge3A : i32
        %convert_element_type3A_384 = arith.extui %ge3A_383 : i1 to i32
        %cond3A_385 = arith.constant 0 : i32
        %cond3A_386 = arith.cmpi ne, %convert_element_type3A_384, %cond3A_385 : i32
        scf.if %cond3A_386 {
          %sub3A = arith.constant 1 : i32
          %sub3A_394 = arith.subi %add3A_298, %sub3A : i32
          %jit3A = arith.constant 3 : i32
          %eq3A = arith.constant 0 : i32
          %eq3A_395 = arith.cmpi eq, %jit3A, %eq3A : i32
          %jit3A_396 = arith.constant 1 : i32
          %select_n3A = arith.select %eq3A_395, %jit3A_396, %jit3A : i32
          %rem3A = arith.remsi %sub3A_394, %select_n3A : i32
          %ne3A = arith.constant 0 : i32
          %ne3A_397 = arith.cmpi ne, %rem3A, %ne3A : i32
          %lt3A_398 = arith.constant 0 : i32
          %lt3A_399 = arith.cmpi slt, %rem3A, %lt3A_398 : i32
          %lt3A_400 = arith.constant 0 : i32
          %lt3A_401 = arith.cmpi slt, %select_n3A, %lt3A_400 : i32
          %ne3A_402 = arith.xori %lt3A_399, %lt3A_401 : i1
          %and3A = arith.andi %ne3A_402, %ne3A_397 : i1
          %add3A_403 = arith.addi %rem3A, %select_n3A : i32
          %select_n3A_404 = arith.select %and3A, %add3A_403, %rem3A : i32
          %dma_wait3A_405 = arith.constant 0 : i32
          %dma_wait3A_406 = arith.constant 0 : i32
          %dma_wait3A_407 = tpu.memref_slice %arg10[%select_n3A_404, %dma_wait3A_405, %dma_wait3A_406] : memref<3x80x128xf32, #tpu.memory_space<vmem>> -> memref<1x80x128xf32, #tpu.memory_space<vmem>>
          %dma_wait3A_408 = tpu.memref_squeeze %dma_wait3A_407 : memref<1x80x128xf32, #tpu.memory_space<vmem>> -> memref<80x128xf32, #tpu.memory_space<vmem>>
          %dma_wait3A_409 = arith.constant 0 : i32
          %dma_wait3A_410 = tpu.memref_slice %arg9[%select_n3A_404, %dma_wait3A_409] : memref<3x80xi32, #tpu.memory_space<vmem>> -> memref<1x80xi32, #tpu.memory_space<vmem>>
          %dma_wait3A_411 = tpu.memref_squeeze %dma_wait3A_410 : memref<1x80xi32, #tpu.memory_space<vmem>> -> memref<80xi32, #tpu.memory_space<vmem>>
          %dma_wait3A_412 = arith.constant 0 : i32
          %dma_wait3A_413 = arith.constant 0 : i32
          %dma_wait3A_414 = tpu.memref_slice %arg6[%dma_wait3A_412, %dma_wait3A_413] : memref<10000x128xf32, #tpu.memory_space<vmem_shared>> -> memref<10000x128xf32, #tpu.memory_space<vmem_shared>>
          tpu.wait_indirect_dma semaphore(%arg13 : memref<!tpu.dma_semaphore, #tpu.memory_space<semaphore_mem>>) src(%dma_wait3A_408 : memref<80x128xf32, #tpu.memory_space<vmem>>) dst(%dma_wait3A_414 : memref<10000x128xf32, #tpu.memory_space<vmem_shared>>)
        } else {
        }
        %add3A_387 = arith.constant 2 : i32
        %add3A_388 = arith.addi %add3A_298, %add3A_387 : i32
        %lt3A_389 = arith.constant 125 : i32
        %lt3A_390 = arith.cmpi slt, %add3A_388, %lt3A_389 : i32
        %convert_element_type3A_391 = arith.extui %lt3A_390 : i1 to i32
        %cond3A_392 = arith.constant 0 : i32
        %cond3A_393 = arith.cmpi ne, %convert_element_type3A_391, %cond3A_392 : i32
        scf.if %cond3A_393 {
          %add3A_394 = arith.constant 2 : i32
          %add3A_395 = arith.addi %add3A_298, %add3A_394 : i32
          %mul3A_396 = arith.constant 80 : i32
          %mul3A_397 = arith.muli %add3A_395, %mul3A_396 : i32
          %add3A_398 = arith.addi %mul3A_2, %mul3A_397 : i32
          %dma_wait3A_399 = arith.constant 1 : i32
          %dma_wait3A_400 = arith.constant 0 : i32
          %dma_wait3A_401 = tpu.memref_slice %arg7[%dma_wait3A_399, %dma_wait3A_400] : memref<3x80xi32, #tpu.memory_space<vmem>> -> memref<1x80xi32, #tpu.memory_space<vmem>>
          %dma_wait3A_402 = tpu.memref_squeeze %dma_wait3A_401 : memref<1x80xi32, #tpu.memory_space<vmem>> -> memref<80xi32, #tpu.memory_space<vmem>>
          %dma_wait3A_403 = tpu.memref_slice %arg3[%add3A_398] : memref<320000xi32, #tpu.memory_space<hbm>> -> memref<80xi32, #tpu.memory_space<hbm>>
          %dma_wait3A_404 = arith.constant 0 : i32
          %dma_wait3A_405 = tpu.memref_slice %arg7[%dma_wait3A_399, %dma_wait3A_404] : memref<3x80xi32, #tpu.memory_space<vmem>> -> memref<1x80xi32, #tpu.memory_space<vmem>>
          %dma_wait3A_406 = tpu.memref_squeeze %dma_wait3A_405 : memref<1x80xi32, #tpu.memory_space<vmem>> -> memref<80xi32, #tpu.memory_space<vmem>>
          %dma_wait3A_407 = tpu.memref_slice %arg3[%add3A_398] : memref<320000xi32, #tpu.memory_space<hbm>> -> memref<80xi32, #tpu.memory_space<hbm>>
          tpu.wait_dma2 semaphore(%arg11 : memref<!tpu.dma_semaphore, #tpu.memory_space<semaphore_mem>>) src(%dma_wait3A_407 : memref<80xi32, #tpu.memory_space<hbm>>) dst(%dma_wait3A_406 : memref<80xi32, #tpu.memory_space<vmem>>)
          %mul3A_408 = arith.constant 80 : i32
          %mul3A_409 = arith.muli %add3A_395, %mul3A_408 : i32
          %add3A_410 = arith.addi %mul3A_2, %mul3A_409 : i32
          %dma_wait3A_411 = arith.constant 1 : i32
          %dma_wait3A_412 = arith.constant 0 : i32
          %dma_wait3A_413 = tpu.memref_slice %arg8[%dma_wait3A_411, %dma_wait3A_412] : memref<3x80xi32, #tpu.memory_space<vmem>> -> memref<1x80xi32, #tpu.memory_space<vmem>>
          %dma_wait3A_414 = tpu.memref_squeeze %dma_wait3A_413 : memref<1x80xi32, #tpu.memory_space<vmem>> -> memref<80xi32, #tpu.memory_space<vmem>>
          %dma_wait3A_415 = tpu.memref_slice %arg4[%add3A_410] : memref<320000xi32, #tpu.memory_space<hbm>> -> memref<80xi32, #tpu.memory_space<hbm>>
          %dma_wait3A_416 = arith.constant 0 : i32
          %dma_wait3A_417 = tpu.memref_slice %arg8[%dma_wait3A_411, %dma_wait3A_416] : memref<3x80xi32, #tpu.memory_space<vmem>> -> memref<1x80xi32, #tpu.memory_space<vmem>>
          %dma_wait3A_418 = tpu.memref_squeeze %dma_wait3A_417 : memref<1x80xi32, #tpu.memory_space<vmem>> -> memref<80xi32, #tpu.memory_space<vmem>>
          %dma_wait3A_419 = tpu.memref_slice %arg4[%add3A_410] : memref<320000xi32, #tpu.memory_space<hbm>> -> memref<80xi32, #tpu.memory_space<hbm>>
          tpu.wait_dma2 semaphore(%arg11 : memref<!tpu.dma_semaphore, #tpu.memory_space<semaphore_mem>>) src(%dma_wait3A_419 : memref<80xi32, #tpu.memory_space<hbm>>) dst(%dma_wait3A_418 : memref<80xi32, #tpu.memory_space<vmem>>)
          %add3A_420 = arith.constant 2 : i32
          %add3A_421 = arith.addi %add3A_298, %add3A_420 : i32
          %dma_start3A_422 = arith.constant 1 : i32
          %dma_start3A_423 = arith.constant 1 : i32
          %dma_start3A_424 = arith.constant 0 : i32
          %dma_start3A_425 = arith.constant 0 : i32
          %dma_start3A_426 = tpu.memref_slice %arg10[%dma_start3A_423, %dma_start3A_424, %dma_start3A_425] : memref<3x80x128xf32, #tpu.memory_space<vmem>> -> memref<1x80x128xf32, #tpu.memory_space<vmem>>
          %dma_start3A_427 = tpu.memref_squeeze %dma_start3A_426 : memref<1x80x128xf32, #tpu.memory_space<vmem>> -> memref<80x128xf32, #tpu.memory_space<vmem>>
          %dma_start3A_428 = arith.constant 0 : i32
          %dma_start3A_429 = tpu.memref_slice %arg7[%dma_start3A_422, %dma_start3A_428] : memref<3x80xi32, #tpu.memory_space<vmem>> -> memref<1x80xi32, #tpu.memory_space<vmem>>
          %dma_start3A_430 = tpu.memref_squeeze %dma_start3A_429 : memref<1x80xi32, #tpu.memory_space<vmem>> -> memref<80xi32, #tpu.memory_space<vmem>>
          %dma_start3A_431 = arith.constant 0 : i32
          %dma_start3A_432 = arith.constant 0 : i32
          %dma_start3A_433 = tpu.memref_slice %arg2[%dma_start3A_431, %dma_start3A_432] : memref<10000x128xf32, #tpu.memory_space<hbm>> -> memref<10000x128xf32, #tpu.memory_space<hbm>>
          tpu.enqueue_indirect_dma source(%dma_start3A_433 : memref<10000x128xf32, #tpu.memory_space<hbm>>) target(%dma_start3A_427 : memref<80x128xf32, #tpu.memory_space<vmem>>) offsets(%dma_start3A_430 : memref<80xi32, #tpu.memory_space<vmem>>) semaphore(%arg12 : memref<!tpu.dma_semaphore, #tpu.memory_space<semaphore_mem>>)
        } else {
        }
      } else {
      }
      %scan3A_296 = arith.constant 0 : i32
      scf.yield %scan3A_296 : i32
    }
    %scan3A_201 = arith.constant 42 : i32
    %dma_wait3A_202 = arith.constant 1 : i32
    %dma_wait3A_203 = arith.constant 1 : i32
    %dma_wait3A_204 = arith.constant 0 : i32
    %dma_wait3A_205 = arith.constant 0 : i32
    %dma_wait3A_206 = tpu.memref_slice %arg10[%dma_wait3A_202, %dma_wait3A_204, %dma_wait3A_205] : memref<3x80x128xf32, #tpu.memory_space<vmem>> -> memref<1x80x128xf32, #tpu.memory_space<vmem>>
    %dma_wait3A_207 = tpu.memref_squeeze %dma_wait3A_206 : memref<1x80x128xf32, #tpu.memory_space<vmem>> -> memref<80x128xf32, #tpu.memory_space<vmem>>
    %dma_wait3A_208 = arith.constant 0 : i32
    %dma_wait3A_209 = tpu.memref_slice %arg9[%dma_wait3A_203, %dma_wait3A_208] : memref<3x80xi32, #tpu.memory_space<vmem>> -> memref<1x80xi32, #tpu.memory_space<vmem>>
    %dma_wait3A_210 = tpu.memref_squeeze %dma_wait3A_209 : memref<1x80xi32, #tpu.memory_space<vmem>> -> memref<80xi32, #tpu.memory_space<vmem>>
    %dma_wait3A_211 = arith.constant 0 : i32
    %dma_wait3A_212 = arith.constant 0 : i32
    %dma_wait3A_213 = tpu.memref_slice %arg6[%dma_wait3A_211, %dma_wait3A_212] : memref<10000x128xf32, #tpu.memory_space<vmem_shared>> -> memref<10000x128xf32, #tpu.memory_space<vmem_shared>>
    tpu.wait_indirect_dma semaphore(%arg13 : memref<!tpu.dma_semaphore, #tpu.memory_space<semaphore_mem>>) src(%dma_wait3A_207 : memref<80x128xf32, #tpu.memory_space<vmem>>) dst(%dma_wait3A_213 : memref<10000x128xf32, #tpu.memory_space<vmem_shared>>)
    %barrier3A_214 = arith.constant 0 : index
    tpu.barrier barrier_id(%barrier3A_214)
    %add3A_215 = arith.constant 0 : i32
    %add3A_216 = arith.addi %arg1, %add3A_215 : i32
    %lt3A_217 = arith.constant 125 : i32
    %lt3A_218 = arith.cmpi slt, %add3A_216, %lt3A_217 : i32
    %convert_element_type3A_219 = arith.extui %lt3A_218 : i1 to i32
    %cond3A_220 = arith.constant 0 : i32
    %cond3A_221 = arith.cmpi ne, %convert_element_type3A_219, %cond3A_220 : i32
    scf.if %cond3A_221 {
      %mul3A_271 = arith.constant 80 : i32
      %mul3A_272 = arith.muli %add3A_216, %mul3A_271 : i32
      %mul3A_273 = arith.constant 80 : i32
      %mul3A_274 = arith.muli %add3A_216, %mul3A_273 : i32
      "tpu.region"() ({
        %run_scoped3A = tpu.sem_alloc : memref<!tpu.dma_semaphore, #tpu.memory_space<semaphore_mem>>
        %dma_start3A_275 = arith.constant 0 : i32
        %dma_start3A_276 = tpu.memref_slice %arg5[%arg0, %mul3A_274, %dma_start3A_275] : memref<2x10000x128xf32, #tpu.memory_space<hbm>> -> memref<1x80x128xf32, #tpu.memory_space<hbm>>
        %dma_start3A_277 = tpu.memref_squeeze %dma_start3A_276 : memref<1x80x128xf32, #tpu.memory_space<hbm>> -> memref<80x128xf32, #tpu.memory_space<hbm>>
        %dma_start3A_278 = arith.constant 0 : i32
        %dma_start3A_279 = tpu.memref_slice %arg6[%mul3A_272, %dma_start3A_278] : memref<10000x128xf32, #tpu.memory_space<vmem_shared>> -> memref<80x128xf32, #tpu.memory_space<vmem_shared>>
        tpu.enqueue_dma source(%dma_start3A_279 : memref<80x128xf32, #tpu.memory_space<vmem_shared>>) target(%dma_start3A_277 : memref<80x128xf32, #tpu.memory_space<hbm>>) target_semaphore(%run_scoped3A : memref<!tpu.dma_semaphore, #tpu.memory_space<semaphore_mem>>)
        %dma_wait3A_280 = arith.constant 0 : i32
        %dma_wait3A_281 = tpu.memref_slice %arg5[%arg0, %mul3A_274, %dma_wait3A_280] : memref<2x10000x128xf32, #tpu.memory_space<hbm>> -> memref<1x80x128xf32, #tpu.memory_space<hbm>>
        %dma_wait3A_282 = tpu.memref_squeeze %dma_wait3A_281 : memref<1x80x128xf32, #tpu.memory_space<hbm>> -> memref<80x128xf32, #tpu.memory_space<hbm>>
        %dma_wait3A_283 = arith.constant 0 : i32
        %dma_wait3A_284 = tpu.memref_slice %arg6[%mul3A_272, %dma_wait3A_283] : memref<10000x128xf32, #tpu.memory_space<vmem_shared>> -> memref<80x128xf32, #tpu.memory_space<vmem_shared>>
        tpu.wait_dma2 semaphore(%run_scoped3A : memref<!tpu.dma_semaphore, #tpu.memory_space<semaphore_mem>>) src(%dma_wait3A_284 : memref<80x128xf32, #tpu.memory_space<vmem_shared>>) dst(%dma_wait3A_282 : memref<80x128xf32, #tpu.memory_space<hbm>>)
        tpu.yield
      }) : () -> ()
    } else {
    }
    %add3A_222 = arith.constant 16 : i32
    %add3A_223 = arith.addi %arg1, %add3A_222 : i32
    %lt3A_224 = arith.constant 125 : i32
    %lt3A_225 = arith.cmpi slt, %add3A_223, %lt3A_224 : i32
    %convert_element_type3A_226 = arith.extui %lt3A_225 : i1 to i32
    %cond3A_227 = arith.constant 0 : i32
    %cond3A_228 = arith.cmpi ne, %convert_element_type3A_226, %cond3A_227 : i32
    scf.if %cond3A_228 {
      %mul3A_271 = arith.constant 80 : i32
      %mul3A_272 = arith.muli %add3A_223, %mul3A_271 : i32
      %mul3A_273 = arith.constant 80 : i32
      %mul3A_274 = arith.muli %add3A_223, %mul3A_273 : i32
      "tpu.region"() ({
        %run_scoped3A = tpu.sem_alloc : memref<!tpu.dma_semaphore, #tpu.memory_space<semaphore_mem>>
        %dma_start3A_275 = arith.constant 0 : i32
        %dma_start3A_276 = tpu.memref_slice %arg5[%arg0, %mul3A_274, %dma_start3A_275] : memref<2x10000x128xf32, #tpu.memory_space<hbm>> -> memref<1x80x128xf32, #tpu.memory_space<hbm>>
        %dma_start3A_277 = tpu.memref_squeeze %dma_start3A_276 : memref<1x80x128xf32, #tpu.memory_space<hbm>> -> memref<80x128xf32, #tpu.memory_space<hbm>>
        %dma_start3A_278 = arith.constant 0 : i32
        %dma_start3A_279 = tpu.memref_slice %arg6[%mul3A_272, %dma_start3A_278] : memref<10000x128xf32, #tpu.memory_space<vmem_shared>> -> memref<80x128xf32, #tpu.memory_space<vmem_shared>>
        tpu.enqueue_dma source(%dma_start3A_279 : memref<80x128xf32, #tpu.memory_space<vmem_shared>>) target(%dma_start3A_277 : memref<80x128xf32, #tpu.memory_space<hbm>>) target_semaphore(%run_scoped3A : memref<!tpu.dma_semaphore, #tpu.memory_space<semaphore_mem>>)
        %dma_wait3A_280 = arith.constant 0 : i32
        %dma_wait3A_281 = tpu.memref_slice %arg5[%arg0, %mul3A_274, %dma_wait3A_280] : memref<2x10000x128xf32, #tpu.memory_space<hbm>> -> memref<1x80x128xf32, #tpu.memory_space<hbm>>
        %dma_wait3A_282 = tpu.memref_squeeze %dma_wait3A_281 : memref<1x80x128xf32, #tpu.memory_space<hbm>> -> memref<80x128xf32, #tpu.memory_space<hbm>>
        %dma_wait3A_283 = arith.constant 0 : i32
        %dma_wait3A_284 = tpu.memref_slice %arg6[%mul3A_272, %dma_wait3A_283] : memref<10000x128xf32, #tpu.memory_space<vmem_shared>> -> memref<80x128xf32, #tpu.memory_space<vmem_shared>>
        tpu.wait_dma2 semaphore(%run_scoped3A : memref<!tpu.dma_semaphore, #tpu.memory_space<semaphore_mem>>) src(%dma_wait3A_284 : memref<80x128xf32, #tpu.memory_space<vmem_shared>>) dst(%dma_wait3A_282 : memref<80x128xf32, #tpu.memory_space<hbm>>)
        tpu.yield
      }) : () -> ()
    } else {
    }
    %add3A_229 = arith.constant 32 : i32
    %add3A_230 = arith.addi %arg1, %add3A_229 : i32
    %lt3A_231 = arith.constant 125 : i32
    %lt3A_232 = arith.cmpi slt, %add3A_230, %lt3A_231 : i32
    %convert_element_type3A_233 = arith.extui %lt3A_232 : i1 to i32
    %cond3A_234 = arith.constant 0 : i32
    %cond3A_235 = arith.cmpi ne, %convert_element_type3A_233, %cond3A_234 : i32
    scf.if %cond3A_235 {
      %mul3A_271 = arith.constant 80 : i32
      %mul3A_272 = arith.muli %add3A_230, %mul3A_271 : i32
      %mul3A_273 = arith.constant 80 : i32
      %mul3A_274 = arith.muli %add3A_230, %mul3A_273 : i32
      "tpu.region"() ({
        %run_scoped3A = tpu.sem_alloc : memref<!tpu.dma_semaphore, #tpu.memory_space<semaphore_mem>>
        %dma_start3A_275 = arith.constant 0 : i32
        %dma_start3A_276 = tpu.memref_slice %arg5[%arg0, %mul3A_274, %dma_start3A_275] : memref<2x10000x128xf32, #tpu.memory_space<hbm>> -> memref<1x80x128xf32, #tpu.memory_space<hbm>>
        %dma_start3A_277 = tpu.memref_squeeze %dma_start3A_276 : memref<1x80x128xf32, #tpu.memory_space<hbm>> -> memref<80x128xf32, #tpu.memory_space<hbm>>
        %dma_start3A_278 = arith.constant 0 : i32
        %dma_start3A_279 = tpu.memref_slice %arg6[%mul3A_272, %dma_start3A_278] : memref<10000x128xf32, #tpu.memory_space<vmem_shared>> -> memref<80x128xf32, #tpu.memory_space<vmem_shared>>
        tpu.enqueue_dma source(%dma_start3A_279 : memref<80x128xf32, #tpu.memory_space<vmem_shared>>) target(%dma_start3A_277 : memref<80x128xf32, #tpu.memory_space<hbm>>) target_semaphore(%run_scoped3A : memref<!tpu.dma_semaphore, #tpu.memory_space<semaphore_mem>>)
        %dma_wait3A_280 = arith.constant 0 : i32
        %dma_wait3A_281 = tpu.memref_slice %arg5[%arg0, %mul3A_274, %dma_wait3A_280] : memref<2x10000x128xf32, #tpu.memory_space<hbm>> -> memref<1x80x128xf32, #tpu.memory_space<hbm>>
        %dma_wait3A_282 = tpu.memref_squeeze %dma_wait3A_281 : memref<1x80x128xf32, #tpu.memory_space<hbm>> -> memref<80x128xf32, #tpu.memory_space<hbm>>
        %dma_wait3A_283 = arith.constant 0 : i32
        %dma_wait3A_284 = tpu.memref_slice %arg6[%mul3A_272, %dma_wait3A_283] : memref<10000x128xf32, #tpu.memory_space<vmem_shared>> -> memref<80x128xf32, #tpu.memory_space<vmem_shared>>
        tpu.wait_dma2 semaphore(%run_scoped3A : memref<!tpu.dma_semaphore, #tpu.memory_space<semaphore_mem>>) src(%dma_wait3A_284 : memref<80x128xf32, #tpu.memory_space<vmem_shared>>) dst(%dma_wait3A_282 : memref<80x128xf32, #tpu.memory_space<hbm>>)
        tpu.yield
      }) : () -> ()
    } else {
    }
    %add3A_236 = arith.constant 48 : i32
    %add3A_237 = arith.addi %arg1, %add3A_236 : i32
    %lt3A_238 = arith.constant 125 : i32
    %lt3A_239 = arith.cmpi slt, %add3A_237, %lt3A_238 : i32
    %convert_element_type3A_240 = arith.extui %lt3A_239 : i1 to i32
    %cond3A_241 = arith.constant 0 : i32
    %cond3A_242 = arith.cmpi ne, %convert_element_type3A_240, %cond3A_241 : i32
    scf.if %cond3A_242 {
      %mul3A_271 = arith.constant 80 : i32
      %mul3A_272 = arith.muli %add3A_237, %mul3A_271 : i32
      %mul3A_273 = arith.constant 80 : i32
      %mul3A_274 = arith.muli %add3A_237, %mul3A_273 : i32
      "tpu.region"() ({
        %run_scoped3A = tpu.sem_alloc : memref<!tpu.dma_semaphore, #tpu.memory_space<semaphore_mem>>
        %dma_start3A_275 = arith.constant 0 : i32
        %dma_start3A_276 = tpu.memref_slice %arg5[%arg0, %mul3A_274, %dma_start3A_275] : memref<2x10000x128xf32, #tpu.memory_space<hbm>> -> memref<1x80x128xf32, #tpu.memory_space<hbm>>
        %dma_start3A_277 = tpu.memref_squeeze %dma_start3A_276 : memref<1x80x128xf32, #tpu.memory_space<hbm>> -> memref<80x128xf32, #tpu.memory_space<hbm>>
        %dma_start3A_278 = arith.constant 0 : i32
        %dma_start3A_279 = tpu.memref_slice %arg6[%mul3A_272, %dma_start3A_278] : memref<10000x128xf32, #tpu.memory_space<vmem_shared>> -> memref<80x128xf32, #tpu.memory_space<vmem_shared>>
        tpu.enqueue_dma source(%dma_start3A_279 : memref<80x128xf32, #tpu.memory_space<vmem_shared>>) target(%dma_start3A_277 : memref<80x128xf32, #tpu.memory_space<hbm>>) target_semaphore(%run_scoped3A : memref<!tpu.dma_semaphore, #tpu.memory_space<semaphore_mem>>)
        %dma_wait3A_280 = arith.constant 0 : i32
        %dma_wait3A_281 = tpu.memref_slice %arg5[%arg0, %mul3A_274, %dma_wait3A_280] : memref<2x10000x128xf32, #tpu.memory_space<hbm>> -> memref<1x80x128xf32, #tpu.memory_space<hbm>>
        %dma_wait3A_282 = tpu.memref_squeeze %dma_wait3A_281 : memref<1x80x128xf32, #tpu.memory_space<hbm>> -> memref<80x128xf32, #tpu.memory_space<hbm>>
        %dma_wait3A_283 = arith.constant 0 : i32
        %dma_wait3A_284 = tpu.memref_slice %arg6[%mul3A_272, %dma_wait3A_283] : memref<10000x128xf32, #tpu.memory_space<vmem_shared>> -> memref<80x128xf32, #tpu.memory_space<vmem_shared>>
        tpu.wait_dma2 semaphore(%run_scoped3A : memref<!tpu.dma_semaphore, #tpu.memory_space<semaphore_mem>>) src(%dma_wait3A_284 : memref<80x128xf32, #tpu.memory_space<vmem_shared>>) dst(%dma_wait3A_282 : memref<80x128xf32, #tpu.memory_space<hbm>>)
        tpu.yield
      }) : () -> ()
    } else {
    }
    %add3A_243 = arith.constant 64 : i32
    %add3A_244 = arith.addi %arg1, %add3A_243 : i32
    %lt3A_245 = arith.constant 125 : i32
    %lt3A_246 = arith.cmpi slt, %add3A_244, %lt3A_245 : i32
    %convert_element_type3A_247 = arith.extui %lt3A_246 : i1 to i32
    %cond3A_248 = arith.constant 0 : i32
    %cond3A_249 = arith.cmpi ne, %convert_element_type3A_247, %cond3A_248 : i32
    scf.if %cond3A_249 {
      %mul3A_271 = arith.constant 80 : i32
      %mul3A_272 = arith.muli %add3A_244, %mul3A_271 : i32
      %mul3A_273 = arith.constant 80 : i32
      %mul3A_274 = arith.muli %add3A_244, %mul3A_273 : i32
      "tpu.region"() ({
        %run_scoped3A = tpu.sem_alloc : memref<!tpu.dma_semaphore, #tpu.memory_space<semaphore_mem>>
        %dma_start3A_275 = arith.constant 0 : i32
        %dma_start3A_276 = tpu.memref_slice %arg5[%arg0, %mul3A_274, %dma_start3A_275] : memref<2x10000x128xf32, #tpu.memory_space<hbm>> -> memref<1x80x128xf32, #tpu.memory_space<hbm>>
        %dma_start3A_277 = tpu.memref_squeeze %dma_start3A_276 : memref<1x80x128xf32, #tpu.memory_space<hbm>> -> memref<80x128xf32, #tpu.memory_space<hbm>>
        %dma_start3A_278 = arith.constant 0 : i32
        %dma_start3A_279 = tpu.memref_slice %arg6[%mul3A_272, %dma_start3A_278] : memref<10000x128xf32, #tpu.memory_space<vmem_shared>> -> memref<80x128xf32, #tpu.memory_space<vmem_shared>>
        tpu.enqueue_dma source(%dma_start3A_279 : memref<80x128xf32, #tpu.memory_space<vmem_shared>>) target(%dma_start3A_277 : memref<80x128xf32, #tpu.memory_space<hbm>>) target_semaphore(%run_scoped3A : memref<!tpu.dma_semaphore, #tpu.memory_space<semaphore_mem>>)
        %dma_wait3A_280 = arith.constant 0 : i32
        %dma_wait3A_281 = tpu.memref_slice %arg5[%arg0, %mul3A_274, %dma_wait3A_280] : memref<2x10000x128xf32, #tpu.memory_space<hbm>> -> memref<1x80x128xf32, #tpu.memory_space<hbm>>
        %dma_wait3A_282 = tpu.memref_squeeze %dma_wait3A_281 : memref<1x80x128xf32, #tpu.memory_space<hbm>> -> memref<80x128xf32, #tpu.memory_space<hbm>>
        %dma_wait3A_283 = arith.constant 0 : i32
        %dma_wait3A_284 = tpu.memref_slice %arg6[%mul3A_272, %dma_wait3A_283] : memref<10000x128xf32, #tpu.memory_space<vmem_shared>> -> memref<80x128xf32, #tpu.memory_space<vmem_shared>>
        tpu.wait_dma2 semaphore(%run_scoped3A : memref<!tpu.dma_semaphore, #tpu.memory_space<semaphore_mem>>) src(%dma_wait3A_284 : memref<80x128xf32, #tpu.memory_space<vmem_shared>>) dst(%dma_wait3A_282 : memref<80x128xf32, #tpu.memory_space<hbm>>)
        tpu.yield
      }) : () -> ()
    } else {
    }
    %add3A_250 = arith.constant 80 : i32
    %add3A_251 = arith.addi %arg1, %add3A_250 : i32
    %lt3A_252 = arith.constant 125 : i32
    %lt3A_253 = arith.cmpi slt, %add3A_251, %lt3A_252 : i32
    %convert_element_type3A_254 = arith.extui %lt3A_253 : i1 to i32
    %cond3A_255 = arith.constant 0 : i32
    %cond3A_256 = arith.cmpi ne, %convert_element_type3A_254, %cond3A_255 : i32
    scf.if %cond3A_256 {
      %mul3A_271 = arith.constant 80 : i32
      %mul3A_272 = arith.muli %add3A_251, %mul3A_271 : i32
      %mul3A_273 = arith.constant 80 : i32
      %mul3A_274 = arith.muli %add3A_251, %mul3A_273 : i32
      "tpu.region"() ({
        %run_scoped3A = tpu.sem_alloc : memref<!tpu.dma_semaphore, #tpu.memory_space<semaphore_mem>>
        %dma_start3A_275 = arith.constant 0 : i32
        %dma_start3A_276 = tpu.memref_slice %arg5[%arg0, %mul3A_274, %dma_start3A_275] : memref<2x10000x128xf32, #tpu.memory_space<hbm>> -> memref<1x80x128xf32, #tpu.memory_space<hbm>>
        %dma_start3A_277 = tpu.memref_squeeze %dma_start3A_276 : memref<1x80x128xf32, #tpu.memory_space<hbm>> -> memref<80x128xf32, #tpu.memory_space<hbm>>
        %dma_start3A_278 = arith.constant 0 : i32
        %dma_start3A_279 = tpu.memref_slice %arg6[%mul3A_272, %dma_start3A_278] : memref<10000x128xf32, #tpu.memory_space<vmem_shared>> -> memref<80x128xf32, #tpu.memory_space<vmem_shared>>
        tpu.enqueue_dma source(%dma_start3A_279 : memref<80x128xf32, #tpu.memory_space<vmem_shared>>) target(%dma_start3A_277 : memref<80x128xf32, #tpu.memory_space<hbm>>) target_semaphore(%run_scoped3A : memref<!tpu.dma_semaphore, #tpu.memory_space<semaphore_mem>>)
        %dma_wait3A_280 = arith.constant 0 : i32
        %dma_wait3A_281 = tpu.memref_slice %arg5[%arg0, %mul3A_274, %dma_wait3A_280] : memref<2x10000x128xf32, #tpu.memory_space<hbm>> -> memref<1x80x128xf32, #tpu.memory_space<hbm>>
        %dma_wait3A_282 = tpu.memref_squeeze %dma_wait3A_281 : memref<1x80x128xf32, #tpu.memory_space<hbm>> -> memref<80x128xf32, #tpu.memory_space<hbm>>
        %dma_wait3A_283 = arith.constant 0 : i32
        %dma_wait3A_284 = tpu.memref_slice %arg6[%mul3A_272, %dma_wait3A_283] : memref<10000x128xf32, #tpu.memory_space<vmem_shared>> -> memref<80x128xf32, #tpu.memory_space<vmem_shared>>
        tpu.wait_dma2 semaphore(%run_scoped3A : memref<!tpu.dma_semaphore, #tpu.memory_space<semaphore_mem>>) src(%dma_wait3A_284 : memref<80x128xf32, #tpu.memory_space<vmem_shared>>) dst(%dma_wait3A_282 : memref<80x128xf32, #tpu.memory_space<hbm>>)
        tpu.yield
      }) : () -> ()
    } else {
    }
    %add3A_257 = arith.constant 96 : i32
    %add3A_258 = arith.addi %arg1, %add3A_257 : i32
    %lt3A_259 = arith.constant 125 : i32
    %lt3A_260 = arith.cmpi slt, %add3A_258, %lt3A_259 : i32
    %convert_element_type3A_261 = arith.extui %lt3A_260 : i1 to i32
    %cond3A_262 = arith.constant 0 : i32
    %cond3A_263 = arith.cmpi ne, %convert_element_type3A_261, %cond3A_262 : i32
    scf.if %cond3A_263 {
      %mul3A_271 = arith.constant 80 : i32
      %mul3A_272 = arith.muli %add3A_258, %mul3A_271 : i32
      %mul3A_273 = arith.constant 80 : i32
      %mul3A_274 = arith.muli %add3A_258, %mul3A_273 : i32
      "tpu.region"() ({
        %run_scoped3A = tpu.sem_alloc : memref<!tpu.dma_semaphore, #tpu.memory_space<semaphore_mem>>
        %dma_start3A_275 = arith.constant 0 : i32
        %dma_start3A_276 = tpu.memref_slice %arg5[%arg0, %mul3A_274, %dma_start3A_275] : memref<2x10000x128xf32, #tpu.memory_space<hbm>> -> memref<1x80x128xf32, #tpu.memory_space<hbm>>
        %dma_start3A_277 = tpu.memref_squeeze %dma_start3A_276 : memref<1x80x128xf32, #tpu.memory_space<hbm>> -> memref<80x128xf32, #tpu.memory_space<hbm>>
        %dma_start3A_278 = arith.constant 0 : i32
        %dma_start3A_279 = tpu.memref_slice %arg6[%mul3A_272, %dma_start3A_278] : memref<10000x128xf32, #tpu.memory_space<vmem_shared>> -> memref<80x128xf32, #tpu.memory_space<vmem_shared>>
        tpu.enqueue_dma source(%dma_start3A_279 : memref<80x128xf32, #tpu.memory_space<vmem_shared>>) target(%dma_start3A_277 : memref<80x128xf32, #tpu.memory_space<hbm>>) target_semaphore(%run_scoped3A : memref<!tpu.dma_semaphore, #tpu.memory_space<semaphore_mem>>)
        %dma_wait3A_280 = arith.constant 0 : i32
        %dma_wait3A_281 = tpu.memref_slice %arg5[%arg0, %mul3A_274, %dma_wait3A_280] : memref<2x10000x128xf32, #tpu.memory_space<hbm>> -> memref<1x80x128xf32, #tpu.memory_space<hbm>>
        %dma_wait3A_282 = tpu.memref_squeeze %dma_wait3A_281 : memref<1x80x128xf32, #tpu.memory_space<hbm>> -> memref<80x128xf32, #tpu.memory_space<hbm>>
        %dma_wait3A_283 = arith.constant 0 : i32
        %dma_wait3A_284 = tpu.memref_slice %arg6[%mul3A_272, %dma_wait3A_283] : memref<10000x128xf32, #tpu.memory_space<vmem_shared>> -> memref<80x128xf32, #tpu.memory_space<vmem_shared>>
        tpu.wait_dma2 semaphore(%run_scoped3A : memref<!tpu.dma_semaphore, #tpu.memory_space<semaphore_mem>>) src(%dma_wait3A_284 : memref<80x128xf32, #tpu.memory_space<vmem_shared>>) dst(%dma_wait3A_282 : memref<80x128xf32, #tpu.memory_space<hbm>>)
        tpu.yield
      }) : () -> ()
    } else {
    }
    %add3A_264 = arith.constant 112 : i32
    %add3A_265 = arith.addi %arg1, %add3A_264 : i32
    %lt3A_266 = arith.constant 125 : i32
    %lt3A_267 = arith.cmpi slt, %add3A_265, %lt3A_266 : i32
    %convert_element_type3A_268 = arith.extui %lt3A_267 : i1 to i32
    %cond3A_269 = arith.constant 0 : i32
    %cond3A_270 = arith.cmpi ne, %convert_element_type3A_268, %cond3A_269 : i32
    scf.if %cond3A_270 {
      %mul3A_271 = arith.constant 80 : i32
      %mul3A_272 = arith.muli %add3A_265, %mul3A_271 : i32
      %mul3A_273 = arith.constant 80 : i32
      %mul3A_274 = arith.muli %add3A_265, %mul3A_273 : i32
      "tpu.region"() ({
        %run_scoped3A = tpu.sem_alloc : memref<!tpu.dma_semaphore, #tpu.memory_space<semaphore_mem>>
        %dma_start3A_275 = arith.constant 0 : i32
        %dma_start3A_276 = tpu.memref_slice %arg5[%arg0, %mul3A_274, %dma_start3A_275] : memref<2x10000x128xf32, #tpu.memory_space<hbm>> -> memref<1x80x128xf32, #tpu.memory_space<hbm>>
        %dma_start3A_277 = tpu.memref_squeeze %dma_start3A_276 : memref<1x80x128xf32, #tpu.memory_space<hbm>> -> memref<80x128xf32, #tpu.memory_space<hbm>>
        %dma_start3A_278 = arith.constant 0 : i32
        %dma_start3A_279 = tpu.memref_slice %arg6[%mul3A_272, %dma_start3A_278] : memref<10000x128xf32, #tpu.memory_space<vmem_shared>> -> memref<80x128xf32, #tpu.memory_space<vmem_shared>>
        tpu.enqueue_dma source(%dma_start3A_279 : memref<80x128xf32, #tpu.memory_space<vmem_shared>>) target(%dma_start3A_277 : memref<80x128xf32, #tpu.memory_space<hbm>>) target_semaphore(%run_scoped3A : memref<!tpu.dma_semaphore, #tpu.memory_space<semaphore_mem>>)
        %dma_wait3A_280 = arith.constant 0 : i32
        %dma_wait3A_281 = tpu.memref_slice %arg5[%arg0, %mul3A_274, %dma_wait3A_280] : memref<2x10000x128xf32, #tpu.memory_space<hbm>> -> memref<1x80x128xf32, #tpu.memory_space<hbm>>
        %dma_wait3A_282 = tpu.memref_squeeze %dma_wait3A_281 : memref<1x80x128xf32, #tpu.memory_space<hbm>> -> memref<80x128xf32, #tpu.memory_space<hbm>>
        %dma_wait3A_283 = arith.constant 0 : i32
        %dma_wait3A_284 = tpu.memref_slice %arg6[%mul3A_272, %dma_wait3A_283] : memref<10000x128xf32, #tpu.memory_space<vmem_shared>> -> memref<80x128xf32, #tpu.memory_space<vmem_shared>>
        tpu.wait_dma2 semaphore(%run_scoped3A : memref<!tpu.dma_semaphore, #tpu.memory_space<semaphore_mem>>) src(%dma_wait3A_284 : memref<80x128xf32, #tpu.memory_space<vmem_shared>>) dst(%dma_wait3A_282 : memref<80x128xf32, #tpu.memory_space<hbm>>)
        tpu.yield
      }) : () -> ()
    } else {
    }
    return
  }
}

#map = affine_map<(d0, d1) -> (0)>
#map1 = affine_map<(d0, d1) -> (0, 0, 0)>
module attributes {stable_mosaic.version = 14 : i64} {
  func.func @body(%arg0: i32, %arg1: i32, %arg2: memref<320000xi32, #tpu.memory_space<hbm>>, %arg3: memref<2x10000x128xf32, #tpu.memory_space<hbm>>, %arg4: memref<10000x128xf32, #tpu.memory_space<vmem_shared>>, %arg5: memref<2x80xi32, #tpu.memory_space<vmem>>, %arg6: memref<80x128xf32, #tpu.memory_space<vmem>>, %arg7: memref<!tpu.dma_semaphore, #tpu.memory_space<semaphore_mem>>) attributes {dimension_semantics = [#tpu.dimension_semantics<core_parallel>, #tpu.dimension_semantics<subcore_parallel>], iteration_bounds = array<i64: 2, 16>, scalar_prefetch = 0 : i64, scratch_operands = 4 : i64, tpu.core_type = #tpu.core_type<sc_vector_subcore>, window_params = [{transform_indices = #map}, {transform_indices = #map1}]} {
    %mul3A = arith.constant 16 : i32
    %mul3A_0 = arith.muli %arg0, %mul3A : i32
    %add3A = arith.addi %mul3A_0, %arg1 : i32
    %mul3A_1 = arith.constant 10000 : i32
    %mul3A_2 = arith.muli %add3A, %mul3A_1 : i32
    %broadcast_in_dim3A = arith.constant 0.000000e+00 : f32
    %broadcast_in_dim3A_3 = vector.broadcast %broadcast_in_dim3A : f32 to vector<16xf32>
    %broadcast_in_dim3A_4 = arith.constant 1.000000e+00 : f32
    %broadcast_in_dim3A_5 = vector.broadcast %broadcast_in_dim3A_4 : f32 to vector<16xf32>
    %scan3A = arith.constant 0 : i32
    %scan3A_6 = arith.constant 0 : i32
    %scan3A_7 = arith.constant 640 : i32
    %scan3A_8 = arith.addi %scan3A_6, %scan3A_7 : i32
    %scan3A_9 = arith.constant 1 : i32
    %scan3A_10 = scf.for %scan3A_146 = %scan3A_6 to %scan3A_8 step %scan3A_9 iter_args(%scan3A_147 = %scan3A) -> (i32)  : i32 {
      %jit3A = arith.constant 8 : i32
      %div3A = arith.divsi %scan3A_146, %jit3A : i32
      %sign3A = arith.constant 0 : i32
      %sign3A_148 = arith.cmpi sgt, %scan3A_146, %sign3A : i32
      %sign3A_149 = arith.extui %sign3A_148 : i1 to i32
      %sign3A_150 = arith.constant 0 : i32
      %sign3A_151 = arith.cmpi slt, %scan3A_146, %sign3A_150 : i32
      %sign3A_152 = arith.extui %sign3A_151 : i1 to i32
      %sign3A_153 = arith.subi %sign3A_149, %sign3A_152 : i32
      %sign3A_154 = arith.constant 0 : i32
      %sign3A_155 = arith.cmpi sgt, %jit3A, %sign3A_154 : i32
      %sign3A_156 = arith.extui %sign3A_155 : i1 to i32
      %sign3A_157 = arith.constant 0 : i32
      %sign3A_158 = arith.cmpi slt, %jit3A, %sign3A_157 : i32
      %sign3A_159 = arith.extui %sign3A_158 : i1 to i32
      %sign3A_160 = arith.subi %sign3A_156, %sign3A_159 : i32
      %ne3A = arith.cmpi ne, %sign3A_153, %sign3A_160 : i32
      %rem3A = arith.remsi %scan3A_146, %jit3A : i32
      %ne3A_161 = arith.constant 0 : i32
      %ne3A_162 = arith.cmpi ne, %rem3A, %ne3A_161 : i32
      %and3A = arith.andi %ne3A, %ne3A_162 : i1
      %sub3A = arith.constant 1 : i32
      %sub3A_163 = arith.subi %div3A, %sub3A : i32
      %select_n3A = arith.select %and3A, %sub3A_163, %div3A : i32
      %jit3A_164 = arith.constant 8 : i32
      %eq3A = arith.constant 0 : i32
      %eq3A_165 = arith.cmpi eq, %jit3A_164, %eq3A : i32
      %jit3A_166 = arith.constant 1 : i32
      %select_n3A_167 = arith.select %eq3A_165, %jit3A_166, %jit3A_164 : i32
      %rem3A_168 = arith.remsi %scan3A_146, %select_n3A_167 : i32
      %ne3A_169 = arith.constant 0 : i32
      %ne3A_170 = arith.cmpi ne, %rem3A_168, %ne3A_169 : i32
      %lt3A_171 = arith.constant 0 : i32
      %lt3A_172 = arith.cmpi slt, %rem3A_168, %lt3A_171 : i32
      %lt3A_173 = arith.constant 0 : i32
      %lt3A_174 = arith.cmpi slt, %select_n3A_167, %lt3A_173 : i32
      %ne3A_175 = arith.xori %lt3A_172, %lt3A_174 : i1
      %and3A_176 = arith.andi %ne3A_175, %ne3A_170 : i1
      %add3A_177 = arith.addi %rem3A_168, %select_n3A_167 : i32
      %select_n3A_178 = arith.select %and3A_176, %add3A_177, %rem3A_168 : i32
      %mul3A_179 = arith.constant 16 : i32
      %mul3A_180 = arith.muli %select_n3A_178, %mul3A_179 : i32
      %swap3A = arith.index_cast %select_n3A : i32 to index
      %swap3A_181 = arith.index_cast %mul3A_180 : i32 to index
      %swap3A_182 = tpu.vector_load %arg6[%swap3A, %swap3A_181] {strides = array<i32>} : memref<80x128xf32, #tpu.memory_space<vmem>>, vector<1x16xf32>,
      %swap3A_183 = vector.shape_cast %swap3A_182 : vector<1x16xf32> to vector<16xf32>
      %swap3A_184 = vector.shape_cast %broadcast_in_dim3A_3 : vector<16xf32> to vector<1x16xf32>
      tpu.vector_store %arg6[%swap3A, %swap3A_181], %swap3A_184 {strides = array<i32>} : memref<80x128xf32, #tpu.memory_space<vmem>>, vector<1x16xf32>,
      %scan3A_185 = arith.constant 0 : i32
      scf.yield %scan3A_185 : i32
    }
    %scan3A_11 = arith.constant 640 : i32
    %add3A_12 = arith.constant 0 : i32
    %add3A_13 = arith.addi %arg1, %add3A_12 : i32
    %lt3A = arith.constant 125 : i32
    %lt3A_14 = arith.cmpi slt, %add3A_13, %lt3A : i32
    %convert_element_type3A = arith.extui %lt3A_14 : i1 to i32
    %cond3A = arith.constant 0 : i32
    %cond3A_15 = arith.cmpi ne, %convert_element_type3A, %cond3A : i32
    scf.if %cond3A_15 {
      %mul3A_146 = arith.constant 80 : i32
      %mul3A_147 = arith.muli %add3A_13, %mul3A_146 : i32
      "tpu.region"() ({
        %run_scoped3A = tpu.sem_alloc : memref<!tpu.dma_semaphore, #tpu.memory_space<semaphore_mem>>
        %dma_start3A_148 = arith.constant 0 : i32
        %dma_start3A_149 = tpu.memref_slice %arg4[%mul3A_147, %dma_start3A_148] : memref<10000x128xf32, #tpu.memory_space<vmem_shared>> -> memref<80x128xf32, #tpu.memory_space<vmem_shared>>
        %dma_start3A_150 = arith.constant 0 : i32
        %dma_start3A_151 = tpu.memref_slice %arg4[%mul3A_147, %dma_start3A_150] : memref<10000x128xf32, #tpu.memory_space<vmem_shared>> -> memref<80x128xf32, #tpu.memory_space<vmem_shared>>
        tpu.enqueue_dma source(%arg6 : memref<80x128xf32, #tpu.memory_space<vmem>>) target(%dma_start3A_151 : memref<80x128xf32, #tpu.memory_space<vmem_shared>>) target_semaphore(%run_scoped3A : memref<!tpu.dma_semaphore, #tpu.memory_space<semaphore_mem>>)
        %dma_wait3A = arith.constant 0 : i32
        %dma_wait3A_152 = tpu.memref_slice %arg4[%mul3A_147, %dma_wait3A] : memref<10000x128xf32, #tpu.memory_space<vmem_shared>> -> memref<80x128xf32, #tpu.memory_space<vmem_shared>>
        %dma_wait3A_153 = arith.constant 0 : i32
        %dma_wait3A_154 = tpu.memref_slice %arg4[%mul3A_147, %dma_wait3A_153] : memref<10000x128xf32, #tpu.memory_space<vmem_shared>> -> memref<80x128xf32, #tpu.memory_space<vmem_shared>>
        tpu.wait_dma2 semaphore(%run_scoped3A : memref<!tpu.dma_semaphore, #tpu.memory_space<semaphore_mem>>) src(%arg6 : memref<80x128xf32, #tpu.memory_space<vmem>>) dst(%dma_wait3A_154 : memref<80x128xf32, #tpu.memory_space<vmem_shared>>)
        tpu.yield
      }) : () -> ()
    } else {
    }
    %add3A_16 = arith.constant 16 : i32
    %add3A_17 = arith.addi %arg1, %add3A_16 : i32
    %lt3A_18 = arith.constant 125 : i32
    %lt3A_19 = arith.cmpi slt, %add3A_17, %lt3A_18 : i32
    %convert_element_type3A_20 = arith.extui %lt3A_19 : i1 to i32
    %cond3A_21 = arith.constant 0 : i32
    %cond3A_22 = arith.cmpi ne, %convert_element_type3A_20, %cond3A_21 : i32
    scf.if %cond3A_22 {
      %mul3A_146 = arith.constant 80 : i32
      %mul3A_147 = arith.muli %add3A_17, %mul3A_146 : i32
      "tpu.region"() ({
        %run_scoped3A = tpu.sem_alloc : memref<!tpu.dma_semaphore, #tpu.memory_space<semaphore_mem>>
        %dma_start3A_148 = arith.constant 0 : i32
        %dma_start3A_149 = tpu.memref_slice %arg4[%mul3A_147, %dma_start3A_148] : memref<10000x128xf32, #tpu.memory_space<vmem_shared>> -> memref<80x128xf32, #tpu.memory_space<vmem_shared>>
        %dma_start3A_150 = arith.constant 0 : i32
        %dma_start3A_151 = tpu.memref_slice %arg4[%mul3A_147, %dma_start3A_150] : memref<10000x128xf32, #tpu.memory_space<vmem_shared>> -> memref<80x128xf32, #tpu.memory_space<vmem_shared>>
        tpu.enqueue_dma source(%arg6 : memref<80x128xf32, #tpu.memory_space<vmem>>) target(%dma_start3A_151 : memref<80x128xf32, #tpu.memory_space<vmem_shared>>) target_semaphore(%run_scoped3A : memref<!tpu.dma_semaphore, #tpu.memory_space<semaphore_mem>>)
        %dma_wait3A = arith.constant 0 : i32
        %dma_wait3A_152 = tpu.memref_slice %arg4[%mul3A_147, %dma_wait3A] : memref<10000x128xf32, #tpu.memory_space<vmem_shared>> -> memref<80x128xf32, #tpu.memory_space<vmem_shared>>
        %dma_wait3A_153 = arith.constant 0 : i32
        %dma_wait3A_154 = tpu.memref_slice %arg4[%mul3A_147, %dma_wait3A_153] : memref<10000x128xf32, #tpu.memory_space<vmem_shared>> -> memref<80x128xf32, #tpu.memory_space<vmem_shared>>
        tpu.wait_dma2 semaphore(%run_scoped3A : memref<!tpu.dma_semaphore, #tpu.memory_space<semaphore_mem>>) src(%arg6 : memref<80x128xf32, #tpu.memory_space<vmem>>) dst(%dma_wait3A_154 : memref<80x128xf32, #tpu.memory_space<vmem_shared>>)
        tpu.yield
      }) : () -> ()
    } else {
    }
    %add3A_23 = arith.constant 32 : i32
    %add3A_24 = arith.addi %arg1, %add3A_23 : i32
    %lt3A_25 = arith.constant 125 : i32
    %lt3A_26 = arith.cmpi slt, %add3A_24, %lt3A_25 : i32
    %convert_element_type3A_27 = arith.extui %lt3A_26 : i1 to i32
    %cond3A_28 = arith.constant 0 : i32
    %cond3A_29 = arith.cmpi ne, %convert_element_type3A_27, %cond3A_28 : i32
    scf.if %cond3A_29 {
      %mul3A_146 = arith.constant 80 : i32
      %mul3A_147 = arith.muli %add3A_24, %mul3A_146 : i32
      "tpu.region"() ({
        %run_scoped3A = tpu.sem_alloc : memref<!tpu.dma_semaphore, #tpu.memory_space<semaphore_mem>>
        %dma_start3A_148 = arith.constant 0 : i32
        %dma_start3A_149 = tpu.memref_slice %arg4[%mul3A_147, %dma_start3A_148] : memref<10000x128xf32, #tpu.memory_space<vmem_shared>> -> memref<80x128xf32, #tpu.memory_space<vmem_shared>>
        %dma_start3A_150 = arith.constant 0 : i32
        %dma_start3A_151 = tpu.memref_slice %arg4[%mul3A_147, %dma_start3A_150] : memref<10000x128xf32, #tpu.memory_space<vmem_shared>> -> memref<80x128xf32, #tpu.memory_space<vmem_shared>>
        tpu.enqueue_dma source(%arg6 : memref<80x128xf32, #tpu.memory_space<vmem>>) target(%dma_start3A_151 : memref<80x128xf32, #tpu.memory_space<vmem_shared>>) target_semaphore(%run_scoped3A : memref<!tpu.dma_semaphore, #tpu.memory_space<semaphore_mem>>)
        %dma_wait3A = arith.constant 0 : i32
        %dma_wait3A_152 = tpu.memref_slice %arg4[%mul3A_147, %dma_wait3A] : memref<10000x128xf32, #tpu.memory_space<vmem_shared>> -> memref<80x128xf32, #tpu.memory_space<vmem_shared>>
        %dma_wait3A_153 = arith.constant 0 : i32
        %dma_wait3A_154 = tpu.memref_slice %arg4[%mul3A_147, %dma_wait3A_153] : memref<10000x128xf32, #tpu.memory_space<vmem_shared>> -> memref<80x128xf32, #tpu.memory_space<vmem_shared>>
        tpu.wait_dma2 semaphore(%run_scoped3A : memref<!tpu.dma_semaphore, #tpu.memory_space<semaphore_mem>>) src(%arg6 : memref<80x128xf32, #tpu.memory_space<vmem>>) dst(%dma_wait3A_154 : memref<80x128xf32, #tpu.memory_space<vmem_shared>>)
        tpu.yield
      }) : () -> ()
    } else {
    }
    %add3A_30 = arith.constant 48 : i32
    %add3A_31 = arith.addi %arg1, %add3A_30 : i32
    %lt3A_32 = arith.constant 125 : i32
    %lt3A_33 = arith.cmpi slt, %add3A_31, %lt3A_32 : i32
    %convert_element_type3A_34 = arith.extui %lt3A_33 : i1 to i32
    %cond3A_35 = arith.constant 0 : i32
    %cond3A_36 = arith.cmpi ne, %convert_element_type3A_34, %cond3A_35 : i32
    scf.if %cond3A_36 {
      %mul3A_146 = arith.constant 80 : i32
      %mul3A_147 = arith.muli %add3A_31, %mul3A_146 : i32
      "tpu.region"() ({
        %run_scoped3A = tpu.sem_alloc : memref<!tpu.dma_semaphore, #tpu.memory_space<semaphore_mem>>
        %dma_start3A_148 = arith.constant 0 : i32
        %dma_start3A_149 = tpu.memref_slice %arg4[%mul3A_147, %dma_start3A_148] : memref<10000x128xf32, #tpu.memory_space<vmem_shared>> -> memref<80x128xf32, #tpu.memory_space<vmem_shared>>
        %dma_start3A_150 = arith.constant 0 : i32
        %dma_start3A_151 = tpu.memref_slice %arg4[%mul3A_147, %dma_start3A_150] : memref<10000x128xf32, #tpu.memory_space<vmem_shared>> -> memref<80x128xf32, #tpu.memory_space<vmem_shared>>
        tpu.enqueue_dma source(%arg6 : memref<80x128xf32, #tpu.memory_space<vmem>>) target(%dma_start3A_151 : memref<80x128xf32, #tpu.memory_space<vmem_shared>>) target_semaphore(%run_scoped3A : memref<!tpu.dma_semaphore, #tpu.memory_space<semaphore_mem>>)
        %dma_wait3A = arith.constant 0 : i32
        %dma_wait3A_152 = tpu.memref_slice %arg4[%mul3A_147, %dma_wait3A] : memref<10000x128xf32, #tpu.memory_space<vmem_shared>> -> memref<80x128xf32, #tpu.memory_space<vmem_shared>>
        %dma_wait3A_153 = arith.constant 0 : i32
        %dma_wait3A_154 = tpu.memref_slice %arg4[%mul3A_147, %dma_wait3A_153] : memref<10000x128xf32, #tpu.memory_space<vmem_shared>> -> memref<80x128xf32, #tpu.memory_space<vmem_shared>>
        tpu.wait_dma2 semaphore(%run_scoped3A : memref<!tpu.dma_semaphore, #tpu.memory_space<semaphore_mem>>) src(%arg6 : memref<80x128xf32, #tpu.memory_space<vmem>>) dst(%dma_wait3A_154 : memref<80x128xf32, #tpu.memory_space<vmem_shared>>)
        tpu.yield
      }) : () -> ()
    } else {
    }
    %add3A_37 = arith.constant 64 : i32
    %add3A_38 = arith.addi %arg1, %add3A_37 : i32
    %lt3A_39 = arith.constant 125 : i32
    %lt3A_40 = arith.cmpi slt, %add3A_38, %lt3A_39 : i32
    %convert_element_type3A_41 = arith.extui %lt3A_40 : i1 to i32
    %cond3A_42 = arith.constant 0 : i32
    %cond3A_43 = arith.cmpi ne, %convert_element_type3A_41, %cond3A_42 : i32
    scf.if %cond3A_43 {
      %mul3A_146 = arith.constant 80 : i32
      %mul3A_147 = arith.muli %add3A_38, %mul3A_146 : i32
      "tpu.region"() ({
        %run_scoped3A = tpu.sem_alloc : memref<!tpu.dma_semaphore, #tpu.memory_space<semaphore_mem>>
        %dma_start3A_148 = arith.constant 0 : i32
        %dma_start3A_149 = tpu.memref_slice %arg4[%mul3A_147, %dma_start3A_148] : memref<10000x128xf32, #tpu.memory_space<vmem_shared>> -> memref<80x128xf32, #tpu.memory_space<vmem_shared>>
        %dma_start3A_150 = arith.constant 0 : i32
        %dma_start3A_151 = tpu.memref_slice %arg4[%mul3A_147, %dma_start3A_150] : memref<10000x128xf32, #tpu.memory_space<vmem_shared>> -> memref<80x128xf32, #tpu.memory_space<vmem_shared>>
        tpu.enqueue_dma source(%arg6 : memref<80x128xf32, #tpu.memory_space<vmem>>) target(%dma_start3A_151 : memref<80x128xf32, #tpu.memory_space<vmem_shared>>) target_semaphore(%run_scoped3A : memref<!tpu.dma_semaphore, #tpu.memory_space<semaphore_mem>>)
        %dma_wait3A = arith.constant 0 : i32
        %dma_wait3A_152 = tpu.memref_slice %arg4[%mul3A_147, %dma_wait3A] : memref<10000x128xf32, #tpu.memory_space<vmem_shared>> -> memref<80x128xf32, #tpu.memory_space<vmem_shared>>
        %dma_wait3A_153 = arith.constant 0 : i32
        %dma_wait3A_154 = tpu.memref_slice %arg4[%mul3A_147, %dma_wait3A_153] : memref<10000x128xf32, #tpu.memory_space<vmem_shared>> -> memref<80x128xf32, #tpu.memory_space<vmem_shared>>
        tpu.wait_dma2 semaphore(%run_scoped3A : memref<!tpu.dma_semaphore, #tpu.memory_space<semaphore_mem>>) src(%arg6 : memref<80x128xf32, #tpu.memory_space<vmem>>) dst(%dma_wait3A_154 : memref<80x128xf32, #tpu.memory_space<vmem_shared>>)
        tpu.yield
      }) : () -> ()
    } else {
    }
    %add3A_44 = arith.constant 80 : i32
    %add3A_45 = arith.addi %arg1, %add3A_44 : i32
    %lt3A_46 = arith.constant 125 : i32
    %lt3A_47 = arith.cmpi slt, %add3A_45, %lt3A_46 : i32
    %convert_element_type3A_48 = arith.extui %lt3A_47 : i1 to i32
    %cond3A_49 = arith.constant 0 : i32
    %cond3A_50 = arith.cmpi ne, %convert_element_type3A_48, %cond3A_49 : i32
    scf.if %cond3A_50 {
      %mul3A_146 = arith.constant 80 : i32
      %mul3A_147 = arith.muli %add3A_45, %mul3A_146 : i32
      "tpu.region"() ({
        %run_scoped3A = tpu.sem_alloc : memref<!tpu.dma_semaphore, #tpu.memory_space<semaphore_mem>>
        %dma_start3A_148 = arith.constant 0 : i32
        %dma_start3A_149 = tpu.memref_slice %arg4[%mul3A_147, %dma_start3A_148] : memref<10000x128xf32, #tpu.memory_space<vmem_shared>> -> memref<80x128xf32, #tpu.memory_space<vmem_shared>>
        %dma_start3A_150 = arith.constant 0 : i32
        %dma_start3A_151 = tpu.memref_slice %arg4[%mul3A_147, %dma_start3A_150] : memref<10000x128xf32, #tpu.memory_space<vmem_shared>> -> memref<80x128xf32, #tpu.memory_space<vmem_shared>>
        tpu.enqueue_dma source(%arg6 : memref<80x128xf32, #tpu.memory_space<vmem>>) target(%dma_start3A_151 : memref<80x128xf32, #tpu.memory_space<vmem_shared>>) target_semaphore(%run_scoped3A : memref<!tpu.dma_semaphore, #tpu.memory_space<semaphore_mem>>)
        %dma_wait3A = arith.constant 0 : i32
        %dma_wait3A_152 = tpu.memref_slice %arg4[%mul3A_147, %dma_wait3A] : memref<10000x128xf32, #tpu.memory_space<vmem_shared>> -> memref<80x128xf32, #tpu.memory_space<vmem_shared>>
        %dma_wait3A_153 = arith.constant 0 : i32
        %dma_wait3A_154 = tpu.memref_slice %arg4[%mul3A_147, %dma_wait3A_153] : memref<10000x128xf32, #tpu.memory_space<vmem_shared>> -> memref<80x128xf32, #tpu.memory_space<vmem_shared>>
        tpu.wait_dma2 semaphore(%run_scoped3A : memref<!tpu.dma_semaphore, #tpu.memory_space<semaphore_mem>>) src(%arg6 : memref<80x128xf32, #tpu.memory_space<vmem>>) dst(%dma_wait3A_154 : memref<80x128xf32, #tpu.memory_space<vmem_shared>>)
        tpu.yield
      }) : () -> ()
    } else {
    }
    %add3A_51 = arith.constant 96 : i32
    %add3A_52 = arith.addi %arg1, %add3A_51 : i32
    %lt3A_53 = arith.constant 125 : i32
    %lt3A_54 = arith.cmpi slt, %add3A_52, %lt3A_53 : i32
    %convert_element_type3A_55 = arith.extui %lt3A_54 : i1 to i32
    %cond3A_56 = arith.constant 0 : i32
    %cond3A_57 = arith.cmpi ne, %convert_element_type3A_55, %cond3A_56 : i32
    scf.if %cond3A_57 {
      %mul3A_146 = arith.constant 80 : i32
      %mul3A_147 = arith.muli %add3A_52, %mul3A_146 : i32
      "tpu.region"() ({
        %run_scoped3A = tpu.sem_alloc : memref<!tpu.dma_semaphore, #tpu.memory_space<semaphore_mem>>
        %dma_start3A_148 = arith.constant 0 : i32
        %dma_start3A_149 = tpu.memref_slice %arg4[%mul3A_147, %dma_start3A_148] : memref<10000x128xf32, #tpu.memory_space<vmem_shared>> -> memref<80x128xf32, #tpu.memory_space<vmem_shared>>
        %dma_start3A_150 = arith.constant 0 : i32
        %dma_start3A_151 = tpu.memref_slice %arg4[%mul3A_147, %dma_start3A_150] : memref<10000x128xf32, #tpu.memory_space<vmem_shared>> -> memref<80x128xf32, #tpu.memory_space<vmem_shared>>
        tpu.enqueue_dma source(%arg6 : memref<80x128xf32, #tpu.memory_space<vmem>>) target(%dma_start3A_151 : memref<80x128xf32, #tpu.memory_space<vmem_shared>>) target_semaphore(%run_scoped3A : memref<!tpu.dma_semaphore, #tpu.memory_space<semaphore_mem>>)
        %dma_wait3A = arith.constant 0 : i32
        %dma_wait3A_152 = tpu.memref_slice %arg4[%mul3A_147, %dma_wait3A] : memref<10000x128xf32, #tpu.memory_space<vmem_shared>> -> memref<80x128xf32, #tpu.memory_space<vmem_shared>>
        %dma_wait3A_153 = arith.constant 0 : i32
        %dma_wait3A_154 = tpu.memref_slice %arg4[%mul3A_147, %dma_wait3A_153] : memref<10000x128xf32, #tpu.memory_space<vmem_shared>> -> memref<80x128xf32, #tpu.memory_space<vmem_shared>>
        tpu.wait_dma2 semaphore(%run_scoped3A : memref<!tpu.dma_semaphore, #tpu.memory_space<semaphore_mem>>) src(%arg6 : memref<80x128xf32, #tpu.memory_space<vmem>>) dst(%dma_wait3A_154 : memref<80x128xf32, #tpu.memory_space<vmem_shared>>)
        tpu.yield
      }) : () -> ()
    } else {
    }
    %add3A_58 = arith.constant 112 : i32
    %add3A_59 = arith.addi %arg1, %add3A_58 : i32
    %lt3A_60 = arith.constant 125 : i32
    %lt3A_61 = arith.cmpi slt, %add3A_59, %lt3A_60 : i32
    %convert_element_type3A_62 = arith.extui %lt3A_61 : i1 to i32
    %cond3A_63 = arith.constant 0 : i32
    %cond3A_64 = arith.cmpi ne, %convert_element_type3A_62, %cond3A_63 : i32
    scf.if %cond3A_64 {
      %mul3A_146 = arith.constant 80 : i32
      %mul3A_147 = arith.muli %add3A_59, %mul3A_146 : i32
      "tpu.region"() ({
        %run_scoped3A = tpu.sem_alloc : memref<!tpu.dma_semaphore, #tpu.memory_space<semaphore_mem>>
        %dma_start3A_148 = arith.constant 0 : i32
        %dma_start3A_149 = tpu.memref_slice %arg4[%mul3A_147, %dma_start3A_148] : memref<10000x128xf32, #tpu.memory_space<vmem_shared>> -> memref<80x128xf32, #tpu.memory_space<vmem_shared>>
        %dma_start3A_150 = arith.constant 0 : i32
        %dma_start3A_151 = tpu.memref_slice %arg4[%mul3A_147, %dma_start3A_150] : memref<10000x128xf32, #tpu.memory_space<vmem_shared>> -> memref<80x128xf32, #tpu.memory_space<vmem_shared>>
        tpu.enqueue_dma source(%arg6 : memref<80x128xf32, #tpu.memory_space<vmem>>) target(%dma_start3A_151 : memref<80x128xf32, #tpu.memory_space<vmem_shared>>) target_semaphore(%run_scoped3A : memref<!tpu.dma_semaphore, #tpu.memory_space<semaphore_mem>>)
        %dma_wait3A = arith.constant 0 : i32
        %dma_wait3A_152 = tpu.memref_slice %arg4[%mul3A_147, %dma_wait3A] : memref<10000x128xf32, #tpu.memory_space<vmem_shared>> -> memref<80x128xf32, #tpu.memory_space<vmem_shared>>
        %dma_wait3A_153 = arith.constant 0 : i32
        %dma_wait3A_154 = tpu.memref_slice %arg4[%mul3A_147, %dma_wait3A_153] : memref<10000x128xf32, #tpu.memory_space<vmem_shared>> -> memref<80x128xf32, #tpu.memory_space<vmem_shared>>
        tpu.wait_dma2 semaphore(%run_scoped3A : memref<!tpu.dma_semaphore, #tpu.memory_space<semaphore_mem>>) src(%arg6 : memref<80x128xf32, #tpu.memory_space<vmem>>) dst(%dma_wait3A_154 : memref<80x128xf32, #tpu.memory_space<vmem_shared>>)
        tpu.yield
      }) : () -> ()
    } else {
    }
    %scan3A_65 = arith.constant 0 : i32
    %scan3A_66 = arith.constant 0 : i32
    %scan3A_67 = arith.constant 640 : i32
    %scan3A_68 = arith.addi %scan3A_66, %scan3A_67 : i32
    %scan3A_69 = arith.constant 1 : i32
    %scan3A_70 = scf.for %scan3A_146 = %scan3A_66 to %scan3A_68 step %scan3A_69 iter_args(%scan3A_147 = %scan3A_65) -> (i32)  : i32 {
      %jit3A = arith.constant 8 : i32
      %div3A = arith.divsi %scan3A_146, %jit3A : i32
      %sign3A = arith.constant 0 : i32
      %sign3A_148 = arith.cmpi sgt, %scan3A_146, %sign3A : i32
      %sign3A_149 = arith.extui %sign3A_148 : i1 to i32
      %sign3A_150 = arith.constant 0 : i32
      %sign3A_151 = arith.cmpi slt, %scan3A_146, %sign3A_150 : i32
      %sign3A_152 = arith.extui %sign3A_151 : i1 to i32
      %sign3A_153 = arith.subi %sign3A_149, %sign3A_152 : i32
      %sign3A_154 = arith.constant 0 : i32
      %sign3A_155 = arith.cmpi sgt, %jit3A, %sign3A_154 : i32
      %sign3A_156 = arith.extui %sign3A_155 : i1 to i32
      %sign3A_157 = arith.constant 0 : i32
      %sign3A_158 = arith.cmpi slt, %jit3A, %sign3A_157 : i32
      %sign3A_159 = arith.extui %sign3A_158 : i1 to i32
      %sign3A_160 = arith.subi %sign3A_156, %sign3A_159 : i32
      %ne3A = arith.cmpi ne, %sign3A_153, %sign3A_160 : i32
      %rem3A = arith.remsi %scan3A_146, %jit3A : i32
      %ne3A_161 = arith.constant 0 : i32
      %ne3A_162 = arith.cmpi ne, %rem3A, %ne3A_161 : i32
      %and3A = arith.andi %ne3A, %ne3A_162 : i1
      %sub3A = arith.constant 1 : i32
      %sub3A_163 = arith.subi %div3A, %sub3A : i32
      %select_n3A = arith.select %and3A, %sub3A_163, %div3A : i32
      %jit3A_164 = arith.constant 8 : i32
      %eq3A = arith.constant 0 : i32
      %eq3A_165 = arith.cmpi eq, %jit3A_164, %eq3A : i32
      %jit3A_166 = arith.constant 1 : i32
      %select_n3A_167 = arith.select %eq3A_165, %jit3A_166, %jit3A_164 : i32
      %rem3A_168 = arith.remsi %scan3A_146, %select_n3A_167 : i32
      %ne3A_169 = arith.constant 0 : i32
      %ne3A_170 = arith.cmpi ne, %rem3A_168, %ne3A_169 : i32
      %lt3A_171 = arith.constant 0 : i32
      %lt3A_172 = arith.cmpi slt, %rem3A_168, %lt3A_171 : i32
      %lt3A_173 = arith.constant 0 : i32
      %lt3A_174 = arith.cmpi slt, %select_n3A_167, %lt3A_173 : i32
      %ne3A_175 = arith.xori %lt3A_172, %lt3A_174 : i1
      %and3A_176 = arith.andi %ne3A_175, %ne3A_170 : i1
      %add3A_177 = arith.addi %rem3A_168, %select_n3A_167 : i32
      %select_n3A_178 = arith.select %and3A_176, %add3A_177, %rem3A_168 : i32
      %mul3A_179 = arith.constant 16 : i32
      %mul3A_180 = arith.muli %select_n3A_178, %mul3A_179 : i32
      %swap3A = arith.index_cast %select_n3A : i32 to index
      %swap3A_181 = arith.index_cast %mul3A_180 : i32 to index
      %swap3A_182 = tpu.vector_load %arg6[%swap3A, %swap3A_181] {strides = array<i32>} : memref<80x128xf32, #tpu.memory_space<vmem>>, vector<1x16xf32>,
      %swap3A_183 = vector.shape_cast %swap3A_182 : vector<1x16xf32> to vector<16xf32>
      %swap3A_184 = vector.shape_cast %broadcast_in_dim3A_5 : vector<16xf32> to vector<1x16xf32>
      tpu.vector_store %arg6[%swap3A, %swap3A_181], %swap3A_184 {strides = array<i32>} : memref<80x128xf32, #tpu.memory_space<vmem>>, vector<1x16xf32>,
      %scan3A_185 = arith.constant 0 : i32
      scf.yield %scan3A_185 : i32
    }
    %scan3A_71 = arith.constant 640 : i32
    %barrier3A = arith.constant 0 : index
    tpu.barrier barrier_id(%barrier3A)
    %add3A_72 = arith.constant 0 : i32
    %add3A_73 = arith.addi %mul3A_2, %add3A_72 : i32
    %dma_start3A = arith.constant 0 : i32
    %dma_start3A_74 = arith.constant 0 : i32
    %dma_start3A_75 = tpu.memref_slice %arg5[%dma_start3A, %dma_start3A_74] : memref<2x80xi32, #tpu.memory_space<vmem>> -> memref<1x80xi32, #tpu.memory_space<vmem>>
    %dma_start3A_76 = tpu.memref_squeeze %dma_start3A_75 : memref<1x80xi32, #tpu.memory_space<vmem>> -> memref<80xi32, #tpu.memory_space<vmem>>
    %dma_start3A_77 = tpu.memref_slice %arg2[%add3A_73] : memref<320000xi32, #tpu.memory_space<hbm>> -> memref<80xi32, #tpu.memory_space<hbm>>
    %dma_start3A_78 = arith.constant 0 : i32
    %dma_start3A_79 = tpu.memref_slice %arg5[%dma_start3A, %dma_start3A_78] : memref<2x80xi32, #tpu.memory_space<vmem>> -> memref<1x80xi32, #tpu.memory_space<vmem>>
    %dma_start3A_80 = tpu.memref_squeeze %dma_start3A_79 : memref<1x80xi32, #tpu.memory_space<vmem>> -> memref<80xi32, #tpu.memory_space<vmem>>
    %dma_start3A_81 = tpu.memref_slice %arg2[%add3A_73] : memref<320000xi32, #tpu.memory_space<hbm>> -> memref<80xi32, #tpu.memory_space<hbm>>
    tpu.enqueue_dma source(%dma_start3A_81 : memref<80xi32, #tpu.memory_space<hbm>>) target(%dma_start3A_80 : memref<80xi32, #tpu.memory_space<vmem>>) target_semaphore(%arg7 : memref<!tpu.dma_semaphore, #tpu.memory_space<semaphore_mem>>)
    %scan3A_82 = arith.constant 0 : i32
    %scan3A_83 = arith.constant 0 : i32
    %scan3A_84 = arith.constant 63 : i32
    %scan3A_85 = arith.addi %scan3A_83, %scan3A_84 : i32
    %scan3A_86 = arith.constant 1 : i32
    %scan3A_87 = scf.for %scan3A_146 = %scan3A_83 to %scan3A_85 step %scan3A_86 iter_args(%scan3A_147 = %scan3A_82) -> (i32)  : i32 {
      %mul3A_148 = arith.constant 2 : i32
      %mul3A_149 = arith.muli %scan3A_146, %mul3A_148 : i32
      %lt3A_150 = arith.constant 125 : i32
      %lt3A_151 = arith.cmpi slt, %mul3A_149, %lt3A_150 : i32
      %convert_element_type3A_152 = arith.extui %lt3A_151 : i1 to i32
      %cond3A_153 = arith.constant 0 : i32
      %cond3A_154 = arith.cmpi ne, %convert_element_type3A_152, %cond3A_153 : i32
      scf.if %cond3A_154 {
        %mul3A_163 = arith.constant 80 : i32
        %mul3A_164 = arith.muli %mul3A_149, %mul3A_163 : i32
        %add3A_165 = arith.addi %mul3A_2, %mul3A_164 : i32
        %dma_wait3A = arith.constant 0 : i32
        %dma_wait3A_166 = arith.constant 0 : i32
        %dma_wait3A_167 = tpu.memref_slice %arg5[%dma_wait3A, %dma_wait3A_166] : memref<2x80xi32, #tpu.memory_space<vmem>> -> memref<1x80xi32, #tpu.memory_space<vmem>>
        %dma_wait3A_168 = tpu.memref_squeeze %dma_wait3A_167 : memref<1x80xi32, #tpu.memory_space<vmem>> -> memref<80xi32, #tpu.memory_space<vmem>>
        %dma_wait3A_169 = tpu.memref_slice %arg2[%add3A_165] : memref<320000xi32, #tpu.memory_space<hbm>> -> memref<80xi32, #tpu.memory_space<hbm>>
        %dma_wait3A_170 = arith.constant 0 : i32
        %dma_wait3A_171 = tpu.memref_slice %arg5[%dma_wait3A, %dma_wait3A_170] : memref<2x80xi32, #tpu.memory_space<vmem>> -> memref<1x80xi32, #tpu.memory_space<vmem>>
        %dma_wait3A_172 = tpu.memref_squeeze %dma_wait3A_171 : memref<1x80xi32, #tpu.memory_space<vmem>> -> memref<80xi32, #tpu.memory_space<vmem>>
        %dma_wait3A_173 = tpu.memref_slice %arg2[%add3A_165] : memref<320000xi32, #tpu.memory_space<hbm>> -> memref<80xi32, #tpu.memory_space<hbm>>
        tpu.wait_dma2 semaphore(%arg7 : memref<!tpu.dma_semaphore, #tpu.memory_space<semaphore_mem>>) src(%dma_wait3A_173 : memref<80xi32, #tpu.memory_space<hbm>>) dst(%dma_wait3A_172 : memref<80xi32, #tpu.memory_space<vmem>>)
        %add3A_174 = arith.constant 1 : i32
        %add3A_175 = arith.addi %mul3A_149, %add3A_174 : i32
        %lt3A_176 = arith.constant 125 : i32
        %lt3A_177 = arith.cmpi slt, %add3A_175, %lt3A_176 : i32
        %convert_element_type3A_178 = arith.extui %lt3A_177 : i1 to i32
        %cond3A_179 = arith.constant 0 : i32
        %cond3A_180 = arith.cmpi ne, %convert_element_type3A_178, %cond3A_179 : i32
        scf.if %cond3A_180 {
          %add3A_181 = arith.constant 1 : i32
          %add3A_182 = arith.addi %mul3A_149, %add3A_181 : i32
          %mul3A_183 = arith.constant 80 : i32
          %mul3A_184 = arith.muli %add3A_182, %mul3A_183 : i32
          %add3A_185 = arith.addi %mul3A_2, %mul3A_184 : i32
          %dma_start3A_186 = arith.constant 1 : i32
          %dma_start3A_187 = arith.constant 0 : i32
          %dma_start3A_188 = tpu.memref_slice %arg5[%dma_start3A_186, %dma_start3A_187] : memref<2x80xi32, #tpu.memory_space<vmem>> -> memref<1x80xi32, #tpu.memory_space<vmem>>
          %dma_start3A_189 = tpu.memref_squeeze %dma_start3A_188 : memref<1x80xi32, #tpu.memory_space<vmem>> -> memref<80xi32, #tpu.memory_space<vmem>>
          %dma_start3A_190 = tpu.memref_slice %arg2[%add3A_185] : memref<320000xi32, #tpu.memory_space<hbm>> -> memref<80xi32, #tpu.memory_space<hbm>>
          %dma_start3A_191 = arith.constant 0 : i32
          %dma_start3A_192 = tpu.memref_slice %arg5[%dma_start3A_186, %dma_start3A_191] : memref<2x80xi32, #tpu.memory_space<vmem>> -> memref<1x80xi32, #tpu.memory_space<vmem>>
          %dma_start3A_193 = tpu.memref_squeeze %dma_start3A_192 : memref<1x80xi32, #tpu.memory_space<vmem>> -> memref<80xi32, #tpu.memory_space<vmem>>
          %dma_start3A_194 = tpu.memref_slice %arg2[%add3A_185] : memref<320000xi32, #tpu.memory_space<hbm>> -> memref<80xi32, #tpu.memory_space<hbm>>
          tpu.enqueue_dma source(%dma_start3A_194 : memref<80xi32, #tpu.memory_space<hbm>>) target(%dma_start3A_193 : memref<80xi32, #tpu.memory_space<vmem>>) target_semaphore(%arg7 : memref<!tpu.dma_semaphore, #tpu.memory_space<semaphore_mem>>)
        } else {
        }
        %run_scoped3A = arith.constant 0 : i32
        "tpu.region"() ({
          %run_scoped3A_181 = tpu.sem_alloc : memref<!tpu.dma_semaphore, #tpu.memory_space<semaphore_mem>>
          %dma_start3A_182 = arith.constant 0 : i32
          %dma_start3A_183 = tpu.memref_slice %arg5[%run_scoped3A, %dma_start3A_182] : memref<2x80xi32, #tpu.memory_space<vmem>> -> memref<1x80xi32, #tpu.memory_space<vmem>>
          %dma_start3A_184 = tpu.memref_squeeze %dma_start3A_183 : memref<1x80xi32, #tpu.memory_space<vmem>> -> memref<80xi32, #tpu.memory_space<vmem>>
          %dma_start3A_185 = arith.constant 0 : i32
          %dma_start3A_186 = arith.constant 0 : i32
          %dma_start3A_187 = tpu.memref_slice %arg4[%dma_start3A_185, %dma_start3A_186] : memref<10000x128xf32, #tpu.memory_space<vmem_shared>> -> memref<10000x128xf32, #tpu.memory_space<vmem_shared>>
          tpu.enqueue_indirect_dma source(%arg6 : memref<80x128xf32, #tpu.memory_space<vmem>>) target(%dma_start3A_187 : memref<10000x128xf32, #tpu.memory_space<vmem_shared>>) offsets(%dma_start3A_184 : memref<80xi32, #tpu.memory_space<vmem>>) semaphore(%run_scoped3A_181 : memref<!tpu.dma_semaphore, #tpu.memory_space<semaphore_mem>>) {add = true}
          %dma_wait3A_188 = arith.constant 0 : i32
          %dma_wait3A_189 = tpu.memref_slice %arg5[%run_scoped3A, %dma_wait3A_188] : memref<2x80xi32, #tpu.memory_space<vmem>> -> memref<1x80xi32, #tpu.memory_space<vmem>>
          %dma_wait3A_190 = tpu.memref_squeeze %dma_wait3A_189 : memref<1x80xi32, #tpu.memory_space<vmem>> -> memref<80xi32, #tpu.memory_space<vmem>>
          %dma_wait3A_191 = arith.constant 0 : i32
          %dma_wait3A_192 = arith.constant 0 : i32
          %dma_wait3A_193 = tpu.memref_slice %arg4[%dma_wait3A_191, %dma_wait3A_192] : memref<10000x128xf32, #tpu.memory_space<vmem_shared>> -> memref<10000x128xf32, #tpu.memory_space<vmem_shared>>
          tpu.wait_indirect_dma semaphore(%run_scoped3A_181 : memref<!tpu.dma_semaphore, #tpu.memory_space<semaphore_mem>>) src(%arg6 : memref<80x128xf32, #tpu.memory_space<vmem>>) dst(%dma_wait3A_193 : memref<10000x128xf32, #tpu.memory_space<vmem_shared>>)
          tpu.yield
        }) : () -> ()
      } else {
      }
      %add3A_155 = arith.constant 1 : i32
      %add3A_156 = arith.addi %mul3A_149, %add3A_155 : i32
      %lt3A_157 = arith.constant 125 : i32
      %lt3A_158 = arith.cmpi slt, %add3A_156, %lt3A_157 : i32
      %convert_element_type3A_159 = arith.extui %lt3A_158 : i1 to i32
      %cond3A_160 = arith.constant 0 : i32
      %cond3A_161 = arith.cmpi ne, %convert_element_type3A_159, %cond3A_160 : i32
      scf.if %cond3A_161 {
        %add3A_163 = arith.constant 1 : i32
        %add3A_164 = arith.addi %mul3A_149, %add3A_163 : i32
        %mul3A_165 = arith.constant 80 : i32
        %mul3A_166 = arith.muli %add3A_164, %mul3A_165 : i32
        %add3A_167 = arith.addi %mul3A_2, %mul3A_166 : i32
        %dma_wait3A = arith.constant 1 : i32
        %dma_wait3A_168 = arith.constant 0 : i32
        %dma_wait3A_169 = tpu.memref_slice %arg5[%dma_wait3A, %dma_wait3A_168] : memref<2x80xi32, #tpu.memory_space<vmem>> -> memref<1x80xi32, #tpu.memory_space<vmem>>
        %dma_wait3A_170 = tpu.memref_squeeze %dma_wait3A_169 : memref<1x80xi32, #tpu.memory_space<vmem>> -> memref<80xi32, #tpu.memory_space<vmem>>
        %dma_wait3A_171 = tpu.memref_slice %arg2[%add3A_167] : memref<320000xi32, #tpu.memory_space<hbm>> -> memref<80xi32, #tpu.memory_space<hbm>>
        %dma_wait3A_172 = arith.constant 0 : i32
        %dma_wait3A_173 = tpu.memref_slice %arg5[%dma_wait3A, %dma_wait3A_172] : memref<2x80xi32, #tpu.memory_space<vmem>> -> memref<1x80xi32, #tpu.memory_space<vmem>>
        %dma_wait3A_174 = tpu.memref_squeeze %dma_wait3A_173 : memref<1x80xi32, #tpu.memory_space<vmem>> -> memref<80xi32, #tpu.memory_space<vmem>>
        %dma_wait3A_175 = tpu.memref_slice %arg2[%add3A_167] : memref<320000xi32, #tpu.memory_space<hbm>> -> memref<80xi32, #tpu.memory_space<hbm>>
        tpu.wait_dma2 semaphore(%arg7 : memref<!tpu.dma_semaphore, #tpu.memory_space<semaphore_mem>>) src(%dma_wait3A_175 : memref<80xi32, #tpu.memory_space<hbm>>) dst(%dma_wait3A_174 : memref<80xi32, #tpu.memory_space<vmem>>)
        %add3A_176 = arith.constant 1 : i32
        %add3A_177 = arith.addi %add3A_164, %add3A_176 : i32
        %lt3A_178 = arith.constant 125 : i32
        %lt3A_179 = arith.cmpi slt, %add3A_177, %lt3A_178 : i32
        %convert_element_type3A_180 = arith.extui %lt3A_179 : i1 to i32
        %cond3A_181 = arith.constant 0 : i32
        %cond3A_182 = arith.cmpi ne, %convert_element_type3A_180, %cond3A_181 : i32
        scf.if %cond3A_182 {
          %add3A_183 = arith.constant 1 : i32
          %add3A_184 = arith.addi %add3A_164, %add3A_183 : i32
          %mul3A_185 = arith.constant 80 : i32
          %mul3A_186 = arith.muli %add3A_184, %mul3A_185 : i32
          %add3A_187 = arith.addi %mul3A_2, %mul3A_186 : i32
          %dma_start3A_188 = arith.constant 0 : i32
          %dma_start3A_189 = arith.constant 0 : i32
          %dma_start3A_190 = tpu.memref_slice %arg5[%dma_start3A_188, %dma_start3A_189] : memref<2x80xi32, #tpu.memory_space<vmem>> -> memref<1x80xi32, #tpu.memory_space<vmem>>
          %dma_start3A_191 = tpu.memref_squeeze %dma_start3A_190 : memref<1x80xi32, #tpu.memory_space<vmem>> -> memref<80xi32, #tpu.memory_space<vmem>>
          %dma_start3A_192 = tpu.memref_slice %arg2[%add3A_187] : memref<320000xi32, #tpu.memory_space<hbm>> -> memref<80xi32, #tpu.memory_space<hbm>>
          %dma_start3A_193 = arith.constant 0 : i32
          %dma_start3A_194 = tpu.memref_slice %arg5[%dma_start3A_188, %dma_start3A_193] : memref<2x80xi32, #tpu.memory_space<vmem>> -> memref<1x80xi32, #tpu.memory_space<vmem>>
          %dma_start3A_195 = tpu.memref_squeeze %dma_start3A_194 : memref<1x80xi32, #tpu.memory_space<vmem>> -> memref<80xi32, #tpu.memory_space<vmem>>
          %dma_start3A_196 = tpu.memref_slice %arg2[%add3A_187] : memref<320000xi32, #tpu.memory_space<hbm>> -> memref<80xi32, #tpu.memory_space<hbm>>
          tpu.enqueue_dma source(%dma_start3A_196 : memref<80xi32, #tpu.memory_space<hbm>>) target(%dma_start3A_195 : memref<80xi32, #tpu.memory_space<vmem>>) target_semaphore(%arg7 : memref<!tpu.dma_semaphore, #tpu.memory_space<semaphore_mem>>)
        } else {
        }
        %run_scoped3A = arith.constant 1 : i32
        "tpu.region"() ({
          %run_scoped3A_183 = tpu.sem_alloc : memref<!tpu.dma_semaphore, #tpu.memory_space<semaphore_mem>>
          %dma_start3A_184 = arith.constant 0 : i32
          %dma_start3A_185 = tpu.memref_slice %arg5[%run_scoped3A, %dma_start3A_184] : memref<2x80xi32, #tpu.memory_space<vmem>> -> memref<1x80xi32, #tpu.memory_space<vmem>>
          %dma_start3A_186 = tpu.memref_squeeze %dma_start3A_185 : memref<1x80xi32, #tpu.memory_space<vmem>> -> memref<80xi32, #tpu.memory_space<vmem>>
          %dma_start3A_187 = arith.constant 0 : i32
          %dma_start3A_188 = arith.constant 0 : i32
          %dma_start3A_189 = tpu.memref_slice %arg4[%dma_start3A_187, %dma_start3A_188] : memref<10000x128xf32, #tpu.memory_space<vmem_shared>> -> memref<10000x128xf32, #tpu.memory_space<vmem_shared>>
          tpu.enqueue_indirect_dma source(%arg6 : memref<80x128xf32, #tpu.memory_space<vmem>>) target(%dma_start3A_189 : memref<10000x128xf32, #tpu.memory_space<vmem_shared>>) offsets(%dma_start3A_186 : memref<80xi32, #tpu.memory_space<vmem>>) semaphore(%run_scoped3A_183 : memref<!tpu.dma_semaphore, #tpu.memory_space<semaphore_mem>>) {add = true}
          %dma_wait3A_190 = arith.constant 0 : i32
          %dma_wait3A_191 = tpu.memref_slice %arg5[%run_scoped3A, %dma_wait3A_190] : memref<2x80xi32, #tpu.memory_space<vmem>> -> memref<1x80xi32, #tpu.memory_space<vmem>>
          %dma_wait3A_192 = tpu.memref_squeeze %dma_wait3A_191 : memref<1x80xi32, #tpu.memory_space<vmem>> -> memref<80xi32, #tpu.memory_space<vmem>>
          %dma_wait3A_193 = arith.constant 0 : i32
          %dma_wait3A_194 = arith.constant 0 : i32
          %dma_wait3A_195 = tpu.memref_slice %arg4[%dma_wait3A_193, %dma_wait3A_194] : memref<10000x128xf32, #tpu.memory_space<vmem_shared>> -> memref<10000x128xf32, #tpu.memory_space<vmem_shared>>
          tpu.wait_indirect_dma semaphore(%run_scoped3A_183 : memref<!tpu.dma_semaphore, #tpu.memory_space<semaphore_mem>>) src(%arg6 : memref<80x128xf32, #tpu.memory_space<vmem>>) dst(%dma_wait3A_195 : memref<10000x128xf32, #tpu.memory_space<vmem_shared>>)
          tpu.yield
        }) : () -> ()
      } else {
      }
      %scan3A_162 = arith.constant 0 : i32
      scf.yield %scan3A_162 : i32
    }
    %scan3A_88 = arith.constant 63 : i32
    %barrier3A_89 = arith.constant 0 : index
    tpu.barrier barrier_id(%barrier3A_89)
    %add3A_90 = arith.constant 0 : i32
    %add3A_91 = arith.addi %arg1, %add3A_90 : i32
    %lt3A_92 = arith.constant 125 : i32
    %lt3A_93 = arith.cmpi slt, %add3A_91, %lt3A_92 : i32
    %convert_element_type3A_94 = arith.extui %lt3A_93 : i1 to i32
    %cond3A_95 = arith.constant 0 : i32
    %cond3A_96 = arith.cmpi ne, %convert_element_type3A_94, %cond3A_95 : i32
    scf.if %cond3A_96 {
      %mul3A_146 = arith.constant 80 : i32
      %mul3A_147 = arith.muli %add3A_91, %mul3A_146 : i32
      %mul3A_148 = arith.constant 80 : i32
      %mul3A_149 = arith.muli %add3A_91, %mul3A_148 : i32
      "tpu.region"() ({
        %run_scoped3A = tpu.sem_alloc : memref<!tpu.dma_semaphore, #tpu.memory_space<semaphore_mem>>
        %dma_start3A_150 = arith.constant 0 : i32
        %dma_start3A_151 = tpu.memref_slice %arg3[%arg0, %mul3A_149, %dma_start3A_150] : memref<2x10000x128xf32, #tpu.memory_space<hbm>> -> memref<1x80x128xf32, #tpu.memory_space<hbm>>
        %dma_start3A_152 = tpu.memref_squeeze %dma_start3A_151 : memref<1x80x128xf32, #tpu.memory_space<hbm>> -> memref<80x128xf32, #tpu.memory_space<hbm>>
        %dma_start3A_153 = arith.constant 0 : i32
        %dma_start3A_154 = tpu.memref_slice %arg4[%mul3A_147, %dma_start3A_153] : memref<10000x128xf32, #tpu.memory_space<vmem_shared>> -> memref<80x128xf32, #tpu.memory_space<vmem_shared>>
        tpu.enqueue_dma source(%dma_start3A_154 : memref<80x128xf32, #tpu.memory_space<vmem_shared>>) target(%dma_start3A_152 : memref<80x128xf32, #tpu.memory_space<hbm>>) target_semaphore(%run_scoped3A : memref<!tpu.dma_semaphore, #tpu.memory_space<semaphore_mem>>)
        %dma_wait3A = arith.constant 0 : i32
        %dma_wait3A_155 = tpu.memref_slice %arg3[%arg0, %mul3A_149, %dma_wait3A] : memref<2x10000x128xf32, #tpu.memory_space<hbm>> -> memref<1x80x128xf32, #tpu.memory_space<hbm>>
        %dma_wait3A_156 = tpu.memref_squeeze %dma_wait3A_155 : memref<1x80x128xf32, #tpu.memory_space<hbm>> -> memref<80x128xf32, #tpu.memory_space<hbm>>
        %dma_wait3A_157 = arith.constant 0 : i32
        %dma_wait3A_158 = tpu.memref_slice %arg4[%mul3A_147, %dma_wait3A_157] : memref<10000x128xf32, #tpu.memory_space<vmem_shared>> -> memref<80x128xf32, #tpu.memory_space<vmem_shared>>
        tpu.wait_dma2 semaphore(%run_scoped3A : memref<!tpu.dma_semaphore, #tpu.memory_space<semaphore_mem>>) src(%dma_wait3A_158 : memref<80x128xf32, #tpu.memory_space<vmem_shared>>) dst(%dma_wait3A_156 : memref<80x128xf32, #tpu.memory_space<hbm>>)
        tpu.yield
      }) : () -> ()
    } else {
    }
    %add3A_97 = arith.constant 16 : i32
    %add3A_98 = arith.addi %arg1, %add3A_97 : i32
    %lt3A_99 = arith.constant 125 : i32
    %lt3A_100 = arith.cmpi slt, %add3A_98, %lt3A_99 : i32
    %convert_element_type3A_101 = arith.extui %lt3A_100 : i1 to i32
    %cond3A_102 = arith.constant 0 : i32
    %cond3A_103 = arith.cmpi ne, %convert_element_type3A_101, %cond3A_102 : i32
    scf.if %cond3A_103 {
      %mul3A_146 = arith.constant 80 : i32
      %mul3A_147 = arith.muli %add3A_98, %mul3A_146 : i32
      %mul3A_148 = arith.constant 80 : i32
      %mul3A_149 = arith.muli %add3A_98, %mul3A_148 : i32
      "tpu.region"() ({
        %run_scoped3A = tpu.sem_alloc : memref<!tpu.dma_semaphore, #tpu.memory_space<semaphore_mem>>
        %dma_start3A_150 = arith.constant 0 : i32
        %dma_start3A_151 = tpu.memref_slice %arg3[%arg0, %mul3A_149, %dma_start3A_150] : memref<2x10000x128xf32, #tpu.memory_space<hbm>> -> memref<1x80x128xf32, #tpu.memory_space<hbm>>
        %dma_start3A_152 = tpu.memref_squeeze %dma_start3A_151 : memref<1x80x128xf32, #tpu.memory_space<hbm>> -> memref<80x128xf32, #tpu.memory_space<hbm>>
        %dma_start3A_153 = arith.constant 0 : i32
        %dma_start3A_154 = tpu.memref_slice %arg4[%mul3A_147, %dma_start3A_153] : memref<10000x128xf32, #tpu.memory_space<vmem_shared>> -> memref<80x128xf32, #tpu.memory_space<vmem_shared>>
        tpu.enqueue_dma source(%dma_start3A_154 : memref<80x128xf32, #tpu.memory_space<vmem_shared>>) target(%dma_start3A_152 : memref<80x128xf32, #tpu.memory_space<hbm>>) target_semaphore(%run_scoped3A : memref<!tpu.dma_semaphore, #tpu.memory_space<semaphore_mem>>)
        %dma_wait3A = arith.constant 0 : i32
        %dma_wait3A_155 = tpu.memref_slice %arg3[%arg0, %mul3A_149, %dma_wait3A] : memref<2x10000x128xf32, #tpu.memory_space<hbm>> -> memref<1x80x128xf32, #tpu.memory_space<hbm>>
        %dma_wait3A_156 = tpu.memref_squeeze %dma_wait3A_155 : memref<1x80x128xf32, #tpu.memory_space<hbm>> -> memref<80x128xf32, #tpu.memory_space<hbm>>
        %dma_wait3A_157 = arith.constant 0 : i32
        %dma_wait3A_158 = tpu.memref_slice %arg4[%mul3A_147, %dma_wait3A_157] : memref<10000x128xf32, #tpu.memory_space<vmem_shared>> -> memref<80x128xf32, #tpu.memory_space<vmem_shared>>
        tpu.wait_dma2 semaphore(%run_scoped3A : memref<!tpu.dma_semaphore, #tpu.memory_space<semaphore_mem>>) src(%dma_wait3A_158 : memref<80x128xf32, #tpu.memory_space<vmem_shared>>) dst(%dma_wait3A_156 : memref<80x128xf32, #tpu.memory_space<hbm>>)
        tpu.yield
      }) : () -> ()
    } else {
    }
    %add3A_104 = arith.constant 32 : i32
    %add3A_105 = arith.addi %arg1, %add3A_104 : i32
    %lt3A_106 = arith.constant 125 : i32
    %lt3A_107 = arith.cmpi slt, %add3A_105, %lt3A_106 : i32
    %convert_element_type3A_108 = arith.extui %lt3A_107 : i1 to i32
    %cond3A_109 = arith.constant 0 : i32
    %cond3A_110 = arith.cmpi ne, %convert_element_type3A_108, %cond3A_109 : i32
    scf.if %cond3A_110 {
      %mul3A_146 = arith.constant 80 : i32
      %mul3A_147 = arith.muli %add3A_105, %mul3A_146 : i32
      %mul3A_148 = arith.constant 80 : i32
      %mul3A_149 = arith.muli %add3A_105, %mul3A_148 : i32
      "tpu.region"() ({
        %run_scoped3A = tpu.sem_alloc : memref<!tpu.dma_semaphore, #tpu.memory_space<semaphore_mem>>
        %dma_start3A_150 = arith.constant 0 : i32
        %dma_start3A_151 = tpu.memref_slice %arg3[%arg0, %mul3A_149, %dma_start3A_150] : memref<2x10000x128xf32, #tpu.memory_space<hbm>> -> memref<1x80x128xf32, #tpu.memory_space<hbm>>
        %dma_start3A_152 = tpu.memref_squeeze %dma_start3A_151 : memref<1x80x128xf32, #tpu.memory_space<hbm>> -> memref<80x128xf32, #tpu.memory_space<hbm>>
        %dma_start3A_153 = arith.constant 0 : i32
        %dma_start3A_154 = tpu.memref_slice %arg4[%mul3A_147, %dma_start3A_153] : memref<10000x128xf32, #tpu.memory_space<vmem_shared>> -> memref<80x128xf32, #tpu.memory_space<vmem_shared>>
        tpu.enqueue_dma source(%dma_start3A_154 : memref<80x128xf32, #tpu.memory_space<vmem_shared>>) target(%dma_start3A_152 : memref<80x128xf32, #tpu.memory_space<hbm>>) target_semaphore(%run_scoped3A : memref<!tpu.dma_semaphore, #tpu.memory_space<semaphore_mem>>)
        %dma_wait3A = arith.constant 0 : i32
        %dma_wait3A_155 = tpu.memref_slice %arg3[%arg0, %mul3A_149, %dma_wait3A] : memref<2x10000x128xf32, #tpu.memory_space<hbm>> -> memref<1x80x128xf32, #tpu.memory_space<hbm>>
        %dma_wait3A_156 = tpu.memref_squeeze %dma_wait3A_155 : memref<1x80x128xf32, #tpu.memory_space<hbm>> -> memref<80x128xf32, #tpu.memory_space<hbm>>
        %dma_wait3A_157 = arith.constant 0 : i32
        %dma_wait3A_158 = tpu.memref_slice %arg4[%mul3A_147, %dma_wait3A_157] : memref<10000x128xf32, #tpu.memory_space<vmem_shared>> -> memref<80x128xf32, #tpu.memory_space<vmem_shared>>
        tpu.wait_dma2 semaphore(%run_scoped3A : memref<!tpu.dma_semaphore, #tpu.memory_space<semaphore_mem>>) src(%dma_wait3A_158 : memref<80x128xf32, #tpu.memory_space<vmem_shared>>) dst(%dma_wait3A_156 : memref<80x128xf32, #tpu.memory_space<hbm>>)
        tpu.yield
      }) : () -> ()
    } else {
    }
    %add3A_111 = arith.constant 48 : i32
    %add3A_112 = arith.addi %arg1, %add3A_111 : i32
    %lt3A_113 = arith.constant 125 : i32
    %lt3A_114 = arith.cmpi slt, %add3A_112, %lt3A_113 : i32
    %convert_element_type3A_115 = arith.extui %lt3A_114 : i1 to i32
    %cond3A_116 = arith.constant 0 : i32
    %cond3A_117 = arith.cmpi ne, %convert_element_type3A_115, %cond3A_116 : i32
    scf.if %cond3A_117 {
      %mul3A_146 = arith.constant 80 : i32
      %mul3A_147 = arith.muli %add3A_112, %mul3A_146 : i32
      %mul3A_148 = arith.constant 80 : i32
      %mul3A_149 = arith.muli %add3A_112, %mul3A_148 : i32
      "tpu.region"() ({
        %run_scoped3A = tpu.sem_alloc : memref<!tpu.dma_semaphore, #tpu.memory_space<semaphore_mem>>
        %dma_start3A_150 = arith.constant 0 : i32
        %dma_start3A_151 = tpu.memref_slice %arg3[%arg0, %mul3A_149, %dma_start3A_150] : memref<2x10000x128xf32, #tpu.memory_space<hbm>> -> memref<1x80x128xf32, #tpu.memory_space<hbm>>
        %dma_start3A_152 = tpu.memref_squeeze %dma_start3A_151 : memref<1x80x128xf32, #tpu.memory_space<hbm>> -> memref<80x128xf32, #tpu.memory_space<hbm>>
        %dma_start3A_153 = arith.constant 0 : i32
        %dma_start3A_154 = tpu.memref_slice %arg4[%mul3A_147, %dma_start3A_153] : memref<10000x128xf32, #tpu.memory_space<vmem_shared>> -> memref<80x128xf32, #tpu.memory_space<vmem_shared>>
        tpu.enqueue_dma source(%dma_start3A_154 : memref<80x128xf32, #tpu.memory_space<vmem_shared>>) target(%dma_start3A_152 : memref<80x128xf32, #tpu.memory_space<hbm>>) target_semaphore(%run_scoped3A : memref<!tpu.dma_semaphore, #tpu.memory_space<semaphore_mem>>)
        %dma_wait3A = arith.constant 0 : i32
        %dma_wait3A_155 = tpu.memref_slice %arg3[%arg0, %mul3A_149, %dma_wait3A] : memref<2x10000x128xf32, #tpu.memory_space<hbm>> -> memref<1x80x128xf32, #tpu.memory_space<hbm>>
        %dma_wait3A_156 = tpu.memref_squeeze %dma_wait3A_155 : memref<1x80x128xf32, #tpu.memory_space<hbm>> -> memref<80x128xf32, #tpu.memory_space<hbm>>
        %dma_wait3A_157 = arith.constant 0 : i32
        %dma_wait3A_158 = tpu.memref_slice %arg4[%mul3A_147, %dma_wait3A_157] : memref<10000x128xf32, #tpu.memory_space<vmem_shared>> -> memref<80x128xf32, #tpu.memory_space<vmem_shared>>
        tpu.wait_dma2 semaphore(%run_scoped3A : memref<!tpu.dma_semaphore, #tpu.memory_space<semaphore_mem>>) src(%dma_wait3A_158 : memref<80x128xf32, #tpu.memory_space<vmem_shared>>) dst(%dma_wait3A_156 : memref<80x128xf32, #tpu.memory_space<hbm>>)
        tpu.yield
      }) : () -> ()
    } else {
    }
    %add3A_118 = arith.constant 64 : i32
    %add3A_119 = arith.addi %arg1, %add3A_118 : i32
    %lt3A_120 = arith.constant 125 : i32
    %lt3A_121 = arith.cmpi slt, %add3A_119, %lt3A_120 : i32
    %convert_element_type3A_122 = arith.extui %lt3A_121 : i1 to i32
    %cond3A_123 = arith.constant 0 : i32
    %cond3A_124 = arith.cmpi ne, %convert_element_type3A_122, %cond3A_123 : i32
    scf.if %cond3A_124 {
      %mul3A_146 = arith.constant 80 : i32
      %mul3A_147 = arith.muli %add3A_119, %mul3A_146 : i32
      %mul3A_148 = arith.constant 80 : i32
      %mul3A_149 = arith.muli %add3A_119, %mul3A_148 : i32
      "tpu.region"() ({
        %run_scoped3A = tpu.sem_alloc : memref<!tpu.dma_semaphore, #tpu.memory_space<semaphore_mem>>
        %dma_start3A_150 = arith.constant 0 : i32
        %dma_start3A_151 = tpu.memref_slice %arg3[%arg0, %mul3A_149, %dma_start3A_150] : memref<2x10000x128xf32, #tpu.memory_space<hbm>> -> memref<1x80x128xf32, #tpu.memory_space<hbm>>
        %dma_start3A_152 = tpu.memref_squeeze %dma_start3A_151 : memref<1x80x128xf32, #tpu.memory_space<hbm>> -> memref<80x128xf32, #tpu.memory_space<hbm>>
        %dma_start3A_153 = arith.constant 0 : i32
        %dma_start3A_154 = tpu.memref_slice %arg4[%mul3A_147, %dma_start3A_153] : memref<10000x128xf32, #tpu.memory_space<vmem_shared>> -> memref<80x128xf32, #tpu.memory_space<vmem_shared>>
        tpu.enqueue_dma source(%dma_start3A_154 : memref<80x128xf32, #tpu.memory_space<vmem_shared>>) target(%dma_start3A_152 : memref<80x128xf32, #tpu.memory_space<hbm>>) target_semaphore(%run_scoped3A : memref<!tpu.dma_semaphore, #tpu.memory_space<semaphore_mem>>)
        %dma_wait3A = arith.constant 0 : i32
        %dma_wait3A_155 = tpu.memref_slice %arg3[%arg0, %mul3A_149, %dma_wait3A] : memref<2x10000x128xf32, #tpu.memory_space<hbm>> -> memref<1x80x128xf32, #tpu.memory_space<hbm>>
        %dma_wait3A_156 = tpu.memref_squeeze %dma_wait3A_155 : memref<1x80x128xf32, #tpu.memory_space<hbm>> -> memref<80x128xf32, #tpu.memory_space<hbm>>
        %dma_wait3A_157 = arith.constant 0 : i32
        %dma_wait3A_158 = tpu.memref_slice %arg4[%mul3A_147, %dma_wait3A_157] : memref<10000x128xf32, #tpu.memory_space<vmem_shared>> -> memref<80x128xf32, #tpu.memory_space<vmem_shared>>
        tpu.wait_dma2 semaphore(%run_scoped3A : memref<!tpu.dma_semaphore, #tpu.memory_space<semaphore_mem>>) src(%dma_wait3A_158 : memref<80x128xf32, #tpu.memory_space<vmem_shared>>) dst(%dma_wait3A_156 : memref<80x128xf32, #tpu.memory_space<hbm>>)
        tpu.yield
      }) : () -> ()
    } else {
    }
    %add3A_125 = arith.constant 80 : i32
    %add3A_126 = arith.addi %arg1, %add3A_125 : i32
    %lt3A_127 = arith.constant 125 : i32
    %lt3A_128 = arith.cmpi slt, %add3A_126, %lt3A_127 : i32
    %convert_element_type3A_129 = arith.extui %lt3A_128 : i1 to i32
    %cond3A_130 = arith.constant 0 : i32
    %cond3A_131 = arith.cmpi ne, %convert_element_type3A_129, %cond3A_130 : i32
    scf.if %cond3A_131 {
      %mul3A_146 = arith.constant 80 : i32
      %mul3A_147 = arith.muli %add3A_126, %mul3A_146 : i32
      %mul3A_148 = arith.constant 80 : i32
      %mul3A_149 = arith.muli %add3A_126, %mul3A_148 : i32
      "tpu.region"() ({
        %run_scoped3A = tpu.sem_alloc : memref<!tpu.dma_semaphore, #tpu.memory_space<semaphore_mem>>
        %dma_start3A_150 = arith.constant 0 : i32
        %dma_start3A_151 = tpu.memref_slice %arg3[%arg0, %mul3A_149, %dma_start3A_150] : memref<2x10000x128xf32, #tpu.memory_space<hbm>> -> memref<1x80x128xf32, #tpu.memory_space<hbm>>
        %dma_start3A_152 = tpu.memref_squeeze %dma_start3A_151 : memref<1x80x128xf32, #tpu.memory_space<hbm>> -> memref<80x128xf32, #tpu.memory_space<hbm>>
        %dma_start3A_153 = arith.constant 0 : i32
        %dma_start3A_154 = tpu.memref_slice %arg4[%mul3A_147, %dma_start3A_153] : memref<10000x128xf32, #tpu.memory_space<vmem_shared>> -> memref<80x128xf32, #tpu.memory_space<vmem_shared>>
        tpu.enqueue_dma source(%dma_start3A_154 : memref<80x128xf32, #tpu.memory_space<vmem_shared>>) target(%dma_start3A_152 : memref<80x128xf32, #tpu.memory_space<hbm>>) target_semaphore(%run_scoped3A : memref<!tpu.dma_semaphore, #tpu.memory_space<semaphore_mem>>)
        %dma_wait3A = arith.constant 0 : i32
        %dma_wait3A_155 = tpu.memref_slice %arg3[%arg0, %mul3A_149, %dma_wait3A] : memref<2x10000x128xf32, #tpu.memory_space<hbm>> -> memref<1x80x128xf32, #tpu.memory_space<hbm>>
        %dma_wait3A_156 = tpu.memref_squeeze %dma_wait3A_155 : memref<1x80x128xf32, #tpu.memory_space<hbm>> -> memref<80x128xf32, #tpu.memory_space<hbm>>
        %dma_wait3A_157 = arith.constant 0 : i32
        %dma_wait3A_158 = tpu.memref_slice %arg4[%mul3A_147, %dma_wait3A_157] : memref<10000x128xf32, #tpu.memory_space<vmem_shared>> -> memref<80x128xf32, #tpu.memory_space<vmem_shared>>
        tpu.wait_dma2 semaphore(%run_scoped3A : memref<!tpu.dma_semaphore, #tpu.memory_space<semaphore_mem>>) src(%dma_wait3A_158 : memref<80x128xf32, #tpu.memory_space<vmem_shared>>) dst(%dma_wait3A_156 : memref<80x128xf32, #tpu.memory_space<hbm>>)
        tpu.yield
      }) : () -> ()
    } else {
    }
    %add3A_132 = arith.constant 96 : i32
    %add3A_133 = arith.addi %arg1, %add3A_132 : i32
    %lt3A_134 = arith.constant 125 : i32
    %lt3A_135 = arith.cmpi slt, %add3A_133, %lt3A_134 : i32
    %convert_element_type3A_136 = arith.extui %lt3A_135 : i1 to i32
    %cond3A_137 = arith.constant 0 : i32
    %cond3A_138 = arith.cmpi ne, %convert_element_type3A_136, %cond3A_137 : i32
    scf.if %cond3A_138 {
      %mul3A_146 = arith.constant 80 : i32
      %mul3A_147 = arith.muli %add3A_133, %mul3A_146 : i32
      %mul3A_148 = arith.constant 80 : i32
      %mul3A_149 = arith.muli %add3A_133, %mul3A_148 : i32
      "tpu.region"() ({
        %run_scoped3A = tpu.sem_alloc : memref<!tpu.dma_semaphore, #tpu.memory_space<semaphore_mem>>
        %dma_start3A_150 = arith.constant 0 : i32
        %dma_start3A_151 = tpu.memref_slice %arg3[%arg0, %mul3A_149, %dma_start3A_150] : memref<2x10000x128xf32, #tpu.memory_space<hbm>> -> memref<1x80x128xf32, #tpu.memory_space<hbm>>
        %dma_start3A_152 = tpu.memref_squeeze %dma_start3A_151 : memref<1x80x128xf32, #tpu.memory_space<hbm>> -> memref<80x128xf32, #tpu.memory_space<hbm>>
        %dma_start3A_153 = arith.constant 0 : i32
        %dma_start3A_154 = tpu.memref_slice %arg4[%mul3A_147, %dma_start3A_153] : memref<10000x128xf32, #tpu.memory_space<vmem_shared>> -> memref<80x128xf32, #tpu.memory_space<vmem_shared>>
        tpu.enqueue_dma source(%dma_start3A_154 : memref<80x128xf32, #tpu.memory_space<vmem_shared>>) target(%dma_start3A_152 : memref<80x128xf32, #tpu.memory_space<hbm>>) target_semaphore(%run_scoped3A : memref<!tpu.dma_semaphore, #tpu.memory_space<semaphore_mem>>)
        %dma_wait3A = arith.constant 0 : i32
        %dma_wait3A_155 = tpu.memref_slice %arg3[%arg0, %mul3A_149, %dma_wait3A] : memref<2x10000x128xf32, #tpu.memory_space<hbm>> -> memref<1x80x128xf32, #tpu.memory_space<hbm>>
        %dma_wait3A_156 = tpu.memref_squeeze %dma_wait3A_155 : memref<1x80x128xf32, #tpu.memory_space<hbm>> -> memref<80x128xf32, #tpu.memory_space<hbm>>
        %dma_wait3A_157 = arith.constant 0 : i32
        %dma_wait3A_158 = tpu.memref_slice %arg4[%mul3A_147, %dma_wait3A_157] : memref<10000x128xf32, #tpu.memory_space<vmem_shared>> -> memref<80x128xf32, #tpu.memory_space<vmem_shared>>
        tpu.wait_dma2 semaphore(%run_scoped3A : memref<!tpu.dma_semaphore, #tpu.memory_space<semaphore_mem>>) src(%dma_wait3A_158 : memref<80x128xf32, #tpu.memory_space<vmem_shared>>) dst(%dma_wait3A_156 : memref<80x128xf32, #tpu.memory_space<hbm>>)
        tpu.yield
      }) : () -> ()
    } else {
    }
    %add3A_139 = arith.constant 112 : i32
    %add3A_140 = arith.addi %arg1, %add3A_139 : i32
    %lt3A_141 = arith.constant 125 : i32
    %lt3A_142 = arith.cmpi slt, %add3A_140, %lt3A_141 : i32
    %convert_element_type3A_143 = arith.extui %lt3A_142 : i1 to i32
    %cond3A_144 = arith.constant 0 : i32
    %cond3A_145 = arith.cmpi ne, %convert_element_type3A_143, %cond3A_144 : i32
    scf.if %cond3A_145 {
      %mul3A_146 = arith.constant 80 : i32
      %mul3A_147 = arith.muli %add3A_140, %mul3A_146 : i32
      %mul3A_148 = arith.constant 80 : i32
      %mul3A_149 = arith.muli %add3A_140, %mul3A_148 : i32
      "tpu.region"() ({
        %run_scoped3A = tpu.sem_alloc : memref<!tpu.dma_semaphore, #tpu.memory_space<semaphore_mem>>
        %dma_start3A_150 = arith.constant 0 : i32
        %dma_start3A_151 = tpu.memref_slice %arg3[%arg0, %mul3A_149, %dma_start3A_150] : memref<2x10000x128xf32, #tpu.memory_space<hbm>> -> memref<1x80x128xf32, #tpu.memory_space<hbm>>
        %dma_start3A_152 = tpu.memref_squeeze %dma_start3A_151 : memref<1x80x128xf32, #tpu.memory_space<hbm>> -> memref<80x128xf32, #tpu.memory_space<hbm>>
        %dma_start3A_153 = arith.constant 0 : i32
        %dma_start3A_154 = tpu.memref_slice %arg4[%mul3A_147, %dma_start3A_153] : memref<10000x128xf32, #tpu.memory_space<vmem_shared>> -> memref<80x128xf32, #tpu.memory_space<vmem_shared>>
        tpu.enqueue_dma source(%dma_start3A_154 : memref<80x128xf32, #tpu.memory_space<vmem_shared>>) target(%dma_start3A_152 : memref<80x128xf32, #tpu.memory_space<hbm>>) target_semaphore(%run_scoped3A : memref<!tpu.dma_semaphore, #tpu.memory_space<semaphore_mem>>)
        %dma_wait3A = arith.constant 0 : i32
        %dma_wait3A_155 = tpu.memref_slice %arg3[%arg0, %mul3A_149, %dma_wait3A] : memref<2x10000x128xf32, #tpu.memory_space<hbm>> -> memref<1x80x128xf32, #tpu.memory_space<hbm>>
        %dma_wait3A_156 = tpu.memref_squeeze %dma_wait3A_155 : memref<1x80x128xf32, #tpu.memory_space<hbm>> -> memref<80x128xf32, #tpu.memory_space<hbm>>
        %dma_wait3A_157 = arith.constant 0 : i32
        %dma_wait3A_158 = tpu.memref_slice %arg4[%mul3A_147, %dma_wait3A_157] : memref<10000x128xf32, #tpu.memory_space<vmem_shared>> -> memref<80x128xf32, #tpu.memory_space<vmem_shared>>
        tpu.wait_dma2 semaphore(%run_scoped3A : memref<!tpu.dma_semaphore, #tpu.memory_space<semaphore_mem>>) src(%dma_wait3A_158 : memref<80x128xf32, #tpu.memory_space<vmem_shared>>) dst(%dma_wait3A_156 : memref<80x128xf32, #tpu.memory_space<hbm>>)
        tpu.yield
      }) : () -> ()
    } else {
    }
    return
  }
}

#map = affine_map<(d0, d1) -> (0, 0)>
#map1 = affine_map<(d0, d1) -> (0)>
#map2 = affine_map<(d0, d1) -> (0, 0, 0)>
module attributes {stable_mosaic.version = 14 : i64} {
  func.func @body(%arg0: i32, %arg1: i32, %arg2: memref<10000x128xf32, #tpu.memory_space<hbm>>, %arg3: memref<320000xi32, #tpu.memory_space<hbm>>, %arg4: memref<320000xi32, #tpu.memory_space<hbm>>, %arg5: memref<2x10000x128xf32, #tpu.memory_space<hbm>>, %arg6: memref<10000x128xf32, #tpu.memory_space<vmem_shared>>, %arg7: memref<3x80xi32, #tpu.memory_space<vmem>>, %arg8: memref<3x80xi32, #tpu.memory_space<vmem>>, %arg9: memref<3x80xi32, #tpu.memory_space<vmem>>, %arg10: memref<3x80x128xf32, #tpu.memory_space<vmem>>, %arg11: memref<!tpu.dma_semaphore, #tpu.memory_space<semaphore_mem>>, %arg12: memref<!tpu.dma_semaphore, #tpu.memory_space<semaphore_mem>>, %arg13: memref<!tpu.dma_semaphore, #tpu.memory_space<semaphore_mem>>) attributes {dimension_semantics = [#tpu.dimension_semantics<core_parallel>, #tpu.dimension_semantics<subcore_parallel>], iteration_bounds = array<i64: 2, 16>, scalar_prefetch = 0 : i64, scratch_operands = 8 : i64, tpu.core_type = #tpu.core_type<sc_vector_subcore>, window_params = [{transform_indices = #map}, {transform_indices = #map1}, {transform_indices = #map1}, {transform_indices = #map2}]} {
    %mul3A = arith.constant 16 : i32
    %mul3A_0 = arith.muli %arg0, %mul3A : i32
    %add3A = arith.addi %mul3A_0, %arg1 : i32
    %mul3A_1 = arith.constant 10000 : i32
    %mul3A_2 = arith.muli %add3A, %mul3A_1 : i32
    %broadcast_in_dim3A = arith.constant 0.000000e+00 : f32
    %broadcast_in_dim3A_3 = vector.broadcast %broadcast_in_dim3A : f32 to vector<16xf32>
    %scan3A = arith.constant 0 : i32
    %scan3A_4 = arith.constant 0 : i32
    %scan3A_5 = arith.constant 640 : i32
    %scan3A_6 = arith.addi %scan3A_4, %scan3A_5 : i32
    %scan3A_7 = arith.constant 1 : i32
    %scan3A_8 = scf.for %scan3A_271 = %scan3A_4 to %scan3A_6 step %scan3A_7 iter_args(%scan3A_272 = %scan3A) -> (i32)  : i32 {
      %jit3A = arith.constant 8 : i32
      %div3A = arith.divsi %scan3A_271, %jit3A : i32
      %sign3A = arith.constant 0 : i32
      %sign3A_273 = arith.cmpi sgt, %scan3A_271, %sign3A : i32
      %sign3A_274 = arith.extui %sign3A_273 : i1 to i32
      %sign3A_275 = arith.constant 0 : i32
      %sign3A_276 = arith.cmpi slt, %scan3A_271, %sign3A_275 : i32
      %sign3A_277 = arith.extui %sign3A_276 : i1 to i32
      %sign3A_278 = arith.subi %sign3A_274, %sign3A_277 : i32
      %sign3A_279 = arith.constant 0 : i32
      %sign3A_280 = arith.cmpi sgt, %jit3A, %sign3A_279 : i32
      %sign3A_281 = arith.extui %sign3A_280 : i1 to i32
      %sign3A_282 = arith.constant 0 : i32
      %sign3A_283 = arith.cmpi slt, %jit3A, %sign3A_282 : i32
      %sign3A_284 = arith.extui %sign3A_283 : i1 to i32
      %sign3A_285 = arith.subi %sign3A_281, %sign3A_284 : i32
      %ne3A = arith.cmpi ne, %sign3A_278, %sign3A_285 : i32
      %rem3A = arith.remsi %scan3A_271, %jit3A : i32
      %ne3A_286 = arith.constant 0 : i32
      %ne3A_287 = arith.cmpi ne, %rem3A, %ne3A_286 : i32
      %and3A = arith.andi %ne3A, %ne3A_287 : i1
      %sub3A = arith.constant 1 : i32
      %sub3A_288 = arith.subi %div3A, %sub3A : i32
      %select_n3A = arith.select %and3A, %sub3A_288, %div3A : i32
      %jit3A_289 = arith.constant 8 : i32
      %eq3A = arith.constant 0 : i32
      %eq3A_290 = arith.cmpi eq, %jit3A_289, %eq3A : i32
      %jit3A_291 = arith.constant 1 : i32
      %select_n3A_292 = arith.select %eq3A_290, %jit3A_291, %jit3A_289 : i32
      %rem3A_293 = arith.remsi %scan3A_271, %select_n3A_292 : i32
      %ne3A_294 = arith.constant 0 : i32
      %ne3A_295 = arith.cmpi ne, %rem3A_293, %ne3A_294 : i32
      %lt3A_296 = arith.constant 0 : i32
      %lt3A_297 = arith.cmpi slt, %rem3A_293, %lt3A_296 : i32
      %lt3A_298 = arith.constant 0 : i32
      %lt3A_299 = arith.cmpi slt, %select_n3A_292, %lt3A_298 : i32
      %ne3A_300 = arith.xori %lt3A_297, %lt3A_299 : i1
      %and3A_301 = arith.andi %ne3A_300, %ne3A_295 : i1
      %add3A_302 = arith.addi %rem3A_293, %select_n3A_292 : i32
      %select_n3A_303 = arith.select %and3A_301, %add3A_302, %rem3A_293 : i32
      %mul3A_304 = arith.constant 16 : i32
      %mul3A_305 = arith.muli %select_n3A_303, %mul3A_304 : i32
      %swap3A = arith.constant 0 : i32
      %swap3A_306 = arith.index_cast %swap3A : i32 to index
      %swap3A_307 = arith.index_cast %select_n3A : i32 to index
      %swap3A_308 = arith.index_cast %mul3A_305 : i32 to index
      %swap3A_309 = tpu.vector_load %arg10[%swap3A_306, %swap3A_307, %swap3A_308] {strides = array<i32>} : memref<3x80x128xf32, #tpu.memory_space<vmem>>, vector<1x1x16xf32>,
      %swap3A_310 = vector.shape_cast %swap3A_309 : vector<1x1x16xf32> to vector<16xf32>
      %swap3A_311 = vector.shape_cast %broadcast_in_dim3A_3 : vector<16xf32> to vector<1x1x16xf32>
      tpu.vector_store %arg10[%swap3A_306, %swap3A_307, %swap3A_308], %swap3A_311 {strides = array<i32>} : memref<3x80x128xf32, #tpu.memory_space<vmem>>, vector<1x1x16xf32>,
      %scan3A_312 = arith.constant 0 : i32
      scf.yield %scan3A_312 : i32
    }
    %scan3A_9 = arith.constant 640 : i32
    %add3A_10 = arith.constant 0 : i32
    %add3A_11 = arith.addi %arg1, %add3A_10 : i32
    %lt3A = arith.constant 125 : i32
    %lt3A_12 = arith.cmpi slt, %add3A_11, %lt3A : i32
    %convert_element_type3A = arith.extui %lt3A_12 : i1 to i32
    %cond3A = arith.constant 0 : i32
    %cond3A_13 = arith.cmpi ne, %convert_element_type3A, %cond3A : i32
    scf.if %cond3A_13 {
      %mul3A_271 = arith.constant 80 : i32
      %mul3A_272 = arith.muli %add3A_11, %mul3A_271 : i32
      %run_scoped3A = arith.constant 0 : i32
      "tpu.region"() ({
        %run_scoped3A_273 = tpu.sem_alloc : memref<!tpu.dma_semaphore, #tpu.memory_space<semaphore_mem>>
        %dma_start3A_274 = arith.constant 0 : i32
        %dma_start3A_275 = arith.constant 0 : i32
        %dma_start3A_276 = tpu.memref_slice %arg10[%run_scoped3A, %dma_start3A_274, %dma_start3A_275] : memref<3x80x128xf32, #tpu.memory_space<vmem>> -> memref<1x80x128xf32, #tpu.memory_space<vmem>>
        %dma_start3A_277 = tpu.memref_squeeze %dma_start3A_276 : memref<1x80x128xf32, #tpu.memory_space<vmem>> -> memref<80x128xf32, #tpu.memory_space<vmem>>
        %dma_start3A_278 = arith.constant 0 : i32
        %dma_start3A_279 = tpu.memref_slice %arg6[%mul3A_272, %dma_start3A_278] : memref<10000x128xf32, #tpu.memory_space<vmem_shared>> -> memref<80x128xf32, #tpu.memory_space<vmem_shared>>
        %dma_start3A_280 = arith.constant 0 : i32
        %dma_start3A_281 = tpu.memref_slice %arg6[%mul3A_272, %dma_start3A_280] : memref<10000x128xf32, #tpu.memory_space<vmem_shared>> -> memref<80x128xf32, #tpu.memory_space<vmem_shared>>
        %dma_start3A_282 = arith.constant 0 : i32
        %dma_start3A_283 = arith.constant 0 : i32
        %dma_start3A_284 = tpu.memref_slice %arg10[%run_scoped3A, %dma_start3A_282, %dma_start3A_283] : memref<3x80x128xf32, #tpu.memory_space<vmem>> -> memref<1x80x128xf32, #tpu.memory_space<vmem>>
        %dma_start3A_285 = tpu.memref_squeeze %dma_start3A_284 : memref<1x80x128xf32, #tpu.memory_space<vmem>> -> memref<80x128xf32, #tpu.memory_space<vmem>>
        tpu.enqueue_dma source(%dma_start3A_285 : memref<80x128xf32, #tpu.memory_space<vmem>>) target(%dma_start3A_281 : memref<80x128xf32, #tpu.memory_space<vmem_shared>>) target_semaphore(%run_scoped3A_273 : memref<!tpu.dma_semaphore, #tpu.memory_space<semaphore_mem>>)
        %dma_wait3A_286 = arith.constant 0 : i32
        %dma_wait3A_287 = arith.constant 0 : i32
        %dma_wait3A_288 = tpu.memref_slice %arg10[%run_scoped3A, %dma_wait3A_286, %dma_wait3A_287] : memref<3x80x128xf32, #tpu.memory_space<vmem>> -> memref<1x80x128xf32, #tpu.memory_space<vmem>>
        %dma_wait3A_289 = tpu.memref_squeeze %dma_wait3A_288 : memref<1x80x128xf32, #tpu.memory_space<vmem>> -> memref<80x128xf32, #tpu.memory_space<vmem>>
        %dma_wait3A_290 = arith.constant 0 : i32
        %dma_wait3A_291 = tpu.memref_slice %arg6[%mul3A_272, %dma_wait3A_290] : memref<10000x128xf32, #tpu.memory_space<vmem_shared>> -> memref<80x128xf32, #tpu.memory_space<vmem_shared>>
        %dma_wait3A_292 = arith.constant 0 : i32
        %dma_wait3A_293 = tpu.memref_slice %arg6[%mul3A_272, %dma_wait3A_292] : memref<10000x128xf32, #tpu.memory_space<vmem_shared>> -> memref<80x128xf32, #tpu.memory_space<vmem_shared>>
        %dma_wait3A_294 = arith.constant 0 : i32
        %dma_wait3A_295 = arith.constant 0 : i32
        %dma_wait3A_296 = tpu.memref_slice %arg10[%run_scoped3A, %dma_wait3A_294, %dma_wait3A_295] : memref<3x80x128xf32, #tpu.memory_space<vmem>> -> memref<1x80x128xf32, #tpu.memory_space<vmem>>
        %dma_wait3A_297 = tpu.memref_squeeze %dma_wait3A_296 : memref<1x80x128xf32, #tpu.memory_space<vmem>> -> memref<80x128xf32, #tpu.memory_space<vmem>>
        tpu.wait_dma2 semaphore(%run_scoped3A_273 : memref<!tpu.dma_semaphore, #tpu.memory_space<semaphore_mem>>) src(%dma_wait3A_297 : memref<80x128xf32, #tpu.memory_space<vmem>>) dst(%dma_wait3A_293 : memref<80x128xf32, #tpu.memory_space<vmem_shared>>)
        tpu.yield
      }) : () -> ()
    } else {
    }
    %add3A_14 = arith.constant 16 : i32
    %add3A_15 = arith.addi %arg1, %add3A_14 : i32
    %lt3A_16 = arith.constant 125 : i32
    %lt3A_17 = arith.cmpi slt, %add3A_15, %lt3A_16 : i32
    %convert_element_type3A_18 = arith.extui %lt3A_17 : i1 to i32
    %cond3A_19 = arith.constant 0 : i32
    %cond3A_20 = arith.cmpi ne, %convert_element_type3A_18, %cond3A_19 : i32
    scf.if %cond3A_20 {
      %mul3A_271 = arith.constant 80 : i32
      %mul3A_272 = arith.muli %add3A_15, %mul3A_271 : i32
      %run_scoped3A = arith.constant 0 : i32
      "tpu.region"() ({
        %run_scoped3A_273 = tpu.sem_alloc : memref<!tpu.dma_semaphore, #tpu.memory_space<semaphore_mem>>
        %dma_start3A_274 = arith.constant 0 : i32
        %dma_start3A_275 = arith.constant 0 : i32
        %dma_start3A_276 = tpu.memref_slice %arg10[%run_scoped3A, %dma_start3A_274, %dma_start3A_275] : memref<3x80x128xf32, #tpu.memory_space<vmem>> -> memref<1x80x128xf32, #tpu.memory_space<vmem>>
        %dma_start3A_277 = tpu.memref_squeeze %dma_start3A_276 : memref<1x80x128xf32, #tpu.memory_space<vmem>> -> memref<80x128xf32, #tpu.memory_space<vmem>>
        %dma_start3A_278 = arith.constant 0 : i32
        %dma_start3A_279 = tpu.memref_slice %arg6[%mul3A_272, %dma_start3A_278] : memref<10000x128xf32, #tpu.memory_space<vmem_shared>> -> memref<80x128xf32, #tpu.memory_space<vmem_shared>>
        %dma_start3A_280 = arith.constant 0 : i32
        %dma_start3A_281 = tpu.memref_slice %arg6[%mul3A_272, %dma_start3A_280] : memref<10000x128xf32, #tpu.memory_space<vmem_shared>> -> memref<80x128xf32, #tpu.memory_space<vmem_shared>>
        %dma_start3A_282 = arith.constant 0 : i32
        %dma_start3A_283 = arith.constant 0 : i32
        %dma_start3A_284 = tpu.memref_slice %arg10[%run_scoped3A, %dma_start3A_282, %dma_start3A_283] : memref<3x80x128xf32, #tpu.memory_space<vmem>> -> memref<1x80x128xf32, #tpu.memory_space<vmem>>
        %dma_start3A_285 = tpu.memref_squeeze %dma_start3A_284 : memref<1x80x128xf32, #tpu.memory_space<vmem>> -> memref<80x128xf32, #tpu.memory_space<vmem>>
        tpu.enqueue_dma source(%dma_start3A_285 : memref<80x128xf32, #tpu.memory_space<vmem>>) target(%dma_start3A_281 : memref<80x128xf32, #tpu.memory_space<vmem_shared>>) target_semaphore(%run_scoped3A_273 : memref<!tpu.dma_semaphore, #tpu.memory_space<semaphore_mem>>)
        %dma_wait3A_286 = arith.constant 0 : i32
        %dma_wait3A_287 = arith.constant 0 : i32
        %dma_wait3A_288 = tpu.memref_slice %arg10[%run_scoped3A, %dma_wait3A_286, %dma_wait3A_287] : memref<3x80x128xf32, #tpu.memory_space<vmem>> -> memref<1x80x128xf32, #tpu.memory_space<vmem>>
        %dma_wait3A_289 = tpu.memref_squeeze %dma_wait3A_288 : memref<1x80x128xf32, #tpu.memory_space<vmem>> -> memref<80x128xf32, #tpu.memory_space<vmem>>
        %dma_wait3A_290 = arith.constant 0 : i32
        %dma_wait3A_291 = tpu.memref_slice %arg6[%mul3A_272, %dma_wait3A_290] : memref<10000x128xf32, #tpu.memory_space<vmem_shared>> -> memref<80x128xf32, #tpu.memory_space<vmem_shared>>
        %dma_wait3A_292 = arith.constant 0 : i32
        %dma_wait3A_293 = tpu.memref_slice %arg6[%mul3A_272, %dma_wait3A_292] : memref<10000x128xf32, #tpu.memory_space<vmem_shared>> -> memref<80x128xf32, #tpu.memory_space<vmem_shared>>
        %dma_wait3A_294 = arith.constant 0 : i32
        %dma_wait3A_295 = arith.constant 0 : i32
        %dma_wait3A_296 = tpu.memref_slice %arg10[%run_scoped3A, %dma_wait3A_294, %dma_wait3A_295] : memref<3x80x128xf32, #tpu.memory_space<vmem>> -> memref<1x80x128xf32, #tpu.memory_space<vmem>>
        %dma_wait3A_297 = tpu.memref_squeeze %dma_wait3A_296 : memref<1x80x128xf32, #tpu.memory_space<vmem>> -> memref<80x128xf32, #tpu.memory_space<vmem>>
        tpu.wait_dma2 semaphore(%run_scoped3A_273 : memref<!tpu.dma_semaphore, #tpu.memory_space<semaphore_mem>>) src(%dma_wait3A_297 : memref<80x128xf32, #tpu.memory_space<vmem>>) dst(%dma_wait3A_293 : memref<80x128xf32, #tpu.memory_space<vmem_shared>>)
        tpu.yield
      }) : () -> ()
    } else {
    }
    %add3A_21 = arith.constant 32 : i32
    %add3A_22 = arith.addi %arg1, %add3A_21 : i32
    %lt3A_23 = arith.constant 125 : i32
    %lt3A_24 = arith.cmpi slt, %add3A_22, %lt3A_23 : i32
    %convert_element_type3A_25 = arith.extui %lt3A_24 : i1 to i32
    %cond3A_26 = arith.constant 0 : i32
    %cond3A_27 = arith.cmpi ne, %convert_element_type3A_25, %cond3A_26 : i32
    scf.if %cond3A_27 {
      %mul3A_271 = arith.constant 80 : i32
      %mul3A_272 = arith.muli %add3A_22, %mul3A_271 : i32
      %run_scoped3A = arith.constant 0 : i32
      "tpu.region"() ({
        %run_scoped3A_273 = tpu.sem_alloc : memref<!tpu.dma_semaphore, #tpu.memory_space<semaphore_mem>>
        %dma_start3A_274 = arith.constant 0 : i32
        %dma_start3A_275 = arith.constant 0 : i32
        %dma_start3A_276 = tpu.memref_slice %arg10[%run_scoped3A, %dma_start3A_274, %dma_start3A_275] : memref<3x80x128xf32, #tpu.memory_space<vmem>> -> memref<1x80x128xf32, #tpu.memory_space<vmem>>
        %dma_start3A_277 = tpu.memref_squeeze %dma_start3A_276 : memref<1x80x128xf32, #tpu.memory_space<vmem>> -> memref<80x128xf32, #tpu.memory_space<vmem>>
        %dma_start3A_278 = arith.constant 0 : i32
        %dma_start3A_279 = tpu.memref_slice %arg6[%mul3A_272, %dma_start3A_278] : memref<10000x128xf32, #tpu.memory_space<vmem_shared>> -> memref<80x128xf32, #tpu.memory_space<vmem_shared>>
        %dma_start3A_280 = arith.constant 0 : i32
        %dma_start3A_281 = tpu.memref_slice %arg6[%mul3A_272, %dma_start3A_280] : memref<10000x128xf32, #tpu.memory_space<vmem_shared>> -> memref<80x128xf32, #tpu.memory_space<vmem_shared>>
        %dma_start3A_282 = arith.constant 0 : i32
        %dma_start3A_283 = arith.constant 0 : i32
        %dma_start3A_284 = tpu.memref_slice %arg10[%run_scoped3A, %dma_start3A_282, %dma_start3A_283] : memref<3x80x128xf32, #tpu.memory_space<vmem>> -> memref<1x80x128xf32, #tpu.memory_space<vmem>>
        %dma_start3A_285 = tpu.memref_squeeze %dma_start3A_284 : memref<1x80x128xf32, #tpu.memory_space<vmem>> -> memref<80x128xf32, #tpu.memory_space<vmem>>
        tpu.enqueue_dma source(%dma_start3A_285 : memref<80x128xf32, #tpu.memory_space<vmem>>) target(%dma_start3A_281 : memref<80x128xf32, #tpu.memory_space<vmem_shared>>) target_semaphore(%run_scoped3A_273 : memref<!tpu.dma_semaphore, #tpu.memory_space<semaphore_mem>>)
        %dma_wait3A_286 = arith.constant 0 : i32
        %dma_wait3A_287 = arith.constant 0 : i32
        %dma_wait3A_288 = tpu.memref_slice %arg10[%run_scoped3A, %dma_wait3A_286, %dma_wait3A_287] : memref<3x80x128xf32, #tpu.memory_space<vmem>> -> memref<1x80x128xf32, #tpu.memory_space<vmem>>
        %dma_wait3A_289 = tpu.memref_squeeze %dma_wait3A_288 : memref<1x80x128xf32, #tpu.memory_space<vmem>> -> memref<80x128xf32, #tpu.memory_space<vmem>>
        %dma_wait3A_290 = arith.constant 0 : i32
        %dma_wait3A_291 = tpu.memref_slice %arg6[%mul3A_272, %dma_wait3A_290] : memref<10000x128xf32, #tpu.memory_space<vmem_shared>> -> memref<80x128xf32, #tpu.memory_space<vmem_shared>>
        %dma_wait3A_292 = arith.constant 0 : i32
        %dma_wait3A_293 = tpu.memref_slice %arg6[%mul3A_272, %dma_wait3A_292] : memref<10000x128xf32, #tpu.memory_space<vmem_shared>> -> memref<80x128xf32, #tpu.memory_space<vmem_shared>>
        %dma_wait3A_294 = arith.constant 0 : i32
        %dma_wait3A_295 = arith.constant 0 : i32
        %dma_wait3A_296 = tpu.memref_slice %arg10[%run_scoped3A, %dma_wait3A_294, %dma_wait3A_295] : memref<3x80x128xf32, #tpu.memory_space<vmem>> -> memref<1x80x128xf32, #tpu.memory_space<vmem>>
        %dma_wait3A_297 = tpu.memref_squeeze %dma_wait3A_296 : memref<1x80x128xf32, #tpu.memory_space<vmem>> -> memref<80x128xf32, #tpu.memory_space<vmem>>
        tpu.wait_dma2 semaphore(%run_scoped3A_273 : memref<!tpu.dma_semaphore, #tpu.memory_space<semaphore_mem>>) src(%dma_wait3A_297 : memref<80x128xf32, #tpu.memory_space<vmem>>) dst(%dma_wait3A_293 : memref<80x128xf32, #tpu.memory_space<vmem_shared>>)
        tpu.yield
      }) : () -> ()
    } else {
    }
    %add3A_28 = arith.constant 48 : i32
    %add3A_29 = arith.addi %arg1, %add3A_28 : i32
    %lt3A_30 = arith.constant 125 : i32
    %lt3A_31 = arith.cmpi slt, %add3A_29, %lt3A_30 : i32
    %convert_element_type3A_32 = arith.extui %lt3A_31 : i1 to i32
    %cond3A_33 = arith.constant 0 : i32
    %cond3A_34 = arith.cmpi ne, %convert_element_type3A_32, %cond3A_33 : i32
    scf.if %cond3A_34 {
      %mul3A_271 = arith.constant 80 : i32
      %mul3A_272 = arith.muli %add3A_29, %mul3A_271 : i32
      %run_scoped3A = arith.constant 0 : i32
      "tpu.region"() ({
        %run_scoped3A_273 = tpu.sem_alloc : memref<!tpu.dma_semaphore, #tpu.memory_space<semaphore_mem>>
        %dma_start3A_274 = arith.constant 0 : i32
        %dma_start3A_275 = arith.constant 0 : i32
        %dma_start3A_276 = tpu.memref_slice %arg10[%run_scoped3A, %dma_start3A_274, %dma_start3A_275] : memref<3x80x128xf32, #tpu.memory_space<vmem>> -> memref<1x80x128xf32, #tpu.memory_space<vmem>>
        %dma_start3A_277 = tpu.memref_squeeze %dma_start3A_276 : memref<1x80x128xf32, #tpu.memory_space<vmem>> -> memref<80x128xf32, #tpu.memory_space<vmem>>
        %dma_start3A_278 = arith.constant 0 : i32
        %dma_start3A_279 = tpu.memref_slice %arg6[%mul3A_272, %dma_start3A_278] : memref<10000x128xf32, #tpu.memory_space<vmem_shared>> -> memref<80x128xf32, #tpu.memory_space<vmem_shared>>
        %dma_start3A_280 = arith.constant 0 : i32
        %dma_start3A_281 = tpu.memref_slice %arg6[%mul3A_272, %dma_start3A_280] : memref<10000x128xf32, #tpu.memory_space<vmem_shared>> -> memref<80x128xf32, #tpu.memory_space<vmem_shared>>
        %dma_start3A_282 = arith.constant 0 : i32
        %dma_start3A_283 = arith.constant 0 : i32
        %dma_start3A_284 = tpu.memref_slice %arg10[%run_scoped3A, %dma_start3A_282, %dma_start3A_283] : memref<3x80x128xf32, #tpu.memory_space<vmem>> -> memref<1x80x128xf32, #tpu.memory_space<vmem>>
        %dma_start3A_285 = tpu.memref_squeeze %dma_start3A_284 : memref<1x80x128xf32, #tpu.memory_space<vmem>> -> memref<80x128xf32, #tpu.memory_space<vmem>>
        tpu.enqueue_dma source(%dma_start3A_285 : memref<80x128xf32, #tpu.memory_space<vmem>>) target(%dma_start3A_281 : memref<80x128xf32, #tpu.memory_space<vmem_shared>>) target_semaphore(%run_scoped3A_273 : memref<!tpu.dma_semaphore, #tpu.memory_space<semaphore_mem>>)
        %dma_wait3A_286 = arith.constant 0 : i32
        %dma_wait3A_287 = arith.constant 0 : i32
        %dma_wait3A_288 = tpu.memref_slice %arg10[%run_scoped3A, %dma_wait3A_286, %dma_wait3A_287] : memref<3x80x128xf32, #tpu.memory_space<vmem>> -> memref<1x80x128xf32, #tpu.memory_space<vmem>>
        %dma_wait3A_289 = tpu.memref_squeeze %dma_wait3A_288 : memref<1x80x128xf32, #tpu.memory_space<vmem>> -> memref<80x128xf32, #tpu.memory_space<vmem>>
        %dma_wait3A_290 = arith.constant 0 : i32
        %dma_wait3A_291 = tpu.memref_slice %arg6[%mul3A_272, %dma_wait3A_290] : memref<10000x128xf32, #tpu.memory_space<vmem_shared>> -> memref<80x128xf32, #tpu.memory_space<vmem_shared>>
        %dma_wait3A_292 = arith.constant 0 : i32
        %dma_wait3A_293 = tpu.memref_slice %arg6[%mul3A_272, %dma_wait3A_292] : memref<10000x128xf32, #tpu.memory_space<vmem_shared>> -> memref<80x128xf32, #tpu.memory_space<vmem_shared>>
        %dma_wait3A_294 = arith.constant 0 : i32
        %dma_wait3A_295 = arith.constant 0 : i32
        %dma_wait3A_296 = tpu.memref_slice %arg10[%run_scoped3A, %dma_wait3A_294, %dma_wait3A_295] : memref<3x80x128xf32, #tpu.memory_space<vmem>> -> memref<1x80x128xf32, #tpu.memory_space<vmem>>
        %dma_wait3A_297 = tpu.memref_squeeze %dma_wait3A_296 : memref<1x80x128xf32, #tpu.memory_space<vmem>> -> memref<80x128xf32, #tpu.memory_space<vmem>>
        tpu.wait_dma2 semaphore(%run_scoped3A_273 : memref<!tpu.dma_semaphore, #tpu.memory_space<semaphore_mem>>) src(%dma_wait3A_297 : memref<80x128xf32, #tpu.memory_space<vmem>>) dst(%dma_wait3A_293 : memref<80x128xf32, #tpu.memory_space<vmem_shared>>)
        tpu.yield
      }) : () -> ()
    } else {
    }
    %add3A_35 = arith.constant 64 : i32
    %add3A_36 = arith.addi %arg1, %add3A_35 : i32
    %lt3A_37 = arith.constant 125 : i32
    %lt3A_38 = arith.cmpi slt, %add3A_36, %lt3A_37 : i32
    %convert_element_type3A_39 = arith.extui %lt3A_38 : i1 to i32
    %cond3A_40 = arith.constant 0 : i32
    %cond3A_41 = arith.cmpi ne, %convert_element_type3A_39, %cond3A_40 : i32
    scf.if %cond3A_41 {
      %mul3A_271 = arith.constant 80 : i32
      %mul3A_272 = arith.muli %add3A_36, %mul3A_271 : i32
      %run_scoped3A = arith.constant 0 : i32
      "tpu.region"() ({
        %run_scoped3A_273 = tpu.sem_alloc : memref<!tpu.dma_semaphore, #tpu.memory_space<semaphore_mem>>
        %dma_start3A_274 = arith.constant 0 : i32
        %dma_start3A_275 = arith.constant 0 : i32
        %dma_start3A_276 = tpu.memref_slice %arg10[%run_scoped3A, %dma_start3A_274, %dma_start3A_275] : memref<3x80x128xf32, #tpu.memory_space<vmem>> -> memref<1x80x128xf32, #tpu.memory_space<vmem>>
        %dma_start3A_277 = tpu.memref_squeeze %dma_start3A_276 : memref<1x80x128xf32, #tpu.memory_space<vmem>> -> memref<80x128xf32, #tpu.memory_space<vmem>>
        %dma_start3A_278 = arith.constant 0 : i32
        %dma_start3A_279 = tpu.memref_slice %arg6[%mul3A_272, %dma_start3A_278] : memref<10000x128xf32, #tpu.memory_space<vmem_shared>> -> memref<80x128xf32, #tpu.memory_space<vmem_shared>>
        %dma_start3A_280 = arith.constant 0 : i32
        %dma_start3A_281 = tpu.memref_slice %arg6[%mul3A_272, %dma_start3A_280] : memref<10000x128xf32, #tpu.memory_space<vmem_shared>> -> memref<80x128xf32, #tpu.memory_space<vmem_shared>>
        %dma_start3A_282 = arith.constant 0 : i32
        %dma_start3A_283 = arith.constant 0 : i32
        %dma_start3A_284 = tpu.memref_slice %arg10[%run_scoped3A, %dma_start3A_282, %dma_start3A_283] : memref<3x80x128xf32, #tpu.memory_space<vmem>> -> memref<1x80x128xf32, #tpu.memory_space<vmem>>
        %dma_start3A_285 = tpu.memref_squeeze %dma_start3A_284 : memref<1x80x128xf32, #tpu.memory_space<vmem>> -> memref<80x128xf32, #tpu.memory_space<vmem>>
        tpu.enqueue_dma source(%dma_start3A_285 : memref<80x128xf32, #tpu.memory_space<vmem>>) target(%dma_start3A_281 : memref<80x128xf32, #tpu.memory_space<vmem_shared>>) target_semaphore(%run_scoped3A_273 : memref<!tpu.dma_semaphore, #tpu.memory_space<semaphore_mem>>)
        %dma_wait3A_286 = arith.constant 0 : i32
        %dma_wait3A_287 = arith.constant 0 : i32
        %dma_wait3A_288 = tpu.memref_slice %arg10[%run_scoped3A, %dma_wait3A_286, %dma_wait3A_287] : memref<3x80x128xf32, #tpu.memory_space<vmem>> -> memref<1x80x128xf32, #tpu.memory_space<vmem>>
        %dma_wait3A_289 = tpu.memref_squeeze %dma_wait3A_288 : memref<1x80x128xf32, #tpu.memory_space<vmem>> -> memref<80x128xf32, #tpu.memory_space<vmem>>
        %dma_wait3A_290 = arith.constant 0 : i32
        %dma_wait3A_291 = tpu.memref_slice %arg6[%mul3A_272, %dma_wait3A_290] : memref<10000x128xf32, #tpu.memory_space<vmem_shared>> -> memref<80x128xf32, #tpu.memory_space<vmem_shared>>
        %dma_wait3A_292 = arith.constant 0 : i32
        %dma_wait3A_293 = tpu.memref_slice %arg6[%mul3A_272, %dma_wait3A_292] : memref<10000x128xf32, #tpu.memory_space<vmem_shared>> -> memref<80x128xf32, #tpu.memory_space<vmem_shared>>
        %dma_wait3A_294 = arith.constant 0 : i32
        %dma_wait3A_295 = arith.constant 0 : i32
        %dma_wait3A_296 = tpu.memref_slice %arg10[%run_scoped3A, %dma_wait3A_294, %dma_wait3A_295] : memref<3x80x128xf32, #tpu.memory_space<vmem>> -> memref<1x80x128xf32, #tpu.memory_space<vmem>>
        %dma_wait3A_297 = tpu.memref_squeeze %dma_wait3A_296 : memref<1x80x128xf32, #tpu.memory_space<vmem>> -> memref<80x128xf32, #tpu.memory_space<vmem>>
        tpu.wait_dma2 semaphore(%run_scoped3A_273 : memref<!tpu.dma_semaphore, #tpu.memory_space<semaphore_mem>>) src(%dma_wait3A_297 : memref<80x128xf32, #tpu.memory_space<vmem>>) dst(%dma_wait3A_293 : memref<80x128xf32, #tpu.memory_space<vmem_shared>>)
        tpu.yield
      }) : () -> ()
    } else {
    }
    %add3A_42 = arith.constant 80 : i32
    %add3A_43 = arith.addi %arg1, %add3A_42 : i32
    %lt3A_44 = arith.constant 125 : i32
    %lt3A_45 = arith.cmpi slt, %add3A_43, %lt3A_44 : i32
    %convert_element_type3A_46 = arith.extui %lt3A_45 : i1 to i32
    %cond3A_47 = arith.constant 0 : i32
    %cond3A_48 = arith.cmpi ne, %convert_element_type3A_46, %cond3A_47 : i32
    scf.if %cond3A_48 {
      %mul3A_271 = arith.constant 80 : i32
      %mul3A_272 = arith.muli %add3A_43, %mul3A_271 : i32
      %run_scoped3A = arith.constant 0 : i32
      "tpu.region"() ({
        %run_scoped3A_273 = tpu.sem_alloc : memref<!tpu.dma_semaphore, #tpu.memory_space<semaphore_mem>>
        %dma_start3A_274 = arith.constant 0 : i32
        %dma_start3A_275 = arith.constant 0 : i32
        %dma_start3A_276 = tpu.memref_slice %arg10[%run_scoped3A, %dma_start3A_274, %dma_start3A_275] : memref<3x80x128xf32, #tpu.memory_space<vmem>> -> memref<1x80x128xf32, #tpu.memory_space<vmem>>
        %dma_start3A_277 = tpu.memref_squeeze %dma_start3A_276 : memref<1x80x128xf32, #tpu.memory_space<vmem>> -> memref<80x128xf32, #tpu.memory_space<vmem>>
        %dma_start3A_278 = arith.constant 0 : i32
        %dma_start3A_279 = tpu.memref_slice %arg6[%mul3A_272, %dma_start3A_278] : memref<10000x128xf32, #tpu.memory_space<vmem_shared>> -> memref<80x128xf32, #tpu.memory_space<vmem_shared>>
        %dma_start3A_280 = arith.constant 0 : i32
        %dma_start3A_281 = tpu.memref_slice %arg6[%mul3A_272, %dma_start3A_280] : memref<10000x128xf32, #tpu.memory_space<vmem_shared>> -> memref<80x128xf32, #tpu.memory_space<vmem_shared>>
        %dma_start3A_282 = arith.constant 0 : i32
        %dma_start3A_283 = arith.constant 0 : i32
        %dma_start3A_284 = tpu.memref_slice %arg10[%run_scoped3A, %dma_start3A_282, %dma_start3A_283] : memref<3x80x128xf32, #tpu.memory_space<vmem>> -> memref<1x80x128xf32, #tpu.memory_space<vmem>>
        %dma_start3A_285 = tpu.memref_squeeze %dma_start3A_284 : memref<1x80x128xf32, #tpu.memory_space<vmem>> -> memref<80x128xf32, #tpu.memory_space<vmem>>
        tpu.enqueue_dma source(%dma_start3A_285 : memref<80x128xf32, #tpu.memory_space<vmem>>) target(%dma_start3A_281 : memref<80x128xf32, #tpu.memory_space<vmem_shared>>) target_semaphore(%run_scoped3A_273 : memref<!tpu.dma_semaphore, #tpu.memory_space<semaphore_mem>>)
        %dma_wait3A_286 = arith.constant 0 : i32
        %dma_wait3A_287 = arith.constant 0 : i32
        %dma_wait3A_288 = tpu.memref_slice %arg10[%run_scoped3A, %dma_wait3A_286, %dma_wait3A_287] : memref<3x80x128xf32, #tpu.memory_space<vmem>> -> memref<1x80x128xf32, #tpu.memory_space<vmem>>
        %dma_wait3A_289 = tpu.memref_squeeze %dma_wait3A_288 : memref<1x80x128xf32, #tpu.memory_space<vmem>> -> memref<80x128xf32, #tpu.memory_space<vmem>>
        %dma_wait3A_290 = arith.constant 0 : i32
        %dma_wait3A_291 = tpu.memref_slice %arg6[%mul3A_272, %dma_wait3A_290] : memref<10000x128xf32, #tpu.memory_space<vmem_shared>> -> memref<80x128xf32, #tpu.memory_space<vmem_shared>>
        %dma_wait3A_292 = arith.constant 0 : i32
        %dma_wait3A_293 = tpu.memref_slice %arg6[%mul3A_272, %dma_wait3A_292] : memref<10000x128xf32, #tpu.memory_space<vmem_shared>> -> memref<80x128xf32, #tpu.memory_space<vmem_shared>>
        %dma_wait3A_294 = arith.constant 0 : i32
        %dma_wait3A_295 = arith.constant 0 : i32
        %dma_wait3A_296 = tpu.memref_slice %arg10[%run_scoped3A, %dma_wait3A_294, %dma_wait3A_295] : memref<3x80x128xf32, #tpu.memory_space<vmem>> -> memref<1x80x128xf32, #tpu.memory_space<vmem>>
        %dma_wait3A_297 = tpu.memref_squeeze %dma_wait3A_296 : memref<1x80x128xf32, #tpu.memory_space<vmem>> -> memref<80x128xf32, #tpu.memory_space<vmem>>
        tpu.wait_dma2 semaphore(%run_scoped3A_273 : memref<!tpu.dma_semaphore, #tpu.memory_space<semaphore_mem>>) src(%dma_wait3A_297 : memref<80x128xf32, #tpu.memory_space<vmem>>) dst(%dma_wait3A_293 : memref<80x128xf32, #tpu.memory_space<vmem_shared>>)
        tpu.yield
      }) : () -> ()
    } else {
    }
    %add3A_49 = arith.constant 96 : i32
    %add3A_50 = arith.addi %arg1, %add3A_49 : i32
    %lt3A_51 = arith.constant 125 : i32
    %lt3A_52 = arith.cmpi slt, %add3A_50, %lt3A_51 : i32
    %convert_element_type3A_53 = arith.extui %lt3A_52 : i1 to i32
    %cond3A_54 = arith.constant 0 : i32
    %cond3A_55 = arith.cmpi ne, %convert_element_type3A_53, %cond3A_54 : i32
    scf.if %cond3A_55 {
      %mul3A_271 = arith.constant 80 : i32
      %mul3A_272 = arith.muli %add3A_50, %mul3A_271 : i32
      %run_scoped3A = arith.constant 0 : i32
      "tpu.region"() ({
        %run_scoped3A_273 = tpu.sem_alloc : memref<!tpu.dma_semaphore, #tpu.memory_space<semaphore_mem>>
        %dma_start3A_274 = arith.constant 0 : i32
        %dma_start3A_275 = arith.constant 0 : i32
        %dma_start3A_276 = tpu.memref_slice %arg10[%run_scoped3A, %dma_start3A_274, %dma_start3A_275] : memref<3x80x128xf32, #tpu.memory_space<vmem>> -> memref<1x80x128xf32, #tpu.memory_space<vmem>>
        %dma_start3A_277 = tpu.memref_squeeze %dma_start3A_276 : memref<1x80x128xf32, #tpu.memory_space<vmem>> -> memref<80x128xf32, #tpu.memory_space<vmem>>
        %dma_start3A_278 = arith.constant 0 : i32
        %dma_start3A_279 = tpu.memref_slice %arg6[%mul3A_272, %dma_start3A_278] : memref<10000x128xf32, #tpu.memory_space<vmem_shared>> -> memref<80x128xf32, #tpu.memory_space<vmem_shared>>
        %dma_start3A_280 = arith.constant 0 : i32
        %dma_start3A_281 = tpu.memref_slice %arg6[%mul3A_272, %dma_start3A_280] : memref<10000x128xf32, #tpu.memory_space<vmem_shared>> -> memref<80x128xf32, #tpu.memory_space<vmem_shared>>
        %dma_start3A_282 = arith.constant 0 : i32
        %dma_start3A_283 = arith.constant 0 : i32
        %dma_start3A_284 = tpu.memref_slice %arg10[%run_scoped3A, %dma_start3A_282, %dma_start3A_283] : memref<3x80x128xf32, #tpu.memory_space<vmem>> -> memref<1x80x128xf32, #tpu.memory_space<vmem>>
        %dma_start3A_285 = tpu.memref_squeeze %dma_start3A_284 : memref<1x80x128xf32, #tpu.memory_space<vmem>> -> memref<80x128xf32, #tpu.memory_space<vmem>>
        tpu.enqueue_dma source(%dma_start3A_285 : memref<80x128xf32, #tpu.memory_space<vmem>>) target(%dma_start3A_281 : memref<80x128xf32, #tpu.memory_space<vmem_shared>>) target_semaphore(%run_scoped3A_273 : memref<!tpu.dma_semaphore, #tpu.memory_space<semaphore_mem>>)
        %dma_wait3A_286 = arith.constant 0 : i32
        %dma_wait3A_287 = arith.constant 0 : i32
        %dma_wait3A_288 = tpu.memref_slice %arg10[%run_scoped3A, %dma_wait3A_286, %dma_wait3A_287] : memref<3x80x128xf32, #tpu.memory_space<vmem>> -> memref<1x80x128xf32, #tpu.memory_space<vmem>>
        %dma_wait3A_289 = tpu.memref_squeeze %dma_wait3A_288 : memref<1x80x128xf32, #tpu.memory_space<vmem>> -> memref<80x128xf32, #tpu.memory_space<vmem>>
        %dma_wait3A_290 = arith.constant 0 : i32
        %dma_wait3A_291 = tpu.memref_slice %arg6[%mul3A_272, %dma_wait3A_290] : memref<10000x128xf32, #tpu.memory_space<vmem_shared>> -> memref<80x128xf32, #tpu.memory_space<vmem_shared>>
        %dma_wait3A_292 = arith.constant 0 : i32
        %dma_wait3A_293 = tpu.memref_slice %arg6[%mul3A_272, %dma_wait3A_292] : memref<10000x128xf32, #tpu.memory_space<vmem_shared>> -> memref<80x128xf32, #tpu.memory_space<vmem_shared>>
        %dma_wait3A_294 = arith.constant 0 : i32
        %dma_wait3A_295 = arith.constant 0 : i32
        %dma_wait3A_296 = tpu.memref_slice %arg10[%run_scoped3A, %dma_wait3A_294, %dma_wait3A_295] : memref<3x80x128xf32, #tpu.memory_space<vmem>> -> memref<1x80x128xf32, #tpu.memory_space<vmem>>
        %dma_wait3A_297 = tpu.memref_squeeze %dma_wait3A_296 : memref<1x80x128xf32, #tpu.memory_space<vmem>> -> memref<80x128xf32, #tpu.memory_space<vmem>>
        tpu.wait_dma2 semaphore(%run_scoped3A_273 : memref<!tpu.dma_semaphore, #tpu.memory_space<semaphore_mem>>) src(%dma_wait3A_297 : memref<80x128xf32, #tpu.memory_space<vmem>>) dst(%dma_wait3A_293 : memref<80x128xf32, #tpu.memory_space<vmem_shared>>)
        tpu.yield
      }) : () -> ()
    } else {
    }
    %add3A_56 = arith.constant 112 : i32
    %add3A_57 = arith.addi %arg1, %add3A_56 : i32
    %lt3A_58 = arith.constant 125 : i32
    %lt3A_59 = arith.cmpi slt, %add3A_57, %lt3A_58 : i32
    %convert_element_type3A_60 = arith.extui %lt3A_59 : i1 to i32
    %cond3A_61 = arith.constant 0 : i32
    %cond3A_62 = arith.cmpi ne, %convert_element_type3A_60, %cond3A_61 : i32
    scf.if %cond3A_62 {
      %mul3A_271 = arith.constant 80 : i32
      %mul3A_272 = arith.muli %add3A_57, %mul3A_271 : i32
      %run_scoped3A = arith.constant 0 : i32
      "tpu.region"() ({
        %run_scoped3A_273 = tpu.sem_alloc : memref<!tpu.dma_semaphore, #tpu.memory_space<semaphore_mem>>
        %dma_start3A_274 = arith.constant 0 : i32
        %dma_start3A_275 = arith.constant 0 : i32
        %dma_start3A_276 = tpu.memref_slice %arg10[%run_scoped3A, %dma_start3A_274, %dma_start3A_275] : memref<3x80x128xf32, #tpu.memory_space<vmem>> -> memref<1x80x128xf32, #tpu.memory_space<vmem>>
        %dma_start3A_277 = tpu.memref_squeeze %dma_start3A_276 : memref<1x80x128xf32, #tpu.memory_space<vmem>> -> memref<80x128xf32, #tpu.memory_space<vmem>>
        %dma_start3A_278 = arith.constant 0 : i32
        %dma_start3A_279 = tpu.memref_slice %arg6[%mul3A_272, %dma_start3A_278] : memref<10000x128xf32, #tpu.memory_space<vmem_shared>> -> memref<80x128xf32, #tpu.memory_space<vmem_shared>>
        %dma_start3A_280 = arith.constant 0 : i32
        %dma_start3A_281 = tpu.memref_slice %arg6[%mul3A_272, %dma_start3A_280] : memref<10000x128xf32, #tpu.memory_space<vmem_shared>> -> memref<80x128xf32, #tpu.memory_space<vmem_shared>>
        %dma_start3A_282 = arith.constant 0 : i32
        %dma_start3A_283 = arith.constant 0 : i32
        %dma_start3A_284 = tpu.memref_slice %arg10[%run_scoped3A, %dma_start3A_282, %dma_start3A_283] : memref<3x80x128xf32, #tpu.memory_space<vmem>> -> memref<1x80x128xf32, #tpu.memory_space<vmem>>
        %dma_start3A_285 = tpu.memref_squeeze %dma_start3A_284 : memref<1x80x128xf32, #tpu.memory_space<vmem>> -> memref<80x128xf32, #tpu.memory_space<vmem>>
        tpu.enqueue_dma source(%dma_start3A_285 : memref<80x128xf32, #tpu.memory_space<vmem>>) target(%dma_start3A_281 : memref<80x128xf32, #tpu.memory_space<vmem_shared>>) target_semaphore(%run_scoped3A_273 : memref<!tpu.dma_semaphore, #tpu.memory_space<semaphore_mem>>)
        %dma_wait3A_286 = arith.constant 0 : i32
        %dma_wait3A_287 = arith.constant 0 : i32
        %dma_wait3A_288 = tpu.memref_slice %arg10[%run_scoped3A, %dma_wait3A_286, %dma_wait3A_287] : memref<3x80x128xf32, #tpu.memory_space<vmem>> -> memref<1x80x128xf32, #tpu.memory_space<vmem>>
        %dma_wait3A_289 = tpu.memref_squeeze %dma_wait3A_288 : memref<1x80x128xf32, #tpu.memory_space<vmem>> -> memref<80x128xf32, #tpu.memory_space<vmem>>
        %dma_wait3A_290 = arith.constant 0 : i32
        %dma_wait3A_291 = tpu.memref_slice %arg6[%mul3A_272, %dma_wait3A_290] : memref<10000x128xf32, #tpu.memory_space<vmem_shared>> -> memref<80x128xf32, #tpu.memory_space<vmem_shared>>
        %dma_wait3A_292 = arith.constant 0 : i32
        %dma_wait3A_293 = tpu.memref_slice %arg6[%mul3A_272, %dma_wait3A_292] : memref<10000x128xf32, #tpu.memory_space<vmem_shared>> -> memref<80x128xf32, #tpu.memory_space<vmem_shared>>
        %dma_wait3A_294 = arith.constant 0 : i32
        %dma_wait3A_295 = arith.constant 0 : i32
        %dma_wait3A_296 = tpu.memref_slice %arg10[%run_scoped3A, %dma_wait3A_294, %dma_wait3A_295] : memref<3x80x128xf32, #tpu.memory_space<vmem>> -> memref<1x80x128xf32, #tpu.memory_space<vmem>>
        %dma_wait3A_297 = tpu.memref_squeeze %dma_wait3A_296 : memref<1x80x128xf32, #tpu.memory_space<vmem>> -> memref<80x128xf32, #tpu.memory_space<vmem>>
        tpu.wait_dma2 semaphore(%run_scoped3A_273 : memref<!tpu.dma_semaphore, #tpu.memory_space<semaphore_mem>>) src(%dma_wait3A_297 : memref<80x128xf32, #tpu.memory_space<vmem>>) dst(%dma_wait3A_293 : memref<80x128xf32, #tpu.memory_space<vmem_shared>>)
        tpu.yield
      }) : () -> ()
    } else {
    }
    %barrier3A = arith.constant 0 : index
    tpu.barrier barrier_id(%barrier3A)
    %add3A_63 = arith.constant 0 : i32
    %add3A_64 = arith.addi %mul3A_2, %add3A_63 : i32
    %dma_start3A = arith.constant 0 : i32
    %dma_start3A_65 = arith.constant 0 : i32
    %dma_start3A_66 = tpu.memref_slice %arg7[%dma_start3A, %dma_start3A_65] : memref<3x80xi32, #tpu.memory_space<vmem>> -> memref<1x80xi32, #tpu.memory_space<vmem>>
    %dma_start3A_67 = tpu.memref_squeeze %dma_start3A_66 : memref<1x80xi32, #tpu.memory_space<vmem>> -> memref<80xi32, #tpu.memory_space<vmem>>
    %dma_start3A_68 = tpu.memref_slice %arg3[%add3A_64] : memref<320000xi32, #tpu.memory_space<hbm>> -> memref<80xi32, #tpu.memory_space<hbm>>
    %dma_start3A_69 = arith.constant 0 : i32
    %dma_start3A_70 = tpu.memref_slice %arg7[%dma_start3A, %dma_start3A_69] : memref<3x80xi32, #tpu.memory_space<vmem>> -> memref<1x80xi32, #tpu.memory_space<vmem>>
    %dma_start3A_71 = tpu.memref_squeeze %dma_start3A_70 : memref<1x80xi32, #tpu.memory_space<vmem>> -> memref<80xi32, #tpu.memory_space<vmem>>
    %dma_start3A_72 = tpu.memref_slice %arg3[%add3A_64] : memref<320000xi32, #tpu.memory_space<hbm>> -> memref<80xi32, #tpu.memory_space<hbm>>
    tpu.enqueue_dma source(%dma_start3A_72 : memref<80xi32, #tpu.memory_space<hbm>>) target(%dma_start3A_71 : memref<80xi32, #tpu.memory_space<vmem>>) target_semaphore(%arg11 : memref<!tpu.dma_semaphore, #tpu.memory_space<semaphore_mem>>)
    %add3A_73 = arith.constant 0 : i32
    %add3A_74 = arith.addi %mul3A_2, %add3A_73 : i32
    %dma_start3A_75 = arith.constant 0 : i32
    %dma_start3A_76 = arith.constant 0 : i32
    %dma_start3A_77 = tpu.memref_slice %arg8[%dma_start3A_75, %dma_start3A_76] : memref<3x80xi32, #tpu.memory_space<vmem>> -> memref<1x80xi32, #tpu.memory_space<vmem>>
    %dma_start3A_78 = tpu.memref_squeeze %dma_start3A_77 : memref<1x80xi32, #tpu.memory_space<vmem>> -> memref<80xi32, #tpu.memory_space<vmem>>
    %dma_start3A_79 = tpu.memref_slice %arg4[%add3A_74] : memref<320000xi32, #tpu.memory_space<hbm>> -> memref<80xi32, #tpu.memory_space<hbm>>
    %dma_start3A_80 = arith.constant 0 : i32
    %dma_start3A_81 = tpu.memref_slice %arg8[%dma_start3A_75, %dma_start3A_80] : memref<3x80xi32, #tpu.memory_space<vmem>> -> memref<1x80xi32, #tpu.memory_space<vmem>>
    %dma_start3A_82 = tpu.memref_squeeze %dma_start3A_81 : memref<1x80xi32, #tpu.memory_space<vmem>> -> memref<80xi32, #tpu.memory_space<vmem>>
    %dma_start3A_83 = tpu.memref_slice %arg4[%add3A_74] : memref<320000xi32, #tpu.memory_space<hbm>> -> memref<80xi32, #tpu.memory_space<hbm>>
    tpu.enqueue_dma source(%dma_start3A_83 : memref<80xi32, #tpu.memory_space<hbm>>) target(%dma_start3A_82 : memref<80xi32, #tpu.memory_space<vmem>>) target_semaphore(%arg11 : memref<!tpu.dma_semaphore, #tpu.memory_space<semaphore_mem>>)
    %add3A_84 = arith.constant 80 : i32
    %add3A_85 = arith.addi %mul3A_2, %add3A_84 : i32
    %dma_start3A_86 = arith.constant 1 : i32
    %dma_start3A_87 = arith.constant 0 : i32
    %dma_start3A_88 = tpu.memref_slice %arg7[%dma_start3A_86, %dma_start3A_87] : memref<3x80xi32, #tpu.memory_space<vmem>> -> memref<1x80xi32, #tpu.memory_space<vmem>>
    %dma_start3A_89 = tpu.memref_squeeze %dma_start3A_88 : memref<1x80xi32, #tpu.memory_space<vmem>> -> memref<80xi32, #tpu.memory_space<vmem>>
    %dma_start3A_90 = tpu.memref_slice %arg3[%add3A_85] : memref<320000xi32, #tpu.memory_space<hbm>> -> memref<80xi32, #tpu.memory_space<hbm>>
    %dma_start3A_91 = arith.constant 0 : i32
    %dma_start3A_92 = tpu.memref_slice %arg7[%dma_start3A_86, %dma_start3A_91] : memref<3x80xi32, #tpu.memory_space<vmem>> -> memref<1x80xi32, #tpu.memory_space<vmem>>
    %dma_start3A_93 = tpu.memref_squeeze %dma_start3A_92 : memref<1x80xi32, #tpu.memory_space<vmem>> -> memref<80xi32, #tpu.memory_space<vmem>>
    %dma_start3A_94 = tpu.memref_slice %arg3[%add3A_85] : memref<320000xi32, #tpu.memory_space<hbm>> -> memref<80xi32, #tpu.memory_space<hbm>>
    tpu.enqueue_dma source(%dma_start3A_94 : memref<80xi32, #tpu.memory_space<hbm>>) target(%dma_start3A_93 : memref<80xi32, #tpu.memory_space<vmem>>) target_semaphore(%arg11 : memref<!tpu.dma_semaphore, #tpu.memory_space<semaphore_mem>>)
    %add3A_95 = arith.constant 80 : i32
    %add3A_96 = arith.addi %mul3A_2, %add3A_95 : i32
    %dma_start3A_97 = arith.constant 1 : i32
    %dma_start3A_98 = arith.constant 0 : i32
    %dma_start3A_99 = tpu.memref_slice %arg8[%dma_start3A_97, %dma_start3A_98] : memref<3x80xi32, #tpu.memory_space<vmem>> -> memref<1x80xi32, #tpu.memory_space<vmem>>
    %dma_start3A_100 = tpu.memref_squeeze %dma_start3A_99 : memref<1x80xi32, #tpu.memory_space<vmem>> -> memref<80xi32, #tpu.memory_space<vmem>>
    %dma_start3A_101 = tpu.memref_slice %arg4[%add3A_96] : memref<320000xi32, #tpu.memory_space<hbm>> -> memref<80xi32, #tpu.memory_space<hbm>>
    %dma_start3A_102 = arith.constant 0 : i32
    %dma_start3A_103 = tpu.memref_slice %arg8[%dma_start3A_97, %dma_start3A_102] : memref<3x80xi32, #tpu.memory_space<vmem>> -> memref<1x80xi32, #tpu.memory_space<vmem>>
    %dma_start3A_104 = tpu.memref_squeeze %dma_start3A_103 : memref<1x80xi32, #tpu.memory_space<vmem>> -> memref<80xi32, #tpu.memory_space<vmem>>
    %dma_start3A_105 = tpu.memref_slice %arg4[%add3A_96] : memref<320000xi32, #tpu.memory_space<hbm>> -> memref<80xi32, #tpu.memory_space<hbm>>
    tpu.enqueue_dma source(%dma_start3A_105 : memref<80xi32, #tpu.memory_space<hbm>>) target(%dma_start3A_104 : memref<80xi32, #tpu.memory_space<vmem>>) target_semaphore(%arg11 : memref<!tpu.dma_semaphore, #tpu.memory_space<semaphore_mem>>)
    %add3A_106 = arith.constant 160 : i32
    %add3A_107 = arith.addi %mul3A_2, %add3A_106 : i32
    %dma_start3A_108 = arith.constant 2 : i32
    %dma_start3A_109 = arith.constant 0 : i32
    %dma_start3A_110 = tpu.memref_slice %arg7[%dma_start3A_108, %dma_start3A_109] : memref<3x80xi32, #tpu.memory_space<vmem>> -> memref<1x80xi32, #tpu.memory_space<vmem>>
    %dma_start3A_111 = tpu.memref_squeeze %dma_start3A_110 : memref<1x80xi32, #tpu.memory_space<vmem>> -> memref<80xi32, #tpu.memory_space<vmem>>
    %dma_start3A_112 = tpu.memref_slice %arg3[%add3A_107] : memref<320000xi32, #tpu.memory_space<hbm>> -> memref<80xi32, #tpu.memory_space<hbm>>
    %dma_start3A_113 = arith.constant 0 : i32
    %dma_start3A_114 = tpu.memref_slice %arg7[%dma_start3A_108, %dma_start3A_113] : memref<3x80xi32, #tpu.memory_space<vmem>> -> memref<1x80xi32, #tpu.memory_space<vmem>>
    %dma_start3A_115 = tpu.memref_squeeze %dma_start3A_114 : memref<1x80xi32, #tpu.memory_space<vmem>> -> memref<80xi32, #tpu.memory_space<vmem>>
    %dma_start3A_116 = tpu.memref_slice %arg3[%add3A_107] : memref<320000xi32, #tpu.memory_space<hbm>> -> memref<80xi32, #tpu.memory_space<hbm>>
    tpu.enqueue_dma source(%dma_start3A_116 : memref<80xi32, #tpu.memory_space<hbm>>) target(%dma_start3A_115 : memref<80xi32, #tpu.memory_space<vmem>>) target_semaphore(%arg11 : memref<!tpu.dma_semaphore, #tpu.memory_space<semaphore_mem>>)
    %add3A_117 = arith.constant 160 : i32
    %add3A_118 = arith.addi %mul3A_2, %add3A_117 : i32
    %dma_start3A_119 = arith.constant 2 : i32
    %dma_start3A_120 = arith.constant 0 : i32
    %dma_start3A_121 = tpu.memref_slice %arg8[%dma_start3A_119, %dma_start3A_120] : memref<3x80xi32, #tpu.memory_space<vmem>> -> memref<1x80xi32, #tpu.memory_space<vmem>>
    %dma_start3A_122 = tpu.memref_squeeze %dma_start3A_121 : memref<1x80xi32, #tpu.memory_space<vmem>> -> memref<80xi32, #tpu.memory_space<vmem>>
    %dma_start3A_123 = tpu.memref_slice %arg4[%add3A_118] : memref<320000xi32, #tpu.memory_space<hbm>> -> memref<80xi32, #tpu.memory_space<hbm>>
    %dma_start3A_124 = arith.constant 0 : i32
    %dma_start3A_125 = tpu.memref_slice %arg8[%dma_start3A_119, %dma_start3A_124] : memref<3x80xi32, #tpu.memory_space<vmem>> -> memref<1x80xi32, #tpu.memory_space<vmem>>
    %dma_start3A_126 = tpu.memref_squeeze %dma_start3A_125 : memref<1x80xi32, #tpu.memory_space<vmem>> -> memref<80xi32, #tpu.memory_space<vmem>>
    %dma_start3A_127 = tpu.memref_slice %arg4[%add3A_118] : memref<320000xi32, #tpu.memory_space<hbm>> -> memref<80xi32, #tpu.memory_space<hbm>>
    tpu.enqueue_dma source(%dma_start3A_127 : memref<80xi32, #tpu.memory_space<hbm>>) target(%dma_start3A_126 : memref<80xi32, #tpu.memory_space<vmem>>) target_semaphore(%arg11 : memref<!tpu.dma_semaphore, #tpu.memory_space<semaphore_mem>>)
    %add3A_128 = arith.constant 0 : i32
    %add3A_129 = arith.addi %mul3A_2, %add3A_128 : i32
    %dma_wait3A = arith.constant 0 : i32
    %dma_wait3A_130 = arith.constant 0 : i32
    %dma_wait3A_131 = tpu.memref_slice %arg7[%dma_wait3A, %dma_wait3A_130] : memref<3x80xi32, #tpu.memory_space<vmem>> -> memref<1x80xi32, #tpu.memory_space<vmem>>
    %dma_wait3A_132 = tpu.memref_squeeze %dma_wait3A_131 : memref<1x80xi32, #tpu.memory_space<vmem>> -> memref<80xi32, #tpu.memory_space<vmem>>
    %dma_wait3A_133 = tpu.memref_slice %arg3[%add3A_129] : memref<320000xi32, #tpu.memory_space<hbm>> -> memref<80xi32, #tpu.memory_space<hbm>>
    %dma_wait3A_134 = arith.constant 0 : i32
    %dma_wait3A_135 = tpu.memref_slice %arg7[%dma_wait3A, %dma_wait3A_134] : memref<3x80xi32, #tpu.memory_space<vmem>> -> memref<1x80xi32, #tpu.memory_space<vmem>>
    %dma_wait3A_136 = tpu.memref_squeeze %dma_wait3A_135 : memref<1x80xi32, #tpu.memory_space<vmem>> -> memref<80xi32, #tpu.memory_space<vmem>>
    %dma_wait3A_137 = tpu.memref_slice %arg3[%add3A_129] : memref<320000xi32, #tpu.memory_space<hbm>> -> memref<80xi32, #tpu.memory_space<hbm>>
    tpu.wait_dma2 semaphore(%arg11 : memref<!tpu.dma_semaphore, #tpu.memory_space<semaphore_mem>>) src(%dma_wait3A_137 : memref<80xi32, #tpu.memory_space<hbm>>) dst(%dma_wait3A_136 : memref<80xi32, #tpu.memory_space<vmem>>)
    %add3A_138 = arith.constant 0 : i32
    %add3A_139 = arith.addi %mul3A_2, %add3A_138 : i32
    %dma_wait3A_140 = arith.constant 0 : i32
    %dma_wait3A_141 = arith.constant 0 : i32
    %dma_wait3A_142 = tpu.memref_slice %arg8[%dma_wait3A_140, %dma_wait3A_141] : memref<3x80xi32, #tpu.memory_space<vmem>> -> memref<1x80xi32, #tpu.memory_space<vmem>>
    %dma_wait3A_143 = tpu.memref_squeeze %dma_wait3A_142 : memref<1x80xi32, #tpu.memory_space<vmem>> -> memref<80xi32, #tpu.memory_space<vmem>>
    %dma_wait3A_144 = tpu.memref_slice %arg4[%add3A_139] : memref<320000xi32, #tpu.memory_space<hbm>> -> memref<80xi32, #tpu.memory_space<hbm>>
    %dma_wait3A_145 = arith.constant 0 : i32
    %dma_wait3A_146 = tpu.memref_slice %arg8[%dma_wait3A_140, %dma_wait3A_145] : memref<3x80xi32, #tpu.memory_space<vmem>> -> memref<1x80xi32, #tpu.memory_space<vmem>>
    %dma_wait3A_147 = tpu.memref_squeeze %dma_wait3A_146 : memref<1x80xi32, #tpu.memory_space<vmem>> -> memref<80xi32, #tpu.memory_space<vmem>>
    %dma_wait3A_148 = tpu.memref_slice %arg4[%add3A_139] : memref<320000xi32, #tpu.memory_space<hbm>> -> memref<80xi32, #tpu.memory_space<hbm>>
    tpu.wait_dma2 semaphore(%arg11 : memref<!tpu.dma_semaphore, #tpu.memory_space<semaphore_mem>>) src(%dma_wait3A_148 : memref<80xi32, #tpu.memory_space<hbm>>) dst(%dma_wait3A_147 : memref<80xi32, #tpu.memory_space<vmem>>)
    %dma_start3A_149 = arith.constant 0 : i32
    %dma_start3A_150 = arith.constant 0 : i32
    %dma_start3A_151 = arith.constant 0 : i32
    %dma_start3A_152 = arith.constant 0 : i32
    %dma_start3A_153 = tpu.memref_slice %arg10[%dma_start3A_150, %dma_start3A_151, %dma_start3A_152] : memref<3x80x128xf32, #tpu.memory_space<vmem>> -> memref<1x80x128xf32, #tpu.memory_space<vmem>>
    %dma_start3A_154 = tpu.memref_squeeze %dma_start3A_153 : memref<1x80x128xf32, #tpu.memory_space<vmem>> -> memref<80x128xf32, #tpu.memory_space<vmem>>
    %dma_start3A_155 = arith.constant 0 : i32
    %dma_start3A_156 = tpu.memref_slice %arg7[%dma_start3A_149, %dma_start3A_155] : memref<3x80xi32, #tpu.memory_space<vmem>> -> memref<1x80xi32, #tpu.memory_space<vmem>>
    %dma_start3A_157 = tpu.memref_squeeze %dma_start3A_156 : memref<1x80xi32, #tpu.memory_space<vmem>> -> memref<80xi32, #tpu.memory_space<vmem>>
    %dma_start3A_158 = arith.constant 0 : i32
    %dma_start3A_159 = arith.constant 0 : i32
    %dma_start3A_160 = tpu.memref_slice %arg2[%dma_start3A_158, %dma_start3A_159] : memref<10000x128xf32, #tpu.memory_space<hbm>> -> memref<10000x128xf32, #tpu.memory_space<hbm>>
    tpu.enqueue_indirect_dma source(%dma_start3A_160 : memref<10000x128xf32, #tpu.memory_space<hbm>>) target(%dma_start3A_154 : memref<80x128xf32, #tpu.memory_space<vmem>>) offsets(%dma_start3A_157 : memref<80xi32, #tpu.memory_space<vmem>>) semaphore(%arg12 : memref<!tpu.dma_semaphore, #tpu.memory_space<semaphore_mem>>)
    %add3A_161 = arith.constant 80 : i32
    %add3A_162 = arith.addi %mul3A_2, %add3A_161 : i32
    %dma_wait3A_163 = arith.constant 1 : i32
    %dma_wait3A_164 = arith.constant 0 : i32
    %dma_wait3A_165 = tpu.memref_slice %arg7[%dma_wait3A_163, %dma_wait3A_164] : memref<3x80xi32, #tpu.memory_space<vmem>> -> memref<1x80xi32, #tpu.memory_space<vmem>>
    %dma_wait3A_166 = tpu.memref_squeeze %dma_wait3A_165 : memref<1x80xi32, #tpu.memory_space<vmem>> -> memref<80xi32, #tpu.memory_space<vmem>>
    %dma_wait3A_167 = tpu.memref_slice %arg3[%add3A_162] : memref<320000xi32, #tpu.memory_space<hbm>> -> memref<80xi32, #tpu.memory_space<hbm>>
    %dma_wait3A_168 = arith.constant 0 : i32
    %dma_wait3A_169 = tpu.memref_slice %arg7[%dma_wait3A_163, %dma_wait3A_168] : memref<3x80xi32, #tpu.memory_space<vmem>> -> memref<1x80xi32, #tpu.memory_space<vmem>>
    %dma_wait3A_170 = tpu.memref_squeeze %dma_wait3A_169 : memref<1x80xi32, #tpu.memory_space<vmem>> -> memref<80xi32, #tpu.memory_space<vmem>>
    %dma_wait3A_171 = tpu.memref_slice %arg3[%add3A_162] : memref<320000xi32, #tpu.memory_space<hbm>> -> memref<80xi32, #tpu.memory_space<hbm>>
    tpu.wait_dma2 semaphore(%arg11 : memref<!tpu.dma_semaphore, #tpu.memory_space<semaphore_mem>>) src(%dma_wait3A_171 : memref<80xi32, #tpu.memory_space<hbm>>) dst(%dma_wait3A_170 : memref<80xi32, #tpu.memory_space<vmem>>)
    %add3A_172 = arith.constant 80 : i32
    %add3A_173 = arith.addi %mul3A_2, %add3A_172 : i32
    %dma_wait3A_174 = arith.constant 1 : i32
    %dma_wait3A_175 = arith.constant 0 : i32
    %dma_wait3A_176 = tpu.memref_slice %arg8[%dma_wait3A_174, %dma_wait3A_175] : memref<3x80xi32, #tpu.memory_space<vmem>> -> memref<1x80xi32, #tpu.memory_space<vmem>>
    %dma_wait3A_177 = tpu.memref_squeeze %dma_wait3A_176 : memref<1x80xi32, #tpu.memory_space<vmem>> -> memref<80xi32, #tpu.memory_space<vmem>>
    %dma_wait3A_178 = tpu.memref_slice %arg4[%add3A_173] : memref<320000xi32, #tpu.memory_space<hbm>> -> memref<80xi32, #tpu.memory_space<hbm>>
    %dma_wait3A_179 = arith.constant 0 : i32
    %dma_wait3A_180 = tpu.memref_slice %arg8[%dma_wait3A_174, %dma_wait3A_179] : memref<3x80xi32, #tpu.memory_space<vmem>> -> memref<1x80xi32, #tpu.memory_space<vmem>>
    %dma_wait3A_181 = tpu.memref_squeeze %dma_wait3A_180 : memref<1x80xi32, #tpu.memory_space<vmem>> -> memref<80xi32, #tpu.memory_space<vmem>>
    %dma_wait3A_182 = tpu.memref_slice %arg4[%add3A_173] : memref<320000xi32, #tpu.memory_space<hbm>> -> memref<80xi32, #tpu.memory_space<hbm>>
    tpu.wait_dma2 semaphore(%arg11 : memref<!tpu.dma_semaphore, #tpu.memory_space<semaphore_mem>>) src(%dma_wait3A_182 : memref<80xi32, #tpu.memory_space<hbm>>) dst(%dma_wait3A_181 : memref<80xi32, #tpu.memory_space<vmem>>)
    %dma_start3A_183 = arith.constant 1 : i32
    %dma_start3A_184 = arith.constant 1 : i32
    %dma_start3A_185 = arith.constant 0 : i32
    %dma_start3A_186 = arith.constant 0 : i32
    %dma_start3A_187 = tpu.memref_slice %arg10[%dma_start3A_184, %dma_start3A_185, %dma_start3A_186] : memref<3x80x128xf32, #tpu.memory_space<vmem>> -> memref<1x80x128xf32, #tpu.memory_space<vmem>>
    %dma_start3A_188 = tpu.memref_squeeze %dma_start3A_187 : memref<1x80x128xf32, #tpu.memory_space<vmem>> -> memref<80x128xf32, #tpu.memory_space<vmem>>
    %dma_start3A_189 = arith.constant 0 : i32
    %dma_start3A_190 = tpu.memref_slice %arg7[%dma_start3A_183, %dma_start3A_189] : memref<3x80xi32, #tpu.memory_space<vmem>> -> memref<1x80xi32, #tpu.memory_space<vmem>>
    %dma_start3A_191 = tpu.memref_squeeze %dma_start3A_190 : memref<1x80xi32, #tpu.memory_space<vmem>> -> memref<80xi32, #tpu.memory_space<vmem>>
    %dma_start3A_192 = arith.constant 0 : i32
    %dma_start3A_193 = arith.constant 0 : i32
    %dma_start3A_194 = tpu.memref_slice %arg2[%dma_start3A_192, %dma_start3A_193] : memref<10000x128xf32, #tpu.memory_space<hbm>> -> memref<10000x128xf32, #tpu.memory_space<hbm>>
    tpu.enqueue_indirect_dma source(%dma_start3A_194 : memref<10000x128xf32, #tpu.memory_space<hbm>>) target(%dma_start3A_188 : memref<80x128xf32, #tpu.memory_space<vmem>>) offsets(%dma_start3A_191 : memref<80xi32, #tpu.memory_space<vmem>>) semaphore(%arg12 : memref<!tpu.dma_semaphore, #tpu.memory_space<semaphore_mem>>)
    %scan3A_195 = arith.constant 0 : i32
    %scan3A_196 = arith.constant 0 : i32
    %scan3A_197 = arith.constant 42 : i32
    %scan3A_198 = arith.addi %scan3A_196, %scan3A_197 : i32
    %scan3A_199 = arith.constant 1 : i32
    %scan3A_200 = scf.for %scan3A_271 = %scan3A_196 to %scan3A_198 step %scan3A_199 iter_args(%scan3A_272 = %scan3A_195) -> (i32)  : i32 {
      %mul3A_273 = arith.constant 3 : i32
      %mul3A_274 = arith.muli %scan3A_271, %mul3A_273 : i32
      %add3A_275 = arith.constant 0 : i32
      %add3A_276 = arith.addi %mul3A_274, %add3A_275 : i32
      %lt3A_277 = arith.constant 125 : i32
      %lt3A_278 = arith.cmpi slt, %add3A_276, %lt3A_277 : i32
      %convert_element_type3A_279 = arith.extui %lt3A_278 : i1 to i32
      %cond3A_280 = arith.constant 0 : i32
      %cond3A_281 = arith.cmpi ne, %convert_element_type3A_279, %cond3A_280 : i32
      scf.if %cond3A_281 {
        %add3A_297 = arith.constant 0 : i32
        %add3A_298 = arith.addi %mul3A_274, %add3A_297 : i32
        %dma_wait3A_299 = arith.constant 0 : i32
        %dma_wait3A_300 = arith.constant 0 : i32
        %dma_wait3A_301 = arith.constant 0 : i32
        %dma_wait3A_302 = arith.constant 0 : i32
        %dma_wait3A_303 = tpu.memref_slice %arg10[%dma_wait3A_300, %dma_wait3A_301, %dma_wait3A_302] : memref<3x80x128xf32, #tpu.memory_space<vmem>> -> memref<1x80x128xf32, #tpu.memory_space<vmem>>
        %dma_wait3A_304 = tpu.memref_squeeze %dma_wait3A_303 : memref<1x80x128xf32, #tpu.memory_space<vmem>> -> memref<80x128xf32, #tpu.memory_space<vmem>>
        %dma_wait3A_305 = arith.constant 0 : i32
        %dma_wait3A_306 = tpu.memref_slice %arg7[%dma_wait3A_299, %dma_wait3A_305] : memref<3x80xi32, #tpu.memory_space<vmem>> -> memref<1x80xi32, #tpu.memory_space<vmem>>
        %dma_wait3A_307 = tpu.memref_squeeze %dma_wait3A_306 : memref<1x80xi32, #tpu.memory_space<vmem>> -> memref<80xi32, #tpu.memory_space<vmem>>
        %dma_wait3A_308 = arith.constant 0 : i32
        %dma_wait3A_309 = arith.constant 0 : i32
        %dma_wait3A_310 = tpu.memref_slice %arg2[%dma_wait3A_308, %dma_wait3A_309] : memref<10000x128xf32, #tpu.memory_space<hbm>> -> memref<10000x128xf32, #tpu.memory_space<hbm>>
        tpu.wait_indirect_dma semaphore(%arg12 : memref<!tpu.dma_semaphore, #tpu.memory_space<semaphore_mem>>) src(%dma_wait3A_310 : memref<10000x128xf32, #tpu.memory_space<hbm>>) dst(%dma_wait3A_304 : memref<80x128xf32, #tpu.memory_space<vmem>>)
        %get3A = arith.constant 0 : i32
        %get3A_311 = arith.index_cast %get3A : i32 to index
        %get3A_312 = arith.constant 0 : index
        %get3A_313 = tpu.vector_load %arg8[%get3A_311, %get3A_312] {strides = array<i32>} : memref<3x80xi32, #tpu.memory_space<vmem>>, vector<1x16xi32>,
        %get3A_314 = vector.shape_cast %get3A_313 : vector<1x16xi32> to vector<16xi32>
        %swap3A = arith.constant 0 : i32
        %swap3A_315 = arith.index_cast %swap3A : i32 to index
        %swap3A_316 = arith.constant 0 : index
        %swap3A_317 = tpu.vector_load %arg9[%swap3A_315, %swap3A_316] {strides = array<i32>} : memref<3x80xi32, #tpu.memory_space<vmem>>, vector<1x16xi32>,
        %swap3A_318 = vector.shape_cast %swap3A_317 : vector<1x16xi32> to vector<16xi32>
        %swap3A_319 = vector.shape_cast %get3A_314 : vector<16xi32> to vector<1x16xi32>
        tpu.vector_store %arg9[%swap3A_315, %swap3A_316], %swap3A_319 {strides = array<i32>} : memref<3x80xi32, #tpu.memory_space<vmem>>, vector<1x16xi32>,
        %get3A_320 = arith.constant 0 : i32
        %get3A_321 = arith.index_cast %get3A_320 : i32 to index
        %get3A_322 = arith.constant 16 : index
        %get3A_323 = tpu.vector_load %arg8[%get3A_321, %get3A_322] {strides = array<i32>} : memref<3x80xi32, #tpu.memory_space<vmem>>, vector<1x16xi32>,
        %get3A_324 = vector.shape_cast %get3A_323 : vector<1x16xi32> to vector<16xi32>
        %swap3A_325 = arith.constant 0 : i32
        %swap3A_326 = arith.index_cast %swap3A_325 : i32 to index
        %swap3A_327 = arith.constant 16 : index
        %swap3A_328 = tpu.vector_load %arg9[%swap3A_326, %swap3A_327] {strides = array<i32>} : memref<3x80xi32, #tpu.memory_space<vmem>>, vector<1x16xi32>,
        %swap3A_329 = vector.shape_cast %swap3A_328 : vector<1x16xi32> to vector<16xi32>
        %swap3A_330 = vector.shape_cast %get3A_324 : vector<16xi32> to vector<1x16xi32>
        tpu.vector_store %arg9[%swap3A_326, %swap3A_327], %swap3A_330 {strides = array<i32>} : memref<3x80xi32, #tpu.memory_space<vmem>>, vector<1x16xi32>,
        %get3A_331 = arith.constant 0 : i32
        %get3A_332 = arith.index_cast %get3A_331 : i32 to index
        %get3A_333 = arith.constant 32 : index
        %get3A_334 = tpu.vector_load %arg8[%get3A_332, %get3A_333] {strides = array<i32>} : memref<3x80xi32, #tpu.memory_space<vmem>>, vector<1x16xi32>,
        %get3A_335 = vector.shape_cast %get3A_334 : vector<1x16xi32> to vector<16xi32>
        %swap3A_336 = arith.constant 0 : i32
        %swap3A_337 = arith.index_cast %swap3A_336 : i32 to index
        %swap3A_338 = arith.constant 32 : index
        %swap3A_339 = tpu.vector_load %arg9[%swap3A_337, %swap3A_338] {strides = array<i32>} : memref<3x80xi32, #tpu.memory_space<vmem>>, vector<1x16xi32>,
        %swap3A_340 = vector.shape_cast %swap3A_339 : vector<1x16xi32> to vector<16xi32>
        %swap3A_341 = vector.shape_cast %get3A_335 : vector<16xi32> to vector<1x16xi32>
        tpu.vector_store %arg9[%swap3A_337, %swap3A_338], %swap3A_341 {strides = array<i32>} : memref<3x80xi32, #tpu.memory_space<vmem>>, vector<1x16xi32>,
        %get3A_342 = arith.constant 0 : i32
        %get3A_343 = arith.index_cast %get3A_342 : i32 to index
        %get3A_344 = arith.constant 48 : index
        %get3A_345 = tpu.vector_load %arg8[%get3A_343, %get3A_344] {strides = array<i32>} : memref<3x80xi32, #tpu.memory_space<vmem>>, vector<1x16xi32>,
        %get3A_346 = vector.shape_cast %get3A_345 : vector<1x16xi32> to vector<16xi32>
        %swap3A_347 = arith.constant 0 : i32
        %swap3A_348 = arith.index_cast %swap3A_347 : i32 to index
        %swap3A_349 = arith.constant 48 : index
        %swap3A_350 = tpu.vector_load %arg9[%swap3A_348, %swap3A_349] {strides = array<i32>} : memref<3x80xi32, #tpu.memory_space<vmem>>, vector<1x16xi32>,
        %swap3A_351 = vector.shape_cast %swap3A_350 : vector<1x16xi32> to vector<16xi32>
        %swap3A_352 = vector.shape_cast %get3A_346 : vector<16xi32> to vector<1x16xi32>
        tpu.vector_store %arg9[%swap3A_348, %swap3A_349], %swap3A_352 {strides = array<i32>} : memref<3x80xi32, #tpu.memory_space<vmem>>, vector<1x16xi32>,
        %get3A_353 = arith.constant 0 : i32
        %get3A_354 = arith.index_cast %get3A_353 : i32 to index
        %get3A_355 = arith.constant 64 : index
        %get3A_356 = tpu.vector_load %arg8[%get3A_354, %get3A_355] {strides = array<i32>} : memref<3x80xi32, #tpu.memory_space<vmem>>, vector<1x16xi32>,
        %get3A_357 = vector.shape_cast %get3A_356 : vector<1x16xi32> to vector<16xi32>
        %swap3A_358 = arith.constant 0 : i32
        %swap3A_359 = arith.index_cast %swap3A_358 : i32 to index
        %swap3A_360 = arith.constant 64 : index
        %swap3A_361 = tpu.vector_load %arg9[%swap3A_359, %swap3A_360] {strides = array<i32>} : memref<3x80xi32, #tpu.memory_space<vmem>>, vector<1x16xi32>,
        %swap3A_362 = vector.shape_cast %swap3A_361 : vector<1x16xi32> to vector<16xi32>
        %swap3A_363 = vector.shape_cast %get3A_357 : vector<16xi32> to vector<1x16xi32>
        tpu.vector_store %arg9[%swap3A_359, %swap3A_360], %swap3A_363 {strides = array<i32>} : memref<3x80xi32, #tpu.memory_space<vmem>>, vector<1x16xi32>,
        %dma_start3A_364 = arith.constant 0 : i32
        %dma_start3A_365 = arith.constant 0 : i32
        %dma_start3A_366 = arith.constant 0 : i32
        %dma_start3A_367 = arith.constant 0 : i32
        %dma_start3A_368 = tpu.memref_slice %arg10[%dma_start3A_364, %dma_start3A_366, %dma_start3A_367] : memref<3x80x128xf32, #tpu.memory_space<vmem>> -> memref<1x80x128xf32, #tpu.memory_space<vmem>>
        %dma_start3A_369 = tpu.memref_squeeze %dma_start3A_368 : memref<1x80x128xf32, #tpu.memory_space<vmem>> -> memref<80x128xf32, #tpu.memory_space<vmem>>
        %dma_start3A_370 = arith.constant 0 : i32
        %dma_start3A_371 = tpu.memref_slice %arg9[%dma_start3A_365, %dma_start3A_370] : memref<3x80xi32, #tpu.memory_space<vmem>> -> memref<1x80xi32, #tpu.memory_space<vmem>>
        %dma_start3A_372 = tpu.memref_squeeze %dma_start3A_371 : memref<1x80xi32, #tpu.memory_space<vmem>> -> memref<80xi32, #tpu.memory_space<vmem>>
        %dma_start3A_373 = arith.constant 0 : i32
        %dma_start3A_374 = arith.constant 0 : i32
        %dma_start3A_375 = tpu.memref_slice %arg6[%dma_start3A_373, %dma_start3A_374] : memref<10000x128xf32, #tpu.memory_space<vmem_shared>> -> memref<10000x128xf32, #tpu.memory_space<vmem_shared>>
        tpu.enqueue_indirect_dma source(%dma_start3A_369 : memref<80x128xf32, #tpu.memory_space<vmem>>) target(%dma_start3A_375 : memref<10000x128xf32, #tpu.memory_space<vmem_shared>>) offsets(%dma_start3A_372 : memref<80xi32, #tpu.memory_space<vmem>>) semaphore(%arg13 : memref<!tpu.dma_semaphore, #tpu.memory_space<semaphore_mem>>) {add = true}
        %add3A_376 = arith.constant 3 : i32
        %add3A_377 = arith.addi %add3A_298, %add3A_376 : i32
        %lt3A_378 = arith.constant 125 : i32
        %lt3A_379 = arith.cmpi slt, %add3A_377, %lt3A_378 : i32
        %convert_element_type3A_380 = arith.extui %lt3A_379 : i1 to i32
        %cond3A_381 = arith.constant 0 : i32
        %cond3A_382 = arith.cmpi ne, %convert_element_type3A_380, %cond3A_381 : i32
        scf.if %cond3A_382 {
          %add3A_394 = arith.constant 3 : i32
          %add3A_395 = arith.addi %add3A_298, %add3A_394 : i32
          %mul3A_396 = arith.constant 80 : i32
          %mul3A_397 = arith.muli %add3A_395, %mul3A_396 : i32
          %add3A_398 = arith.addi %mul3A_2, %mul3A_397 : i32
          %dma_start3A_399 = arith.constant 0 : i32
          %dma_start3A_400 = arith.constant 0 : i32
          %dma_start3A_401 = tpu.memref_slice %arg7[%dma_start3A_399, %dma_start3A_400] : memref<3x80xi32, #tpu.memory_space<vmem>> -> memref<1x80xi32, #tpu.memory_space<vmem>>
          %dma_start3A_402 = tpu.memref_squeeze %dma_start3A_401 : memref<1x80xi32, #tpu.memory_space<vmem>> -> memref<80xi32, #tpu.memory_space<vmem>>
          %dma_start3A_403 = tpu.memref_slice %arg3[%add3A_398] : memref<320000xi32, #tpu.memory_space<hbm>> -> memref<80xi32, #tpu.memory_space<hbm>>
          %dma_start3A_404 = arith.constant 0 : i32
          %dma_start3A_405 = tpu.memref_slice %arg7[%dma_start3A_399, %dma_start3A_404] : memref<3x80xi32, #tpu.memory_space<vmem>> -> memref<1x80xi32, #tpu.memory_space<vmem>>
          %dma_start3A_406 = tpu.memref_squeeze %dma_start3A_405 : memref<1x80xi32, #tpu.memory_space<vmem>> -> memref<80xi32, #tpu.memory_space<vmem>>
          %dma_start3A_407 = tpu.memref_slice %arg3[%add3A_398] : memref<320000xi32, #tpu.memory_space<hbm>> -> memref<80xi32, #tpu.memory_space<hbm>>
          tpu.enqueue_dma source(%dma_start3A_407 : memref<80xi32, #tpu.memory_space<hbm>>) target(%dma_start3A_406 : memref<80xi32, #tpu.memory_space<vmem>>) target_semaphore(%arg11 : memref<!tpu.dma_semaphore, #tpu.memory_space<semaphore_mem>>)
          %mul3A_408 = arith.constant 80 : i32
          %mul3A_409 = arith.muli %add3A_395, %mul3A_408 : i32
          %add3A_410 = arith.addi %mul3A_2, %mul3A_409 : i32
          %dma_start3A_411 = arith.constant 0 : i32
          %dma_start3A_412 = arith.constant 0 : i32
          %dma_start3A_413 = tpu.memref_slice %arg8[%dma_start3A_411, %dma_start3A_412] : memref<3x80xi32, #tpu.memory_space<vmem>> -> memref<1x80xi32, #tpu.memory_space<vmem>>
          %dma_start3A_414 = tpu.memref_squeeze %dma_start3A_413 : memref<1x80xi32, #tpu.memory_space<vmem>> -> memref<80xi32, #tpu.memory_space<vmem>>
          %dma_start3A_415 = tpu.memref_slice %arg4[%add3A_410] : memref<320000xi32, #tpu.memory_space<hbm>> -> memref<80xi32, #tpu.memory_space<hbm>>
          %dma_start3A_416 = arith.constant 0 : i32
          %dma_start3A_417 = tpu.memref_slice %arg8[%dma_start3A_411, %dma_start3A_416] : memref<3x80xi32, #tpu.memory_space<vmem>> -> memref<1x80xi32, #tpu.memory_space<vmem>>
          %dma_start3A_418 = tpu.memref_squeeze %dma_start3A_417 : memref<1x80xi32, #tpu.memory_space<vmem>> -> memref<80xi32, #tpu.memory_space<vmem>>
          %dma_start3A_419 = tpu.memref_slice %arg4[%add3A_410] : memref<320000xi32, #tpu.memory_space<hbm>> -> memref<80xi32, #tpu.memory_space<hbm>>
          tpu.enqueue_dma source(%dma_start3A_419 : memref<80xi32, #tpu.memory_space<hbm>>) target(%dma_start3A_418 : memref<80xi32, #tpu.memory_space<vmem>>) target_semaphore(%arg11 : memref<!tpu.dma_semaphore, #tpu.memory_space<semaphore_mem>>)
        } else {
        }
        %ge3A = arith.constant 1 : i32
        %ge3A_383 = arith.cmpi sge, %add3A_298, %ge3A : i32
        %convert_element_type3A_384 = arith.extui %ge3A_383 : i1 to i32
        %cond3A_385 = arith.constant 0 : i32
        %cond3A_386 = arith.cmpi ne, %convert_element_type3A_384, %cond3A_385 : i32
        scf.if %cond3A_386 {
          %sub3A = arith.constant 1 : i32
          %sub3A_394 = arith.subi %add3A_298, %sub3A : i32
          %jit3A = arith.constant 3 : i32
          %eq3A = arith.constant 0 : i32
          %eq3A_395 = arith.cmpi eq, %jit3A, %eq3A : i32
          %jit3A_396 = arith.constant 1 : i32
          %select_n3A = arith.select %eq3A_395, %jit3A_396, %jit3A : i32
          %rem3A = arith.remsi %sub3A_394, %select_n3A : i32
          %ne3A = arith.constant 0 : i32
          %ne3A_397 = arith.cmpi ne, %rem3A, %ne3A : i32
          %lt3A_398 = arith.constant 0 : i32
          %lt3A_399 = arith.cmpi slt, %rem3A, %lt3A_398 : i32
          %lt3A_400 = arith.constant 0 : i32
          %lt3A_401 = arith.cmpi slt, %select_n3A, %lt3A_400 : i32
          %ne3A_402 = arith.xori %lt3A_399, %lt3A_401 : i1
          %and3A = arith.andi %ne3A_402, %ne3A_397 : i1
          %add3A_403 = arith.addi %rem3A, %select_n3A : i32
          %select_n3A_404 = arith.select %and3A, %add3A_403, %rem3A : i32
          %dma_wait3A_405 = arith.constant 0 : i32
          %dma_wait3A_406 = arith.constant 0 : i32
          %dma_wait3A_407 = tpu.memref_slice %arg10[%select_n3A_404, %dma_wait3A_405, %dma_wait3A_406] : memref<3x80x128xf32, #tpu.memory_space<vmem>> -> memref<1x80x128xf32, #tpu.memory_space<vmem>>
          %dma_wait3A_408 = tpu.memref_squeeze %dma_wait3A_407 : memref<1x80x128xf32, #tpu.memory_space<vmem>> -> memref<80x128xf32, #tpu.memory_space<vmem>>
          %dma_wait3A_409 = arith.constant 0 : i32
          %dma_wait3A_410 = tpu.memref_slice %arg9[%select_n3A_404, %dma_wait3A_409] : memref<3x80xi32, #tpu.memory_space<vmem>> -> memref<1x80xi32, #tpu.memory_space<vmem>>
          %dma_wait3A_411 = tpu.memref_squeeze %dma_wait3A_410 : memref<1x80xi32, #tpu.memory_space<vmem>> -> memref<80xi32, #tpu.memory_space<vmem>>
          %dma_wait3A_412 = arith.constant 0 : i32
          %dma_wait3A_413 = arith.constant 0 : i32
          %dma_wait3A_414 = tpu.memref_slice %arg6[%dma_wait3A_412, %dma_wait3A_413] : memref<10000x128xf32, #tpu.memory_space<vmem_shared>> -> memref<10000x128xf32, #tpu.memory_space<vmem_shared>>
          tpu.wait_indirect_dma semaphore(%arg13 : memref<!tpu.dma_semaphore, #tpu.memory_space<semaphore_mem>>) src(%dma_wait3A_408 : memref<80x128xf32, #tpu.memory_space<vmem>>) dst(%dma_wait3A_414 : memref<10000x128xf32, #tpu.memory_space<vmem_shared>>)
        } else {
        }
        %add3A_387 = arith.constant 2 : i32
        %add3A_388 = arith.addi %add3A_298, %add3A_387 : i32
        %lt3A_389 = arith.constant 125 : i32
        %lt3A_390 = arith.cmpi slt, %add3A_388, %lt3A_389 : i32
        %convert_element_type3A_391 = arith.extui %lt3A_390 : i1 to i32
        %cond3A_392 = arith.constant 0 : i32
        %cond3A_393 = arith.cmpi ne, %convert_element_type3A_391, %cond3A_392 : i32
        scf.if %cond3A_393 {
          %add3A_394 = arith.constant 2 : i32
          %add3A_395 = arith.addi %add3A_298, %add3A_394 : i32
          %mul3A_396 = arith.constant 80 : i32
          %mul3A_397 = arith.muli %add3A_395, %mul3A_396 : i32
          %add3A_398 = arith.addi %mul3A_2, %mul3A_397 : i32
          %dma_wait3A_399 = arith.constant 2 : i32
          %dma_wait3A_400 = arith.constant 0 : i32
          %dma_wait3A_401 = tpu.memref_slice %arg7[%dma_wait3A_399, %dma_wait3A_400] : memref<3x80xi32, #tpu.memory_space<vmem>> -> memref<1x80xi32, #tpu.memory_space<vmem>>
          %dma_wait3A_402 = tpu.memref_squeeze %dma_wait3A_401 : memref<1x80xi32, #tpu.memory_space<vmem>> -> memref<80xi32, #tpu.memory_space<vmem>>
          %dma_wait3A_403 = tpu.memref_slice %arg3[%add3A_398] : memref<320000xi32, #tpu.memory_space<hbm>> -> memref<80xi32, #tpu.memory_space<hbm>>
          %dma_wait3A_404 = arith.constant 0 : i32
          %dma_wait3A_405 = tpu.memref_slice %arg7[%dma_wait3A_399, %dma_wait3A_404] : memref<3x80xi32, #tpu.memory_space<vmem>> -> memref<1x80xi32, #tpu.memory_space<vmem>>
          %dma_wait3A_406 = tpu.memref_squeeze %dma_wait3A_405 : memref<1x80xi32, #tpu.memory_space<vmem>> -> memref<80xi32, #tpu.memory_space<vmem>>
          %dma_wait3A_407 = tpu.memref_slice %arg3[%add3A_398] : memref<320000xi32, #tpu.memory_space<hbm>> -> memref<80xi32, #tpu.memory_space<hbm>>
          tpu.wait_dma2 semaphore(%arg11 : memref<!tpu.dma_semaphore, #tpu.memory_space<semaphore_mem>>) src(%dma_wait3A_407 : memref<80xi32, #tpu.memory_space<hbm>>) dst(%dma_wait3A_406 : memref<80xi32, #tpu.memory_space<vmem>>)
          %mul3A_408 = arith.constant 80 : i32
          %mul3A_409 = arith.muli %add3A_395, %mul3A_408 : i32
          %add3A_410 = arith.addi %mul3A_2, %mul3A_409 : i32
          %dma_wait3A_411 = arith.constant 2 : i32
          %dma_wait3A_412 = arith.constant 0 : i32
          %dma_wait3A_413 = tpu.memref_slice %arg8[%dma_wait3A_411, %dma_wait3A_412] : memref<3x80xi32, #tpu.memory_space<vmem>> -> memref<1x80xi32, #tpu.memory_space<vmem>>
          %dma_wait3A_414 = tpu.memref_squeeze %dma_wait3A_413 : memref<1x80xi32, #tpu.memory_space<vmem>> -> memref<80xi32, #tpu.memory_space<vmem>>
          %dma_wait3A_415 = tpu.memref_slice %arg4[%add3A_410] : memref<320000xi32, #tpu.memory_space<hbm>> -> memref<80xi32, #tpu.memory_space<hbm>>
          %dma_wait3A_416 = arith.constant 0 : i32
          %dma_wait3A_417 = tpu.memref_slice %arg8[%dma_wait3A_411, %dma_wait3A_416] : memref<3x80xi32, #tpu.memory_space<vmem>> -> memref<1x80xi32, #tpu.memory_space<vmem>>
          %dma_wait3A_418 = tpu.memref_squeeze %dma_wait3A_417 : memref<1x80xi32, #tpu.memory_space<vmem>> -> memref<80xi32, #tpu.memory_space<vmem>>
          %dma_wait3A_419 = tpu.memref_slice %arg4[%add3A_410] : memref<320000xi32, #tpu.memory_space<hbm>> -> memref<80xi32, #tpu.memory_space<hbm>>
          tpu.wait_dma2 semaphore(%arg11 : memref<!tpu.dma_semaphore, #tpu.memory_space<semaphore_mem>>) src(%dma_wait3A_419 : memref<80xi32, #tpu.memory_space<hbm>>) dst(%dma_wait3A_418 : memref<80xi32, #tpu.memory_space<vmem>>)
          %add3A_420 = arith.constant 2 : i32
          %add3A_421 = arith.addi %add3A_298, %add3A_420 : i32
          %dma_start3A_422 = arith.constant 2 : i32
          %dma_start3A_423 = arith.constant 2 : i32
          %dma_start3A_424 = arith.constant 0 : i32
          %dma_start3A_425 = arith.constant 0 : i32
          %dma_start3A_426 = tpu.memref_slice %arg10[%dma_start3A_423, %dma_start3A_424, %dma_start3A_425] : memref<3x80x128xf32, #tpu.memory_space<vmem>> -> memref<1x80x128xf32, #tpu.memory_space<vmem>>
          %dma_start3A_427 = tpu.memref_squeeze %dma_start3A_426 : memref<1x80x128xf32, #tpu.memory_space<vmem>> -> memref<80x128xf32, #tpu.memory_space<vmem>>
          %dma_start3A_428 = arith.constant 0 : i32
          %dma_start3A_429 = tpu.memref_slice %arg7[%dma_start3A_422, %dma_start3A_428] : memref<3x80xi32, #tpu.memory_space<vmem>> -> memref<1x80xi32, #tpu.memory_space<vmem>>
          %dma_start3A_430 = tpu.memref_squeeze %dma_start3A_429 : memref<1x80xi32, #tpu.memory_space<vmem>> -> memref<80xi32, #tpu.memory_space<vmem>>
          %dma_start3A_431 = arith.constant 0 : i32
          %dma_start3A_432 = arith.constant 0 : i32
          %dma_start3A_433 = tpu.memref_slice %arg2[%dma_start3A_431, %dma_start3A_432] : memref<10000x128xf32, #tpu.memory_space<hbm>> -> memref<10000x128xf32, #tpu.memory_space<hbm>>
          tpu.enqueue_indirect_dma source(%dma_start3A_433 : memref<10000x128xf32, #tpu.memory_space<hbm>>) target(%dma_start3A_427 : memref<80x128xf32, #tpu.memory_space<vmem>>) offsets(%dma_start3A_430 : memref<80xi32, #tpu.memory_space<vmem>>) semaphore(%arg12 : memref<!tpu.dma_semaphore, #tpu.memory_space<semaphore_mem>>)
        } else {
        }
      } else {
      }
      %add3A_282 = arith.constant 1 : i32
      %add3A_283 = arith.addi %mul3A_274, %add3A_282 : i32
      %lt3A_284 = arith.constant 125 : i32
      %lt3A_285 = arith.cmpi slt, %add3A_283, %lt3A_284 : i32
      %convert_element_type3A_286 = arith.extui %lt3A_285 : i1 to i32
      %cond3A_287 = arith.constant 0 : i32
      %cond3A_288 = arith.cmpi ne, %convert_element_type3A_286, %cond3A_287 : i32
      scf.if %cond3A_288 {
        %add3A_297 = arith.constant 1 : i32
        %add3A_298 = arith.addi %mul3A_274, %add3A_297 : i32
        %dma_wait3A_299 = arith.constant 1 : i32
        %dma_wait3A_300 = arith.constant 1 : i32
        %dma_wait3A_301 = arith.constant 0 : i32
        %dma_wait3A_302 = arith.constant 0 : i32
        %dma_wait3A_303 = tpu.memref_slice %arg10[%dma_wait3A_300, %dma_wait3A_301, %dma_wait3A_302] : memref<3x80x128xf32, #tpu.memory_space<vmem>> -> memref<1x80x128xf32, #tpu.memory_space<vmem>>
        %dma_wait3A_304 = tpu.memref_squeeze %dma_wait3A_303 : memref<1x80x128xf32, #tpu.memory_space<vmem>> -> memref<80x128xf32, #tpu.memory_space<vmem>>
        %dma_wait3A_305 = arith.constant 0 : i32
        %dma_wait3A_306 = tpu.memref_slice %arg7[%dma_wait3A_299, %dma_wait3A_305] : memref<3x80xi32, #tpu.memory_space<vmem>> -> memref<1x80xi32, #tpu.memory_space<vmem>>
        %dma_wait3A_307 = tpu.memref_squeeze %dma_wait3A_306 : memref<1x80xi32, #tpu.memory_space<vmem>> -> memref<80xi32, #tpu.memory_space<vmem>>
        %dma_wait3A_308 = arith.constant 0 : i32
        %dma_wait3A_309 = arith.constant 0 : i32
        %dma_wait3A_310 = tpu.memref_slice %arg2[%dma_wait3A_308, %dma_wait3A_309] : memref<10000x128xf32, #tpu.memory_space<hbm>> -> memref<10000x128xf32, #tpu.memory_space<hbm>>
        tpu.wait_indirect_dma semaphore(%arg12 : memref<!tpu.dma_semaphore, #tpu.memory_space<semaphore_mem>>) src(%dma_wait3A_310 : memref<10000x128xf32, #tpu.memory_space<hbm>>) dst(%dma_wait3A_304 : memref<80x128xf32, #tpu.memory_space<vmem>>)
        %get3A = arith.constant 1 : i32
        %get3A_311 = arith.index_cast %get3A : i32 to index
        %get3A_312 = arith.constant 0 : index
        %get3A_313 = tpu.vector_load %arg8[%get3A_311, %get3A_312] {strides = array<i32>} : memref<3x80xi32, #tpu.memory_space<vmem>>, vector<1x16xi32>,
        %get3A_314 = vector.shape_cast %get3A_313 : vector<1x16xi32> to vector<16xi32>
        %swap3A = arith.constant 1 : i32
        %swap3A_315 = arith.index_cast %swap3A : i32 to index
        %swap3A_316 = arith.constant 0 : index
        %swap3A_317 = tpu.vector_load %arg9[%swap3A_315, %swap3A_316] {strides = array<i32>} : memref<3x80xi32, #tpu.memory_space<vmem>>, vector<1x16xi32>,
        %swap3A_318 = vector.shape_cast %swap3A_317 : vector<1x16xi32> to vector<16xi32>
        %swap3A_319 = vector.shape_cast %get3A_314 : vector<16xi32> to vector<1x16xi32>
        tpu.vector_store %arg9[%swap3A_315, %swap3A_316], %swap3A_319 {strides = array<i32>} : memref<3x80xi32, #tpu.memory_space<vmem>>, vector<1x16xi32>,
        %get3A_320 = arith.constant 1 : i32
        %get3A_321 = arith.index_cast %get3A_320 : i32 to index
        %get3A_322 = arith.constant 16 : index
        %get3A_323 = tpu.vector_load %arg8[%get3A_321, %get3A_322] {strides = array<i32>} : memref<3x80xi32, #tpu.memory_space<vmem>>, vector<1x16xi32>,
        %get3A_324 = vector.shape_cast %get3A_323 : vector<1x16xi32> to vector<16xi32>
        %swap3A_325 = arith.constant 1 : i32
        %swap3A_326 = arith.index_cast %swap3A_325 : i32 to index
        %swap3A_327 = arith.constant 16 : index
        %swap3A_328 = tpu.vector_load %arg9[%swap3A_326, %swap3A_327] {strides = array<i32>} : memref<3x80xi32, #tpu.memory_space<vmem>>, vector<1x16xi32>,
        %swap3A_329 = vector.shape_cast %swap3A_328 : vector<1x16xi32> to vector<16xi32>
        %swap3A_330 = vector.shape_cast %get3A_324 : vector<16xi32> to vector<1x16xi32>
        tpu.vector_store %arg9[%swap3A_326, %swap3A_327], %swap3A_330 {strides = array<i32>} : memref<3x80xi32, #tpu.memory_space<vmem>>, vector<1x16xi32>,
        %get3A_331 = arith.constant 1 : i32
        %get3A_332 = arith.index_cast %get3A_331 : i32 to index
        %get3A_333 = arith.constant 32 : index
        %get3A_334 = tpu.vector_load %arg8[%get3A_332, %get3A_333] {strides = array<i32>} : memref<3x80xi32, #tpu.memory_space<vmem>>, vector<1x16xi32>,
        %get3A_335 = vector.shape_cast %get3A_334 : vector<1x16xi32> to vector<16xi32>
        %swap3A_336 = arith.constant 1 : i32
        %swap3A_337 = arith.index_cast %swap3A_336 : i32 to index
        %swap3A_338 = arith.constant 32 : index
        %swap3A_339 = tpu.vector_load %arg9[%swap3A_337, %swap3A_338] {strides = array<i32>} : memref<3x80xi32, #tpu.memory_space<vmem>>, vector<1x16xi32>,
        %swap3A_340 = vector.shape_cast %swap3A_339 : vector<1x16xi32> to vector<16xi32>
        %swap3A_341 = vector.shape_cast %get3A_335 : vector<16xi32> to vector<1x16xi32>
        tpu.vector_store %arg9[%swap3A_337, %swap3A_338], %swap3A_341 {strides = array<i32>} : memref<3x80xi32, #tpu.memory_space<vmem>>, vector<1x16xi32>,
        %get3A_342 = arith.constant 1 : i32
        %get3A_343 = arith.index_cast %get3A_342 : i32 to index
        %get3A_344 = arith.constant 48 : index
        %get3A_345 = tpu.vector_load %arg8[%get3A_343, %get3A_344] {strides = array<i32>} : memref<3x80xi32, #tpu.memory_space<vmem>>, vector<1x16xi32>,
        %get3A_346 = vector.shape_cast %get3A_345 : vector<1x16xi32> to vector<16xi32>
        %swap3A_347 = arith.constant 1 : i32
        %swap3A_348 = arith.index_cast %swap3A_347 : i32 to index
        %swap3A_349 = arith.constant 48 : index
        %swap3A_350 = tpu.vector_load %arg9[%swap3A_348, %swap3A_349] {strides = array<i32>} : memref<3x80xi32, #tpu.memory_space<vmem>>, vector<1x16xi32>,
        %swap3A_351 = vector.shape_cast %swap3A_350 : vector<1x16xi32> to vector<16xi32>
        %swap3A_352 = vector.shape_cast %get3A_346 : vector<16xi32> to vector<1x16xi32>
        tpu.vector_store %arg9[%swap3A_348, %swap3A_349], %swap3A_352 {strides = array<i32>} : memref<3x80xi32, #tpu.memory_space<vmem>>, vector<1x16xi32>,
        %get3A_353 = arith.constant 1 : i32
        %get3A_354 = arith.index_cast %get3A_353 : i32 to index
        %get3A_355 = arith.constant 64 : index
        %get3A_356 = tpu.vector_load %arg8[%get3A_354, %get3A_355] {strides = array<i32>} : memref<3x80xi32, #tpu.memory_space<vmem>>, vector<1x16xi32>,
        %get3A_357 = vector.shape_cast %get3A_356 : vector<1x16xi32> to vector<16xi32>
        %swap3A_358 = arith.constant 1 : i32
        %swap3A_359 = arith.index_cast %swap3A_358 : i32 to index
        %swap3A_360 = arith.constant 64 : index
        %swap3A_361 = tpu.vector_load %arg9[%swap3A_359, %swap3A_360] {strides = array<i32>} : memref<3x80xi32, #tpu.memory_space<vmem>>, vector<1x16xi32>,
        %swap3A_362 = vector.shape_cast %swap3A_361 : vector<1x16xi32> to vector<16xi32>
        %swap3A_363 = vector.shape_cast %get3A_357 : vector<16xi32> to vector<1x16xi32>
        tpu.vector_store %arg9[%swap3A_359, %swap3A_360], %swap3A_363 {strides = array<i32>} : memref<3x80xi32, #tpu.memory_space<vmem>>, vector<1x16xi32>,
        %dma_start3A_364 = arith.constant 1 : i32
        %dma_start3A_365 = arith.constant 1 : i32
        %dma_start3A_366 = arith.constant 0 : i32
        %dma_start3A_367 = arith.constant 0 : i32
        %dma_start3A_368 = tpu.memref_slice %arg10[%dma_start3A_364, %dma_start3A_366, %dma_start3A_367] : memref<3x80x128xf32, #tpu.memory_space<vmem>> -> memref<1x80x128xf32, #tpu.memory_space<vmem>>
        %dma_start3A_369 = tpu.memref_squeeze %dma_start3A_368 : memref<1x80x128xf32, #tpu.memory_space<vmem>> -> memref<80x128xf32, #tpu.memory_space<vmem>>
        %dma_start3A_370 = arith.constant 0 : i32
        %dma_start3A_371 = tpu.memref_slice %arg9[%dma_start3A_365, %dma_start3A_370] : memref<3x80xi32, #tpu.memory_space<vmem>> -> memref<1x80xi32, #tpu.memory_space<vmem>>
        %dma_start3A_372 = tpu.memref_squeeze %dma_start3A_371 : memref<1x80xi32, #tpu.memory_space<vmem>> -> memref<80xi32, #tpu.memory_space<vmem>>
        %dma_start3A_373 = arith.constant 0 : i32
        %dma_start3A_374 = arith.constant 0 : i32
        %dma_start3A_375 = tpu.memref_slice %arg6[%dma_start3A_373, %dma_start3A_374] : memref<10000x128xf32, #tpu.memory_space<vmem_shared>> -> memref<10000x128xf32, #tpu.memory_space<vmem_shared>>
        tpu.enqueue_indirect_dma source(%dma_start3A_369 : memref<80x128xf32, #tpu.memory_space<vmem>>) target(%dma_start3A_375 : memref<10000x128xf32, #tpu.memory_space<vmem_shared>>) offsets(%dma_start3A_372 : memref<80xi32, #tpu.memory_space<vmem>>) semaphore(%arg13 : memref<!tpu.dma_semaphore, #tpu.memory_space<semaphore_mem>>) {add = true}
        %add3A_376 = arith.constant 3 : i32
        %add3A_377 = arith.addi %add3A_298, %add3A_376 : i32
        %lt3A_378 = arith.constant 125 : i32
        %lt3A_379 = arith.cmpi slt, %add3A_377, %lt3A_378 : i32
        %convert_element_type3A_380 = arith.extui %lt3A_379 : i1 to i32
        %cond3A_381 = arith.constant 0 : i32
        %cond3A_382 = arith.cmpi ne, %convert_element_type3A_380, %cond3A_381 : i32
        scf.if %cond3A_382 {
          %add3A_394 = arith.constant 3 : i32
          %add3A_395 = arith.addi %add3A_298, %add3A_394 : i32
          %mul3A_396 = arith.constant 80 : i32
          %mul3A_397 = arith.muli %add3A_395, %mul3A_396 : i32
          %add3A_398 = arith.addi %mul3A_2, %mul3A_397 : i32
          %dma_start3A_399 = arith.constant 1 : i32
          %dma_start3A_400 = arith.constant 0 : i32
          %dma_start3A_401 = tpu.memref_slice %arg7[%dma_start3A_399, %dma_start3A_400] : memref<3x80xi32, #tpu.memory_space<vmem>> -> memref<1x80xi32, #tpu.memory_space<vmem>>
          %dma_start3A_402 = tpu.memref_squeeze %dma_start3A_401 : memref<1x80xi32, #tpu.memory_space<vmem>> -> memref<80xi32, #tpu.memory_space<vmem>>
          %dma_start3A_403 = tpu.memref_slice %arg3[%add3A_398] : memref<320000xi32, #tpu.memory_space<hbm>> -> memref<80xi32, #tpu.memory_space<hbm>>
          %dma_start3A_404 = arith.constant 0 : i32
          %dma_start3A_405 = tpu.memref_slice %arg7[%dma_start3A_399, %dma_start3A_404] : memref<3x80xi32, #tpu.memory_space<vmem>> -> memref<1x80xi32, #tpu.memory_space<vmem>>
          %dma_start3A_406 = tpu.memref_squeeze %dma_start3A_405 : memref<1x80xi32, #tpu.memory_space<vmem>> -> memref<80xi32, #tpu.memory_space<vmem>>
          %dma_start3A_407 = tpu.memref_slice %arg3[%add3A_398] : memref<320000xi32, #tpu.memory_space<hbm>> -> memref<80xi32, #tpu.memory_space<hbm>>
          tpu.enqueue_dma source(%dma_start3A_407 : memref<80xi32, #tpu.memory_space<hbm>>) target(%dma_start3A_406 : memref<80xi32, #tpu.memory_space<vmem>>) target_semaphore(%arg11 : memref<!tpu.dma_semaphore, #tpu.memory_space<semaphore_mem>>)
          %mul3A_408 = arith.constant 80 : i32
          %mul3A_409 = arith.muli %add3A_395, %mul3A_408 : i32
          %add3A_410 = arith.addi %mul3A_2, %mul3A_409 : i32
          %dma_start3A_411 = arith.constant 1 : i32
          %dma_start3A_412 = arith.constant 0 : i32
          %dma_start3A_413 = tpu.memref_slice %arg8[%dma_start3A_411, %dma_start3A_412] : memref<3x80xi32, #tpu.memory_space<vmem>> -> memref<1x80xi32, #tpu.memory_space<vmem>>
          %dma_start3A_414 = tpu.memref_squeeze %dma_start3A_413 : memref<1x80xi32, #tpu.memory_space<vmem>> -> memref<80xi32, #tpu.memory_space<vmem>>
          %dma_start3A_415 = tpu.memref_slice %arg4[%add3A_410] : memref<320000xi32, #tpu.memory_space<hbm>> -> memref<80xi32, #tpu.memory_space<hbm>>
          %dma_start3A_416 = arith.constant 0 : i32
          %dma_start3A_417 = tpu.memref_slice %arg8[%dma_start3A_411, %dma_start3A_416] : memref<3x80xi32, #tpu.memory_space<vmem>> -> memref<1x80xi32, #tpu.memory_space<vmem>>
          %dma_start3A_418 = tpu.memref_squeeze %dma_start3A_417 : memref<1x80xi32, #tpu.memory_space<vmem>> -> memref<80xi32, #tpu.memory_space<vmem>>
          %dma_start3A_419 = tpu.memref_slice %arg4[%add3A_410] : memref<320000xi32, #tpu.memory_space<hbm>> -> memref<80xi32, #tpu.memory_space<hbm>>
          tpu.enqueue_dma source(%dma_start3A_419 : memref<80xi32, #tpu.memory_space<hbm>>) target(%dma_start3A_418 : memref<80xi32, #tpu.memory_space<vmem>>) target_semaphore(%arg11 : memref<!tpu.dma_semaphore, #tpu.memory_space<semaphore_mem>>)
        } else {
        }
        %ge3A = arith.constant 1 : i32
        %ge3A_383 = arith.cmpi sge, %add3A_298, %ge3A : i32
        %convert_element_type3A_384 = arith.extui %ge3A_383 : i1 to i32
        %cond3A_385 = arith.constant 0 : i32
        %cond3A_386 = arith.cmpi ne, %convert_element_type3A_384, %cond3A_385 : i32
        scf.if %cond3A_386 {
          %sub3A = arith.constant 1 : i32
          %sub3A_394 = arith.subi %add3A_298, %sub3A : i32
          %jit3A = arith.constant 3 : i32
          %eq3A = arith.constant 0 : i32
          %eq3A_395 = arith.cmpi eq, %jit3A, %eq3A : i32
          %jit3A_396 = arith.constant 1 : i32
          %select_n3A = arith.select %eq3A_395, %jit3A_396, %jit3A : i32
          %rem3A = arith.remsi %sub3A_394, %select_n3A : i32
          %ne3A = arith.constant 0 : i32
          %ne3A_397 = arith.cmpi ne, %rem3A, %ne3A : i32
          %lt3A_398 = arith.constant 0 : i32
          %lt3A_399 = arith.cmpi slt, %rem3A, %lt3A_398 : i32
          %lt3A_400 = arith.constant 0 : i32
          %lt3A_401 = arith.cmpi slt, %select_n3A, %lt3A_400 : i32
          %ne3A_402 = arith.xori %lt3A_399, %lt3A_401 : i1
          %and3A = arith.andi %ne3A_402, %ne3A_397 : i1
          %add3A_403 = arith.addi %rem3A, %select_n3A : i32
          %select_n3A_404 = arith.select %and3A, %add3A_403, %rem3A : i32
          %dma_wait3A_405 = arith.constant 0 : i32
          %dma_wait3A_406 = arith.constant 0 : i32
          %dma_wait3A_407 = tpu.memref_slice %arg10[%select_n3A_404, %dma_wait3A_405, %dma_wait3A_406] : memref<3x80x128xf32, #tpu.memory_space<vmem>> -> memref<1x80x128xf32, #tpu.memory_space<vmem>>
          %dma_wait3A_408 = tpu.memref_squeeze %dma_wait3A_407 : memref<1x80x128xf32, #tpu.memory_space<vmem>> -> memref<80x128xf32, #tpu.memory_space<vmem>>
          %dma_wait3A_409 = arith.constant 0 : i32
          %dma_wait3A_410 = tpu.memref_slice %arg9[%select_n3A_404, %dma_wait3A_409] : memref<3x80xi32, #tpu.memory_space<vmem>> -> memref<1x80xi32, #tpu.memory_space<vmem>>
          %dma_wait3A_411 = tpu.memref_squeeze %dma_wait3A_410 : memref<1x80xi32, #tpu.memory_space<vmem>> -> memref<80xi32, #tpu.memory_space<vmem>>
          %dma_wait3A_412 = arith.constant 0 : i32
          %dma_wait3A_413 = arith.constant 0 : i32
          %dma_wait3A_414 = tpu.memref_slice %arg6[%dma_wait3A_412, %dma_wait3A_413] : memref<10000x128xf32, #tpu.memory_space<vmem_shared>> -> memref<10000x128xf32, #tpu.memory_space<vmem_shared>>
          tpu.wait_indirect_dma semaphore(%arg13 : memref<!tpu.dma_semaphore, #tpu.memory_space<semaphore_mem>>) src(%dma_wait3A_408 : memref<80x128xf32, #tpu.memory_space<vmem>>) dst(%dma_wait3A_414 : memref<10000x128xf32, #tpu.memory_space<vmem_shared>>)
        } else {
        }
        %add3A_387 = arith.constant 2 : i32
        %add3A_388 = arith.addi %add3A_298, %add3A_387 : i32
        %lt3A_389 = arith.constant 125 : i32
        %lt3A_390 = arith.cmpi slt, %add3A_388, %lt3A_389 : i32
        %convert_element_type3A_391 = arith.extui %lt3A_390 : i1 to i32
        %cond3A_392 = arith.constant 0 : i32
        %cond3A_393 = arith.cmpi ne, %convert_element_type3A_391, %cond3A_392 : i32
        scf.if %cond3A_393 {
          %add3A_394 = arith.constant 2 : i32
          %add3A_395 = arith.addi %add3A_298, %add3A_394 : i32
          %mul3A_396 = arith.constant 80 : i32
          %mul3A_397 = arith.muli %add3A_395, %mul3A_396 : i32
          %add3A_398 = arith.addi %mul3A_2, %mul3A_397 : i32
          %dma_wait3A_399 = arith.constant 0 : i32
          %dma_wait3A_400 = arith.constant 0 : i32
          %dma_wait3A_401 = tpu.memref_slice %arg7[%dma_wait3A_399, %dma_wait3A_400] : memref<3x80xi32, #tpu.memory_space<vmem>> -> memref<1x80xi32, #tpu.memory_space<vmem>>
          %dma_wait3A_402 = tpu.memref_squeeze %dma_wait3A_401 : memref<1x80xi32, #tpu.memory_space<vmem>> -> memref<80xi32, #tpu.memory_space<vmem>>
          %dma_wait3A_403 = tpu.memref_slice %arg3[%add3A_398] : memref<320000xi32, #tpu.memory_space<hbm>> -> memref<80xi32, #tpu.memory_space<hbm>>
          %dma_wait3A_404 = arith.constant 0 : i32
          %dma_wait3A_405 = tpu.memref_slice %arg7[%dma_wait3A_399, %dma_wait3A_404] : memref<3x80xi32, #tpu.memory_space<vmem>> -> memref<1x80xi32, #tpu.memory_space<vmem>>
          %dma_wait3A_406 = tpu.memref_squeeze %dma_wait3A_405 : memref<1x80xi32, #tpu.memory_space<vmem>> -> memref<80xi32, #tpu.memory_space<vmem>>
          %dma_wait3A_407 = tpu.memref_slice %arg3[%add3A_398] : memref<320000xi32, #tpu.memory_space<hbm>> -> memref<80xi32, #tpu.memory_space<hbm>>
          tpu.wait_dma2 semaphore(%arg11 : memref<!tpu.dma_semaphore, #tpu.memory_space<semaphore_mem>>) src(%dma_wait3A_407 : memref<80xi32, #tpu.memory_space<hbm>>) dst(%dma_wait3A_406 : memref<80xi32, #tpu.memory_space<vmem>>)
          %mul3A_408 = arith.constant 80 : i32
          %mul3A_409 = arith.muli %add3A_395, %mul3A_408 : i32
          %add3A_410 = arith.addi %mul3A_2, %mul3A_409 : i32
          %dma_wait3A_411 = arith.constant 0 : i32
          %dma_wait3A_412 = arith.constant 0 : i32
          %dma_wait3A_413 = tpu.memref_slice %arg8[%dma_wait3A_411, %dma_wait3A_412] : memref<3x80xi32, #tpu.memory_space<vmem>> -> memref<1x80xi32, #tpu.memory_space<vmem>>
          %dma_wait3A_414 = tpu.memref_squeeze %dma_wait3A_413 : memref<1x80xi32, #tpu.memory_space<vmem>> -> memref<80xi32, #tpu.memory_space<vmem>>
          %dma_wait3A_415 = tpu.memref_slice %arg4[%add3A_410] : memref<320000xi32, #tpu.memory_space<hbm>> -> memref<80xi32, #tpu.memory_space<hbm>>
          %dma_wait3A_416 = arith.constant 0 : i32
          %dma_wait3A_417 = tpu.memref_slice %arg8[%dma_wait3A_411, %dma_wait3A_416] : memref<3x80xi32, #tpu.memory_space<vmem>> -> memref<1x80xi32, #tpu.memory_space<vmem>>
          %dma_wait3A_418 = tpu.memref_squeeze %dma_wait3A_417 : memref<1x80xi32, #tpu.memory_space<vmem>> -> memref<80xi32, #tpu.memory_space<vmem>>
          %dma_wait3A_419 = tpu.memref_slice %arg4[%add3A_410] : memref<320000xi32, #tpu.memory_space<hbm>> -> memref<80xi32, #tpu.memory_space<hbm>>
          tpu.wait_dma2 semaphore(%arg11 : memref<!tpu.dma_semaphore, #tpu.memory_space<semaphore_mem>>) src(%dma_wait3A_419 : memref<80xi32, #tpu.memory_space<hbm>>) dst(%dma_wait3A_418 : memref<80xi32, #tpu.memory_space<vmem>>)
          %add3A_420 = arith.constant 2 : i32
          %add3A_421 = arith.addi %add3A_298, %add3A_420 : i32
          %dma_start3A_422 = arith.constant 0 : i32
          %dma_start3A_423 = arith.constant 0 : i32
          %dma_start3A_424 = arith.constant 0 : i32
          %dma_start3A_425 = arith.constant 0 : i32
          %dma_start3A_426 = tpu.memref_slice %arg10[%dma_start3A_423, %dma_start3A_424, %dma_start3A_425] : memref<3x80x128xf32, #tpu.memory_space<vmem>> -> memref<1x80x128xf32, #tpu.memory_space<vmem>>
          %dma_start3A_427 = tpu.memref_squeeze %dma_start3A_426 : memref<1x80x128xf32, #tpu.memory_space<vmem>> -> memref<80x128xf32, #tpu.memory_space<vmem>>
          %dma_start3A_428 = arith.constant 0 : i32
          %dma_start3A_429 = tpu.memref_slice %arg7[%dma_start3A_422, %dma_start3A_428] : memref<3x80xi32, #tpu.memory_space<vmem>> -> memref<1x80xi32, #tpu.memory_space<vmem>>
          %dma_start3A_430 = tpu.memref_squeeze %dma_start3A_429 : memref<1x80xi32, #tpu.memory_space<vmem>> -> memref<80xi32, #tpu.memory_space<vmem>>
          %dma_start3A_431 = arith.constant 0 : i32
          %dma_start3A_432 = arith.constant 0 : i32
          %dma_start3A_433 = tpu.memref_slice %arg2[%dma_start3A_431, %dma_start3A_432] : memref<10000x128xf32, #tpu.memory_space<hbm>> -> memref<10000x128xf32, #tpu.memory_space<hbm>>
          tpu.enqueue_indirect_dma source(%dma_start3A_433 : memref<10000x128xf32, #tpu.memory_space<hbm>>) target(%dma_start3A_427 : memref<80x128xf32, #tpu.memory_space<vmem>>) offsets(%dma_start3A_430 : memref<80xi32, #tpu.memory_space<vmem>>) semaphore(%arg12 : memref<!tpu.dma_semaphore, #tpu.memory_space<semaphore_mem>>)
        } else {
        }
      } else {
      }
      %add3A_289 = arith.constant 2 : i32
      %add3A_290 = arith.addi %mul3A_274, %add3A_289 : i32
      %lt3A_291 = arith.constant 125 : i32
      %lt3A_292 = arith.cmpi slt, %add3A_290, %lt3A_291 : i32
      %convert_element_type3A_293 = arith.extui %lt3A_292 : i1 to i32
      %cond3A_294 = arith.constant 0 : i32
      %cond3A_295 = arith.cmpi ne, %convert_element_type3A_293, %cond3A_294 : i32
      scf.if %cond3A_295 {
        %add3A_297 = arith.constant 2 : i32
        %add3A_298 = arith.addi %mul3A_274, %add3A_297 : i32
        %dma_wait3A_299 = arith.constant 2 : i32
        %dma_wait3A_300 = arith.constant 2 : i32
        %dma_wait3A_301 = arith.constant 0 : i32
        %dma_wait3A_302 = arith.constant 0 : i32
        %dma_wait3A_303 = tpu.memref_slice %arg10[%dma_wait3A_300, %dma_wait3A_301, %dma_wait3A_302] : memref<3x80x128xf32, #tpu.memory_space<vmem>> -> memref<1x80x128xf32, #tpu.memory_space<vmem>>
        %dma_wait3A_304 = tpu.memref_squeeze %dma_wait3A_303 : memref<1x80x128xf32, #tpu.memory_space<vmem>> -> memref<80x128xf32, #tpu.memory_space<vmem>>
        %dma_wait3A_305 = arith.constant 0 : i32
        %dma_wait3A_306 = tpu.memref_slice %arg7[%dma_wait3A_299, %dma_wait3A_305] : memref<3x80xi32, #tpu.memory_space<vmem>> -> memref<1x80xi32, #tpu.memory_space<vmem>>
        %dma_wait3A_307 = tpu.memref_squeeze %dma_wait3A_306 : memref<1x80xi32, #tpu.memory_space<vmem>> -> memref<80xi32, #tpu.memory_space<vmem>>
        %dma_wait3A_308 = arith.constant 0 : i32
        %dma_wait3A_309 = arith.constant 0 : i32
        %dma_wait3A_310 = tpu.memref_slice %arg2[%dma_wait3A_308, %dma_wait3A_309] : memref<10000x128xf32, #tpu.memory_space<hbm>> -> memref<10000x128xf32, #tpu.memory_space<hbm>>
        tpu.wait_indirect_dma semaphore(%arg12 : memref<!tpu.dma_semaphore, #tpu.memory_space<semaphore_mem>>) src(%dma_wait3A_310 : memref<10000x128xf32, #tpu.memory_space<hbm>>) dst(%dma_wait3A_304 : memref<80x128xf32, #tpu.memory_space<vmem>>)
        %get3A = arith.constant 2 : i32
        %get3A_311 = arith.index_cast %get3A : i32 to index
        %get3A_312 = arith.constant 0 : index
        %get3A_313 = tpu.vector_load %arg8[%get3A_311, %get3A_312] {strides = array<i32>} : memref<3x80xi32, #tpu.memory_space<vmem>>, vector<1x16xi32>,
        %get3A_314 = vector.shape_cast %get3A_313 : vector<1x16xi32> to vector<16xi32>
        %swap3A = arith.constant 2 : i32
        %swap3A_315 = arith.index_cast %swap3A : i32 to index
        %swap3A_316 = arith.constant 0 : index
        %swap3A_317 = tpu.vector_load %arg9[%swap3A_315, %swap3A_316] {strides = array<i32>} : memref<3x80xi32, #tpu.memory_space<vmem>>, vector<1x16xi32>,
        %swap3A_318 = vector.shape_cast %swap3A_317 : vector<1x16xi32> to vector<16xi32>
        %swap3A_319 = vector.shape_cast %get3A_314 : vector<16xi32> to vector<1x16xi32>
        tpu.vector_store %arg9[%swap3A_315, %swap3A_316], %swap3A_319 {strides = array<i32>} : memref<3x80xi32, #tpu.memory_space<vmem>>, vector<1x16xi32>,
        %get3A_320 = arith.constant 2 : i32
        %get3A_321 = arith.index_cast %get3A_320 : i32 to index
        %get3A_322 = arith.constant 16 : index
        %get3A_323 = tpu.vector_load %arg8[%get3A_321, %get3A_322] {strides = array<i32>} : memref<3x80xi32, #tpu.memory_space<vmem>>, vector<1x16xi32>,
        %get3A_324 = vector.shape_cast %get3A_323 : vector<1x16xi32> to vector<16xi32>
        %swap3A_325 = arith.constant 2 : i32
        %swap3A_326 = arith.index_cast %swap3A_325 : i32 to index
        %swap3A_327 = arith.constant 16 : index
        %swap3A_328 = tpu.vector_load %arg9[%swap3A_326, %swap3A_327] {strides = array<i32>} : memref<3x80xi32, #tpu.memory_space<vmem>>, vector<1x16xi32>,
        %swap3A_329 = vector.shape_cast %swap3A_328 : vector<1x16xi32> to vector<16xi32>
        %swap3A_330 = vector.shape_cast %get3A_324 : vector<16xi32> to vector<1x16xi32>
        tpu.vector_store %arg9[%swap3A_326, %swap3A_327], %swap3A_330 {strides = array<i32>} : memref<3x80xi32, #tpu.memory_space<vmem>>, vector<1x16xi32>,
        %get3A_331 = arith.constant 2 : i32
        %get3A_332 = arith.index_cast %get3A_331 : i32 to index
        %get3A_333 = arith.constant 32 : index
        %get3A_334 = tpu.vector_load %arg8[%get3A_332, %get3A_333] {strides = array<i32>} : memref<3x80xi32, #tpu.memory_space<vmem>>, vector<1x16xi32>,
        %get3A_335 = vector.shape_cast %get3A_334 : vector<1x16xi32> to vector<16xi32>
        %swap3A_336 = arith.constant 2 : i32
        %swap3A_337 = arith.index_cast %swap3A_336 : i32 to index
        %swap3A_338 = arith.constant 32 : index
        %swap3A_339 = tpu.vector_load %arg9[%swap3A_337, %swap3A_338] {strides = array<i32>} : memref<3x80xi32, #tpu.memory_space<vmem>>, vector<1x16xi32>,
        %swap3A_340 = vector.shape_cast %swap3A_339 : vector<1x16xi32> to vector<16xi32>
        %swap3A_341 = vector.shape_cast %get3A_335 : vector<16xi32> to vector<1x16xi32>
        tpu.vector_store %arg9[%swap3A_337, %swap3A_338], %swap3A_341 {strides = array<i32>} : memref<3x80xi32, #tpu.memory_space<vmem>>, vector<1x16xi32>,
        %get3A_342 = arith.constant 2 : i32
        %get3A_343 = arith.index_cast %get3A_342 : i32 to index
        %get3A_344 = arith.constant 48 : index
        %get3A_345 = tpu.vector_load %arg8[%get3A_343, %get3A_344] {strides = array<i32>} : memref<3x80xi32, #tpu.memory_space<vmem>>, vector<1x16xi32>,
        %get3A_346 = vector.shape_cast %get3A_345 : vector<1x16xi32> to vector<16xi32>
        %swap3A_347 = arith.constant 2 : i32
        %swap3A_348 = arith.index_cast %swap3A_347 : i32 to index
        %swap3A_349 = arith.constant 48 : index
        %swap3A_350 = tpu.vector_load %arg9[%swap3A_348, %swap3A_349] {strides = array<i32>} : memref<3x80xi32, #tpu.memory_space<vmem>>, vector<1x16xi32>,
        %swap3A_351 = vector.shape_cast %swap3A_350 : vector<1x16xi32> to vector<16xi32>
        %swap3A_352 = vector.shape_cast %get3A_346 : vector<16xi32> to vector<1x16xi32>
        tpu.vector_store %arg9[%swap3A_348, %swap3A_349], %swap3A_352 {strides = array<i32>} : memref<3x80xi32, #tpu.memory_space<vmem>>, vector<1x16xi32>,
        %get3A_353 = arith.constant 2 : i32
        %get3A_354 = arith.index_cast %get3A_353 : i32 to index
        %get3A_355 = arith.constant 64 : index
        %get3A_356 = tpu.vector_load %arg8[%get3A_354, %get3A_355] {strides = array<i32>} : memref<3x80xi32, #tpu.memory_space<vmem>>, vector<1x16xi32>,
        %get3A_357 = vector.shape_cast %get3A_356 : vector<1x16xi32> to vector<16xi32>
        %swap3A_358 = arith.constant 2 : i32
        %swap3A_359 = arith.index_cast %swap3A_358 : i32 to index
        %swap3A_360 = arith.constant 64 : index
        %swap3A_361 = tpu.vector_load %arg9[%swap3A_359, %swap3A_360] {strides = array<i32>} : memref<3x80xi32, #tpu.memory_space<vmem>>, vector<1x16xi32>,
        %swap3A_362 = vector.shape_cast %swap3A_361 : vector<1x16xi32> to vector<16xi32>
        %swap3A_363 = vector.shape_cast %get3A_357 : vector<16xi32> to vector<1x16xi32>
        tpu.vector_store %arg9[%swap3A_359, %swap3A_360], %swap3A_363 {strides = array<i32>} : memref<3x80xi32, #tpu.memory_space<vmem>>, vector<1x16xi32>,
        %dma_start3A_364 = arith.constant 2 : i32
        %dma_start3A_365 = arith.constant 2 : i32
        %dma_start3A_366 = arith.constant 0 : i32
        %dma_start3A_367 = arith.constant 0 : i32
        %dma_start3A_368 = tpu.memref_slice %arg10[%dma_start3A_364, %dma_start3A_366, %dma_start3A_367] : memref<3x80x128xf32, #tpu.memory_space<vmem>> -> memref<1x80x128xf32, #tpu.memory_space<vmem>>
        %dma_start3A_369 = tpu.memref_squeeze %dma_start3A_368 : memref<1x80x128xf32, #tpu.memory_space<vmem>> -> memref<80x128xf32, #tpu.memory_space<vmem>>
        %dma_start3A_370 = arith.constant 0 : i32
        %dma_start3A_371 = tpu.memref_slice %arg9[%dma_start3A_365, %dma_start3A_370] : memref<3x80xi32, #tpu.memory_space<vmem>> -> memref<1x80xi32, #tpu.memory_space<vmem>>
        %dma_start3A_372 = tpu.memref_squeeze %dma_start3A_371 : memref<1x80xi32, #tpu.memory_space<vmem>> -> memref<80xi32, #tpu.memory_space<vmem>>
        %dma_start3A_373 = arith.constant 0 : i32
        %dma_start3A_374 = arith.constant 0 : i32
        %dma_start3A_375 = tpu.memref_slice %arg6[%dma_start3A_373, %dma_start3A_374] : memref<10000x128xf32, #tpu.memory_space<vmem_shared>> -> memref<10000x128xf32, #tpu.memory_space<vmem_shared>>
        tpu.enqueue_indirect_dma source(%dma_start3A_369 : memref<80x128xf32, #tpu.memory_space<vmem>>) target(%dma_start3A_375 : memref<10000x128xf32, #tpu.memory_space<vmem_shared>>) offsets(%dma_start3A_372 : memref<80xi32, #tpu.memory_space<vmem>>) semaphore(%arg13 : memref<!tpu.dma_semaphore, #tpu.memory_space<semaphore_mem>>) {add = true}
        %add3A_376 = arith.constant 3 : i32
        %add3A_377 = arith.addi %add3A_298, %add3A_376 : i32
        %lt3A_378 = arith.constant 125 : i32
        %lt3A_379 = arith.cmpi slt, %add3A_377, %lt3A_378 : i32
        %convert_element_type3A_380 = arith.extui %lt3A_379 : i1 to i32
        %cond3A_381 = arith.constant 0 : i32
        %cond3A_382 = arith.cmpi ne, %convert_element_type3A_380, %cond3A_381 : i32
        scf.if %cond3A_382 {
          %add3A_394 = arith.constant 3 : i32
          %add3A_395 = arith.addi %add3A_298, %add3A_394 : i32
          %mul3A_396 = arith.constant 80 : i32
          %mul3A_397 = arith.muli %add3A_395, %mul3A_396 : i32
          %add3A_398 = arith.addi %mul3A_2, %mul3A_397 : i32
          %dma_start3A_399 = arith.constant 2 : i32
          %dma_start3A_400 = arith.constant 0 : i32
          %dma_start3A_401 = tpu.memref_slice %arg7[%dma_start3A_399, %dma_start3A_400] : memref<3x80xi32, #tpu.memory_space<vmem>> -> memref<1x80xi32, #tpu.memory_space<vmem>>
          %dma_start3A_402 = tpu.memref_squeeze %dma_start3A_401 : memref<1x80xi32, #tpu.memory_space<vmem>> -> memref<80xi32, #tpu.memory_space<vmem>>
          %dma_start3A_403 = tpu.memref_slice %arg3[%add3A_398] : memref<320000xi32, #tpu.memory_space<hbm>> -> memref<80xi32, #tpu.memory_space<hbm>>
          %dma_start3A_404 = arith.constant 0 : i32
          %dma_start3A_405 = tpu.memref_slice %arg7[%dma_start3A_399, %dma_start3A_404] : memref<3x80xi32, #tpu.memory_space<vmem>> -> memref<1x80xi32, #tpu.memory_space<vmem>>
          %dma_start3A_406 = tpu.memref_squeeze %dma_start3A_405 : memref<1x80xi32, #tpu.memory_space<vmem>> -> memref<80xi32, #tpu.memory_space<vmem>>
          %dma_start3A_407 = tpu.memref_slice %arg3[%add3A_398] : memref<320000xi32, #tpu.memory_space<hbm>> -> memref<80xi32, #tpu.memory_space<hbm>>
          tpu.enqueue_dma source(%dma_start3A_407 : memref<80xi32, #tpu.memory_space<hbm>>) target(%dma_start3A_406 : memref<80xi32, #tpu.memory_space<vmem>>) target_semaphore(%arg11 : memref<!tpu.dma_semaphore, #tpu.memory_space<semaphore_mem>>)
          %mul3A_408 = arith.constant 80 : i32
          %mul3A_409 = arith.muli %add3A_395, %mul3A_408 : i32
          %add3A_410 = arith.addi %mul3A_2, %mul3A_409 : i32
          %dma_start3A_411 = arith.constant 2 : i32
          %dma_start3A_412 = arith.constant 0 : i32
          %dma_start3A_413 = tpu.memref_slice %arg8[%dma_start3A_411, %dma_start3A_412] : memref<3x80xi32, #tpu.memory_space<vmem>> -> memref<1x80xi32, #tpu.memory_space<vmem>>
          %dma_start3A_414 = tpu.memref_squeeze %dma_start3A_413 : memref<1x80xi32, #tpu.memory_space<vmem>> -> memref<80xi32, #tpu.memory_space<vmem>>
          %dma_start3A_415 = tpu.memref_slice %arg4[%add3A_410] : memref<320000xi32, #tpu.memory_space<hbm>> -> memref<80xi32, #tpu.memory_space<hbm>>
          %dma_start3A_416 = arith.constant 0 : i32
          %dma_start3A_417 = tpu.memref_slice %arg8[%dma_start3A_411, %dma_start3A_416] : memref<3x80xi32, #tpu.memory_space<vmem>> -> memref<1x80xi32, #tpu.memory_space<vmem>>
          %dma_start3A_418 = tpu.memref_squeeze %dma_start3A_417 : memref<1x80xi32, #tpu.memory_space<vmem>> -> memref<80xi32, #tpu.memory_space<vmem>>
          %dma_start3A_419 = tpu.memref_slice %arg4[%add3A_410] : memref<320000xi32, #tpu.memory_space<hbm>> -> memref<80xi32, #tpu.memory_space<hbm>>
          tpu.enqueue_dma source(%dma_start3A_419 : memref<80xi32, #tpu.memory_space<hbm>>) target(%dma_start3A_418 : memref<80xi32, #tpu.memory_space<vmem>>) target_semaphore(%arg11 : memref<!tpu.dma_semaphore, #tpu.memory_space<semaphore_mem>>)
        } else {
        }
        %ge3A = arith.constant 1 : i32
        %ge3A_383 = arith.cmpi sge, %add3A_298, %ge3A : i32
        %convert_element_type3A_384 = arith.extui %ge3A_383 : i1 to i32
        %cond3A_385 = arith.constant 0 : i32
        %cond3A_386 = arith.cmpi ne, %convert_element_type3A_384, %cond3A_385 : i32
        scf.if %cond3A_386 {
          %sub3A = arith.constant 1 : i32
          %sub3A_394 = arith.subi %add3A_298, %sub3A : i32
          %jit3A = arith.constant 3 : i32
          %eq3A = arith.constant 0 : i32
          %eq3A_395 = arith.cmpi eq, %jit3A, %eq3A : i32
          %jit3A_396 = arith.constant 1 : i32
          %select_n3A = arith.select %eq3A_395, %jit3A_396, %jit3A : i32
          %rem3A = arith.remsi %sub3A_394, %select_n3A : i32
          %ne3A = arith.constant 0 : i32
          %ne3A_397 = arith.cmpi ne, %rem3A, %ne3A : i32
          %lt3A_398 = arith.constant 0 : i32
          %lt3A_399 = arith.cmpi slt, %rem3A, %lt3A_398 : i32
          %lt3A_400 = arith.constant 0 : i32
          %lt3A_401 = arith.cmpi slt, %select_n3A, %lt3A_400 : i32
          %ne3A_402 = arith.xori %lt3A_399, %lt3A_401 : i1
          %and3A = arith.andi %ne3A_402, %ne3A_397 : i1
          %add3A_403 = arith.addi %rem3A, %select_n3A : i32
          %select_n3A_404 = arith.select %and3A, %add3A_403, %rem3A : i32
          %dma_wait3A_405 = arith.constant 0 : i32
          %dma_wait3A_406 = arith.constant 0 : i32
          %dma_wait3A_407 = tpu.memref_slice %arg10[%select_n3A_404, %dma_wait3A_405, %dma_wait3A_406] : memref<3x80x128xf32, #tpu.memory_space<vmem>> -> memref<1x80x128xf32, #tpu.memory_space<vmem>>
          %dma_wait3A_408 = tpu.memref_squeeze %dma_wait3A_407 : memref<1x80x128xf32, #tpu.memory_space<vmem>> -> memref<80x128xf32, #tpu.memory_space<vmem>>
          %dma_wait3A_409 = arith.constant 0 : i32
          %dma_wait3A_410 = tpu.memref_slice %arg9[%select_n3A_404, %dma_wait3A_409] : memref<3x80xi32, #tpu.memory_space<vmem>> -> memref<1x80xi32, #tpu.memory_space<vmem>>
          %dma_wait3A_411 = tpu.memref_squeeze %dma_wait3A_410 : memref<1x80xi32, #tpu.memory_space<vmem>> -> memref<80xi32, #tpu.memory_space<vmem>>
          %dma_wait3A_412 = arith.constant 0 : i32
          %dma_wait3A_413 = arith.constant 0 : i32
          %dma_wait3A_414 = tpu.memref_slice %arg6[%dma_wait3A_412, %dma_wait3A_413] : memref<10000x128xf32, #tpu.memory_space<vmem_shared>> -> memref<10000x128xf32, #tpu.memory_space<vmem_shared>>
          tpu.wait_indirect_dma semaphore(%arg13 : memref<!tpu.dma_semaphore, #tpu.memory_space<semaphore_mem>>) src(%dma_wait3A_408 : memref<80x128xf32, #tpu.memory_space<vmem>>) dst(%dma_wait3A_414 : memref<10000x128xf32, #tpu.memory_space<vmem_shared>>)
        } else {
        }
        %add3A_387 = arith.constant 2 : i32
        %add3A_388 = arith.addi %add3A_298, %add3A_387 : i32
        %lt3A_389 = arith.constant 125 : i32
        %lt3A_390 = arith.cmpi slt, %add3A_388, %lt3A_389 : i32
        %convert_element_type3A_391 = arith.extui %lt3A_390 : i1 to i32
        %cond3A_392 = arith.constant 0 : i32
        %cond3A_393 = arith.cmpi ne, %convert_element_type3A_391, %cond3A_392 : i32
        scf.if %cond3A_393 {
          %add3A_394 = arith.constant 2 : i32
          %add3A_395 = arith.addi %add3A_298, %add3A_394 : i32
          %mul3A_396 = arith.constant 80 : i32
          %mul3A_397 = arith.muli %add3A_395, %mul3A_396 : i32
          %add3A_398 = arith.addi %mul3A_2, %mul3A_397 : i32
          %dma_wait3A_399 = arith.constant 1 : i32
          %dma_wait3A_400 = arith.constant 0 : i32
          %dma_wait3A_401 = tpu.memref_slice %arg7[%dma_wait3A_399, %dma_wait3A_400] : memref<3x80xi32, #tpu.memory_space<vmem>> -> memref<1x80xi32, #tpu.memory_space<vmem>>
          %dma_wait3A_402 = tpu.memref_squeeze %dma_wait3A_401 : memref<1x80xi32, #tpu.memory_space<vmem>> -> memref<80xi32, #tpu.memory_space<vmem>>
          %dma_wait3A_403 = tpu.memref_slice %arg3[%add3A_398] : memref<320000xi32, #tpu.memory_space<hbm>> -> memref<80xi32, #tpu.memory_space<hbm>>
          %dma_wait3A_404 = arith.constant 0 : i32
          %dma_wait3A_405 = tpu.memref_slice %arg7[%dma_wait3A_399, %dma_wait3A_404] : memref<3x80xi32, #tpu.memory_space<vmem>> -> memref<1x80xi32, #tpu.memory_space<vmem>>
          %dma_wait3A_406 = tpu.memref_squeeze %dma_wait3A_405 : memref<1x80xi32, #tpu.memory_space<vmem>> -> memref<80xi32, #tpu.memory_space<vmem>>
          %dma_wait3A_407 = tpu.memref_slice %arg3[%add3A_398] : memref<320000xi32, #tpu.memory_space<hbm>> -> memref<80xi32, #tpu.memory_space<hbm>>
          tpu.wait_dma2 semaphore(%arg11 : memref<!tpu.dma_semaphore, #tpu.memory_space<semaphore_mem>>) src(%dma_wait3A_407 : memref<80xi32, #tpu.memory_space<hbm>>) dst(%dma_wait3A_406 : memref<80xi32, #tpu.memory_space<vmem>>)
          %mul3A_408 = arith.constant 80 : i32
          %mul3A_409 = arith.muli %add3A_395, %mul3A_408 : i32
          %add3A_410 = arith.addi %mul3A_2, %mul3A_409 : i32
          %dma_wait3A_411 = arith.constant 1 : i32
          %dma_wait3A_412 = arith.constant 0 : i32
          %dma_wait3A_413 = tpu.memref_slice %arg8[%dma_wait3A_411, %dma_wait3A_412] : memref<3x80xi32, #tpu.memory_space<vmem>> -> memref<1x80xi32, #tpu.memory_space<vmem>>
          %dma_wait3A_414 = tpu.memref_squeeze %dma_wait3A_413 : memref<1x80xi32, #tpu.memory_space<vmem>> -> memref<80xi32, #tpu.memory_space<vmem>>
          %dma_wait3A_415 = tpu.memref_slice %arg4[%add3A_410] : memref<320000xi32, #tpu.memory_space<hbm>> -> memref<80xi32, #tpu.memory_space<hbm>>
          %dma_wait3A_416 = arith.constant 0 : i32
          %dma_wait3A_417 = tpu.memref_slice %arg8[%dma_wait3A_411, %dma_wait3A_416] : memref<3x80xi32, #tpu.memory_space<vmem>> -> memref<1x80xi32, #tpu.memory_space<vmem>>
          %dma_wait3A_418 = tpu.memref_squeeze %dma_wait3A_417 : memref<1x80xi32, #tpu.memory_space<vmem>> -> memref<80xi32, #tpu.memory_space<vmem>>
          %dma_wait3A_419 = tpu.memref_slice %arg4[%add3A_410] : memref<320000xi32, #tpu.memory_space<hbm>> -> memref<80xi32, #tpu.memory_space<hbm>>
          tpu.wait_dma2 semaphore(%arg11 : memref<!tpu.dma_semaphore, #tpu.memory_space<semaphore_mem>>) src(%dma_wait3A_419 : memref<80xi32, #tpu.memory_space<hbm>>) dst(%dma_wait3A_418 : memref<80xi32, #tpu.memory_space<vmem>>)
          %add3A_420 = arith.constant 2 : i32
          %add3A_421 = arith.addi %add3A_298, %add3A_420 : i32
          %dma_start3A_422 = arith.constant 1 : i32
          %dma_start3A_423 = arith.constant 1 : i32
          %dma_start3A_424 = arith.constant 0 : i32
          %dma_start3A_425 = arith.constant 0 : i32
          %dma_start3A_426 = tpu.memref_slice %arg10[%dma_start3A_423, %dma_start3A_424, %dma_start3A_425] : memref<3x80x128xf32, #tpu.memory_space<vmem>> -> memref<1x80x128xf32, #tpu.memory_space<vmem>>
          %dma_start3A_427 = tpu.memref_squeeze %dma_start3A_426 : memref<1x80x128xf32, #tpu.memory_space<vmem>> -> memref<80x128xf32, #tpu.memory_space<vmem>>
          %dma_start3A_428 = arith.constant 0 : i32
          %dma_start3A_429 = tpu.memref_slice %arg7[%dma_start3A_422, %dma_start3A_428] : memref<3x80xi32, #tpu.memory_space<vmem>> -> memref<1x80xi32, #tpu.memory_space<vmem>>
          %dma_start3A_430 = tpu.memref_squeeze %dma_start3A_429 : memref<1x80xi32, #tpu.memory_space<vmem>> -> memref<80xi32, #tpu.memory_space<vmem>>
          %dma_start3A_431 = arith.constant 0 : i32
          %dma_start3A_432 = arith.constant 0 : i32
          %dma_start3A_433 = tpu.memref_slice %arg2[%dma_start3A_431, %dma_start3A_432] : memref<10000x128xf32, #tpu.memory_space<hbm>> -> memref<10000x128xf32, #tpu.memory_space<hbm>>
          tpu.enqueue_indirect_dma source(%dma_start3A_433 : memref<10000x128xf32, #tpu.memory_space<hbm>>) target(%dma_start3A_427 : memref<80x128xf32, #tpu.memory_space<vmem>>) offsets(%dma_start3A_430 : memref<80xi32, #tpu.memory_space<vmem>>) semaphore(%arg12 : memref<!tpu.dma_semaphore, #tpu.memory_space<semaphore_mem>>)
        } else {
        }
      } else {
      }
      %scan3A_296 = arith.constant 0 : i32
      scf.yield %scan3A_296 : i32
    }
    %scan3A_201 = arith.constant 42 : i32
    %dma_wait3A_202 = arith.constant 1 : i32
    %dma_wait3A_203 = arith.constant 1 : i32
    %dma_wait3A_204 = arith.constant 0 : i32
    %dma_wait3A_205 = arith.constant 0 : i32
    %dma_wait3A_206 = tpu.memref_slice %arg10[%dma_wait3A_202, %dma_wait3A_204, %dma_wait3A_205] : memref<3x80x128xf32, #tpu.memory_space<vmem>> -> memref<1x80x128xf32, #tpu.memory_space<vmem>>
    %dma_wait3A_207 = tpu.memref_squeeze %dma_wait3A_206 : memref<1x80x128xf32, #tpu.memory_space<vmem>> -> memref<80x128xf32, #tpu.memory_space<vmem>>
    %dma_wait3A_208 = arith.constant 0 : i32
    %dma_wait3A_209 = tpu.memref_slice %arg9[%dma_wait3A_203, %dma_wait3A_208] : memref<3x80xi32, #tpu.memory_space<vmem>> -> memref<1x80xi32, #tpu.memory_space<vmem>>
    %dma_wait3A_210 = tpu.memref_squeeze %dma_wait3A_209 : memref<1x80xi32, #tpu.memory_space<vmem>> -> memref<80xi32, #tpu.memory_space<vmem>>
    %dma_wait3A_211 = arith.constant 0 : i32
    %dma_wait3A_212 = arith.constant 0 : i32
    %dma_wait3A_213 = tpu.memref_slice %arg6[%dma_wait3A_211, %dma_wait3A_212] : memref<10000x128xf32, #tpu.memory_space<vmem_shared>> -> memref<10000x128xf32, #tpu.memory_space<vmem_shared>>
    tpu.wait_indirect_dma semaphore(%arg13 : memref<!tpu.dma_semaphore, #tpu.memory_space<semaphore_mem>>) src(%dma_wait3A_207 : memref<80x128xf32, #tpu.memory_space<vmem>>) dst(%dma_wait3A_213 : memref<10000x128xf32, #tpu.memory_space<vmem_shared>>)
    %barrier3A_214 = arith.constant 0 : index
    tpu.barrier barrier_id(%barrier3A_214)
    %add3A_215 = arith.constant 0 : i32
    %add3A_216 = arith.addi %arg1, %add3A_215 : i32
    %lt3A_217 = arith.constant 125 : i32
    %lt3A_218 = arith.cmpi slt, %add3A_216, %lt3A_217 : i32
    %convert_element_type3A_219 = arith.extui %lt3A_218 : i1 to i32
    %cond3A_220 = arith.constant 0 : i32
    %cond3A_221 = arith.cmpi ne, %convert_element_type3A_219, %cond3A_220 : i32
    scf.if %cond3A_221 {
      %mul3A_271 = arith.constant 80 : i32
      %mul3A_272 = arith.muli %add3A_216, %mul3A_271 : i32
      %mul3A_273 = arith.constant 80 : i32
      %mul3A_274 = arith.muli %add3A_216, %mul3A_273 : i32
      "tpu.region"() ({
        %run_scoped3A = tpu.sem_alloc : memref<!tpu.dma_semaphore, #tpu.memory_space<semaphore_mem>>
        %dma_start3A_275 = arith.constant 0 : i32
        %dma_start3A_276 = tpu.memref_slice %arg5[%arg0, %mul3A_274, %dma_start3A_275] : memref<2x10000x128xf32, #tpu.memory_space<hbm>> -> memref<1x80x128xf32, #tpu.memory_space<hbm>>
        %dma_start3A_277 = tpu.memref_squeeze %dma_start3A_276 : memref<1x80x128xf32, #tpu.memory_space<hbm>> -> memref<80x128xf32, #tpu.memory_space<hbm>>
        %dma_start3A_278 = arith.constant 0 : i32
        %dma_start3A_279 = tpu.memref_slice %arg6[%mul3A_272, %dma_start3A_278] : memref<10000x128xf32, #tpu.memory_space<vmem_shared>> -> memref<80x128xf32, #tpu.memory_space<vmem_shared>>
        tpu.enqueue_dma source(%dma_start3A_279 : memref<80x128xf32, #tpu.memory_space<vmem_shared>>) target(%dma_start3A_277 : memref<80x128xf32, #tpu.memory_space<hbm>>) target_semaphore(%run_scoped3A : memref<!tpu.dma_semaphore, #tpu.memory_space<semaphore_mem>>)
        %dma_wait3A_280 = arith.constant 0 : i32
        %dma_wait3A_281 = tpu.memref_slice %arg5[%arg0, %mul3A_274, %dma_wait3A_280] : memref<2x10000x128xf32, #tpu.memory_space<hbm>> -> memref<1x80x128xf32, #tpu.memory_space<hbm>>
        %dma_wait3A_282 = tpu.memref_squeeze %dma_wait3A_281 : memref<1x80x128xf32, #tpu.memory_space<hbm>> -> memref<80x128xf32, #tpu.memory_space<hbm>>
        %dma_wait3A_283 = arith.constant 0 : i32
        %dma_wait3A_284 = tpu.memref_slice %arg6[%mul3A_272, %dma_wait3A_283] : memref<10000x128xf32, #tpu.memory_space<vmem_shared>> -> memref<80x128xf32, #tpu.memory_space<vmem_shared>>
        tpu.wait_dma2 semaphore(%run_scoped3A : memref<!tpu.dma_semaphore, #tpu.memory_space<semaphore_mem>>) src(%dma_wait3A_284 : memref<80x128xf32, #tpu.memory_space<vmem_shared>>) dst(%dma_wait3A_282 : memref<80x128xf32, #tpu.memory_space<hbm>>)
        tpu.yield
      }) : () -> ()
    } else {
    }
    %add3A_222 = arith.constant 16 : i32
    %add3A_223 = arith.addi %arg1, %add3A_222 : i32
    %lt3A_224 = arith.constant 125 : i32
    %lt3A_225 = arith.cmpi slt, %add3A_223, %lt3A_224 : i32
    %convert_element_type3A_226 = arith.extui %lt3A_225 : i1 to i32
    %cond3A_227 = arith.constant 0 : i32
    %cond3A_228 = arith.cmpi ne, %convert_element_type3A_226, %cond3A_227 : i32
    scf.if %cond3A_228 {
      %mul3A_271 = arith.constant 80 : i32
      %mul3A_272 = arith.muli %add3A_223, %mul3A_271 : i32
      %mul3A_273 = arith.constant 80 : i32
      %mul3A_274 = arith.muli %add3A_223, %mul3A_273 : i32
      "tpu.region"() ({
        %run_scoped3A = tpu.sem_alloc : memref<!tpu.dma_semaphore, #tpu.memory_space<semaphore_mem>>
        %dma_start3A_275 = arith.constant 0 : i32
        %dma_start3A_276 = tpu.memref_slice %arg5[%arg0, %mul3A_274, %dma_start3A_275] : memref<2x10000x128xf32, #tpu.memory_space<hbm>> -> memref<1x80x128xf32, #tpu.memory_space<hbm>>
        %dma_start3A_277 = tpu.memref_squeeze %dma_start3A_276 : memref<1x80x128xf32, #tpu.memory_space<hbm>> -> memref<80x128xf32, #tpu.memory_space<hbm>>
        %dma_start3A_278 = arith.constant 0 : i32
        %dma_start3A_279 = tpu.memref_slice %arg6[%mul3A_272, %dma_start3A_278] : memref<10000x128xf32, #tpu.memory_space<vmem_shared>> -> memref<80x128xf32, #tpu.memory_space<vmem_shared>>
        tpu.enqueue_dma source(%dma_start3A_279 : memref<80x128xf32, #tpu.memory_space<vmem_shared>>) target(%dma_start3A_277 : memref<80x128xf32, #tpu.memory_space<hbm>>) target_semaphore(%run_scoped3A : memref<!tpu.dma_semaphore, #tpu.memory_space<semaphore_mem>>)
        %dma_wait3A_280 = arith.constant 0 : i32
        %dma_wait3A_281 = tpu.memref_slice %arg5[%arg0, %mul3A_274, %dma_wait3A_280] : memref<2x10000x128xf32, #tpu.memory_space<hbm>> -> memref<1x80x128xf32, #tpu.memory_space<hbm>>
        %dma_wait3A_282 = tpu.memref_squeeze %dma_wait3A_281 : memref<1x80x128xf32, #tpu.memory_space<hbm>> -> memref<80x128xf32, #tpu.memory_space<hbm>>
        %dma_wait3A_283 = arith.constant 0 : i32
        %dma_wait3A_284 = tpu.memref_slice %arg6[%mul3A_272, %dma_wait3A_283] : memref<10000x128xf32, #tpu.memory_space<vmem_shared>> -> memref<80x128xf32, #tpu.memory_space<vmem_shared>>
        tpu.wait_dma2 semaphore(%run_scoped3A : memref<!tpu.dma_semaphore, #tpu.memory_space<semaphore_mem>>) src(%dma_wait3A_284 : memref<80x128xf32, #tpu.memory_space<vmem_shared>>) dst(%dma_wait3A_282 : memref<80x128xf32, #tpu.memory_space<hbm>>)
        tpu.yield
      }) : () -> ()
    } else {
    }
    %add3A_229 = arith.constant 32 : i32
    %add3A_230 = arith.addi %arg1, %add3A_229 : i32
    %lt3A_231 = arith.constant 125 : i32
    %lt3A_232 = arith.cmpi slt, %add3A_230, %lt3A_231 : i32
    %convert_element_type3A_233 = arith.extui %lt3A_232 : i1 to i32
    %cond3A_234 = arith.constant 0 : i32
    %cond3A_235 = arith.cmpi ne, %convert_element_type3A_233, %cond3A_234 : i32
    scf.if %cond3A_235 {
      %mul3A_271 = arith.constant 80 : i32
      %mul3A_272 = arith.muli %add3A_230, %mul3A_271 : i32
      %mul3A_273 = arith.constant 80 : i32
      %mul3A_274 = arith.muli %add3A_230, %mul3A_273 : i32
      "tpu.region"() ({
        %run_scoped3A = tpu.sem_alloc : memref<!tpu.dma_semaphore, #tpu.memory_space<semaphore_mem>>
        %dma_start3A_275 = arith.constant 0 : i32
        %dma_start3A_276 = tpu.memref_slice %arg5[%arg0, %mul3A_274, %dma_start3A_275] : memref<2x10000x128xf32, #tpu.memory_space<hbm>> -> memref<1x80x128xf32, #tpu.memory_space<hbm>>
        %dma_start3A_277 = tpu.memref_squeeze %dma_start3A_276 : memref<1x80x128xf32, #tpu.memory_space<hbm>> -> memref<80x128xf32, #tpu.memory_space<hbm>>
        %dma_start3A_278 = arith.constant 0 : i32
        %dma_start3A_279 = tpu.memref_slice %arg6[%mul3A_272, %dma_start3A_278] : memref<10000x128xf32, #tpu.memory_space<vmem_shared>> -> memref<80x128xf32, #tpu.memory_space<vmem_shared>>
        tpu.enqueue_dma source(%dma_start3A_279 : memref<80x128xf32, #tpu.memory_space<vmem_shared>>) target(%dma_start3A_277 : memref<80x128xf32, #tpu.memory_space<hbm>>) target_semaphore(%run_scoped3A : memref<!tpu.dma_semaphore, #tpu.memory_space<semaphore_mem>>)
        %dma_wait3A_280 = arith.constant 0 : i32
        %dma_wait3A_281 = tpu.memref_slice %arg5[%arg0, %mul3A_274, %dma_wait3A_280] : memref<2x10000x128xf32, #tpu.memory_space<hbm>> -> memref<1x80x128xf32, #tpu.memory_space<hbm>>
        %dma_wait3A_282 = tpu.memref_squeeze %dma_wait3A_281 : memref<1x80x128xf32, #tpu.memory_space<hbm>> -> memref<80x128xf32, #tpu.memory_space<hbm>>
        %dma_wait3A_283 = arith.constant 0 : i32
        %dma_wait3A_284 = tpu.memref_slice %arg6[%mul3A_272, %dma_wait3A_283] : memref<10000x128xf32, #tpu.memory_space<vmem_shared>> -> memref<80x128xf32, #tpu.memory_space<vmem_shared>>
        tpu.wait_dma2 semaphore(%run_scoped3A : memref<!tpu.dma_semaphore, #tpu.memory_space<semaphore_mem>>) src(%dma_wait3A_284 : memref<80x128xf32, #tpu.memory_space<vmem_shared>>) dst(%dma_wait3A_282 : memref<80x128xf32, #tpu.memory_space<hbm>>)
        tpu.yield
      }) : () -> ()
    } else {
    }
    %add3A_236 = arith.constant 48 : i32
    %add3A_237 = arith.addi %arg1, %add3A_236 : i32
    %lt3A_238 = arith.constant 125 : i32
    %lt3A_239 = arith.cmpi slt, %add3A_237, %lt3A_238 : i32
    %convert_element_type3A_240 = arith.extui %lt3A_239 : i1 to i32
    %cond3A_241 = arith.constant 0 : i32
    %cond3A_242 = arith.cmpi ne, %convert_element_type3A_240, %cond3A_241 : i32
    scf.if %cond3A_242 {
      %mul3A_271 = arith.constant 80 : i32
      %mul3A_272 = arith.muli %add3A_237, %mul3A_271 : i32
      %mul3A_273 = arith.constant 80 : i32
      %mul3A_274 = arith.muli %add3A_237, %mul3A_273 : i32
      "tpu.region"() ({
        %run_scoped3A = tpu.sem_alloc : memref<!tpu.dma_semaphore, #tpu.memory_space<semaphore_mem>>
        %dma_start3A_275 = arith.constant 0 : i32
        %dma_start3A_276 = tpu.memref_slice %arg5[%arg0, %mul3A_274, %dma_start3A_275] : memref<2x10000x128xf32, #tpu.memory_space<hbm>> -> memref<1x80x128xf32, #tpu.memory_space<hbm>>
        %dma_start3A_277 = tpu.memref_squeeze %dma_start3A_276 : memref<1x80x128xf32, #tpu.memory_space<hbm>> -> memref<80x128xf32, #tpu.memory_space<hbm>>
        %dma_start3A_278 = arith.constant 0 : i32
        %dma_start3A_279 = tpu.memref_slice %arg6[%mul3A_272, %dma_start3A_278] : memref<10000x128xf32, #tpu.memory_space<vmem_shared>> -> memref<80x128xf32, #tpu.memory_space<vmem_shared>>
        tpu.enqueue_dma source(%dma_start3A_279 : memref<80x128xf32, #tpu.memory_space<vmem_shared>>) target(%dma_start3A_277 : memref<80x128xf32, #tpu.memory_space<hbm>>) target_semaphore(%run_scoped3A : memref<!tpu.dma_semaphore, #tpu.memory_space<semaphore_mem>>)
        %dma_wait3A_280 = arith.constant 0 : i32
        %dma_wait3A_281 = tpu.memref_slice %arg5[%arg0, %mul3A_274, %dma_wait3A_280] : memref<2x10000x128xf32, #tpu.memory_space<hbm>> -> memref<1x80x128xf32, #tpu.memory_space<hbm>>
        %dma_wait3A_282 = tpu.memref_squeeze %dma_wait3A_281 : memref<1x80x128xf32, #tpu.memory_space<hbm>> -> memref<80x128xf32, #tpu.memory_space<hbm>>
        %dma_wait3A_283 = arith.constant 0 : i32
        %dma_wait3A_284 = tpu.memref_slice %arg6[%mul3A_272, %dma_wait3A_283] : memref<10000x128xf32, #tpu.memory_space<vmem_shared>> -> memref<80x128xf32, #tpu.memory_space<vmem_shared>>
        tpu.wait_dma2 semaphore(%run_scoped3A : memref<!tpu.dma_semaphore, #tpu.memory_space<semaphore_mem>>) src(%dma_wait3A_284 : memref<80x128xf32, #tpu.memory_space<vmem_shared>>) dst(%dma_wait3A_282 : memref<80x128xf32, #tpu.memory_space<hbm>>)
        tpu.yield
      }) : () -> ()
    } else {
    }
    %add3A_243 = arith.constant 64 : i32
    %add3A_244 = arith.addi %arg1, %add3A_243 : i32
    %lt3A_245 = arith.constant 125 : i32
    %lt3A_246 = arith.cmpi slt, %add3A_244, %lt3A_245 : i32
    %convert_element_type3A_247 = arith.extui %lt3A_246 : i1 to i32
    %cond3A_248 = arith.constant 0 : i32
    %cond3A_249 = arith.cmpi ne, %convert_element_type3A_247, %cond3A_248 : i32
    scf.if %cond3A_249 {
      %mul3A_271 = arith.constant 80 : i32
      %mul3A_272 = arith.muli %add3A_244, %mul3A_271 : i32
      %mul3A_273 = arith.constant 80 : i32
      %mul3A_274 = arith.muli %add3A_244, %mul3A_273 : i32
      "tpu.region"() ({
        %run_scoped3A = tpu.sem_alloc : memref<!tpu.dma_semaphore, #tpu.memory_space<semaphore_mem>>
        %dma_start3A_275 = arith.constant 0 : i32
        %dma_start3A_276 = tpu.memref_slice %arg5[%arg0, %mul3A_274, %dma_start3A_275] : memref<2x10000x128xf32, #tpu.memory_space<hbm>> -> memref<1x80x128xf32, #tpu.memory_space<hbm>>
        %dma_start3A_277 = tpu.memref_squeeze %dma_start3A_276 : memref<1x80x128xf32, #tpu.memory_space<hbm>> -> memref<80x128xf32, #tpu.memory_space<hbm>>
        %dma_start3A_278 = arith.constant 0 : i32
        %dma_start3A_279 = tpu.memref_slice %arg6[%mul3A_272, %dma_start3A_278] : memref<10000x128xf32, #tpu.memory_space<vmem_shared>> -> memref<80x128xf32, #tpu.memory_space<vmem_shared>>
        tpu.enqueue_dma source(%dma_start3A_279 : memref<80x128xf32, #tpu.memory_space<vmem_shared>>) target(%dma_start3A_277 : memref<80x128xf32, #tpu.memory_space<hbm>>) target_semaphore(%run_scoped3A : memref<!tpu.dma_semaphore, #tpu.memory_space<semaphore_mem>>)
        %dma_wait3A_280 = arith.constant 0 : i32
        %dma_wait3A_281 = tpu.memref_slice %arg5[%arg0, %mul3A_274, %dma_wait3A_280] : memref<2x10000x128xf32, #tpu.memory_space<hbm>> -> memref<1x80x128xf32, #tpu.memory_space<hbm>>
        %dma_wait3A_282 = tpu.memref_squeeze %dma_wait3A_281 : memref<1x80x128xf32, #tpu.memory_space<hbm>> -> memref<80x128xf32, #tpu.memory_space<hbm>>
        %dma_wait3A_283 = arith.constant 0 : i32
        %dma_wait3A_284 = tpu.memref_slice %arg6[%mul3A_272, %dma_wait3A_283] : memref<10000x128xf32, #tpu.memory_space<vmem_shared>> -> memref<80x128xf32, #tpu.memory_space<vmem_shared>>
        tpu.wait_dma2 semaphore(%run_scoped3A : memref<!tpu.dma_semaphore, #tpu.memory_space<semaphore_mem>>) src(%dma_wait3A_284 : memref<80x128xf32, #tpu.memory_space<vmem_shared>>) dst(%dma_wait3A_282 : memref<80x128xf32, #tpu.memory_space<hbm>>)
        tpu.yield
      }) : () -> ()
    } else {
    }
    %add3A_250 = arith.constant 80 : i32
    %add3A_251 = arith.addi %arg1, %add3A_250 : i32
    %lt3A_252 = arith.constant 125 : i32
    %lt3A_253 = arith.cmpi slt, %add3A_251, %lt3A_252 : i32
    %convert_element_type3A_254 = arith.extui %lt3A_253 : i1 to i32
    %cond3A_255 = arith.constant 0 : i32
    %cond3A_256 = arith.cmpi ne, %convert_element_type3A_254, %cond3A_255 : i32
    scf.if %cond3A_256 {
      %mul3A_271 = arith.constant 80 : i32
      %mul3A_272 = arith.muli %add3A_251, %mul3A_271 : i32
      %mul3A_273 = arith.constant 80 : i32
      %mul3A_274 = arith.muli %add3A_251, %mul3A_273 : i32
      "tpu.region"() ({
        %run_scoped3A = tpu.sem_alloc : memref<!tpu.dma_semaphore, #tpu.memory_space<semaphore_mem>>
        %dma_start3A_275 = arith.constant 0 : i32
        %dma_start3A_276 = tpu.memref_slice %arg5[%arg0, %mul3A_274, %dma_start3A_275] : memref<2x10000x128xf32, #tpu.memory_space<hbm>> -> memref<1x80x128xf32, #tpu.memory_space<hbm>>
        %dma_start3A_277 = tpu.memref_squeeze %dma_start3A_276 : memref<1x80x128xf32, #tpu.memory_space<hbm>> -> memref<80x128xf32, #tpu.memory_space<hbm>>
        %dma_start3A_278 = arith.constant 0 : i32
        %dma_start3A_279 = tpu.memref_slice %arg6[%mul3A_272, %dma_start3A_278] : memref<10000x128xf32, #tpu.memory_space<vmem_shared>> -> memref<80x128xf32, #tpu.memory_space<vmem_shared>>
        tpu.enqueue_dma source(%dma_start3A_279 : memref<80x128xf32, #tpu.memory_space<vmem_shared>>) target(%dma_start3A_277 : memref<80x128xf32, #tpu.memory_space<hbm>>) target_semaphore(%run_scoped3A : memref<!tpu.dma_semaphore, #tpu.memory_space<semaphore_mem>>)
        %dma_wait3A_280 = arith.constant 0 : i32
        %dma_wait3A_281 = tpu.memref_slice %arg5[%arg0, %mul3A_274, %dma_wait3A_280] : memref<2x10000x128xf32, #tpu.memory_space<hbm>> -> memref<1x80x128xf32, #tpu.memory_space<hbm>>
        %dma_wait3A_282 = tpu.memref_squeeze %dma_wait3A_281 : memref<1x80x128xf32, #tpu.memory_space<hbm>> -> memref<80x128xf32, #tpu.memory_space<hbm>>
        %dma_wait3A_283 = arith.constant 0 : i32
        %dma_wait3A_284 = tpu.memref_slice %arg6[%mul3A_272, %dma_wait3A_283] : memref<10000x128xf32, #tpu.memory_space<vmem_shared>> -> memref<80x128xf32, #tpu.memory_space<vmem_shared>>
        tpu.wait_dma2 semaphore(%run_scoped3A : memref<!tpu.dma_semaphore, #tpu.memory_space<semaphore_mem>>) src(%dma_wait3A_284 : memref<80x128xf32, #tpu.memory_space<vmem_shared>>) dst(%dma_wait3A_282 : memref<80x128xf32, #tpu.memory_space<hbm>>)
        tpu.yield
      }) : () -> ()
    } else {
    }
    %add3A_257 = arith.constant 96 : i32
    %add3A_258 = arith.addi %arg1, %add3A_257 : i32
    %lt3A_259 = arith.constant 125 : i32
    %lt3A_260 = arith.cmpi slt, %add3A_258, %lt3A_259 : i32
    %convert_element_type3A_261 = arith.extui %lt3A_260 : i1 to i32
    %cond3A_262 = arith.constant 0 : i32
    %cond3A_263 = arith.cmpi ne, %convert_element_type3A_261, %cond3A_262 : i32
    scf.if %cond3A_263 {
      %mul3A_271 = arith.constant 80 : i32
      %mul3A_272 = arith.muli %add3A_258, %mul3A_271 : i32
      %mul3A_273 = arith.constant 80 : i32
      %mul3A_274 = arith.muli %add3A_258, %mul3A_273 : i32
      "tpu.region"() ({
        %run_scoped3A = tpu.sem_alloc : memref<!tpu.dma_semaphore, #tpu.memory_space<semaphore_mem>>
        %dma_start3A_275 = arith.constant 0 : i32
        %dma_start3A_276 = tpu.memref_slice %arg5[%arg0, %mul3A_274, %dma_start3A_275] : memref<2x10000x128xf32, #tpu.memory_space<hbm>> -> memref<1x80x128xf32, #tpu.memory_space<hbm>>
        %dma_start3A_277 = tpu.memref_squeeze %dma_start3A_276 : memref<1x80x128xf32, #tpu.memory_space<hbm>> -> memref<80x128xf32, #tpu.memory_space<hbm>>
        %dma_start3A_278 = arith.constant 0 : i32
        %dma_start3A_279 = tpu.memref_slice %arg6[%mul3A_272, %dma_start3A_278] : memref<10000x128xf32, #tpu.memory_space<vmem_shared>> -> memref<80x128xf32, #tpu.memory_space<vmem_shared>>
        tpu.enqueue_dma source(%dma_start3A_279 : memref<80x128xf32, #tpu.memory_space<vmem_shared>>) target(%dma_start3A_277 : memref<80x128xf32, #tpu.memory_space<hbm>>) target_semaphore(%run_scoped3A : memref<!tpu.dma_semaphore, #tpu.memory_space<semaphore_mem>>)
        %dma_wait3A_280 = arith.constant 0 : i32
        %dma_wait3A_281 = tpu.memref_slice %arg5[%arg0, %mul3A_274, %dma_wait3A_280] : memref<2x10000x128xf32, #tpu.memory_space<hbm>> -> memref<1x80x128xf32, #tpu.memory_space<hbm>>
        %dma_wait3A_282 = tpu.memref_squeeze %dma_wait3A_281 : memref<1x80x128xf32, #tpu.memory_space<hbm>> -> memref<80x128xf32, #tpu.memory_space<hbm>>
        %dma_wait3A_283 = arith.constant 0 : i32
        %dma_wait3A_284 = tpu.memref_slice %arg6[%mul3A_272, %dma_wait3A_283] : memref<10000x128xf32, #tpu.memory_space<vmem_shared>> -> memref<80x128xf32, #tpu.memory_space<vmem_shared>>
        tpu.wait_dma2 semaphore(%run_scoped3A : memref<!tpu.dma_semaphore, #tpu.memory_space<semaphore_mem>>) src(%dma_wait3A_284 : memref<80x128xf32, #tpu.memory_space<vmem_shared>>) dst(%dma_wait3A_282 : memref<80x128xf32, #tpu.memory_space<hbm>>)
        tpu.yield
      }) : () -> ()
    } else {
    }
    %add3A_264 = arith.constant 112 : i32
    %add3A_265 = arith.addi %arg1, %add3A_264 : i32
    %lt3A_266 = arith.constant 125 : i32
    %lt3A_267 = arith.cmpi slt, %add3A_265, %lt3A_266 : i32
    %convert_element_type3A_268 = arith.extui %lt3A_267 : i1 to i32
    %cond3A_269 = arith.constant 0 : i32
    %cond3A_270 = arith.cmpi ne, %convert_element_type3A_268, %cond3A_269 : i32
    scf.if %cond3A_270 {
      %mul3A_271 = arith.constant 80 : i32
      %mul3A_272 = arith.muli %add3A_265, %mul3A_271 : i32
      %mul3A_273 = arith.constant 80 : i32
      %mul3A_274 = arith.muli %add3A_265, %mul3A_273 : i32
      "tpu.region"() ({
        %run_scoped3A = tpu.sem_alloc : memref<!tpu.dma_semaphore, #tpu.memory_space<semaphore_mem>>
        %dma_start3A_275 = arith.constant 0 : i32
        %dma_start3A_276 = tpu.memref_slice %arg5[%arg0, %mul3A_274, %dma_start3A_275] : memref<2x10000x128xf32, #tpu.memory_space<hbm>> -> memref<1x80x128xf32, #tpu.memory_space<hbm>>
        %dma_start3A_277 = tpu.memref_squeeze %dma_start3A_276 : memref<1x80x128xf32, #tpu.memory_space<hbm>> -> memref<80x128xf32, #tpu.memory_space<hbm>>
        %dma_start3A_278 = arith.constant 0 : i32
        %dma_start3A_279 = tpu.memref_slice %arg6[%mul3A_272, %dma_start3A_278] : memref<10000x128xf32, #tpu.memory_space<vmem_shared>> -> memref<80x128xf32, #tpu.memory_space<vmem_shared>>
        tpu.enqueue_dma source(%dma_start3A_279 : memref<80x128xf32, #tpu.memory_space<vmem_shared>>) target(%dma_start3A_277 : memref<80x128xf32, #tpu.memory_space<hbm>>) target_semaphore(%run_scoped3A : memref<!tpu.dma_semaphore, #tpu.memory_space<semaphore_mem>>)
        %dma_wait3A_280 = arith.constant 0 : i32
        %dma_wait3A_281 = tpu.memref_slice %arg5[%arg0, %mul3A_274, %dma_wait3A_280] : memref<2x10000x128xf32, #tpu.memory_space<hbm>> -> memref<1x80x128xf32, #tpu.memory_space<hbm>>
        %dma_wait3A_282 = tpu.memref_squeeze %dma_wait3A_281 : memref<1x80x128xf32, #tpu.memory_space<hbm>> -> memref<80x128xf32, #tpu.memory_space<hbm>>
        %dma_wait3A_283 = arith.constant 0 : i32
        %dma_wait3A_284 = tpu.memref_slice %arg6[%mul3A_272, %dma_wait3A_283] : memref<10000x128xf32, #tpu.memory_space<vmem_shared>> -> memref<80x128xf32, #tpu.memory_space<vmem_shared>>
        tpu.wait_dma2 semaphore(%run_scoped3A : memref<!tpu.dma_semaphore, #tpu.memory_space<semaphore_mem>>) src(%dma_wait3A_284 : memref<80x128xf32, #tpu.memory_space<vmem_shared>>) dst(%dma_wait3A_282 : memref<80x128xf32, #tpu.memory_space<hbm>>)
        tpu.yield
      }) : () -> ()
    } else {
    }
    return
  }
}

module attributes {stable_mosaic.version = 14 : i64} {
  func.func @_invdeg_body(%arg0: i32, %arg1: memref<2x1000x128xf32, #tpu.memory_space<vmem>>, %arg2: memref<1000x1xf32, #tpu.memory_space<vmem>>) attributes {dimension_semantics = [#tpu.dimension_semantics<arbitrary>], iteration_bounds = array<i64: 10>, scalar_prefetch = 0 : i64, scratch_operands = 0 : i64, tpu.core_type = #tpu.core_type<tc>, window_params = [{transform_indices = @transform_0, window_bounds = array<i64: 2, 1000, 128>}, {transform_indices = @transform_1, window_bounds = array<i64: 1000, 1>}]} {
    %get3A = arith.constant 0 : index
    %get3A_0 = arith.constant 0 : index
    %get3A_1 = arith.constant 0 : index
    %get3A_2 = vector.load %arg1[%get3A, %get3A_0, %get3A_1] : memref<2x1000x128xf32, #tpu.memory_space<vmem>>, vector<1x1000x128xf32>
    %get3A_3 = vector.shape_cast %get3A_2 : vector<1x1000x128xf32> to vector<1000x128xf32>
    %get3A_4 = arith.constant 1 : index
    %get3A_5 = arith.constant 0 : index
    %get3A_6 = arith.constant 0 : index
    %get3A_7 = vector.load %arg1[%get3A_4, %get3A_5, %get3A_6] : memref<2x1000x128xf32, #tpu.memory_space<vmem>>, vector<1x1000x128xf32>
    %get3A_8 = vector.shape_cast %get3A_7 : vector<1x1000x128xf32> to vector<1000x128xf32>
    %add3A = arith.addf %get3A_3, %get3A_8 : vector<1000x128xf32>
    %iota3A = tpu.iota {dimensions = array<i32: 0>} : vector<128x1xi32>
    %eq3A = arith.constant 0 : i32
    %eq3A_9 = vector.broadcast %eq3A : i32 to vector<128x1xi32>
    %eq3A_10 = arith.cmpi eq, %iota3A, %eq3A_9 : vector<128x1xi32>
    %convert_element_type3A = arith.extui %eq3A_10 : vector<128x1xi1> to vector<128x1xi32>
    %convert_element_type3A_11 = arith.sitofp %convert_element_type3A : vector<128x1xi32> to vector<128x1xf32>
    %dot_general3A = arith.constant dense<0.000000e+00> : vector<1000x1xf32>
    %dot_general3A_12 = tpu.matmul %add3A, %convert_element_type3A_11, %dot_general3A {dimension_numbers = #tpu.dot_dimension_numbers<[1], [0], [0], [1], [0, 0, 1, 1], [], []>, transpose_lhs_hint = false} : vector<1000x128xf32>, vector<128x1xf32>, vector<1000x1xf32> -> vector<1000x1xf32>
    %max3A = arith.constant 1.000000e+00 : f32
    %max3A_13 = vector.broadcast %max3A : f32 to vector<1000x1xf32>
    %max3A_14 = arith.maximumf %dot_general3A_12, %max3A_13 : vector<1000x1xf32>
    %div3A = arith.constant 1.000000e+00 : f32
    %div3A_15 = vector.broadcast %div3A : f32 to vector<1000x1xf32>
    %div3A_16 = arith.divf %div3A_15, %max3A_14 : vector<1000x1xf32>
    %swap3A = arith.constant 0 : index
    %swap3A_17 = arith.constant 0 : index
    %swap3A_18 = vector.load %arg2[%swap3A, %swap3A_17] : memref<1000x1xf32, #tpu.memory_space<vmem>>, vector<1000x1xf32>
    tpu.vector_store %arg2[%swap3A, %swap3A_17], %div3A_16 {strides = array<i32>} : memref<1000x1xf32, #tpu.memory_space<vmem>>, vector<1000x1xf32>,
    return
  }
  func.func @transform_0(%arg0: i32) -> (i32, i32, i32) {
    %c0_i32 = arith.constant 0 : i32
    %c0_i32_0 = arith.constant 0 : i32
    %c0_i32_1 = arith.constant 0 : i32
    return %c0_i32, %arg0, %c0_i32_0 : i32, i32, i32
  }
  func.func @transform_1(%arg0: i32) -> (i32, i32) {
    %c0_i32 = arith.constant 0 : i32
    %c0_i32_0 = arith.constant 0 : i32
    return %arg0, %c0_i32 : i32, i32
  }
}

module attributes {stable_mosaic.version = 14 : i64} {
  func.func @_mm_dual_body(%arg0: i32, %arg1: memref<1000x128xf32, #tpu.memory_space<vmem>>, %arg2: memref<128x128xf32, #tpu.memory_space<vmem>>, %arg3: memref<128x128xf32, #tpu.memory_space<vmem>>, %arg4: memref<1000x128xf32, #tpu.memory_space<vmem>>, %arg5: memref<1000x128xf32, #tpu.memory_space<vmem>>) attributes {dimension_semantics = [#tpu.dimension_semantics<arbitrary>], iteration_bounds = array<i64: 10>, scalar_prefetch = 0 : i64, scratch_operands = 0 : i64, tpu.core_type = #tpu.core_type<tc>, window_params = [{transform_indices = @transform_0, window_bounds = array<i64: 1000, 128>}, {pipeline_mode = #tpu.pipeline_mode<synchronous>, transform_indices = @transform_1, window_bounds = array<i64: 128, 128>}, {pipeline_mode = #tpu.pipeline_mode<synchronous>, transform_indices = @transform_2, window_bounds = array<i64: 128, 128>}, {transform_indices = @transform_3, window_bounds = array<i64: 1000, 128>}, {transform_indices = @transform_4, window_bounds = array<i64: 1000, 128>}]} {
    %get3A = arith.constant 0 : index
    %get3A_0 = arith.constant 0 : index
    %get3A_1 = vector.load %arg1[%get3A, %get3A_0] : memref<1000x128xf32, #tpu.memory_space<vmem>>, vector<1000x128xf32>
    %get3A_2 = arith.constant 0 : index
    %get3A_3 = arith.constant 0 : index
    %get3A_4 = vector.load %arg2[%get3A_2, %get3A_3] : memref<128x128xf32, #tpu.memory_space<vmem>>, vector<128x128xf32>
    %dot_general3A = arith.constant dense<0.000000e+00> : vector<1000x128xf32>
    %dot_general3A_5 = tpu.matmul %get3A_1, %get3A_4, %dot_general3A {dimension_numbers = #tpu.dot_dimension_numbers<[1], [0], [0], [1], [0, 0, 1, 1], [], []>, transpose_lhs_hint = false} : vector<1000x128xf32>, vector<128x128xf32>, vector<1000x128xf32> -> vector<1000x128xf32>
    %swap3A = arith.constant 0 : index
    %swap3A_6 = arith.constant 0 : index
    %swap3A_7 = vector.load %arg4[%swap3A, %swap3A_6] : memref<1000x128xf32, #tpu.memory_space<vmem>>, vector<1000x128xf32>
    tpu.vector_store %arg4[%swap3A, %swap3A_6], %dot_general3A_5 {strides = array<i32>} : memref<1000x128xf32, #tpu.memory_space<vmem>>, vector<1000x128xf32>,
    %get3A_8 = arith.constant 0 : index
    %get3A_9 = arith.constant 0 : index
    %get3A_10 = vector.load %arg3[%get3A_8, %get3A_9] : memref<128x128xf32, #tpu.memory_space<vmem>>, vector<128x128xf32>
    %dot_general3A_11 = arith.constant dense<0.000000e+00> : vector<1000x128xf32>
    %dot_general3A_12 = tpu.matmul %get3A_1, %get3A_10, %dot_general3A_11 {dimension_numbers = #tpu.dot_dimension_numbers<[1], [0], [0], [1], [0, 0, 1, 1], [], []>, transpose_lhs_hint = false} : vector<1000x128xf32>, vector<128x128xf32>, vector<1000x128xf32> -> vector<1000x128xf32>
    %swap3A_13 = arith.constant 0 : index
    %swap3A_14 = arith.constant 0 : index
    %swap3A_15 = vector.load %arg5[%swap3A_13, %swap3A_14] : memref<1000x128xf32, #tpu.memory_space<vmem>>, vector<1000x128xf32>
    tpu.vector_store %arg5[%swap3A_13, %swap3A_14], %dot_general3A_12 {strides = array<i32>} : memref<1000x128xf32, #tpu.memory_space<vmem>>, vector<1000x128xf32>,
    return
  }
  func.func @transform_0(%arg0: i32) -> (i32, i32) {
    %c0_i32 = arith.constant 0 : i32
    %c0_i32_0 = arith.constant 0 : i32
    return %arg0, %c0_i32 : i32, i32
  }
  func.func @transform_1(%arg0: i32) -> (i32, i32) {
    %c0_i32 = arith.constant 0 : i32
    %c0_i32_0 = arith.constant 0 : i32
    %c0_i32_1 = arith.constant 0 : i32
    return %c0_i32, %c0_i32_0 : i32, i32
  }
  func.func @transform_2(%arg0: i32) -> (i32, i32) {
    %c0_i32 = arith.constant 0 : i32
    %c0_i32_0 = arith.constant 0 : i32
    %c0_i32_1 = arith.constant 0 : i32
    return %c0_i32, %c0_i32_0 : i32, i32
  }
  func.func @transform_3(%arg0: i32) -> (i32, i32) {
    %c0_i32 = arith.constant 0 : i32
    %c0_i32_0 = arith.constant 0 : i32
    return %arg0, %c0_i32 : i32, i32
  }
  func.func @transform_4(%arg0: i32) -> (i32, i32) {
    %c0_i32 = arith.constant 0 : i32
    %c0_i32_0 = arith.constant 0 : i32
    return %arg0, %c0_i32 : i32, i32
  }
}

module attributes {stable_mosaic.version = 14 : i64} {
  func.func @_mid_body(%arg0: i32, %arg1: memref<1000x128xf32, #tpu.memory_space<vmem>>, %arg2: memref<2x1000x128xf32, #tpu.memory_space<vmem>>, %arg3: memref<1000x1xf32, #tpu.memory_space<vmem>>, %arg4: memref<1x128xf32, #tpu.memory_space<vmem>>, %arg5: memref<1000x128xf32, #tpu.memory_space<vmem>>) attributes {dimension_semantics = [#tpu.dimension_semantics<arbitrary>], iteration_bounds = array<i64: 10>, scalar_prefetch = 0 : i64, scratch_operands = 0 : i64, tpu.core_type = #tpu.core_type<tc>, window_params = [{transform_indices = @transform_0, window_bounds = array<i64: 1000, 128>}, {transform_indices = @transform_1, window_bounds = array<i64: 2, 1000, 128>}, {transform_indices = @transform_2, window_bounds = array<i64: 1000, 1>}, {pipeline_mode = #tpu.pipeline_mode<synchronous>, transform_indices = @transform_3, window_bounds = array<i64: 1, 128>}, {transform_indices = @transform_4, window_bounds = array<i64: 1000, 128>}]} {
    %get3A = arith.constant 0 : index
    %get3A_0 = arith.constant 0 : index
    %get3A_1 = arith.constant 0 : index
    %get3A_2 = vector.load %arg2[%get3A, %get3A_0, %get3A_1] : memref<2x1000x128xf32, #tpu.memory_space<vmem>>, vector<1x1000x128xf32>
    %get3A_3 = vector.shape_cast %get3A_2 : vector<1x1000x128xf32> to vector<1000x128xf32>
    %get3A_4 = arith.constant 1 : index
    %get3A_5 = arith.constant 0 : index
    %get3A_6 = arith.constant 0 : index
    %get3A_7 = vector.load %arg2[%get3A_4, %get3A_5, %get3A_6] : memref<2x1000x128xf32, #tpu.memory_space<vmem>>, vector<1x1000x128xf32>
    %get3A_8 = vector.shape_cast %get3A_7 : vector<1x1000x128xf32> to vector<1000x128xf32>
    %add3A = arith.addf %get3A_3, %get3A_8 : vector<1000x128xf32>
    %get3A_9 = arith.constant 0 : index
    %get3A_10 = arith.constant 0 : index
    %get3A_11 = vector.load %arg1[%get3A_9, %get3A_10] : memref<1000x128xf32, #tpu.memory_space<vmem>>, vector<1000x128xf32>
    %get3A_12 = arith.constant 0 : index
    %get3A_13 = arith.constant 0 : index
    %get3A_14 = vector.load %arg3[%get3A_12, %get3A_13] : memref<1000x1xf32, #tpu.memory_space<vmem>>, vector<1000x1xf32>
    %mul3A = vector.broadcast %get3A_14 : vector<1000x1xf32> to vector<1000x128xf32>
    %mul3A_15 = arith.mulf %add3A, %mul3A : vector<1000x128xf32>
    %add3A_16 = arith.addf %get3A_11, %mul3A_15 : vector<1000x128xf32>
    %get3A_17 = arith.constant 0 : index
    %get3A_18 = arith.constant 0 : index
    %get3A_19 = vector.load %arg4[%get3A_17, %get3A_18] : memref<1x128xf32, #tpu.memory_space<vmem>>, vector<1x128xf32>
    %add3A_20 = vector.broadcast %get3A_19 : vector<1x128xf32> to vector<1000x128xf32>
    %add3A_21 = arith.addf %add3A_16, %add3A_20 : vector<1000x128xf32>
    %max3A = arith.constant 0.000000e+00 : f32
    %max3A_22 = vector.broadcast %max3A : f32 to vector<1000x128xf32>
    %max3A_23 = arith.maximumf %add3A_21, %max3A_22 : vector<1000x128xf32>
    %swap3A = arith.constant 0 : index
    %swap3A_24 = arith.constant 0 : index
    %swap3A_25 = vector.load %arg5[%swap3A, %swap3A_24] : memref<1000x128xf32, #tpu.memory_space<vmem>>, vector<1000x128xf32>
    tpu.vector_store %arg5[%swap3A, %swap3A_24], %max3A_23 {strides = array<i32>} : memref<1000x128xf32, #tpu.memory_space<vmem>>, vector<1000x128xf32>,
    return
  }
  func.func @transform_0(%arg0: i32) -> (i32, i32) {
    %c0_i32 = arith.constant 0 : i32
    %c0_i32_0 = arith.constant 0 : i32
    return %arg0, %c0_i32 : i32, i32
  }
  func.func @transform_1(%arg0: i32) -> (i32, i32, i32) {
    %c0_i32 = arith.constant 0 : i32
    %c0_i32_0 = arith.constant 0 : i32
    %c0_i32_1 = arith.constant 0 : i32
    return %c0_i32, %arg0, %c0_i32_0 : i32, i32, i32
  }
  func.func @transform_2(%arg0: i32) -> (i32, i32) {
    %c0_i32 = arith.constant 0 : i32
    %c0_i32_0 = arith.constant 0 : i32
    return %arg0, %c0_i32 : i32, i32
  }
  func.func @transform_3(%arg0: i32) -> (i32, i32) {
    %c0_i32 = arith.constant 0 : i32
    %c0_i32_0 = arith.constant 0 : i32
    %c0_i32_1 = arith.constant 0 : i32
    return %c0_i32, %c0_i32_0 : i32, i32
  }
  func.func @transform_4(%arg0: i32) -> (i32, i32) {
    %c0_i32 = arith.constant 0 : i32
    %c0_i32_0 = arith.constant 0 : i32
    return %arg0, %c0_i32 : i32, i32
  }
}

module attributes {stable_mosaic.version = 14 : i64} {
  func.func @_final_body(%arg0: i32, %arg1: memref<1000x128xf32, #tpu.memory_space<vmem>>, %arg2: memref<2x1000x128xf32, #tpu.memory_space<vmem>>, %arg3: memref<1000x1xf32, #tpu.memory_space<vmem>>, %arg4: memref<1x64xf32, #tpu.memory_space<vmem>>, %arg5: memref<128x64xf32, #tpu.memory_space<vmem>>, %arg6: memref<128x64xf32, #tpu.memory_space<vmem>>, %arg7: memref<1000x64xf32, #tpu.memory_space<vmem>>) attributes {dimension_semantics = [#tpu.dimension_semantics<arbitrary>], iteration_bounds = array<i64: 10>, scalar_prefetch = 0 : i64, scratch_operands = 0 : i64, tpu.core_type = #tpu.core_type<tc>, window_params = [{transform_indices = @transform_0, window_bounds = array<i64: 1000, 128>}, {transform_indices = @transform_1, window_bounds = array<i64: 2, 1000, 128>}, {transform_indices = @transform_2, window_bounds = array<i64: 1000, 1>}, {pipeline_mode = #tpu.pipeline_mode<synchronous>, transform_indices = @transform_3, window_bounds = array<i64: 1, 64>}, {pipeline_mode = #tpu.pipeline_mode<synchronous>, transform_indices = @transform_4, window_bounds = array<i64: 128, 64>}, {pipeline_mode = #tpu.pipeline_mode<synchronous>, transform_indices = @transform_5, window_bounds = array<i64: 128, 64>}, {transform_indices = @transform_6, window_bounds = array<i64: 1000, 64>}]} {
    %get3A = arith.constant 0 : index
    %get3A_0 = arith.constant 0 : index
    %get3A_1 = arith.constant 0 : index
    %get3A_2 = vector.load %arg2[%get3A, %get3A_0, %get3A_1] : memref<2x1000x128xf32, #tpu.memory_space<vmem>>, vector<1x1000x128xf32>
    %get3A_3 = vector.shape_cast %get3A_2 : vector<1x1000x128xf32> to vector<1000x128xf32>
    %get3A_4 = arith.constant 1 : index
    %get3A_5 = arith.constant 0 : index
    %get3A_6 = arith.constant 0 : index
    %get3A_7 = vector.load %arg2[%get3A_4, %get3A_5, %get3A_6] : memref<2x1000x128xf32, #tpu.memory_space<vmem>>, vector<1x1000x128xf32>
    %get3A_8 = vector.shape_cast %get3A_7 : vector<1x1000x128xf32> to vector<1000x128xf32>
    %add3A = arith.addf %get3A_3, %get3A_8 : vector<1000x128xf32>
    %get3A_9 = arith.constant 0 : index
    %get3A_10 = arith.constant 0 : index
    %get3A_11 = vector.load %arg3[%get3A_9, %get3A_10] : memref<1000x1xf32, #tpu.memory_space<vmem>>, vector<1000x1xf32>
    %mul3A = vector.broadcast %get3A_11 : vector<1000x1xf32> to vector<1000x128xf32>
    %mul3A_12 = arith.mulf %add3A, %mul3A : vector<1000x128xf32>
    %get3A_13 = arith.constant 0 : index
    %get3A_14 = arith.constant 0 : index
    %get3A_15 = vector.load %arg1[%get3A_13, %get3A_14] : memref<1000x128xf32, #tpu.memory_space<vmem>>, vector<1000x128xf32>
    %get3A_16 = arith.constant 0 : index
    %get3A_17 = arith.constant 0 : index
    %get3A_18 = vector.load %arg5[%get3A_16, %get3A_17] : memref<128x64xf32, #tpu.memory_space<vmem>>, vector<128x64xf32>
    %dot_general3A = arith.constant dense<0.000000e+00> : vector<1000x64xf32>
    %dot_general3A_19 = tpu.matmul %get3A_15, %get3A_18, %dot_general3A {dimension_numbers = #tpu.dot_dimension_numbers<[1], [0], [0], [1], [0, 0, 1, 1], [], []>, transpose_lhs_hint = false} : vector<1000x128xf32>, vector<128x64xf32>, vector<1000x64xf32> -> vector<1000x64xf32>
    %get3A_20 = arith.constant 0 : index
    %get3A_21 = arith.constant 0 : index
    %get3A_22 = vector.load %arg6[%get3A_20, %get3A_21] : memref<128x64xf32, #tpu.memory_space<vmem>>, vector<128x64xf32>
    %dot_general3A_23 = arith.constant dense<0.000000e+00> : vector<1000x64xf32>
    %dot_general3A_24 = tpu.matmul %mul3A_12, %get3A_22, %dot_general3A_23 {dimension_numbers = #tpu.dot_dimension_numbers<[1], [0], [0], [1], [0, 0, 1, 1], [], []>, transpose_lhs_hint = false} : vector<1000x128xf32>, vector<128x64xf32>, vector<1000x64xf32> -> vector<1000x64xf32>
    %add3A_25 = arith.addf %dot_general3A_19, %dot_general3A_24 : vector<1000x64xf32>
    %get3A_26 = arith.constant 0 : index
    %get3A_27 = arith.constant 0 : index
    %get3A_28 = vector.load %arg4[%get3A_26, %get3A_27] : memref<1x64xf32, #tpu.memory_space<vmem>>, vector<1x64xf32>
    %add3A_29 = vector.broadcast %get3A_28 : vector<1x64xf32> to vector<1000x64xf32>
    %add3A_30 = arith.addf %add3A_25, %add3A_29 : vector<1000x64xf32>
    %swap3A = arith.constant 0 : index
    %swap3A_31 = arith.constant 0 : index
    %swap3A_32 = vector.load %arg7[%swap3A, %swap3A_31] : memref<1000x64xf32, #tpu.memory_space<vmem>>, vector<1000x64xf32>
    tpu.vector_store %arg7[%swap3A, %swap3A_31], %add3A_30 {strides = array<i32>} : memref<1000x64xf32, #tpu.memory_space<vmem>>, vector<1000x64xf32>,
    return
  }
  func.func @transform_0(%arg0: i32) -> (i32, i32) {
    %c0_i32 = arith.constant 0 : i32
    %c0_i32_0 = arith.constant 0 : i32
    return %arg0, %c0_i32 : i32, i32
  }
  func.func @transform_1(%arg0: i32) -> (i32, i32, i32) {
    %c0_i32 = arith.constant 0 : i32
    %c0_i32_0 = arith.constant 0 : i32
    %c0_i32_1 = arith.constant 0 : i32
    return %c0_i32, %arg0, %c0_i32_0 : i32, i32, i32
  }
  func.func @transform_2(%arg0: i32) -> (i32, i32) {
    %c0_i32 = arith.constant 0 : i32
    %c0_i32_0 = arith.constant 0 : i32
    return %arg0, %c0_i32 : i32, i32
  }
  func.func @transform_3(%arg0: i32) -> (i32, i32) {
    %c0_i32 = arith.constant 0 : i32
    %c0_i32_0 = arith.constant 0 : i32
    %c0_i32_1 = arith.constant 0 : i32
    return %c0_i32, %c0_i32_0 : i32, i32
  }
  func.func @transform_4(%arg0: i32) -> (i32, i32) {
    %c0_i32 = arith.constant 0 : i32
    %c0_i32_0 = arith.constant 0 : i32
    %c0_i32_1 = arith.constant 0 : i32
    return %c0_i32, %c0_i32_0 : i32, i32
  }
  func.func @transform_5(%arg0: i32) -> (i32, i32) {
    %c0_i32 = arith.constant 0 : i32
    %c0_i32_0 = arith.constant 0 : i32
    %c0_i32_1 = arith.constant 0 : i32
    return %c0_i32, %c0_i32_0 : i32, i32
  }
  func.func @transform_6(%arg0: i32) -> (i32, i32) {
    %c0_i32 = arith.constant 0 : i32
    %c0_i32_0 = arith.constant 0 : i32
    return %arg0, %c0_i32 : i32, i32
  }
}

</mosaic_0001>

<sc_bundles>
// kernel: kernel.12.cloned.1.call-start
scs
__scs_entry_jumppad:
0x0: {  	(pc) =	sbr.rel $0x88, $3  }
0x1: {  	(tag) =	ssettag $0x0;
	lr =	simm.s32 $0x1  }
0x2: {  	[smem:$0x3F99] =	sst lr;
	_ =	strace $0xD0000000  }
0x3: {  	_ = 	snop  }
0x4: {  	_ = 	snop  }
0x5: {  	_ = 	snop  }
0x6: {  	_ = 	snop  }
0x7: {  	_ = 	snop  }
__scs_overlays_trampoline_lowered:
0x8: {  	[smem:$0x3FA8] =	sst s0  }
0x9: {  	[smem:$0x3FA9] =	sst s1  }
0xa: {  	[smem:$0x3FAA] =	sst s2  }
0xb: {  	[smem:$0x3FAB] =	sst s3  }
0xc: {  	[smem:$0x3FAC] =	sst s4  }
0xd: {  	[smem:$0x3FAD] =	sst s5  }
0xe: {  	[smem:$0x3FAE] =	sst s6  }
0xf: {  	[smem:$0x3FAF] =	sst s7  }
0x10: {  	[smem:$0x3FB0] =	sst s8  }
0x11: {  	[smem:$0x3FB1] =	sst s9;
	s0 =	simm.s32 @!p0 $0x0  }
0x12: {  	s1 =	sld [smem:$0x3F97];
	s0 =	simm.s32 @p0 $0x1  }
0x13: {  	[smem:$0x3FB2] =	sst s0;
	s0 =	simm.s32 @!p1 $0x0  }
0x14: {  	s2 =	sld [smem:$0x3F96];
	s0 =	simm.s32 @p1 $0x1  }
0x15: {  	[smem:$0x3FB3] =	sst s0;
	s0 =	simm.s32 @!p2 $0x0  }
0x16: {  	s3 =	sld [smem:$0x3FDB];
	s0 =	simm.s32 @p2 $0x1  }
0x17: {  	s4 =	simm.s32 $0x1BF5;
	[smem:$0x3FB5] =	sst s0  }
0x18: {  	s0 =	sld [smem:$0x3F98];
	_ =	swait.ge [sflag:s4], $0x0  }
0x19: {  	s7 =	sld [smem:$0x3F99]  }
0x1a: {  	s8 =	sadd.s32 $0xFFFFE003, lr  }
0x1b: {  	s9 =	sadd.s32 $0xFFFFFEF7, lr;
	s5 =	simm.s32 $0xFFFFFFFF;
	p2 =	slt.u32 s8, $0xFFFFF086  }
0x1c: {  	p1 =	slt.u32 s9, $0xF7A;
	s5 =	simm.s32 @!p2 $0x0  }
0x1d: {  	s5 =	simm.s32 @p1 $0x1;
	p0 =	seq.s32 s7, s2  }
0x1e: {  	s7 =	smul.u32 @!p0 $0xF7A, s2;
	p2 =	seq.s32 @!p0 s5, $0x0  }
0x1f: {  	s9 =	smul.u32 $0xF7A, s1;
	s8 =	simm.s32 @!p0 $0x1BF5;
	p2 =	por !p2, p0  }
0x20: {  	[sflag:s8] =	ssyncset.s32 @!p0 $0xFFFFF086;
	s6 =	sadd.s32 @!p0 s3, s7;
	s7 =	simm.s32 @!p0 $0x108  }
0x21: {  	s3 =	sadd.s32 s3, s9;
	s6 =	sadd.s32 @!p0 $0x88, s6;
	s7 =	simm.s32 @p2 $0x1082  }
0x22: {  	[simem:s7], [sflag:s8] =	dma.local @!p0 [hbm:s6], $0xF7A  }
0x23: {  	s9 =	sor.u32 $0xD0000000, s2;
	s6 =	simm.s32 $0x108;
	_ =	swait.ge @!p0 [sflag:s8], $0x0  }
0x24: {  	s3 =	sadd.s32 $0x88, s3;
	s6 =	simm.s32 @!p1 $0x1082;
	[sflag:s4] =	ssyncset.s32 $0xFFFFF086  }
0x25: {  	[simem:s6], [sflag:s4] =	dma.local [hbm:s3], $0xF7A  }
0x26: {  	[smem:$0x3F99] =	sst s1;
	(tag) =	ssettag s2;
	_ =	strace s9  }
0x27: {  	s1 =	sld [smem:$0x3FA9]  }
0x28: {  	s2 =	sld [smem:$0x3FAA]  }
0x29: {  	s4 =	sld [smem:$0x3FAC]  }
0x2a: {  	p0 =	seq.s32 s5, $0x0;
	s5 =	sld [smem:$0x3FAD]  }
0x2b: {  	s6 =	sld [smem:$0x3FAE]  }
0x2c: {  	s7 =	sld [smem:$0x3FAF]  }
0x2d: {  	s3 =	simm.s32 $0x108;
	s8 =	sld [smem:$0x3FB0]  }
0x2e: {  	s3 =	simm.s32 @!p0 $0x1082;
	s9 =	sld [smem:$0x3FB1]  }
0x2f: {  	lr =	sadd.s32 s0, s3;
	s0 =	sld [smem:$0x3FA8]  }
0x30: {  	s3 =	sld [smem:$0x3FAB]  }
0x31: {  	[smem:$0x3FB4] =	sst s10  }
0x32: {  	s10 =	sld [smem:$0x3FB2];
	_ =	sdelay $0x3  }
0x33: {  	p0 =	seq.s32 s10, $0x1;
	s10 =	sld [smem:$0x3FB4];
	_ =	sdelay $0x3  }
0x34: {  	[smem:$0x3FB4] =	sst s10  }
0x35: {  	s10 =	sld [smem:$0x3FB3];
	_ =	sdelay $0x3  }
0x36: {  	p1 =	seq.s32 s10, $0x1;
	s10 =	sld [smem:$0x3FB4];
	_ =	sdelay $0x3  }
0x37: {  	[smem:$0x3FB4] =	sst s10  }
0x38: {  	s10 =	sld [smem:$0x3FB5]  }
0x39: {  	_ = 	snop;
	(pc) =	sbr.ind lr, $3  }
0x3a: {  	_ = 	snop  }
0x3b: {  	_ = 	snop  }
0x3c: {  	p2 =	seq.s32 s10, $0x1;
	s10 =	sld [smem:$0x3FB4]  }
0x3d: {  	_ =	shalt  }
0x3e: {  	_ =	shalt  }
0x3f: {  	_ =	shalt  }
0x40: {  	_ =	shalt  }
0x41: {  	_ =	shalt  }
0x42: {  	_ =	shalt  }
0x43: {  	_ =	shalt  }
0x44: {  	_ =	shalt  }
0x45: {  	_ =	shalt  }
0x46: {  	_ =	shalt  }
0x47: {  	_ =	shalt  }
0x48: {  	_ =	shalt  }
0x49: {  	_ =	shalt  }
0x4a: {  	_ =	shalt  }
0x4b: {  	_ =	shalt  }
0x4c: {  	_ =	shalt  }
0x4d: {  	_ =	shalt  }
0x4e: {  	_ =	shalt  }
0x4f: {  	_ =	shalt  }
0x50: {  	_ =	shalt  }
0x51: {  	_ =	shalt  }
0x52: {  	_ =	shalt  }
0x53: {  	_ =	shalt  }
0x54: {  	_ =	shalt  }
0x55: {  	_ =	shalt  }
0x56: {  	_ =	shalt  }
0x57: {  	_ =	shalt  }
0x58: {  	_ =	shalt  }
0x59: {  	_ =	shalt  }
0x5a: {  	_ =	shalt  }
0x5b: {  	_ =	shalt  }
0x5c: {  	_ =	shalt  }
0x5d: {  	_ =	shalt  }
0x5e: {  	_ =	shalt  }
0x5f: {  	_ =	shalt  }
0x60: {  	_ =	shalt  }
0x61: {  	_ =	shalt  }
0x62: {  	_ =	shalt  }
0x63: {  	_ =	shalt  }
0x64: {  	_ =	shalt  }
0x65: {  	_ =	shalt  }
0x66: {  	_ =	shalt  }
0x67: {  	_ =	shalt  }
0x68: {  	_ =	shalt  }
0x69: {  	_ =	shalt  }
0x6a: {  	_ =	shalt  }
0x6b: {  	_ =	shalt  }
0x6c: {  	_ =	shalt  }
0x6d: {  	_ =	shalt  }
0x6e: {  	_ =	shalt  }
0x6f: {  	_ =	shalt  }
0x70: {  	_ =	shalt  }
0x71: {  	_ =	shalt  }
0x72: {  	_ =	shalt  }
0x73: {  	_ =	shalt  }
0x74: {  	_ =	shalt  }
0x75: {  	_ =	shalt  }
0x76: {  	_ =	shalt  }
0x77: {  	_ =	shalt  }
0x78: {  	_ =	shalt  }
0x79: {  	_ =	shalt  }
0x7a: {  	_ =	shalt  }
0x7b: {  	_ =	shalt  }
0x7c: {  	_ =	shalt  }
0x7d: {  	_ =	shalt  }
0x7e: {  	_ =	shalt  }
0x7f: {  	_ =	shalt  }
0x80: {  	_ =	shalt  }
0x81: {  	_ =	shalt  }
0x82: {  	_ =	shalt  }
0x83: {  	_ =	shalt  }
0x84: {  	_ =	shalt  }
0x85: {  	_ =	shalt  }
0x86: {  	_ =	shalt  }
0x87: {  	_ =	shalt  }
.Lfunc_end0:
.L_simem_size_0:
called_computation.1_lowered:
.L_overlay_start_0:
0x88: {  	s2 =	sld [smem:$0x3FD9]  }
0x89: {  	s3 =	sld [smem:$0x3FFE];
	_ =	sdelay $0x1  }
0x8a: {  	s1 =	srdreg.scid  }
0x8b: {  	s0 =	sand.u32 $0x1, s1  }
0x8c: {  	s17 =	sshll.u32 s0, $0xA;
	s2 =	sadd.s32 s3, s2  }
0x8d: {  	s2 =	sadd.s32 s2, s17  }
0x8e: {  	[smem:$0x3FC0] =	sst s2  }
0x8f: {  	_ = 	snop  }
0x90: {  	s18 =	sld [smem:$0x3FD0];
	(tm) =	ssettm $0x1  }
0x91: {  	s19 =	sld [smem:$0x3FFB];
	_ =	sdelay $0x3  }
0x92: {  	_ =	strace s19  }
0x93: {  	s2 =	sld [smem:$0x3FFC];
	_ =	sdelay $0x3  }
0x94: {  	_ =	strace s2  }
0x95: {  	s2 =	sld [smem:$0x3FFD];
	_ =	sdelay $0x3  }
0x96: {  	_ =	strace s2  }
0x97: {  	_ =	strace $0x8FFFFFFF  }
0x98: {  	s20 =	sld [smem:$0x3FDB];
	_ =	sdelay $0x1  }
0x99: {  	s4 =	simm.s32 $_scs_section_size  }
0x9a: {  	s5 =	simm.s32 $_size__tile_overlayer_lowered;
	s6 =	simm.s32 $_tile_overlayer_lowered  }
0x9b: {  	s7 =	simm.s32 $0x1BFF;
	s21 =	sshll.u32 s6, $0x1;
	s4 =	sadd.s32 s4, s20  }
0x9c: {  	s22 =	simm.s32 $0x0;
	s5 =	sshll.u32 s5, $0x1;
	s6 =	sadd.s32 s21, s4  }
0x9d: {  	[timem:s22], [sflag:s7] =	dma.local [hbm:s6], s5  }
0x9e: {  	_ =	swait.ge [sflag:s7], s5  }
0x9f: {  	s5 =	ssub.s32 $0x0, s5;
	[sflag:s7] =	ssyncset.done $0x0  }
0xa0: {  	[sflag:s7] =	ssyncadd.s32 s5;
	_ =	sdelay $0x1  }
0xa1: {  	s23 =	simm.s32 $0x1B8B  }
0xa2: {  	_ =	swait.ge [sflag:s23], $0x1  }
0xa3: {  	[sflag:s23] =	ssyncset.done $0x0  }
0xa4: {  	[sflag:s23] =	ssyncadd.s32 $0xFFFFFFFF  }
0xa5: {  	s5 =	sld [smem:$0x0]  }
0xa6: {  	s6 =	sand.u32 $0xFFFFFFFE, s1  }
0xa7: {  	p0 =	sne.s32 s1, s6  }
0xa8: {  	s6 =	sshll.u32 @p0 s6, $0xE  }
0xa9: {  	s6 =	sadd.s32 @p0 $0x11B8D, s6;
	s7 =	sshll.u32 @p0 s5, $0x11  }
0xaa: {  	s6 =	sor.u32 @p0 s7, s6  }
0xab: {  	[sflag:s6] =	ssyncadd.remote.s32 @p0 $0x1;
	_ =	sdelay $0x1  }
0xac: {  	s6 =	simm.s32 @p0 $0x1B8D  }
0xad: {  	_ =	swait.eq @p0 [sflag:s6], $0x1  }
0xae: {  	[sflag:s6] =	ssyncadd.s32 @p0 $0xFFFFFFFF  }
0xaf: {  	s7 =	sshll.u32 @!p0 s1, $0xE  }
0xb0: {  	s7 =	sor.u32 @!p0 $0x4000, s7;
	s6 =	simm.s32 @!p0 $0x1B8D  }
0xb1: {  	s5 =	sshll.u32 @!p0 s5, $0x11;
	s7 =	sadd.s32 @!p0 $0x11B8D, s7;
	_ =	swait.eq @!p0 [sflag:s6], $0x1  }
0xb2: {  	s5 =	sor.u32 @!p0 s5, s7;
	[sflag:s6] =	ssyncadd.s32 @!p0 $0xFFFFFFFF  }
0xb3: {  	s25 =	simm.s32 $0x1B8E;
	s24 =	sld [smem:$0x3FFE];
	[sflag:s5] =	ssyncadd.remote.s32 @!p0 $0x1  }
0xb4: {  	s26 =	simm.s32 $execute0_lowered;
	[smem:$0x3FD2] =	sst s25  }
0xb5: {  	s6 =	sshll.u32 s26, $0x1;
	_ =	strace $0x80000049;
	[dreg:$0x1] =	wrdreg $0xFFFFFFFF  }
0xb6: {  	s28 =	simm.s32 $_size_execute0_lowered;
	s4 =	sadd.s32 s4, s6;
	[dreg:$0x0] =	wrdreg $0x0  }
0xb7: {  	s6 =	sshll.u32 s28, $0x1;
	[dreg:$0x2] =	wrdreg s4  }
0xb8: {  	[dreg:$0x3] =	wrdreg s6  }
0xb9: {  	[dreg:$0x4] =	wrdreg $0xC0  }
0xba: {  	_ =	task [dreg:s22], $0x5FFFF  }
0xbb: {  	[dreg:$0x1] =	wrdreg $0xFFFFFFFF  }
0xbc: {  	[dreg:$0x0] =	wrdreg $0x60  }
0xbd: {  	[dreg:$0x2] =	wrdreg s24  }
0xbe: {  	[dreg:$0x3] =	wrdreg s18  }
0xbf: {  	[dreg:$0x4] =	wrdreg $0x0  }
0xc0: {  	[dreg:$0x5] =	wrdreg $0xA  }
0xc1: {  	_ =	task.clear_ibuf [dreg:s22], $0x6FFFF;
	_ =	strace $0x90000049  }
0xc2: {  	s29 =	simm.s32 $0xA;
	_ =	strace $0x8000004B  }
0xc3: {  	_ =	swait.ge [sflag:s29], $0x1  }
0xc4: {  	[sflag:s29] =	ssyncadd.s32 $0xFFFFFFFF  }
0xc5: {  	_ =	strace $0x9000004B  }
0xc6: {  	_ =	sfence  }
0xc7: {  	s30 =	sld [smem:$0x0];
	_ =	sdelay $0x2  }
0xc8: {  	s31 =	sshll.u32 s1, $0xD;
	s1 =	sshrl.u32 s1, $0x2  }
0xc9: {  	s4 =	sand.u32 $0x4000, s31;
	s1 =	sadd.s32 s1, s30  }
0xca: {  	s0 =	sor.u32 s4, s0;
	s1 =	sshll.u32 s1, $0x11  }
0xcb: {  	s0 =	sor.u32 s1, s0  }
0xcc: {  	s0 =	sadd.s32 $0x8F2B, s0  }
0xcd: {  	[sflag:s0] =	ssyncadd.remote.s32 $0x1  }
0xce: {  	_ =	sfence.sel $0xFFFF  }
0xcf: {  	[dreg:$0x0] =	wrdreg $0xFFFFFFFF;
	(pc) =	sbr.abs _section_cstart, $3  }
0xd0: {  	[dreg:$0x1] =	wrdreg $0xFFFFFFFF  }
0xd1: {  	_ =	task.clear_ibuf [dreg:s22], $0x2FFFF;
	_ =	strace $0x9FFFFFFF  }
0xd2: {  	(tm) =	ssettm $0x7FFFFFFF  }
0xd3: {  	_ =	shalt  }
tec
execute0_lowered:
.L_overlay_start_1:
0x0: {  	(tag) =	ssettag $0x1  }
0x1: {  	s0 =	srdreg.scid;
	s24 =	stileid.u32  }
0x2: {  	s6 =	rddreg [dreg:$0x0];
	s9 =	smul.u32 $0x2800, s24  }
0x3: {  	s2 =	rddreg [dreg:$0x1];
	s5 =	sand.u32 $0x1, s0;
	s25 =	smul.u32 $0x2710, s24  }
0x4: {  	s3 =	rddreg [dreg:$0x2];
	s8 =	sor.u32 $0x10, s24;
	s7 =	smul.u32 $0x138800, s5  }
0x5: {  	s4 =	simm.s32 $0x0;
	s10 =	sor.u32 $0x20, s24;
	s11 =	smul.u32 $0x2800, s8  }
0x6: {  	s28 =	simm.s32 $0x13D00;
	s12 =	sor.u32 $0x30, s24;
	s13 =	smul.u32 $0x2800, s10  }
0x7: {  	s29 =	simm.s32 $0x3;
	s15 =	sor.u32 $0x40, s24;
	s16 =	smul.u32 $0x2800, s12  }
0x8: {  	s30 =	simm.s32 $0x13D80;
	s17 =	sor.u32 $0x50, s24;
	s18 =	smul.u32 $0x2800, s15  }
0x9: {  	[smem:$0x7FF] =	sst s4;
	s20 =	sor.u32 $0x60, s24;
	s21 =	smul.u32 $0x2800, s17  }
0xa: {  	s14 =	sadd.s32 $0x81400, s6;
	p0 =	sgt.u32 s24, $0xC;
	s22 =	smul.u32 $0x2800, s20  }
0xb: {  	s0 =	sshll.u32 s5, $0x4;
	s1 =	ssub.s32 $0x2, s5;
	s5 =	smul.u32 $0x27100, s5  }
0xc: {  	s17 =	smul.u32 $0xA000, s17;
	s0 =	sor.u32 s24, s0;
	s19 =	sshrl.u32 s1, $0x1  }
0xd: {  	s0 =	smul.u32 $0x2710, s0;
	s1 =	ssub.s32 s1, s19;
	s19 =	sor.u32 $0x70, s24  }
0xe: {  	s9 =	sadd.s32 s9, s7;
	s11 =	sadd.s32 s7, s11;
	s13 =	sadd.s32 s7, s13  }
0xf: {  	s16 =	sadd.s32 s7, s16;
	s18 =	sadd.s32 s7, s18;
	s21 =	sadd.s32 s7, s21  }
0x10: {  	s22 =	sadd.s32 s7, s22;
	s23 =	smul.u32 $0x2800, s19;
	s9 =	sshrl.u32 s9, $0x3  }
0x11: {  	s11 =	sshrl.u32 s11, $0x3;
	s21 =	sshrl.u32 s21, $0x3;
	s22 =	sshrl.u32 s22, $0x3  }
0x12: {  	s9 =	sadd.s32 s14, s9;
	s26 =	sadd.s32 s14, s11;
	s11 =	sshrl.u32 s13, $0x3  }
0x13: {  	s13 =	sshrl.u32 s16, $0x3;
	s7 =	sadd.s32 s7, s23;
	s23 =	smul.u32 $0xA000, s24  }
0x14: {  	s16 =	sshrl.u32 s18, $0x3;
	[dreg:$0x5] =	wrdreg s26;
	s26 =	smul.u32 $0xA000, s8  }
0x15: {  	[dreg:$0x4] =	wrdreg s9;
	s9 =	sadd.s32 s14, s11;
	s11 =	smul.u32 $0xA000, s12  }
0x16: {  	s1 =	smax.u32 s1, $0x1;
	s18 =	sadd.s32 s14, s16;
	s16 =	smul.u32 $0xA000, s15  }
0x17: {  	s0 =	sshrl.u32 s0, $0x3;
	s8 =	sadd.s32 s25, s5;
	s25 =	smul.u32 $0xA000, s19  }
0x18: {  	s24 =	simm.s32 $0x16680;
	[dreg:$0x6] =	wrdreg s9;
	s9 =	sadd.s32 s14, s13  }
0x19: {  	[dreg:$0x8] =	wrdreg s18;
	s7 =	sshrl.u32 s7, $0x3;
	s13 =	sadd.s32 $0x5A200, s6  }
0x1a: {  	[dreg:$0x7] =	wrdreg s9;
	s9 =	sadd.s32 s14, s21;
	s7 =	sadd.s32 s14, s7  }
0x1b: {  	s12 =	sshrl.u32 s26, $0x2;
	s18 =	sshrl.u32 s11, $0x2;
	s11 =	sshrl.u32 s25, $0x2  }
0x1c: {  	s25 =	sadd.s32 $0x140, s8;
	[dreg:$0x9] =	wrdreg s9;
	s9 =	sadd.s32 s14, s22  }
0x1d: {  	[dreg:$0xb] =	wrdreg s7;
	s14 =	sadd.s32 $0x2200, s6;
	s22 =	sadd.s32 s12, s3  }
0x1e: {  	s7 =	sshrl.u32 s16, $0x2;
	s6 =	sshrl.u32 s17, $0x2;
	s12 =	sadd.s32 s11, s3  }
0x1f: {  	s16 =	sadd.s32 s2, s0;
	[dreg:$0xa] =	wrdreg s9;
	s26 =	sadd.s32 s7, s3  }
0x20: {  	s7 =	sadd.s32 s6, s3;
	_ =	strace $0x8000004A;
	[dreg:$0x10] =	wrdreg s26  }
0x21: {  	s17 =	sadd.s32 $0xA, s0;
	s11 =	simm.s32 $0x13B00;
	[dreg:$0x11] =	wrdreg s7  }
0x22: {  	s9 =	smul.u32 $0xA000, s10;
	s15 =	sadd.s32 s14, s0;
	[dreg:$0x13] =	wrdreg s12  }
0x23: {  	s10 =	sshrl.u32 s23, $0x2;
	s23 =	smul.u32 $0xA000, s20;
	[dreg:$0x14] =	wrdreg s15  }
0x24: {  	s20 =	sadd.s32 s18, s3;
	s18 =	sadd.s32 s14, s17;
	[dreg:$0x15] =	wrdreg s16  }
0x25: {  	s0 =	sadd.s32 $0x14, s0;
	s6 =	simm.s32 $0x18E80;
	[dreg:$0x16] =	wrdreg s18  }
0x26: {  	s21 =	sadd.s32 s10, s3;
	s19 =	sadd.s32 s14, s0;
	[dreg:$0x1a] =	wrdreg s1  }
0x27: {  	s0 =	sadd.s32 s2, s0;
	s26 =	sadd.s32 $0xF0, s8;
	[dreg:$0xd] =	wrdreg s22  }
0x28: {  	s7 =	simm.s32 $0x13E80;
	s10 =	simm.s32 $0x13900;
	[dreg:$0xf] =	wrdreg s20  }
0x29: {  	s12 =	simm.s32 $0x1;
	s15 =	simm.s32 $0x0;
	[dreg:$0x18] =	wrdreg s19  }
0x2a: {  	s5 =	sshrl.u32 s9, $0x2;
	s9 =	sshrl.u32 s23, $0x2;
	[dreg:$0x19] =	wrdreg s0  }
0x2b: {  	s23 =	sadd.s32 $0x190, s8;
	[dreg:$0x1b] =	wrdreg s26;
	s8 =	simm.s32 $0x4  }
0x2c: {  	s26 =	simm.s32 $0x13C80;
	[dreg:$0xc] =	wrdreg s21;
	s5 =	sadd.s32 s5, s3  }
.Ltmp0:
0x2d: {  	s0 =	sshrl.u32 s23, $0x3;
	s23 =	simm.s32 $0x50;
	(pc) =	sbr.rel .LBB2_1-.Ltmp0, $4  }
0x2e: {  	[dreg:$0xe] =	wrdreg s5;
	s5 =	sadd.s32 s9, s3;
	s31 =	sadd.s32 s0, s2  }
0x2f: {  	s1 =	sadd.s32 s0, s14;
	[dreg:$0x12] =	wrdreg s5;
	s5 =	sadd.s32 s2, s17  }
0x30: {  	s9 =	simm.s32 $0x13880;
	[dreg:$0x17] =	wrdreg s5;
	s5 =	sshrl.u32 s25, $0x3  }
0x31: {  	v0 =	vimm.f32 $0.0e+00;
	s25 =	simm.s32 $0x2;
	s0 =	sadd.s32 s5, s2;
	s5 =	sadd.s32 s5, s14  }
.LBB2_5:
0x32: {  	_ =	swait.ge [sflag:s29], $0x2800  }
0x33: {  	[sflag:s29] =	ssyncset.done $0x0  }
0x34: {  	[sflag:s29] =	ssyncadd.s32 $0xFFFFD800  }
.LBB2_7:
0x35: {  	_ =	swait.ge [sflag:s29], $0x2800  }
0x36: {  	[sflag:s29] =	ssyncset.done $0x0  }
0x37: {  	[sflag:s29] =	ssyncadd.s32 $0xFFFFD800  }
0x38: {  	s16 =	stileid.u32;
	[bflag:$0x0] =	sbarrier.arrive $0xFFFF  }
0x39: {  	s16 =	sshll.u32 s16, $0x6;
	s21 =	rddreg [dreg:$0xc]  }
0x3a: {  	s16 =	sor.u32 $0x1C04, s16;
	s18 =	rddreg [dreg:$0x4];
	s17 =	sshrl.u32 s21, $0x3  }
0x3b: {  	[hbm:s18], [sflag:s16] =	dma.local [spmem:s17], $0x500  }
0x3c: {  	_ =	swait.ge [sflag:s8], $0x500  }
0x3d: {  	[sflag:s8] =	ssyncset.done $0x0;
	s22 =	rddreg [dreg:$0xd]  }
0x3e: {  	s20 =	rddreg [dreg:$0x5];
	[sflag:s8] =	ssyncadd.s32 $0xFFFFFB00;
	s19 =	sshrl.u32 s22, $0x3  }
0x3f: {  	[hbm:s20], [sflag:s16] =	dma.local [spmem:s19], $0x500  }
0x40: {  	_ =	swait.ge [sflag:s8], $0x500  }
0x41: {  	[sflag:s8] =	ssyncset.done $0x0;
	s19 =	rddreg [dreg:$0xe]  }
0x42: {  	s20 =	rddreg [dreg:$0x6];
	[sflag:s8] =	ssyncadd.s32 $0xFFFFFB00;
	s17 =	sshrl.u32 s19, $0x3  }
0x43: {  	[hbm:s20], [sflag:s16] =	dma.local [spmem:s17], $0x500  }
0x44: {  	_ =	swait.ge [sflag:s8], $0x500  }
0x45: {  	[sflag:s8] =	ssyncset.done $0x0;
	s20 =	rddreg [dreg:$0xf]  }
0x46: {  	s19 =	rddreg [dreg:$0x7];
	[sflag:s8] =	ssyncadd.s32 $0xFFFFFB00;
	s18 =	sshrl.u32 s20, $0x3  }
0x47: {  	[hbm:s19], [sflag:s16] =	dma.local [spmem:s18], $0x500  }
0x48: {  	_ =	swait.ge [sflag:s8], $0x500  }
0x49: {  	[sflag:s8] =	ssyncset.done $0x0;
	s18 =	rddreg [dreg:$0x10]  }
0x4a: {  	s19 =	rddreg [dreg:$0x8];
	[sflag:s8] =	ssyncadd.s32 $0xFFFFFB00;
	s17 =	sshrl.u32 s18, $0x3  }
0x4b: {  	[hbm:s19], [sflag:s16] =	dma.local [spmem:s17], $0x500  }
0x4c: {  	_ =	swait.ge [sflag:s8], $0x500  }
0x4d: {  	[sflag:s8] =	ssyncset.done $0x0;
	s18 =	rddreg [dreg:$0x11]  }
0x4e: {  	s19 =	rddreg [dreg:$0x9];
	[sflag:s8] =	ssyncadd.s32 $0xFFFFFB00;
	s17 =	sshrl.u32 s18, $0x3  }
0x4f: {  	[hbm:s19], [sflag:s16] =	dma.local [spmem:s17], $0x500  }
0x50: {  	_ =	swait.ge [sflag:s8], $0x500  }
0x51: {  	[sflag:s8] =	ssyncset.done $0x0;
	s18 =	rddreg [dreg:$0x12]  }
0x52: {  	s19 =	rddreg [dreg:$0xa];
	[sflag:s8] =	ssyncadd.s32 $0xFFFFFB00;
	s17 =	sshrl.u32 s18, $0x3  }
0x53: {  	[hbm:s19], [sflag:s16] =	dma.local [spmem:s17], $0x500  }
0x54: {  	_ =	swait.ge [sflag:s8], $0x500  }
0x55: {  	[sflag:s8] =	ssyncset.done $0x0;
	s17 =	rddreg [dreg:$0x13]  }
0x56: {  	s18 =	rddreg [dreg:$0xb];
	[sflag:s8] =	ssyncadd.s32 $0xFFFFFB00;
	s17 =	sshrl.u32 @!p0 s17, $0x3  }
0x57: {  	[hbm:s18], [sflag:s16] =	dma.local @!p0 [spmem:s17], $0x500  }
0x58: {  	s16 =	simm.s32 @!p0 $0x4  }
0x59: {  	_ =	swait.ge @!p0 [sflag:s16], $0x500  }
0x5a: {  	s15 =	sadd.s32 $0x1, s15;
	s19 =	rddreg [dreg:$0x1a]  }
0x5b: {  	p1 =	sne.s32 s15, s19  }
.Ltmp1:
0x5c: {  	_ = 	snop;
	(pc) =	sbr.rel @!p1 .LBB2_8-.Ltmp1, $3  }
0x5d: {  	_ =	sdelay $0x1  }
0x5e: {  	[sflag:s16] =	ssyncset.done @!p0 $0x0  }
0x5f: {  	[sflag:s16] =	ssyncadd.s32 @!p0 $0xFFFFFB00  }
.LBB2_1:
0x60: {  	s16 =	sand.u32 $0xFE00, s4  }
0x61: {  	s17 =	sand.u32 $0x70, s4;
	s18 =	sshrl.u32 s16, $0x2  }
0x62: {  	s16 =	simm.s32 $0x40;
	s18 =	sor.u32 s17, s18;
	s17 =	simm.s32 $0x0  }
.LBB2_2:
0x63: {  	p1 =	sne.s32 s16, $0x9FC0  }
0x64: {  	[tilespmem:s18+$0x13E80] =	vst v0;
	s17 =	sadd.s32 $0x10, s17;
	s18 =	smov.u32 s16;
	s16 =	sadd.s32 $0x40, s16  }
.Ltmp2:
0x65: {  	(pc) =	sbr.rel @p1 .LBB2_2-.Ltmp2, $4  }
0x66: {  	_ = 	snop  }
0x67: {  	s18 =	sand.u32 $0xFE00, s18  }
0x68: {  	s19 =	sand.u32 $0x70, s17;
	s18 =	sshrl.u32 s18, $0x2  }
0x69: {  	s18 =	sor.u32 s19, s18  }
0x6a: {  	[tilespmem:s18+$0x13E80] =	vst v0  }
0x6b: {  	[spmem:s21] =	stream.linear.scatter [tilespmem:s7], [sflag:$0x4], $0x2800, $0x38;
	[tilespmem:$0x1B680] =	vst v63  }
0x6c: {  	_ =	swait.ge [sflag:s8], $0x2800  }
0x6d: {  	[sflag:s8] =	ssyncset.done $0x0  }
0x6e: {  	[sflag:s8] =	ssyncadd.s32 $0xFFFFD800  }
0x6f: {  	[spmem:s22] =	stream.linear.scatter [tilespmem:s7], [sflag:$0x4], $0x2800, $0x38;
	[tilespmem:$0x1B680] =	vst v63  }
0x70: {  	_ =	swait.ge [sflag:s8], $0x2800  }
0x71: {  	[sflag:s8] =	ssyncset.done $0x0  }
0x72: {  	s16 =	rddreg [dreg:$0xe];
	[sflag:s8] =	ssyncadd.s32 $0xFFFFD800  }
0x73: {  	[spmem:s16] =	stream.linear.scatter [tilespmem:s7], [sflag:$0x4], $0x2800, $0x38;
	[tilespmem:$0x1B680] =	vst v63  }
0x74: {  	_ =	swait.ge [sflag:s8], $0x2800  }
0x75: {  	[sflag:s8] =	ssyncset.done $0x0  }
0x76: {  	[sflag:s8] =	ssyncadd.s32 $0xFFFFD800  }
0x77: {  	[spmem:s20] =	stream.linear.scatter [tilespmem:s7], [sflag:$0x4], $0x2800, $0x38;
	[tilespmem:$0x1B680] =	vst v63  }
0x78: {  	_ =	swait.ge [sflag:s8], $0x2800  }
0x79: {  	[sflag:s8] =	ssyncset.done $0x0  }
0x7a: {  	s22 =	rddreg [dreg:$0x10];
	[sflag:s8] =	ssyncadd.s32 $0xFFFFD800  }
0x7b: {  	[spmem:s22] =	stream.linear.scatter [tilespmem:s7], [sflag:$0x4], $0x2800, $0x38;
	[tilespmem:$0x1B680] =	vst v63  }
0x7c: {  	_ =	swait.ge [sflag:s8], $0x2800  }
0x7d: {  	[sflag:s8] =	ssyncset.done $0x0  }
0x7e: {  	s17 =	rddreg [dreg:$0x11];
	[sflag:s8] =	ssyncadd.s32 $0xFFFFD800  }
0x7f: {  	[spmem:s17] =	stream.linear.scatter [tilespmem:s7], [sflag:$0x4], $0x2800, $0x38;
	[tilespmem:$0x1B680] =	vst v63  }
0x80: {  	_ =	swait.ge [sflag:s8], $0x2800  }
0x81: {  	[sflag:s8] =	ssyncset.done $0x0  }
0x82: {  	s18 =	rddreg [dreg:$0x12];
	[sflag:s8] =	ssyncadd.s32 $0xFFFFD800  }
0x83: {  	[spmem:s18] =	stream.linear.scatter [tilespmem:s7], [sflag:$0x4], $0x2800, $0x38;
	[tilespmem:$0x1B680] =	vst v63  }
0x84: {  	_ =	swait.ge [sflag:s8], $0x2800  }
0x85: {  	[sflag:s8] =	ssyncset.done $0x0  }
0x86: {  	s16 =	simm.s32 @!p0 $0x13E80;
	s17 =	rddreg [dreg:$0x13];
	[sflag:s8] =	ssyncadd.s32 $0xFFFFD800  }
0x87: {  	[spmem:s17] =	stream.linear.scatter @!p0 [tilespmem:s16], [sflag:$0x4], $0x2800, $0x38;
	[tilespmem:$0x1B680] =	vst v63  }
0x88: {  	s16 =	simm.s32 @!p0 $0x4  }
0x89: {  	_ =	swait.ge @!p0 [sflag:s16], $0x2800  }
0x8a: {  	[sflag:s16] =	ssyncset.done @!p0 $0x0  }
0x8b: {  	[sflag:s16] =	ssyncadd.s32 @!p0 $0xFFFFD800  }
0x8c: {  	[bflag:$0x0] =	sbarrier.arrive $0xFFFF  }
0x8d: {  	s16 =	simm.s32 $0x0;
	s19 =	rddreg [dreg:$0x14]  }
0x8e: {  	[tilespmem:s9], [sflag:$0x1] =	stream.linear.gather [hbm4b:s19+s16], $0x50, $0x38;
	[tilespmem:$0x1B680] =	vst v63  }
0x8f: {  	s21 =	simm.s32 $0x13A80;
	s20 =	rddreg [dreg:$0x15]  }
0x90: {  	[tilespmem:s21], [sflag:$0x1] =	stream.linear.gather [hbm4b:s20+s16], $0x50, $0x38;
	[tilespmem:$0x1B680] =	vst v63  }
0x91: {  	s22 =	rddreg [dreg:$0x16]  }
0x92: {  	[tilespmem:s10], [sflag:$0x1] =	stream.linear.gather [hbm4b:s22+s16], $0x50, $0x38;
	[tilespmem:$0x1B680] =	vst v63  }
0x93: {  	s18 =	rddreg [dreg:$0x17]  }
0x94: {  	[tilespmem:s11], [sflag:$0x1] =	stream.linear.gather [hbm4b:s18+s16], $0x50, $0x38;
	[tilespmem:$0x1B680] =	vst v63  }
0x95: {  	s19 =	rddreg [dreg:$0x18];
	s20 =	simm.s32 $0x13980  }
0x96: {  	[tilespmem:s20], [sflag:$0x1] =	stream.linear.gather [hbm4b:s19+s16], $0x50, $0x38;
	[tilespmem:$0x1B680] =	vst v63  }
0x97: {  	s21 =	rddreg [dreg:$0x19];
	s22 =	simm.s32 $0x13B80  }
0x98: {  	[tilespmem:s22], [sflag:$0x1] =	stream.linear.gather [hbm4b:s21+s16], $0x50, $0x38;
	[tilespmem:$0x1B680] =	vst v63  }
0x99: {  	_ =	swait.ge [sflag:s12], $0x50  }
0x9a: {  	[sflag:s12] =	ssyncset.done $0x0  }
0x9b: {  	[sflag:s12] =	ssyncadd.s32 $0xFFFFFFB0  }
0x9c: {  	_ =	swait.ge [sflag:s12], $0x50  }
0x9d: {  	[sflag:s12] =	ssyncset.done $0x0  }
0x9e: {  	[sflag:s12] =	ssyncadd.s32 $0xFFFFFFB0  }
0x9f: {  	[tilespmem:s7], [sflag:$0x2] =	stream.indirect.gather [hbm4b:s13+s23], $0x80, s9, s23, $0xb8;
	[tilespmem:$0x1B680] =	vst v63  }
0xa0: {  	_ =	swait.ge [sflag:s12], $0x50  }
0xa1: {  	[sflag:s12] =	ssyncset.done $0x0  }
0xa2: {  	[sflag:s12] =	ssyncadd.s32 $0xFFFFFFB0  }
0xa3: {  	_ =	swait.ge [sflag:s12], $0x50  }
0xa4: {  	[sflag:s12] =	ssyncset.done $0x0  }
0xa5: {  	s18 =	simm.s32 $0x0;
	s17 =	rddreg [dreg:$0x1b];
	[sflag:s12] =	ssyncadd.s32 $0xFFFFFFB0  }
0xa6: {  	[tilespmem:s24], [sflag:$0x2] =	stream.indirect.gather [hbm4b:s13+s23], $0x80, s10, s23, $0xb8;
	[tilespmem:$0x1B680] =	vst v63  }
.LBB2_4:
0xa7: {  	_ =	swait.ge [sflag:s25], $0x2800  }
0xa8: {  	[sflag:s25] =	ssyncset.done $0x0  }
0xa9: {  	[sflag:s25] =	ssyncadd.s32 $0xFFFFD800  }
0xaa: {  	v1 =	vld [tilespmem:$0x13A80]  }
0xab: {  	v2 =	vld [tilespmem:$0x13A90]  }
0xac: {  	v3 =	vld [tilespmem:$0x13AA0]  }
0xad: {  	v4 =	vld [tilespmem:$0x13AB0]  }
0xae: {  	v5 =	vld [tilespmem:$0x13AC0]  }
0xaf: {  	[tilespmem:$0x13C80] =	vst v1  }
0xb0: {  	[tilespmem:$0x13C90] =	vst v2  }
0xb1: {  	[tilespmem:$0x13CA0] =	vst v3  }
0xb2: {  	p1 =	sne.s32 s16, $0x4CE;
	[tilespmem:$0x13CB0] =	vst v4  }
0xb3: {  	s19 =	sshrl.u32 @p1 s17, $0x3;
	s21 =	simm.s32 @p1 $0x0;
	[tilespmem:$0x13CC0] =	vst v5  }
0xb4: {  	[spmem:s3] =	stream.indirect.scatter.add.f32 [tilespmem:s7], [sflag:$0x3], $0x80, s26, s23, $0xb8;
	[tilespmem:$0x1B680] =	vst v63  }
0xb5: {  	s22 =	simm.s32 @p1 $0x13880;
	p2 =	seq.s32 @p1 s16, $0x0;
	s20 =	sadd.s32 @p1 s14, s19  }
0xb6: {  	[tilespmem:s22], [sflag:$0x1] =	stream.linear.gather @p1 [hbm4b:s20+s21], $0x50, $0x38;
	[tilespmem:$0x1B680] =	vst v63  }
0xb7: {  	s19 =	sadd.s32 @p1 s2, s19;
	p2 =	por p2, !p1;
	s20 =	simm.s32 @p1 $0x13A80  }
0xb8: {  	[tilespmem:s20], [sflag:$0x1] =	stream.linear.gather @p1 [hbm4b:s19+s21], $0x50, $0x38;
	[tilespmem:$0x1B680] =	vst v63  }
0xb9: {  	s19 =	simm.s32 @!p2 $0x3  }
0xba: {  	_ =	swait.ge @!p2 [sflag:s19], $0x2800  }
0xbb: {  	[sflag:s19] =	ssyncset.done @!p2 $0x0  }
0xbc: {  	[sflag:s19] =	ssyncadd.s32 @!p2 $0xFFFFD800;
	s19 =	simm.s32 @p1 $0x1  }
0xbd: {  	_ =	swait.ge @p1 [sflag:s19], $0x50  }
0xbe: {  	[sflag:s19] =	ssyncset.done @p1 $0x0  }
0xbf: {  	[sflag:s19] =	ssyncadd.s32 @p1 $0xFFFFFFB0  }
0xc0: {  	_ =	swait.ge @p1 [sflag:s19], $0x50  }
0xc1: {  	s20 =	simm.s32 @p1 $0x13980;
	[sflag:s19] =	ssyncset.done @p1 $0x0  }
0xc2: {  	s21 =	simm.s32 @p1 $0x18E80;
	[sflag:s19] =	ssyncadd.s32 @p1 $0xFFFFFFB0;
	s19 =	simm.s32 @p1 $0x50  }
0xc3: {  	[tilespmem:s21], [sflag:$0x2] =	stream.indirect.gather @p1 [hbm4b:s13+s19], $0x80, s20, s19, $0xb8;
	[tilespmem:$0x1B680] =	vst v63  }
0xc4: {  	s19 =	simm.s32 @!p1 $0x3  }
0xc5: {  	_ =	swait.ge @!p1 [sflag:s19], $0x2800  }
0xc6: {  	[sflag:s19] =	ssyncset.done @!p1 $0x0  }
0xc7: {  	[sflag:s19] =	ssyncadd.s32 @!p1 $0xFFFFD800  }
0xc8: {  	_ =	swait.ge [sflag:s25], $0x2800  }
0xc9: {  	[sflag:s25] =	ssyncset.done $0x0  }
0xca: {  	[sflag:s25] =	ssyncadd.s32 $0xFFFFD800  }
0xcb: {  	v1 =	vld [tilespmem:$0x13B00]  }
0xcc: {  	v2 =	vld [tilespmem:$0x13B10]  }
0xcd: {  	v3 =	vld [tilespmem:$0x13B20]  }
0xce: {  	v62 =	vld [tilespmem:$0x13B30]  }
0xcf: {  	v63 =	vld [tilespmem:$0x13B40]  }
0xd0: {  	[tilespmem:$0x13D00] =	vst v1  }
.Ltmp3:
0xd1: {  	[tilespmem:$0x13D10] =	vst v2;
	(pc) =	sbr.rel @!p1 .LBB2_5-.Ltmp3, $4  }
0xd2: {  	[tilespmem:$0x13D20] =	vst v3  }
0xd3: {  	[tilespmem:$0x13D30] =	vst v62  }
0xd4: {  	[tilespmem:$0x13D40] =	vst v63  }
0xd5: {  	[spmem:s3] =	stream.indirect.scatter.add.f32 [tilespmem:s24], [sflag:$0x3], $0x80, s28, s23, $0xb8;
	[tilespmem:$0x1B680] =	vst v63  }
0xd6: {  	s19 =	sadd.s32 s16, s5  }
0xd7: {  	[tilespmem:s10], [sflag:$0x1] =	stream.linear.gather [hbm4b:s19+s4], $0x50, $0x38;
	[tilespmem:$0x1B680] =	vst v63  }
0xd8: {  	s22 =	sadd.s32 s16, s0  }
0xd9: {  	[tilespmem:s11], [sflag:$0x1] =	stream.linear.gather [hbm4b:s22+s4], $0x50, $0x38;
	[tilespmem:$0x1B680] =	vst v63  }
0xda: {  	_ =	swait.ge [sflag:s29], $0x2800  }
0xdb: {  	[sflag:s29] =	ssyncset.done $0x0  }
0xdc: {  	[sflag:s29] =	ssyncadd.s32 $0xFFFFD800  }
0xdd: {  	_ =	swait.ge [sflag:s12], $0x50  }
0xde: {  	[sflag:s12] =	ssyncset.done $0x0  }
0xdf: {  	[sflag:s12] =	ssyncadd.s32 $0xFFFFFFB0  }
0xe0: {  	_ =	swait.ge [sflag:s12], $0x50  }
0xe1: {  	[sflag:s12] =	ssyncset.done $0x0  }
0xe2: {  	[sflag:s12] =	ssyncadd.s32 $0xFFFFFFB0  }
0xe3: {  	[tilespmem:s7], [sflag:$0x2] =	stream.indirect.gather [hbm4b:s13+s23], $0x80, s9, s23, $0xb8;
	[tilespmem:$0x1B680] =	vst v63  }
0xe4: {  	_ =	swait.ge [sflag:s25], $0x2800  }
0xe5: {  	[sflag:s25] =	ssyncset.done $0x0  }
0xe6: {  	[sflag:s25] =	ssyncadd.s32 $0xFFFFD800  }
0xe7: {  	v1 =	vld [tilespmem:$0x13B80]  }
0xe8: {  	v2 =	vld [tilespmem:$0x13B90]  }
0xe9: {  	v3 =	vld [tilespmem:$0x13BA0]  }
0xea: {  	v4 =	vld [tilespmem:$0x13BB0]  }
0xeb: {  	v5 =	vld [tilespmem:$0x13BC0]  }
0xec: {  	[tilespmem:$0x13D80] =	vst v1  }
0xed: {  	[tilespmem:$0x13D90] =	vst v2  }
0xee: {  	[tilespmem:$0x13DA0] =	vst v3  }
0xef: {  	[tilespmem:$0x13DB0] =	vst v4  }
0xf0: {  	p1 =	sgt.u32 s18, $0x27;
	[tilespmem:$0x13DC0] =	vst v5  }
0xf1: {  	[spmem:s3] =	stream.indirect.scatter.add.f32 [tilespmem:s6], [sflag:$0x3], $0x80, s30, s23, $0xb8;
	[tilespmem:$0x1B680] =	vst v63  }
0xf2: {  	s19 =	sadd.s32 @!p1 s16, s1;
	s20 =	simm.s32 @!p1 $0x0;
	s21 =	simm.s32 @!p1 $0x13980  }
0xf3: {  	[tilespmem:s21], [sflag:$0x1] =	stream.linear.gather @!p1 [hbm4b:s19+s20], $0x50, $0x38;
	[tilespmem:$0x1B680] =	vst v63  }
0xf4: {  	s19 =	sadd.s32 @!p1 s16, s31;
	s21 =	simm.s32 @!p1 $0x13B80  }
0xf5: {  	[tilespmem:s21], [sflag:$0x1] =	stream.linear.gather @!p1 [hbm4b:s19+s20], $0x50, $0x38;
	[tilespmem:$0x1B680] =	vst v63  }
0xf6: {  	_ =	swait.ge [sflag:s29], $0x2800  }
0xf7: {  	[sflag:s29] =	ssyncset.done $0x0  }
0xf8: {  	[sflag:s29] =	ssyncadd.s32 $0xFFFFD800  }
0xf9: {  	s16 =	sadd.s32 $0x1E, s16;
	_ =	swait.ge [sflag:s12], $0x50  }
0xfa: {  	p1 =	sne.s32 s16, $0x4EC;
	[sflag:s12] =	ssyncset.done $0x0  }
.Ltmp4:
0xfb: {  	[sflag:s12] =	ssyncadd.s32 $0xFFFFFFB0;
	(pc) =	sbr.rel @p1 .LBB2_4-.Ltmp4, $4  }
.Ltmp5:
0xfc: {  	_ =	swait.ge [sflag:s12], $0x50;
	(pc) =	sbr.rel @!p1 .LBB2_7-.Ltmp5, $4  }
0xfd: {  	[sflag:s12] =	ssyncset.done $0x0  }
0xfe: {  	s18 =	sadd.s32 $0x1, s18;
	s17 =	sadd.s32 $0xF0, s17;
	[sflag:s12] =	ssyncadd.s32 $0xFFFFFFB0  }
0xff: {  	[tilespmem:s24], [sflag:$0x2] =	stream.indirect.gather [hbm4b:s13+s23], $0x80, s10, s23, $0xb8;
	[tilespmem:$0x1B680] =	vst v63  }
0x100: {  	_ = 	snop  }
.LBB2_8:
0x101: {  	_ =	sfence.sel $0x180000  }
0x102: {  	[bflag:$0x0] =	sbarrier.arrive $0xFFFF  }
0x103: {  	_ =	strace $0x9000004A  }
0x104: {  	s0 =	stileid.u32;
	[bflag:$0x2] =	sbarrier.arrive $0xFFFF  }
0x105: {  	p0 =	sne.s32 s0, $0x0;
	s0 =	rddreg [dreg:$0x3]  }
0x106: {  	s0 =	sadd.s32 @!p0 $0x100000, s0  }
0x107: {  	[sflag:s0] =	ssyncadd.tile.s32 @!p0 $0x1;
	_ =	shalt  }
.Lfunc_end2:
_tile_overlayer_lowered:
.L_overlay_start_2:
0x108: {  	(tag) =	ssettag $0x2  }
0x109: {  	s0 =	rddreg [dreg:$0x0];
	s2 =	stileid.u32  }
0x10a: {  	s1 =	rddreg [dreg:$0x1];
	p0 =	sne.s32 s2, $0x0  }
0x10b: {  	s3 =	rddreg [dreg:$0x2];
	[bflag:$0x3] =	sbarrier.arrive $0xFFFF;
	s2 =	simm.s32 @!p0 $0x1C04  }
0x10c: {  	[timem:s3], [sflag:s2] =	dma.local @!p0 [hbm:s0], s1  }
0x10d: {  	s0 =	simm.s32 @!p0 $0x4  }
0x10e: {  	_ =	swait.ge @!p0 [sflag:s0], s1  }
0x10f: {  	s1 =	ssub.s32 @!p0 $0x0, s1;
	[sflag:s0] =	ssyncset.done @!p0 $0x0  }
0x110: {  	[sflag:s0] =	ssyncadd.s32 @!p0 s1  }
0x111: {  	[bflag:$0x3] =	sbarrier.arrive $0xFFFF  }
0x112: {  	_ =	shalt  }

// kernel: kernel.15.cloned.1.call-start
scs
__scs_entry_jumppad:
0x0: {  	(pc) =	sbr.rel $0x88, $3  }
0x1: {  	(tag) =	ssettag $0x0;
	lr =	simm.s32 $0x1  }
0x2: {  	[smem:$0x3F99] =	sst lr;
	_ =	strace $0xD0000000  }
0x3: {  	_ = 	snop  }
0x4: {  	_ = 	snop  }
0x5: {  	_ = 	snop  }
0x6: {  	_ = 	snop  }
0x7: {  	_ = 	snop  }
__scs_overlays_trampoline_lowered:
0x8: {  	[smem:$0x3FA8] =	sst s0  }
0x9: {  	[smem:$0x3FA9] =	sst s1  }
0xa: {  	[smem:$0x3FAA] =	sst s2  }
0xb: {  	[smem:$0x3FAB] =	sst s3  }
0xc: {  	[smem:$0x3FAC] =	sst s4  }
0xd: {  	[smem:$0x3FAD] =	sst s5  }
0xe: {  	[smem:$0x3FAE] =	sst s6  }
0xf: {  	[smem:$0x3FAF] =	sst s7  }
0x10: {  	[smem:$0x3FB0] =	sst s8  }
0x11: {  	[smem:$0x3FB1] =	sst s9;
	s0 =	simm.s32 @!p0 $0x0  }
0x12: {  	s1 =	sld [smem:$0x3F97];
	s0 =	simm.s32 @p0 $0x1  }
0x13: {  	[smem:$0x3FB2] =	sst s0;
	s0 =	simm.s32 @!p1 $0x0  }
0x14: {  	s2 =	sld [smem:$0x3F96];
	s0 =	simm.s32 @p1 $0x1  }
0x15: {  	[smem:$0x3FB3] =	sst s0;
	s0 =	simm.s32 @!p2 $0x0  }
0x16: {  	s3 =	sld [smem:$0x3FDB];
	s0 =	simm.s32 @p2 $0x1  }
0x17: {  	s4 =	simm.s32 $0x1BF5;
	[smem:$0x3FB5] =	sst s0  }
0x18: {  	s0 =	sld [smem:$0x3F98];
	_ =	swait.ge [sflag:s4], $0x0  }
0x19: {  	s7 =	sld [smem:$0x3F99]  }
0x1a: {  	s8 =	sadd.s32 $0xFFFFE003, lr  }
0x1b: {  	s9 =	sadd.s32 $0xFFFFFEF7, lr;
	s5 =	simm.s32 $0xFFFFFFFF;
	p2 =	slt.u32 s8, $0xFFFFF086  }
0x1c: {  	p1 =	slt.u32 s9, $0xF7A;
	s5 =	simm.s32 @!p2 $0x0  }
0x1d: {  	s5 =	simm.s32 @p1 $0x1;
	p0 =	seq.s32 s7, s2  }
0x1e: {  	s7 =	smul.u32 @!p0 $0xF7A, s2;
	p2 =	seq.s32 @!p0 s5, $0x0  }
0x1f: {  	s9 =	smul.u32 $0xF7A, s1;
	s8 =	simm.s32 @!p0 $0x1BF5;
	p2 =	por !p2, p0  }
0x20: {  	[sflag:s8] =	ssyncset.s32 @!p0 $0xFFFFF086;
	s6 =	sadd.s32 @!p0 s3, s7;
	s7 =	simm.s32 @!p0 $0x108  }
0x21: {  	s3 =	sadd.s32 s3, s9;
	s6 =	sadd.s32 @!p0 $0x88, s6;
	s7 =	simm.s32 @p2 $0x1082  }
0x22: {  	[simem:s7], [sflag:s8] =	dma.local @!p0 [hbm:s6], $0xF7A  }
0x23: {  	s9 =	sor.u32 $0xD0000000, s2;
	s6 =	simm.s32 $0x108;
	_ =	swait.ge @!p0 [sflag:s8], $0x0  }
0x24: {  	s3 =	sadd.s32 $0x88, s3;
	s6 =	simm.s32 @!p1 $0x1082;
	[sflag:s4] =	ssyncset.s32 $0xFFFFF086  }
0x25: {  	[simem:s6], [sflag:s4] =	dma.local [hbm:s3], $0xF7A  }
0x26: {  	[smem:$0x3F99] =	sst s1;
	(tag) =	ssettag s2;
	_ =	strace s9  }
0x27: {  	s1 =	sld [smem:$0x3FA9]  }
0x28: {  	s2 =	sld [smem:$0x3FAA]  }
0x29: {  	s4 =	sld [smem:$0x3FAC]  }
0x2a: {  	p0 =	seq.s32 s5, $0x0;
	s5 =	sld [smem:$0x3FAD]  }
0x2b: {  	s6 =	sld [smem:$0x3FAE]  }
0x2c: {  	s7 =	sld [smem:$0x3FAF]  }
0x2d: {  	s3 =	simm.s32 $0x108;
	s8 =	sld [smem:$0x3FB0]  }
0x2e: {  	s3 =	simm.s32 @!p0 $0x1082;
	s9 =	sld [smem:$0x3FB1]  }
0x2f: {  	lr =	sadd.s32 s0, s3;
	s0 =	sld [smem:$0x3FA8]  }
0x30: {  	s3 =	sld [smem:$0x3FAB]  }
0x31: {  	[smem:$0x3FB4] =	sst s10  }
0x32: {  	s10 =	sld [smem:$0x3FB2];
	_ =	sdelay $0x3  }
0x33: {  	p0 =	seq.s32 s10, $0x1;
	s10 =	sld [smem:$0x3FB4];
	_ =	sdelay $0x3  }
0x34: {  	[smem:$0x3FB4] =	sst s10  }
0x35: {  	s10 =	sld [smem:$0x3FB3];
	_ =	sdelay $0x3  }
0x36: {  	p1 =	seq.s32 s10, $0x1;
	s10 =	sld [smem:$0x3FB4];
	_ =	sdelay $0x3  }
0x37: {  	[smem:$0x3FB4] =	sst s10  }
0x38: {  	s10 =	sld [smem:$0x3FB5]  }
0x39: {  	_ = 	snop;
	(pc) =	sbr.ind lr, $3  }
0x3a: {  	_ = 	snop  }
0x3b: {  	_ = 	snop  }
0x3c: {  	p2 =	seq.s32 s10, $0x1;
	s10 =	sld [smem:$0x3FB4]  }
0x3d: {  	_ =	shalt  }
0x3e: {  	_ =	shalt  }
0x3f: {  	_ =	shalt  }
0x40: {  	_ =	shalt  }
0x41: {  	_ =	shalt  }
0x42: {  	_ =	shalt  }
0x43: {  	_ =	shalt  }
0x44: {  	_ =	shalt  }
0x45: {  	_ =	shalt  }
0x46: {  	_ =	shalt  }
0x47: {  	_ =	shalt  }
0x48: {  	_ =	shalt  }
0x49: {  	_ =	shalt  }
0x4a: {  	_ =	shalt  }
0x4b: {  	_ =	shalt  }
0x4c: {  	_ =	shalt  }
0x4d: {  	_ =	shalt  }
0x4e: {  	_ =	shalt  }
0x4f: {  	_ =	shalt  }
0x50: {  	_ =	shalt  }
0x51: {  	_ =	shalt  }
0x52: {  	_ =	shalt  }
0x53: {  	_ =	shalt  }
0x54: {  	_ =	shalt  }
0x55: {  	_ =	shalt  }
0x56: {  	_ =	shalt  }
0x57: {  	_ =	shalt  }
0x58: {  	_ =	shalt  }
0x59: {  	_ =	shalt  }
0x5a: {  	_ =	shalt  }
0x5b: {  	_ =	shalt  }
0x5c: {  	_ =	shalt  }
0x5d: {  	_ =	shalt  }
0x5e: {  	_ =	shalt  }
0x5f: {  	_ =	shalt  }
0x60: {  	_ =	shalt  }
0x61: {  	_ =	shalt  }
0x62: {  	_ =	shalt  }
0x63: {  	_ =	shalt  }
0x64: {  	_ =	shalt  }
0x65: {  	_ =	shalt  }
0x66: {  	_ =	shalt  }
0x67: {  	_ =	shalt  }
0x68: {  	_ =	shalt  }
0x69: {  	_ =	shalt  }
0x6a: {  	_ =	shalt  }
0x6b: {  	_ =	shalt  }
0x6c: {  	_ =	shalt  }
0x6d: {  	_ =	shalt  }
0x6e: {  	_ =	shalt  }
0x6f: {  	_ =	shalt  }
0x70: {  	_ =	shalt  }
0x71: {  	_ =	shalt  }
0x72: {  	_ =	shalt  }
0x73: {  	_ =	shalt  }
0x74: {  	_ =	shalt  }
0x75: {  	_ =	shalt  }
0x76: {  	_ =	shalt  }
0x77: {  	_ =	shalt  }
0x78: {  	_ =	shalt  }
0x79: {  	_ =	shalt  }
0x7a: {  	_ =	shalt  }
0x7b: {  	_ =	shalt  }
0x7c: {  	_ =	shalt  }
0x7d: {  	_ =	shalt  }
0x7e: {  	_ =	shalt  }
0x7f: {  	_ =	shalt  }
0x80: {  	_ =	shalt  }
0x81: {  	_ =	shalt  }
0x82: {  	_ =	shalt  }
0x83: {  	_ =	shalt  }
0x84: {  	_ =	shalt  }
0x85: {  	_ =	shalt  }
0x86: {  	_ =	shalt  }
0x87: {  	_ =	shalt  }
.Lfunc_end0:
.L_simem_size_0:
called_computation.2_lowered:
.L_overlay_start_0:
0x88: {  	s2 =	sld [smem:$0x3FD9]  }
0x89: {  	s3 =	sld [smem:$0x3FFE];
	_ =	sdelay $0x1  }
0x8a: {  	s1 =	srdreg.scid  }
0x8b: {  	s0 =	sand.u32 $0x1, s1  }
0x8c: {  	s17 =	sshll.u32 s0, $0xA;
	s2 =	sadd.s32 s3, s2  }
0x8d: {  	s2 =	sadd.s32 s2, s17  }
0x8e: {  	[smem:$0x3FC0] =	sst s2  }
0x8f: {  	_ = 	snop  }
0x90: {  	s2 =	sld [smem:$0x3FD0];
	(tm) =	ssettm $0x1  }
0x91: {  	s18 =	sld [smem:$0x3FFB];
	_ =	sdelay $0x3  }
0x92: {  	_ =	strace s18  }
0x93: {  	s3 =	sld [smem:$0x3FFC];
	_ =	sdelay $0x3  }
0x94: {  	_ =	strace s3  }
0x95: {  	s3 =	sld [smem:$0x3FFD];
	_ =	sdelay $0x3  }
0x96: {  	_ =	strace s3  }
0x97: {  	_ =	strace $0x8FFFFFFF  }
0x98: {  	s19 =	sld [smem:$0x3FDB];
	_ =	sdelay $0x1  }
0x99: {  	s4 =	simm.s32 $_scs_section_size  }
0x9a: {  	s5 =	simm.s32 $_size__tile_overlayer_lowered;
	s6 =	simm.s32 $_tile_overlayer_lowered  }
0x9b: {  	s22 =	simm.s32 $0x1BFF;
	s21 =	sshll.u32 s6, $0x1;
	s3 =	sadd.s32 s4, s19  }
0x9c: {  	s7 =	simm.s32 $0x0;
	s20 =	sshll.u32 s5, $0x1;
	s5 =	sadd.s32 s21, s3  }
0x9d: {  	[timem:s7], [sflag:s22] =	dma.local [hbm:s5], s20  }
0x9e: {  	_ =	swait.ge [sflag:s22], s20  }
0x9f: {  	s4 =	ssub.s32 $0x0, s20;
	[sflag:s22] =	ssyncset.done $0x0  }
0xa0: {  	[sflag:s22] =	ssyncadd.s32 s4;
	_ =	sdelay $0x1  }
0xa1: {  	s23 =	simm.s32 $0x1B8B  }
0xa2: {  	_ =	swait.ge [sflag:s23], $0x1  }
0xa3: {  	[sflag:s23] =	ssyncset.done $0x0  }
0xa4: {  	s25 =	simm.s32 $0x1B8E;
	s24 =	sld [smem:$0x3FFE];
	[sflag:s23] =	ssyncadd.s32 $0xFFFFFFFF  }
0xa5: {  	s26 =	simm.s32 $execute0_lowered;
	[smem:$0x3FD2] =	sst s25  }
0xa6: {  	s5 =	sshll.u32 s26, $0x1;
	_ =	strace $0x8000004C;
	[dreg:$0x1] =	wrdreg $0xFFFFFFFF  }
0xa7: {  	s28 =	simm.s32 $_size_execute0_lowered;
	s3 =	sadd.s32 s3, s5;
	[dreg:$0x0] =	wrdreg $0x0  }
0xa8: {  	s5 =	sshll.u32 s28, $0x1;
	[dreg:$0x2] =	wrdreg s3  }
0xa9: {  	[dreg:$0x3] =	wrdreg s5  }
0xaa: {  	[dreg:$0x4] =	wrdreg $0xC0  }
0xab: {  	_ =	task [dreg:s7], $0x5FFFF  }
0xac: {  	[dreg:$0x1] =	wrdreg $0xFFFFFFFF  }
0xad: {  	[dreg:$0x0] =	wrdreg $0x60  }
0xae: {  	[dreg:$0x2] =	wrdreg s24  }
0xaf: {  	[dreg:$0x3] =	wrdreg s2  }
0xb0: {  	[dreg:$0x4] =	wrdreg $0x0  }
0xb1: {  	[dreg:$0x5] =	wrdreg $0x9  }
0xb2: {  	_ =	task.clear_ibuf [dreg:s7], $0x6FFFF;
	_ =	strace $0x9000004C  }
0xb3: {  	s29 =	simm.s32 $0x9;
	_ =	strace $0x8000004E  }
0xb4: {  	_ =	swait.ge [sflag:s29], $0x1  }
0xb5: {  	[sflag:s29] =	ssyncadd.s32 $0xFFFFFFFF  }
0xb6: {  	_ =	strace $0x9000004E  }
0xb7: {  	_ =	sfence  }
0xb8: {  	s30 =	sld [smem:$0x0];
	_ =	sdelay $0x2  }
0xb9: {  	s31 =	sshll.u32 s1, $0xD;
	s1 =	sshrl.u32 s1, $0x2  }
0xba: {  	s3 =	sand.u32 $0x4000, s31;
	s1 =	sadd.s32 s1, s30  }
0xbb: {  	s0 =	sor.u32 s3, s0;
	s1 =	sshll.u32 s1, $0x11  }
0xbc: {  	s0 =	sor.u32 s1, s0  }
0xbd: {  	s0 =	sadd.s32 $0x8F2B, s0  }
0xbe: {  	[sflag:s0] =	ssyncadd.remote.s32 $0x1  }
0xbf: {  	_ =	sfence.sel $0xFFFF  }
0xc0: {  	[dreg:$0x0] =	wrdreg $0xFFFFFFFF;
	(pc) =	sbr.abs _section_cstart, $3  }
0xc1: {  	[dreg:$0x1] =	wrdreg $0xFFFFFFFF  }
0xc2: {  	_ =	task.clear_ibuf [dreg:s7], $0x2FFFF;
	_ =	strace $0x9FFFFFFF  }
0xc3: {  	(tm) =	ssettm $0x7FFFFFFF  }
tec
execute0_lowered:
.L_overlay_start_1:
0x0: {  	(tag) =	ssettag $0x1  }
0x1: {  	s0 =	srdreg.scid;
	s24 =	stileid.u32  }
0x2: {  	s6 =	rddreg [dreg:$0x0];
	s9 =	smul.u32 $0x2800, s24  }
0x3: {  	s2 =	rddreg [dreg:$0x1];
	s5 =	sand.u32 $0x1, s0;
	s25 =	smul.u32 $0x2710, s24  }
0x4: {  	s3 =	rddreg [dreg:$0x2];
	s8 =	sor.u32 $0x10, s24;
	s7 =	smul.u32 $0x138800, s5  }
0x5: {  	s4 =	simm.s32 $0x0;
	s10 =	sor.u32 $0x20, s24;
	s11 =	smul.u32 $0x2800, s8  }
0x6: {  	s28 =	simm.s32 $0x13D00;
	s12 =	sor.u32 $0x30, s24;
	s13 =	smul.u32 $0x2800, s10  }
0x7: {  	s29 =	simm.s32 $0x3;
	s15 =	sor.u32 $0x40, s24;
	s16 =	smul.u32 $0x2800, s12  }
0x8: {  	s30 =	simm.s32 $0x13D80;
	s17 =	sor.u32 $0x50, s24;
	s18 =	smul.u32 $0x2800, s15  }
0x9: {  	[smem:$0x7FF] =	sst s4;
	s20 =	sor.u32 $0x60, s24;
	s21 =	smul.u32 $0x2800, s17  }
0xa: {  	s14 =	sadd.s32 $0x33200, s6;
	p0 =	sgt.u32 s24, $0xC;
	s22 =	smul.u32 $0x2800, s20  }
0xb: {  	s0 =	sshll.u32 s5, $0x4;
	s1 =	ssub.s32 $0x2, s5;
	s5 =	smul.u32 $0x27100, s5  }
0xc: {  	s17 =	smul.u32 $0xA000, s17;
	s0 =	sor.u32 s24, s0;
	s19 =	sshrl.u32 s1, $0x1  }
0xd: {  	s0 =	smul.u32 $0x2710, s0;
	s1 =	ssub.s32 s1, s19;
	s19 =	sor.u32 $0x70, s24  }
0xe: {  	s9 =	sadd.s32 s9, s7;
	s11 =	sadd.s32 s7, s11;
	s13 =	sadd.s32 s7, s13  }
0xf: {  	s16 =	sadd.s32 s7, s16;
	s18 =	sadd.s32 s7, s18;
	s21 =	sadd.s32 s7, s21  }
0x10: {  	s22 =	sadd.s32 s7, s22;
	s23 =	smul.u32 $0x2800, s19;
	s9 =	sshrl.u32 s9, $0x3  }
0x11: {  	s11 =	sshrl.u32 s11, $0x3;
	s21 =	sshrl.u32 s21, $0x3;
	s22 =	sshrl.u32 s22, $0x3  }
0x12: {  	s9 =	sadd.s32 s14, s9;
	s26 =	sadd.s32 s14, s11;
	s11 =	sshrl.u32 s13, $0x3  }
0x13: {  	s13 =	sshrl.u32 s16, $0x3;
	s7 =	sadd.s32 s7, s23;
	s23 =	smul.u32 $0xA000, s24  }
0x14: {  	s16 =	sshrl.u32 s18, $0x3;
	[dreg:$0x5] =	wrdreg s26;
	s26 =	smul.u32 $0xA000, s8  }
0x15: {  	[dreg:$0x4] =	wrdreg s9;
	s9 =	sadd.s32 s14, s11;
	s11 =	smul.u32 $0xA000, s12  }
0x16: {  	s1 =	smax.u32 s1, $0x1;
	s18 =	sadd.s32 s14, s16;
	s16 =	smul.u32 $0xA000, s15  }
0x17: {  	s0 =	sshrl.u32 s0, $0x3;
	s8 =	sadd.s32 s25, s5;
	s25 =	smul.u32 $0xA000, s19  }
0x18: {  	s24 =	simm.s32 $0x16680;
	[dreg:$0x6] =	wrdreg s9;
	s9 =	sadd.s32 s14, s13  }
0x19: {  	[dreg:$0x8] =	wrdreg s18;
	s7 =	sshrl.u32 s7, $0x3;
	s13 =	sadd.s32 $0xC000, s6  }
0x1a: {  	[dreg:$0x7] =	wrdreg s9;
	s9 =	sadd.s32 s14, s21;
	s7 =	sadd.s32 s14, s7  }
0x1b: {  	s12 =	sshrl.u32 s26, $0x2;
	s18 =	sshrl.u32 s11, $0x2;
	s11 =	sshrl.u32 s25, $0x2  }
0x1c: {  	s25 =	sadd.s32 $0x140, s8;
	[dreg:$0x9] =	wrdreg s9;
	s9 =	sadd.s32 s14, s22  }
0x1d: {  	[dreg:$0xb] =	wrdreg s7;
	s14 =	sadd.s32 $0x2200, s6;
	s22 =	sadd.s32 s12, s3  }
0x1e: {  	s7 =	sshrl.u32 s16, $0x2;
	s6 =	sshrl.u32 s17, $0x2;
	s12 =	sadd.s32 s11, s3  }
0x1f: {  	s16 =	sadd.s32 s2, s0;
	[dreg:$0xa] =	wrdreg s9;
	s26 =	sadd.s32 s7, s3  }
0x20: {  	s7 =	sadd.s32 s6, s3;
	_ =	strace $0x8000004D;
	[dreg:$0x10] =	wrdreg s26  }
0x21: {  	s17 =	sadd.s32 $0xA, s0;
	s11 =	simm.s32 $0x13B00;
	[dreg:$0x11] =	wrdreg s7  }
0x22: {  	s9 =	smul.u32 $0xA000, s10;
	s15 =	sadd.s32 s14, s0;
	[dreg:$0x13] =	wrdreg s12  }
0x23: {  	s10 =	sshrl.u32 s23, $0x2;
	s23 =	smul.u32 $0xA000, s20;
	[dreg:$0x14] =	wrdreg s15  }
0x24: {  	s20 =	sadd.s32 s18, s3;
	s18 =	sadd.s32 s14, s17;
	[dreg:$0x15] =	wrdreg s16  }
0x25: {  	s0 =	sadd.s32 $0x14, s0;
	s6 =	simm.s32 $0x18E80;
	[dreg:$0x16] =	wrdreg s18  }
0x26: {  	s21 =	sadd.s32 s10, s3;
	s19 =	sadd.s32 s14, s0;
	[dreg:$0x1a] =	wrdreg s1  }
0x27: {  	s0 =	sadd.s32 s2, s0;
	s26 =	sadd.s32 $0xF0, s8;
	[dreg:$0xd] =	wrdreg s22  }
0x28: {  	s7 =	simm.s32 $0x13E80;
	s10 =	simm.s32 $0x13900;
	[dreg:$0xf] =	wrdreg s20  }
0x29: {  	s12 =	simm.s32 $0x1;
	s15 =	simm.s32 $0x0;
	[dreg:$0x18] =	wrdreg s19  }
0x2a: {  	s5 =	sshrl.u32 s9, $0x2;
	s9 =	sshrl.u32 s23, $0x2;
	[dreg:$0x19] =	wrdreg s0  }
0x2b: {  	s23 =	sadd.s32 $0x190, s8;
	[dreg:$0x1b] =	wrdreg s26;
	s8 =	simm.s32 $0x4  }
0x2c: {  	s26 =	simm.s32 $0x13C80;
	[dreg:$0xc] =	wrdreg s21;
	s5 =	sadd.s32 s5, s3  }
.Ltmp0:
0x2d: {  	s0 =	sshrl.u32 s23, $0x3;
	s23 =	simm.s32 $0x50;
	(pc) =	sbr.rel .LBB2_1-.Ltmp0, $4  }
0x2e: {  	[dreg:$0xe] =	wrdreg s5;
	s5 =	sadd.s32 s9, s3;
	s31 =	sadd.s32 s0, s2  }
0x2f: {  	s1 =	sadd.s32 s0, s14;
	[dreg:$0x12] =	wrdreg s5;
	s5 =	sadd.s32 s2, s17  }
0x30: {  	s9 =	simm.s32 $0x13880;
	[dreg:$0x17] =	wrdreg s5;
	s5 =	sshrl.u32 s25, $0x3  }
0x31: {  	v0 =	vimm.f32 $0.0e+00;
	s25 =	simm.s32 $0x2;
	s0 =	sadd.s32 s5, s2;
	s5 =	sadd.s32 s5, s14  }
.LBB2_5:
0x32: {  	_ =	swait.ge [sflag:s29], $0x2800  }
0x33: {  	[sflag:s29] =	ssyncset.done $0x0  }
0x34: {  	[sflag:s29] =	ssyncadd.s32 $0xFFFFD800  }
.LBB2_7:
0x35: {  	_ =	swait.ge [sflag:s29], $0x2800  }
0x36: {  	[sflag:s29] =	ssyncset.done $0x0  }
0x37: {  	[sflag:s29] =	ssyncadd.s32 $0xFFFFD800  }
0x38: {  	s16 =	stileid.u32;
	[bflag:$0x0] =	sbarrier.arrive $0xFFFF  }
0x39: {  	s16 =	sshll.u32 s16, $0x6;
	s21 =	rddreg [dreg:$0xc]  }
0x3a: {  	s16 =	sor.u32 $0x1C04, s16;
	s18 =	rddreg [dreg:$0x4];
	s17 =	sshrl.u32 s21, $0x3  }
0x3b: {  	[hbm:s18], [sflag:s16] =	dma.local [spmem:s17], $0x500  }
0x3c: {  	_ =	swait.ge [sflag:s8], $0x500  }
0x3d: {  	[sflag:s8] =	ssyncset.done $0x0;
	s22 =	rddreg [dreg:$0xd]  }
0x3e: {  	s20 =	rddreg [dreg:$0x5];
	[sflag:s8] =	ssyncadd.s32 $0xFFFFFB00;
	s19 =	sshrl.u32 s22, $0x3  }
0x3f: {  	[hbm:s20], [sflag:s16] =	dma.local [spmem:s19], $0x500  }
0x40: {  	_ =	swait.ge [sflag:s8], $0x500  }
0x41: {  	[sflag:s8] =	ssyncset.done $0x0;
	s19 =	rddreg [dreg:$0xe]  }
0x42: {  	s20 =	rddreg [dreg:$0x6];
	[sflag:s8] =	ssyncadd.s32 $0xFFFFFB00;
	s17 =	sshrl.u32 s19, $0x3  }
0x43: {  	[hbm:s20], [sflag:s16] =	dma.local [spmem:s17], $0x500  }
0x44: {  	_ =	swait.ge [sflag:s8], $0x500  }
0x45: {  	[sflag:s8] =	ssyncset.done $0x0;
	s20 =	rddreg [dreg:$0xf]  }
0x46: {  	s19 =	rddreg [dreg:$0x7];
	[sflag:s8] =	ssyncadd.s32 $0xFFFFFB00;
	s18 =	sshrl.u32 s20, $0x3  }
0x47: {  	[hbm:s19], [sflag:s16] =	dma.local [spmem:s18], $0x500  }
0x48: {  	_ =	swait.ge [sflag:s8], $0x500  }
0x49: {  	[sflag:s8] =	ssyncset.done $0x0;
	s18 =	rddreg [dreg:$0x10]  }
0x4a: {  	s19 =	rddreg [dreg:$0x8];
	[sflag:s8] =	ssyncadd.s32 $0xFFFFFB00;
	s17 =	sshrl.u32 s18, $0x3  }
0x4b: {  	[hbm:s19], [sflag:s16] =	dma.local [spmem:s17], $0x500  }
0x4c: {  	_ =	swait.ge [sflag:s8], $0x500  }
0x4d: {  	[sflag:s8] =	ssyncset.done $0x0;
	s18 =	rddreg [dreg:$0x11]  }
0x4e: {  	s19 =	rddreg [dreg:$0x9];
	[sflag:s8] =	ssyncadd.s32 $0xFFFFFB00;
	s17 =	sshrl.u32 s18, $0x3  }
0x4f: {  	[hbm:s19], [sflag:s16] =	dma.local [spmem:s17], $0x500  }
0x50: {  	_ =	swait.ge [sflag:s8], $0x500  }
0x51: {  	[sflag:s8] =	ssyncset.done $0x0;
	s18 =	rddreg [dreg:$0x12]  }
0x52: {  	s19 =	rddreg [dreg:$0xa];
	[sflag:s8] =	ssyncadd.s32 $0xFFFFFB00;
	s17 =	sshrl.u32 s18, $0x3  }
0x53: {  	[hbm:s19], [sflag:s16] =	dma.local [spmem:s17], $0x500  }
0x54: {  	_ =	swait.ge [sflag:s8], $0x500  }
0x55: {  	[sflag:s8] =	ssyncset.done $0x0;
	s17 =	rddreg [dreg:$0x13]  }
0x56: {  	s18 =	rddreg [dreg:$0xb];
	[sflag:s8] =	ssyncadd.s32 $0xFFFFFB00;
	s17 =	sshrl.u32 @!p0 s17, $0x3  }
0x57: {  	[hbm:s18], [sflag:s16] =	dma.local @!p0 [spmem:s17], $0x500  }
0x58: {  	s16 =	simm.s32 @!p0 $0x4  }
0x59: {  	_ =	swait.ge @!p0 [sflag:s16], $0x500  }
0x5a: {  	s15 =	sadd.s32 $0x1, s15;
	s19 =	rddreg [dreg:$0x1a]  }
0x5b: {  	p1 =	sne.s32 s15, s19  }
.Ltmp1:
0x5c: {  	_ = 	snop;
	(pc) =	sbr.rel @!p1 .LBB2_8-.Ltmp1, $3  }
0x5d: {  	_ =	sdelay $0x1  }
0x5e: {  	[sflag:s16] =	ssyncset.done @!p0 $0x0  }
0x5f: {  	[sflag:s16] =	ssyncadd.s32 @!p0 $0xFFFFFB00  }
.LBB2_1:
0x60: {  	s16 =	sand.u32 $0xFE00, s4  }
0x61: {  	s17 =	sand.u32 $0x70, s4;
	s18 =	sshrl.u32 s16, $0x2  }
0x62: {  	s16 =	simm.s32 $0x40;
	s18 =	sor.u32 s17, s18;
	s17 =	simm.s32 $0x0  }
.LBB2_2:
0x63: {  	p1 =	sne.s32 s16, $0x9FC0  }
0x64: {  	[tilespmem:s18+$0x13E80] =	vst v0;
	s17 =	sadd.s32 $0x10, s17;
	s18 =	smov.u32 s16;
	s16 =	sadd.s32 $0x40, s16  }
.Ltmp2:
0x65: {  	(pc) =	sbr.rel @p1 .LBB2_2-.Ltmp2, $4  }
0x66: {  	_ = 	snop  }
0x67: {  	s18 =	sand.u32 $0xFE00, s18  }
0x68: {  	s19 =	sand.u32 $0x70, s17;
	s18 =	sshrl.u32 s18, $0x2  }
0x69: {  	s18 =	sor.u32 s19, s18  }
0x6a: {  	[tilespmem:s18+$0x13E80] =	vst v0  }
0x6b: {  	[spmem:s21] =	stream.linear.scatter [tilespmem:s7], [sflag:$0x4], $0x2800, $0x38;
	[tilespmem:$0x1B680] =	vst v63  }
0x6c: {  	_ =	swait.ge [sflag:s8], $0x2800  }
0x6d: {  	[sflag:s8] =	ssyncset.done $0x0  }
0x6e: {  	[sflag:s8] =	ssyncadd.s32 $0xFFFFD800  }
0x6f: {  	[spmem:s22] =	stream.linear.scatter [tilespmem:s7], [sflag:$0x4], $0x2800, $0x38;
	[tilespmem:$0x1B680] =	vst v63  }
0x70: {  	_ =	swait.ge [sflag:s8], $0x2800  }
0x71: {  	[sflag:s8] =	ssyncset.done $0x0  }
0x72: {  	s16 =	rddreg [dreg:$0xe];
	[sflag:s8] =	ssyncadd.s32 $0xFFFFD800  }
0x73: {  	[spmem:s16] =	stream.linear.scatter [tilespmem:s7], [sflag:$0x4], $0x2800, $0x38;
	[tilespmem:$0x1B680] =	vst v63  }
0x74: {  	_ =	swait.ge [sflag:s8], $0x2800  }
0x75: {  	[sflag:s8] =	ssyncset.done $0x0  }
0x76: {  	[sflag:s8] =	ssyncadd.s32 $0xFFFFD800  }
0x77: {  	[spmem:s20] =	stream.linear.scatter [tilespmem:s7], [sflag:$0x4], $0x2800, $0x38;
	[tilespmem:$0x1B680] =	vst v63  }
0x78: {  	_ =	swait.ge [sflag:s8], $0x2800  }
0x79: {  	[sflag:s8] =	ssyncset.done $0x0  }
0x7a: {  	s22 =	rddreg [dreg:$0x10];
	[sflag:s8] =	ssyncadd.s32 $0xFFFFD800  }
0x7b: {  	[spmem:s22] =	stream.linear.scatter [tilespmem:s7], [sflag:$0x4], $0x2800, $0x38;
	[tilespmem:$0x1B680] =	vst v63  }
0x7c: {  	_ =	swait.ge [sflag:s8], $0x2800  }
0x7d: {  	[sflag:s8] =	ssyncset.done $0x0  }
0x7e: {  	s17 =	rddreg [dreg:$0x11];
	[sflag:s8] =	ssyncadd.s32 $0xFFFFD800  }
0x7f: {  	[spmem:s17] =	stream.linear.scatter [tilespmem:s7], [sflag:$0x4], $0x2800, $0x38;
	[tilespmem:$0x1B680] =	vst v63  }
0x80: {  	_ =	swait.ge [sflag:s8], $0x2800  }
0x81: {  	[sflag:s8] =	ssyncset.done $0x0  }
0x82: {  	s18 =	rddreg [dreg:$0x12];
	[sflag:s8] =	ssyncadd.s32 $0xFFFFD800  }
0x83: {  	[spmem:s18] =	stream.linear.scatter [tilespmem:s7], [sflag:$0x4], $0x2800, $0x38;
	[tilespmem:$0x1B680] =	vst v63  }
0x84: {  	_ =	swait.ge [sflag:s8], $0x2800  }
0x85: {  	[sflag:s8] =	ssyncset.done $0x0  }
0x86: {  	s16 =	simm.s32 @!p0 $0x13E80;
	s17 =	rddreg [dreg:$0x13];
	[sflag:s8] =	ssyncadd.s32 $0xFFFFD800  }
0x87: {  	[spmem:s17] =	stream.linear.scatter @!p0 [tilespmem:s16], [sflag:$0x4], $0x2800, $0x38;
	[tilespmem:$0x1B680] =	vst v63  }
0x88: {  	s16 =	simm.s32 @!p0 $0x4  }
0x89: {  	_ =	swait.ge @!p0 [sflag:s16], $0x2800  }
0x8a: {  	[sflag:s16] =	ssyncset.done @!p0 $0x0  }
0x8b: {  	[sflag:s16] =	ssyncadd.s32 @!p0 $0xFFFFD800  }
0x8c: {  	[bflag:$0x0] =	sbarrier.arrive $0xFFFF  }
0x8d: {  	s16 =	simm.s32 $0x0;
	s19 =	rddreg [dreg:$0x14]  }
0x8e: {  	[tilespmem:s9], [sflag:$0x1] =	stream.linear.gather [hbm4b:s19+s16], $0x50, $0x38;
	[tilespmem:$0x1B680] =	vst v63  }
0x8f: {  	s21 =	simm.s32 $0x13A80;
	s20 =	rddreg [dreg:$0x15]  }
0x90: {  	[tilespmem:s21], [sflag:$0x1] =	stream.linear.gather [hbm4b:s20+s16], $0x50, $0x38;
	[tilespmem:$0x1B680] =	vst v63  }
0x91: {  	s22 =	rddreg [dreg:$0x16]  }
0x92: {  	[tilespmem:s10], [sflag:$0x1] =	stream.linear.gather [hbm4b:s22+s16], $0x50, $0x38;
	[tilespmem:$0x1B680] =	vst v63  }
0x93: {  	s18 =	rddreg [dreg:$0x17]  }
0x94: {  	[tilespmem:s11], [sflag:$0x1] =	stream.linear.gather [hbm4b:s18+s16], $0x50, $0x38;
	[tilespmem:$0x1B680] =	vst v63  }
0x95: {  	s19 =	rddreg [dreg:$0x18];
	s20 =	simm.s32 $0x13980  }
0x96: {  	[tilespmem:s20], [sflag:$0x1] =	stream.linear.gather [hbm4b:s19+s16], $0x50, $0x38;
	[tilespmem:$0x1B680] =	vst v63  }
0x97: {  	s21 =	rddreg [dreg:$0x19];
	s22 =	simm.s32 $0x13B80  }
0x98: {  	[tilespmem:s22], [sflag:$0x1] =	stream.linear.gather [hbm4b:s21+s16], $0x50, $0x38;
	[tilespmem:$0x1B680] =	vst v63  }
0x99: {  	_ =	swait.ge [sflag:s12], $0x50  }
0x9a: {  	[sflag:s12] =	ssyncset.done $0x0  }
0x9b: {  	[sflag:s12] =	ssyncadd.s32 $0xFFFFFFB0  }
0x9c: {  	_ =	swait.ge [sflag:s12], $0x50  }
0x9d: {  	[sflag:s12] =	ssyncset.done $0x0  }
0x9e: {  	[sflag:s12] =	ssyncadd.s32 $0xFFFFFFB0  }
0x9f: {  	[tilespmem:s7], [sflag:$0x2] =	stream.indirect.gather [hbm4b:s13+s23], $0x80, s9, s23, $0xb8;
	[tilespmem:$0x1B680] =	vst v63  }
0xa0: {  	_ =	swait.ge [sflag:s12], $0x50  }
0xa1: {  	[sflag:s12] =	ssyncset.done $0x0  }
0xa2: {  	[sflag:s12] =	ssyncadd.s32 $0xFFFFFFB0  }
0xa3: {  	_ =	swait.ge [sflag:s12], $0x50  }
0xa4: {  	[sflag:s12] =	ssyncset.done $0x0  }
0xa5: {  	s18 =	simm.s32 $0x0;
	s17 =	rddreg [dreg:$0x1b];
	[sflag:s12] =	ssyncadd.s32 $0xFFFFFFB0  }
0xa6: {  	[tilespmem:s24], [sflag:$0x2] =	stream.indirect.gather [hbm4b:s13+s23], $0x80, s10, s23, $0xb8;
	[tilespmem:$0x1B680] =	vst v63  }
.LBB2_4:
0xa7: {  	_ =	swait.ge [sflag:s25], $0x2800  }
0xa8: {  	[sflag:s25] =	ssyncset.done $0x0  }
0xa9: {  	[sflag:s25] =	ssyncadd.s32 $0xFFFFD800  }
0xaa: {  	v1 =	vld [tilespmem:$0x13A80]  }
0xab: {  	v2 =	vld [tilespmem:$0x13A90]  }
0xac: {  	v3 =	vld [tilespmem:$0x13AA0]  }
0xad: {  	v4 =	vld [tilespmem:$0x13AB0]  }
0xae: {  	v5 =	vld [tilespmem:$0x13AC0]  }
0xaf: {  	[tilespmem:$0x13C80] =	vst v1  }
0xb0: {  	[tilespmem:$0x13C90] =	vst v2  }
0xb1: {  	[tilespmem:$0x13CA0] =	vst v3  }
0xb2: {  	p1 =	sne.s32 s16, $0x4CE;
	[tilespmem:$0x13CB0] =	vst v4  }
0xb3: {  	s19 =	sshrl.u32 @p1 s17, $0x3;
	s21 =	simm.s32 @p1 $0x0;
	[tilespmem:$0x13CC0] =	vst v5  }
0xb4: {  	[spmem:s3] =	stream.indirect.scatter.add.f32 [tilespmem:s7], [sflag:$0x3], $0x80, s26, s23, $0xb8;
	[tilespmem:$0x1B680] =	vst v63  }
0xb5: {  	s22 =	simm.s32 @p1 $0x13880;
	p2 =	seq.s32 @p1 s16, $0x0;
	s20 =	sadd.s32 @p1 s14, s19  }
0xb6: {  	[tilespmem:s22], [sflag:$0x1] =	stream.linear.gather @p1 [hbm4b:s20+s21], $0x50, $0x38;
	[tilespmem:$0x1B680] =	vst v63  }
0xb7: {  	s19 =	sadd.s32 @p1 s2, s19;
	p2 =	por p2, !p1;
	s20 =	simm.s32 @p1 $0x13A80  }
0xb8: {  	[tilespmem:s20], [sflag:$0x1] =	stream.linear.gather @p1 [hbm4b:s19+s21], $0x50, $0x38;
	[tilespmem:$0x1B680] =	vst v63  }
0xb9: {  	s19 =	simm.s32 @!p2 $0x3  }
0xba: {  	_ =	swait.ge @!p2 [sflag:s19], $0x2800  }
0xbb: {  	[sflag:s19] =	ssyncset.done @!p2 $0x0  }
0xbc: {  	[sflag:s19] =	ssyncadd.s32 @!p2 $0xFFFFD800;
	s19 =	simm.s32 @p1 $0x1  }
0xbd: {  	_ =	swait.ge @p1 [sflag:s19], $0x50  }
0xbe: {  	[sflag:s19] =	ssyncset.done @p1 $0x0  }
0xbf: {  	[sflag:s19] =	ssyncadd.s32 @p1 $0xFFFFFFB0  }
0xc0: {  	_ =	swait.ge @p1 [sflag:s19], $0x50  }
0xc1: {  	s20 =	simm.s32 @p1 $0x13980;
	[sflag:s19] =	ssyncset.done @p1 $0x0  }
0xc2: {  	s21 =	simm.s32 @p1 $0x18E80;
	[sflag:s19] =	ssyncadd.s32 @p1 $0xFFFFFFB0;
	s19 =	simm.s32 @p1 $0x50  }
0xc3: {  	[tilespmem:s21], [sflag:$0x2] =	stream.indirect.gather @p1 [hbm4b:s13+s19], $0x80, s20, s19, $0xb8;
	[tilespmem:$0x1B680] =	vst v63  }
0xc4: {  	s19 =	simm.s32 @!p1 $0x3  }
0xc5: {  	_ =	swait.ge @!p1 [sflag:s19], $0x2800  }
0xc6: {  	[sflag:s19] =	ssyncset.done @!p1 $0x0  }
0xc7: {  	[sflag:s19] =	ssyncadd.s32 @!p1 $0xFFFFD800  }
0xc8: {  	_ =	swait.ge [sflag:s25], $0x2800  }
0xc9: {  	[sflag:s25] =	ssyncset.done $0x0  }
0xca: {  	[sflag:s25] =	ssyncadd.s32 $0xFFFFD800  }
0xcb: {  	v1 =	vld [tilespmem:$0x13B00]  }
0xcc: {  	v2 =	vld [tilespmem:$0x13B10]  }
0xcd: {  	v3 =	vld [tilespmem:$0x13B20]  }
0xce: {  	v62 =	vld [tilespmem:$0x13B30]  }
0xcf: {  	v63 =	vld [tilespmem:$0x13B40]  }
0xd0: {  	[tilespmem:$0x13D00] =	vst v1  }
.Ltmp3:
0xd1: {  	[tilespmem:$0x13D10] =	vst v2;
	(pc) =	sbr.rel @!p1 .LBB2_5-.Ltmp3, $4  }
0xd2: {  	[tilespmem:$0x13D20] =	vst v3  }
0xd3: {  	[tilespmem:$0x13D30] =	vst v62  }
0xd4: {  	[tilespmem:$0x13D40] =	vst v63  }
0xd5: {  	[spmem:s3] =	stream.indirect.scatter.add.f32 [tilespmem:s24], [sflag:$0x3], $0x80, s28, s23, $0xb8;
	[tilespmem:$0x1B680] =	vst v63  }
0xd6: {  	s19 =	sadd.s32 s16, s5  }
0xd7: {  	[tilespmem:s10], [sflag:$0x1] =	stream.linear.gather [hbm4b:s19+s4], $0x50, $0x38;
	[tilespmem:$0x1B680] =	vst v63  }
0xd8: {  	s22 =	sadd.s32 s16, s0  }
0xd9: {  	[tilespmem:s11], [sflag:$0x1] =	stream.linear.gather [hbm4b:s22+s4], $0x50, $0x38;
	[tilespmem:$0x1B680] =	vst v63  }
0xda: {  	_ =	swait.ge [sflag:s29], $0x2800  }
0xdb: {  	[sflag:s29] =	ssyncset.done $0x0  }
0xdc: {  	[sflag:s29] =	ssyncadd.s32 $0xFFFFD800  }
0xdd: {  	_ =	swait.ge [sflag:s12], $0x50  }
0xde: {  	[sflag:s12] =	ssyncset.done $0x0  }
0xdf: {  	[sflag:s12] =	ssyncadd.s32 $0xFFFFFFB0  }
0xe0: {  	_ =	swait.ge [sflag:s12], $0x50  }
0xe1: {  	[sflag:s12] =	ssyncset.done $0x0  }
0xe2: {  	[sflag:s12] =	ssyncadd.s32 $0xFFFFFFB0  }
0xe3: {  	[tilespmem:s7], [sflag:$0x2] =	stream.indirect.gather [hbm4b:s13+s23], $0x80, s9, s23, $0xb8;
	[tilespmem:$0x1B680] =	vst v63  }
0xe4: {  	_ =	swait.ge [sflag:s25], $0x2800  }
0xe5: {  	[sflag:s25] =	ssyncset.done $0x0  }
0xe6: {  	[sflag:s25] =	ssyncadd.s32 $0xFFFFD800  }
0xe7: {  	v1 =	vld [tilespmem:$0x13B80]  }
0xe8: {  	v2 =	vld [tilespmem:$0x13B90]  }
0xe9: {  	v3 =	vld [tilespmem:$0x13BA0]  }
0xea: {  	v4 =	vld [tilespmem:$0x13BB0]  }
0xeb: {  	v5 =	vld [tilespmem:$0x13BC0]  }
0xec: {  	[tilespmem:$0x13D80] =	vst v1  }
0xed: {  	[tilespmem:$0x13D90] =	vst v2  }
0xee: {  	[tilespmem:$0x13DA0] =	vst v3  }
0xef: {  	[tilespmem:$0x13DB0] =	vst v4  }
0xf0: {  	p1 =	sgt.u32 s18, $0x27;
	[tilespmem:$0x13DC0] =	vst v5  }
0xf1: {  	[spmem:s3] =	stream.indirect.scatter.add.f32 [tilespmem:s6], [sflag:$0x3], $0x80, s30, s23, $0xb8;
	[tilespmem:$0x1B680] =	vst v63  }
0xf2: {  	s19 =	sadd.s32 @!p1 s16, s1;
	s20 =	simm.s32 @!p1 $0x0;
	s21 =	simm.s32 @!p1 $0x13980  }
0xf3: {  	[tilespmem:s21], [sflag:$0x1] =	stream.linear.gather @!p1 [hbm4b:s19+s20], $0x50, $0x38;
	[tilespmem:$0x1B680] =	vst v63  }
0xf4: {  	s19 =	sadd.s32 @!p1 s16, s31;
	s21 =	simm.s32 @!p1 $0x13B80  }
0xf5: {  	[tilespmem:s21], [sflag:$0x1] =	stream.linear.gather @!p1 [hbm4b:s19+s20], $0x50, $0x38;
	[tilespmem:$0x1B680] =	vst v63  }
0xf6: {  	_ =	swait.ge [sflag:s29], $0x2800  }
0xf7: {  	[sflag:s29] =	ssyncset.done $0x0  }
0xf8: {  	[sflag:s29] =	ssyncadd.s32 $0xFFFFD800  }
0xf9: {  	s16 =	sadd.s32 $0x1E, s16;
	_ =	swait.ge [sflag:s12], $0x50  }
0xfa: {  	p1 =	sne.s32 s16, $0x4EC;
	[sflag:s12] =	ssyncset.done $0x0  }
.Ltmp4:
0xfb: {  	[sflag:s12] =	ssyncadd.s32 $0xFFFFFFB0;
	(pc) =	sbr.rel @p1 .LBB2_4-.Ltmp4, $4  }
.Ltmp5:
0xfc: {  	_ =	swait.ge [sflag:s12], $0x50;
	(pc) =	sbr.rel @!p1 .LBB2_7-.Ltmp5, $4  }
0xfd: {  	[sflag:s12] =	ssyncset.done $0x0  }
0xfe: {  	s18 =	sadd.s32 $0x1, s18;
	s17 =	sadd.s32 $0xF0, s17;
	[sflag:s12] =	ssyncadd.s32 $0xFFFFFFB0  }
0xff: {  	[tilespmem:s24], [sflag:$0x2] =	stream.indirect.gather [hbm4b:s13+s23], $0x80, s10, s23, $0xb8;
	[tilespmem:$0x1B680] =	vst v63  }
0x100: {  	_ = 	snop  }
.LBB2_8:
0x101: {  	_ =	sfence.sel $0x180000  }
0x102: {  	[bflag:$0x0] =	sbarrier.arrive $0xFFFF  }
0x103: {  	_ =	strace $0x9000004D  }
0x104: {  	s0 =	stileid.u32;
	[bflag:$0x2] =	sbarrier.arrive $0xFFFF  }
0x105: {  	p0 =	sne.s32 s0, $0x0;
	s0 =	rddreg [dreg:$0x3]  }
0x106: {  	s0 =	sadd.s32 @!p0 $0x100000, s0  }
0x107: {  	[sflag:s0] =	ssyncadd.tile.s32 @!p0 $0x1;
	_ =	shalt  }
.Lfunc_end2:
_tile_overlayer_lowered:
.L_overlay_start_2:
0x108: {  	(tag) =	ssettag $0x2  }
0x109: {  	s0 =	rddreg [dreg:$0x0];
	s2 =	stileid.u32  }
0x10a: {  	s1 =	rddreg [dreg:$0x1];
	p0 =	sne.s32 s2, $0x0  }
0x10b: {  	s3 =	rddreg [dreg:$0x2];
	[bflag:$0x3] =	sbarrier.arrive $0xFFFF;
	s2 =	simm.s32 @!p0 $0x1C04  }
0x10c: {  	[timem:s3], [sflag:s2] =	dma.local @!p0 [hbm:s0], s1  }
0x10d: {  	s0 =	simm.s32 @!p0 $0x4  }
0x10e: {  	_ =	swait.ge @!p0 [sflag:s0], s1  }
0x10f: {  	s1 =	ssub.s32 @!p0 $0x0, s1;
	[sflag:s0] =	ssyncset.done @!p0 $0x0  }
0x110: {  	[sflag:s0] =	ssyncadd.s32 @!p0 s1  }
0x111: {  	[bflag:$0x3] =	sbarrier.arrive $0xFFFF  }
0x112: {  	_ =	shalt  }

// kernel: kernel.9.cloned.1.call-start
scs
__scs_entry_jumppad:
0x0: {  	(pc) =	sbr.rel $0x88, $3  }
0x1: {  	(tag) =	ssettag $0x0;
	lr =	simm.s32 $0x1  }
0x2: {  	[smem:$0x3F99] =	sst lr;
	_ =	strace $0xD0000000  }
0x3: {  	_ = 	snop  }
0x4: {  	_ = 	snop  }
0x5: {  	_ = 	snop  }
0x6: {  	_ = 	snop  }
0x7: {  	_ = 	snop  }
__scs_overlays_trampoline_lowered:
0x8: {  	[smem:$0x3FA8] =	sst s0  }
0x9: {  	[smem:$0x3FA9] =	sst s1  }
0xa: {  	[smem:$0x3FAA] =	sst s2  }
0xb: {  	[smem:$0x3FAB] =	sst s3  }
0xc: {  	[smem:$0x3FAC] =	sst s4  }
0xd: {  	[smem:$0x3FAD] =	sst s5  }
0xe: {  	[smem:$0x3FAE] =	sst s6  }
0xf: {  	[smem:$0x3FAF] =	sst s7  }
0x10: {  	[smem:$0x3FB0] =	sst s8  }
0x11: {  	[smem:$0x3FB1] =	sst s9;
	s0 =	simm.s32 @!p0 $0x0  }
0x12: {  	s1 =	sld [smem:$0x3F97];
	s0 =	simm.s32 @p0 $0x1  }
0x13: {  	[smem:$0x3FB2] =	sst s0;
	s0 =	simm.s32 @!p1 $0x0  }
0x14: {  	s2 =	sld [smem:$0x3F96];
	s0 =	simm.s32 @p1 $0x1  }
0x15: {  	[smem:$0x3FB3] =	sst s0;
	s0 =	simm.s32 @!p2 $0x0  }
0x16: {  	s3 =	sld [smem:$0x3FDB];
	s0 =	simm.s32 @p2 $0x1  }
0x17: {  	s4 =	simm.s32 $0x1BF5;
	[smem:$0x3FB5] =	sst s0  }
0x18: {  	s0 =	sld [smem:$0x3F98];
	_ =	swait.ge [sflag:s4], $0x0  }
0x19: {  	s7 =	sld [smem:$0x3F99]  }
0x1a: {  	s8 =	sadd.s32 $0xFFFFE003, lr  }
0x1b: {  	s9 =	sadd.s32 $0xFFFFFEF7, lr;
	s5 =	simm.s32 $0xFFFFFFFF;
	p2 =	slt.u32 s8, $0xFFFFF086  }
0x1c: {  	p1 =	slt.u32 s9, $0xF7A;
	s5 =	simm.s32 @!p2 $0x0  }
0x1d: {  	s5 =	simm.s32 @p1 $0x1;
	p0 =	seq.s32 s7, s2  }
0x1e: {  	s7 =	smul.u32 @!p0 $0xF7A, s2;
	p2 =	seq.s32 @!p0 s5, $0x0  }
0x1f: {  	s9 =	smul.u32 $0xF7A, s1;
	s8 =	simm.s32 @!p0 $0x1BF5;
	p2 =	por !p2, p0  }
0x20: {  	[sflag:s8] =	ssyncset.s32 @!p0 $0xFFFFF086;
	s6 =	sadd.s32 @!p0 s3, s7;
	s7 =	simm.s32 @!p0 $0x108  }
0x21: {  	s3 =	sadd.s32 s3, s9;
	s6 =	sadd.s32 @!p0 $0x88, s6;
	s7 =	simm.s32 @p2 $0x1082  }
0x22: {  	[simem:s7], [sflag:s8] =	dma.local @!p0 [hbm:s6], $0xF7A  }
0x23: {  	s9 =	sor.u32 $0xD0000000, s2;
	s6 =	simm.s32 $0x108;
	_ =	swait.ge @!p0 [sflag:s8], $0x0  }
0x24: {  	s3 =	sadd.s32 $0x88, s3;
	s6 =	simm.s32 @!p1 $0x1082;
	[sflag:s4] =	ssyncset.s32 $0xFFFFF086  }
0x25: {  	[simem:s6], [sflag:s4] =	dma.local [hbm:s3], $0xF7A  }
0x26: {  	[smem:$0x3F99] =	sst s1;
	(tag) =	ssettag s2;
	_ =	strace s9  }
0x27: {  	s1 =	sld [smem:$0x3FA9]  }
0x28: {  	s2 =	sld [smem:$0x3FAA]  }
0x29: {  	s4 =	sld [smem:$0x3FAC]  }
0x2a: {  	p0 =	seq.s32 s5, $0x0;
	s5 =	sld [smem:$0x3FAD]  }
0x2b: {  	s6 =	sld [smem:$0x3FAE]  }
0x2c: {  	s7 =	sld [smem:$0x3FAF]  }
0x2d: {  	s3 =	simm.s32 $0x108;
	s8 =	sld [smem:$0x3FB0]  }
0x2e: {  	s3 =	simm.s32 @!p0 $0x1082;
	s9 =	sld [smem:$0x3FB1]  }
0x2f: {  	lr =	sadd.s32 s0, s3;
	s0 =	sld [smem:$0x3FA8]  }
0x30: {  	s3 =	sld [smem:$0x3FAB]  }
0x31: {  	[smem:$0x3FB4] =	sst s10  }
0x32: {  	s10 =	sld [smem:$0x3FB2];
	_ =	sdelay $0x3  }
0x33: {  	p0 =	seq.s32 s10, $0x1;
	s10 =	sld [smem:$0x3FB4];
	_ =	sdelay $0x3  }
0x34: {  	[smem:$0x3FB4] =	sst s10  }
0x35: {  	s10 =	sld [smem:$0x3FB3];
	_ =	sdelay $0x3  }
0x36: {  	p1 =	seq.s32 s10, $0x1;
	s10 =	sld [smem:$0x3FB4];
	_ =	sdelay $0x3  }
0x37: {  	[smem:$0x3FB4] =	sst s10  }
0x38: {  	s10 =	sld [smem:$0x3FB5]  }
0x39: {  	_ = 	snop;
	(pc) =	sbr.ind lr, $3  }
0x3a: {  	_ = 	snop  }
0x3b: {  	_ = 	snop  }
0x3c: {  	p2 =	seq.s32 s10, $0x1;
	s10 =	sld [smem:$0x3FB4]  }
0x3d: {  	_ =	shalt  }
0x3e: {  	_ =	shalt  }
0x3f: {  	_ =	shalt  }
0x40: {  	_ =	shalt  }
0x41: {  	_ =	shalt  }
0x42: {  	_ =	shalt  }
0x43: {  	_ =	shalt  }
0x44: {  	_ =	shalt  }
0x45: {  	_ =	shalt  }
0x46: {  	_ =	shalt  }
0x47: {  	_ =	shalt  }
0x48: {  	_ =	shalt  }
0x49: {  	_ =	shalt  }
0x4a: {  	_ =	shalt  }
0x4b: {  	_ =	shalt  }
0x4c: {  	_ =	shalt  }
0x4d: {  	_ =	shalt  }
0x4e: {  	_ =	shalt  }
0x4f: {  	_ =	shalt  }
0x50: {  	_ =	shalt  }
0x51: {  	_ =	shalt  }
0x52: {  	_ =	shalt  }
0x53: {  	_ =	shalt  }
0x54: {  	_ =	shalt  }
0x55: {  	_ =	shalt  }
0x56: {  	_ =	shalt  }
0x57: {  	_ =	shalt  }
0x58: {  	_ =	shalt  }
0x59: {  	_ =	shalt  }
0x5a: {  	_ =	shalt  }
0x5b: {  	_ =	shalt  }
0x5c: {  	_ =	shalt  }
0x5d: {  	_ =	shalt  }
0x5e: {  	_ =	shalt  }
0x5f: {  	_ =	shalt  }
0x60: {  	_ =	shalt  }
0x61: {  	_ =	shalt  }
0x62: {  	_ =	shalt  }
0x63: {  	_ =	shalt  }
0x64: {  	_ =	shalt  }
0x65: {  	_ =	shalt  }
0x66: {  	_ =	shalt  }
0x67: {  	_ =	shalt  }
0x68: {  	_ =	shalt  }
0x69: {  	_ =	shalt  }
0x6a: {  	_ =	shalt  }
0x6b: {  	_ =	shalt  }
0x6c: {  	_ =	shalt  }
0x6d: {  	_ =	shalt  }
0x6e: {  	_ =	shalt  }
0x6f: {  	_ =	shalt  }
0x70: {  	_ =	shalt  }
0x71: {  	_ =	shalt  }
0x72: {  	_ =	shalt  }
0x73: {  	_ =	shalt  }
0x74: {  	_ =	shalt  }
0x75: {  	_ =	shalt  }
0x76: {  	_ =	shalt  }
0x77: {  	_ =	shalt  }
0x78: {  	_ =	shalt  }
0x79: {  	_ =	shalt  }
0x7a: {  	_ =	shalt  }
0x7b: {  	_ =	shalt  }
0x7c: {  	_ =	shalt  }
0x7d: {  	_ =	shalt  }
0x7e: {  	_ =	shalt  }
0x7f: {  	_ =	shalt  }
0x80: {  	_ =	shalt  }
0x81: {  	_ =	shalt  }
0x82: {  	_ =	shalt  }
0x83: {  	_ =	shalt  }
0x84: {  	_ =	shalt  }
0x85: {  	_ =	shalt  }
0x86: {  	_ =	shalt  }
0x87: {  	_ =	shalt  }
.Lfunc_end0:
.L_simem_size_0:
called_computation_lowered:
.L_overlay_start_0:
0x88: {  	s2 =	sld [smem:$0x3FD9]  }
0x89: {  	s3 =	sld [smem:$0x3FFE];
	_ =	sdelay $0x1  }
0x8a: {  	s1 =	srdreg.scid  }
0x8b: {  	s0 =	sand.u32 $0x1, s1  }
0x8c: {  	s17 =	sshll.u32 s0, $0xA;
	s2 =	sadd.s32 s3, s2  }
0x8d: {  	s2 =	sadd.s32 s2, s17  }
0x8e: {  	[smem:$0x3FC0] =	sst s2  }
0x8f: {  	_ = 	snop  }
0x90: {  	s2 =	sld [smem:$0x3FD0];
	(tm) =	ssettm $0x1  }
0x91: {  	s18 =	sld [smem:$0x3FFB];
	_ =	sdelay $0x3  }
0x92: {  	_ =	strace s18  }
0x93: {  	s3 =	sld [smem:$0x3FFC];
	_ =	sdelay $0x3  }
0x94: {  	_ =	strace s3  }
0x95: {  	s3 =	sld [smem:$0x3FFD];
	_ =	sdelay $0x3  }
0x96: {  	_ =	strace s3  }
0x97: {  	_ =	strace $0x8FFFFFFF  }
0x98: {  	s19 =	sld [smem:$0x3FDB];
	_ =	sdelay $0x1  }
0x99: {  	s4 =	simm.s32 $_scs_section_size  }
0x9a: {  	s5 =	simm.s32 $_size__tile_overlayer_lowered;
	s6 =	simm.s32 $_tile_overlayer_lowered  }
0x9b: {  	s22 =	simm.s32 $0x1BFF;
	s21 =	sshll.u32 s6, $0x1;
	s3 =	sadd.s32 s4, s19  }
0x9c: {  	s7 =	simm.s32 $0x0;
	s20 =	sshll.u32 s5, $0x1;
	s5 =	sadd.s32 s21, s3  }
0x9d: {  	[timem:s7], [sflag:s22] =	dma.local [hbm:s5], s20  }
0x9e: {  	_ =	swait.ge [sflag:s22], s20  }
0x9f: {  	s4 =	ssub.s32 $0x0, s20;
	[sflag:s22] =	ssyncset.done $0x0  }
0xa0: {  	[sflag:s22] =	ssyncadd.s32 s4;
	_ =	sdelay $0x1  }
0xa1: {  	s23 =	simm.s32 $0x1B8B  }
0xa2: {  	_ =	swait.ge [sflag:s23], $0x1  }
0xa3: {  	[sflag:s23] =	ssyncset.done $0x0  }
0xa4: {  	s25 =	simm.s32 $0x1B8E;
	s24 =	sld [smem:$0x3FFE];
	[sflag:s23] =	ssyncadd.s32 $0xFFFFFFFF  }
0xa5: {  	s26 =	simm.s32 $execute0_lowered;
	[smem:$0x3FD2] =	sst s25  }
0xa6: {  	s5 =	sshll.u32 s26, $0x1;
	_ =	strace $0x80000046;
	[dreg:$0x1] =	wrdreg $0xFFFFFFFF  }
0xa7: {  	s28 =	simm.s32 $_size_execute0_lowered;
	s3 =	sadd.s32 s3, s5;
	[dreg:$0x0] =	wrdreg $0x0  }
0xa8: {  	s5 =	sshll.u32 s28, $0x1;
	[dreg:$0x2] =	wrdreg s3  }
0xa9: {  	[dreg:$0x3] =	wrdreg s5  }
0xaa: {  	[dreg:$0x4] =	wrdreg $0xC0  }
0xab: {  	_ =	task [dreg:s7], $0x5FFFF  }
0xac: {  	[dreg:$0x1] =	wrdreg $0xFFFFFFFF  }
0xad: {  	[dreg:$0x0] =	wrdreg $0x60  }
0xae: {  	[dreg:$0x2] =	wrdreg s2  }
0xaf: {  	[dreg:$0x3] =	wrdreg s24  }
0xb0: {  	[dreg:$0x4] =	wrdreg $0x0  }
0xb1: {  	[dreg:$0x5] =	wrdreg $0x9  }
0xb2: {  	_ =	task.clear_ibuf [dreg:s7], $0x6FFFF;
	_ =	strace $0x90000046  }
0xb3: {  	s29 =	simm.s32 $0x9;
	_ =	strace $0x80000048  }
0xb4: {  	_ =	swait.ge [sflag:s29], $0x1  }
0xb5: {  	[sflag:s29] =	ssyncadd.s32 $0xFFFFFFFF  }
0xb6: {  	_ =	strace $0x90000048  }
0xb7: {  	_ =	sfence  }
0xb8: {  	s30 =	sld [smem:$0x0];
	_ =	sdelay $0x2  }
0xb9: {  	s31 =	sshll.u32 s1, $0xD;
	s1 =	sshrl.u32 s1, $0x2  }
0xba: {  	s3 =	sand.u32 $0x4000, s31;
	s1 =	sadd.s32 s1, s30  }
0xbb: {  	s0 =	sor.u32 s3, s0;
	s1 =	sshll.u32 s1, $0x11  }
0xbc: {  	s0 =	sor.u32 s1, s0  }
0xbd: {  	s0 =	sadd.s32 $0x8F2B, s0  }
0xbe: {  	[sflag:s0] =	ssyncadd.remote.s32 $0x1  }
0xbf: {  	_ =	sfence.sel $0xFFFF  }
0xc0: {  	[dreg:$0x0] =	wrdreg $0xFFFFFFFF;
	(pc) =	sbr.abs _section_cstart, $3  }
0xc1: {  	[dreg:$0x1] =	wrdreg $0xFFFFFFFF  }
0xc2: {  	_ =	task.clear_ibuf [dreg:s7], $0x2FFFF;
	_ =	strace $0x9FFFFFFF  }
0xc3: {  	(tm) =	ssettm $0x7FFFFFFF  }
tec
execute0_lowered:
.L_overlay_start_1:
0x0: {  	(tag) =	ssettag $0x1  }
0x1: {  	s1 =	rddreg [dreg:$0x0]  }
0x2: {  	s0 =	rddreg [dreg:$0x1]  }
0x3: {  	s2 =	rddreg [dreg:$0x2];
	s3 =	simm.s32 $0x0;
	s25 =	stileid.u32  }
0x4: {  	s4 =	srdreg.scid;
	s21 =	smul.u32 $0xA000, s25;
	s13 =	sor.u32 $0x10, s25  }
0x5: {  	s28 =	simm.s32 $0x13880;
	s14 =	sor.u32 $0x20, s25;
	s7 =	smul.u32 $0xA000, s13  }
0x6: {  	s29 =	simm.s32 $0x1;
	s16 =	sor.u32 $0x30, s25;
	s8 =	smul.u32 $0xA000, s14  }
0x7: {  	s30 =	simm.s32 $0x13900;
	s18 =	sor.u32 $0x40, s25;
	s24 =	smul.u32 $0xA000, s16  }
0x8: {  	s31 =	simm.s32 $0x50;
	s19 =	sor.u32 $0x50, s25;
	s9 =	smul.u32 $0xA000, s18  }
0x9: {  	[smem:$0x7FF] =	sst s3;
	s20 =	sor.u32 $0x60, s25;
	s10 =	smul.u32 $0xA000, s19  }
0xa: {  	s17 =	sand.u32 $0x1, s4;
	s0 =	sadd.s32 $0xC000, s0;
	s11 =	smul.u32 $0xA000, s20  }
0xb: {  	p0 =	sgt.u32 s25, $0xC;
	_ =	strace $0x80000047;
	s13 =	smul.u32 $0x2800, s13  }
0xc: {  	s4 =	ssub.s32 $0x2, s17;
	s6 =	sshll.u32 s17, $0x4;
	s14 =	smul.u32 $0x2800, s14  }
0xd: {  	s16 =	smul.u32 $0x2800, s16;
	s5 =	sshrl.u32 s4, $0x1;
	s6 =	sor.u32 s25, s6  }
0xe: {  	s4 =	ssub.s32 s4, s5;
	s5 =	sshrl.u32 s21, $0x2;
	s15 =	smul.u32 $0x2710, s6  }
0xf: {  	s22 =	sshrl.u32 s7, $0x2;
	s23 =	sshrl.u32 s8, $0x2;
	s8 =	sshrl.u32 s24, $0x2  }
0x10: {  	s9 =	sshrl.u32 s9, $0x2;
	s21 =	sor.u32 $0x70, s25;
	s10 =	sshrl.u32 s10, $0x2  }
0x11: {  	s11 =	sshrl.u32 s11, $0x2;
	s24 =	smul.u32 $0x2800, s19;
	s5 =	sadd.s32 s5, s2  }
0x12: {  	s6 =	sadd.s32 s22, s2;
	s7 =	sadd.s32 s23, s2;
	s12 =	smul.u32 $0xA000, s21  }
0x13: {  	s8 =	sadd.s32 s8, s2;
	s9 =	sadd.s32 s9, s2;
	s22 =	smul.u32 $0x138800, s17  }
0x14: {  	s10 =	sadd.s32 s10, s2;
	s11 =	sadd.s32 s11, s2;
	s23 =	smul.u32 $0x2800, s25  }
0x15: {  	s21 =	smul.u32 $0x2800, s21;
	s15 =	sshrl.u32 s15, $0x3;
	s12 =	sshrl.u32 s12, $0x2  }
0x16: {  	s15 =	sadd.s32 s1, s15;
	s26 =	sadd.s32 s23, s22;
	s13 =	sadd.s32 s22, s13  }
0x17: {  	s23 =	sadd.s32 s22, s14;
	s14 =	sadd.s32 s22, s24;
	s12 =	sadd.s32 s12, s2  }
0x18: {  	[dreg:$0x4] =	wrdreg s15;
	s15 =	sshrl.u32 s26, $0x3;
	s13 =	sshrl.u32 s13, $0x3  }
0x19: {  	s26 =	sadd.s32 s22, s16;
	s16 =	smul.u32 $0x2800, s20;
	s14 =	sshrl.u32 s14, $0x3  }
0x1a: {  	s15 =	sadd.s32 s0, s15;
	s13 =	sadd.s32 s0, s13;
	s20 =	sshrl.u32 s26, $0x3  }
0x1b: {  	s26 =	smul.u32 $0x2710, s25;
	s19 =	sadd.s32 s0, s14;
	[dreg:$0x5] =	wrdreg s15  }
0x1c: {  	s15 =	smul.u32 $0x2800, s18;
	[dreg:$0x6] =	wrdreg s13;
	s13 =	sshrl.u32 s23, $0x3  }
0x1d: {  	s25 =	simm.s32 $0x13980;
	s23 =	smul.u32 $0x27100, s17;
	s13 =	sadd.s32 s0, s13  }
0x1e: {  	s24 =	sadd.s32 s22, s16;
	[dreg:$0x7] =	wrdreg s13;
	s15 =	sadd.s32 s22, s15  }
0x1f: {  	s22 =	sadd.s32 s22, s21;
	s13 =	sadd.s32 s0, s20;
	s17 =	sadd.s32 s26, s23  }
0x20: {  	s21 =	sshrl.u32 s24, $0x3;
	[dreg:$0x8] =	wrdreg s13;
	s16 =	sshrl.u32 s15, $0x3  }
0x21: {  	s23 =	sshrl.u32 s22, $0x3;
	s24 =	sadd.s32 $0x50, s17;
	s20 =	sadd.s32 s0, s21  }
0x22: {  	s22 =	smax.u32 s4, $0x1;
	s14 =	sadd.s32 $0xA0, s17;
	s4 =	simm.s32 $0x0  }
0x23: {  	s18 =	sadd.s32 s0, s16;
	s21 =	sadd.s32 s0, s23;
	s26 =	sshrl.u32 s24, $0x3  }
0x24: {  	v0 =	vimm.f32 $0.0e+00;
	v1 =	vimm.f32 $1.000000000e+00;
	s0 =	simm.s32 $0x3;
	s24 =	sadd.s32 s26, s1;
	s26 =	simm.s32 $0x2  }
.LBB2_1:
0x25: {  	s13 =	sand.u32 $0xFE00, s3  }
0x26: {  	s15 =	sand.u32 $0x70, s3;
	s23 =	sshrl.u32 s13, $0x2  }
0x27: {  	s13 =	simm.s32 $0x40;
	s15 =	sor.u32 s15, s23;
	s23 =	simm.s32 $0x0  }
.LBB2_2:
0x28: {  	p1 =	sne.s32 s13, $0x9FC0  }
0x29: {  	[tilespmem:s15+$0x13980] =	vst v0;
	s23 =	sadd.s32 $0x10, s23;
	s15 =	smov.u32 s13;
	s13 =	sadd.s32 $0x40, s13  }
.Ltmp0:
0x2a: {  	(pc) =	sbr.rel @p1 .LBB2_2-.Ltmp0, $4  }
0x2b: {  	_ = 	snop  }
0x2c: {  	s15 =	sand.u32 $0xFE00, s15  }
0x2d: {  	s16 =	sand.u32 $0x70, s23;
	s15 =	sshrl.u32 s15, $0x2  }
0x2e: {  	s15 =	sor.u32 s16, s15  }
0x2f: {  	[tilespmem:s15+$0x13980] =	vst v0  }
0x30: {  	[spmem:s5] =	stream.linear.scatter [tilespmem:s25], [sflag:$0x2], $0x2800, $0x38;
	[tilespmem:$0x16180] =	vst v63  }
0x31: {  	_ =	swait.ge [sflag:s26], $0x2800  }
0x32: {  	[sflag:s26] =	ssyncset.done $0x0  }
0x33: {  	[sflag:s26] =	ssyncadd.s32 $0xFFFFD800  }
0x34: {  	[spmem:s6] =	stream.linear.scatter [tilespmem:s25], [sflag:$0x2], $0x2800, $0x38;
	[tilespmem:$0x16180] =	vst v63  }
0x35: {  	_ =	swait.ge [sflag:s26], $0x2800  }
0x36: {  	[sflag:s26] =	ssyncset.done $0x0  }
0x37: {  	[sflag:s26] =	ssyncadd.s32 $0xFFFFD800  }
0x38: {  	[spmem:s7] =	stream.linear.scatter [tilespmem:s25], [sflag:$0x2], $0x2800, $0x38;
	[tilespmem:$0x16180] =	vst v63  }
0x39: {  	_ =	swait.ge [sflag:s26], $0x2800  }
0x3a: {  	[sflag:s26] =	ssyncset.done $0x0  }
0x3b: {  	[sflag:s26] =	ssyncadd.s32 $0xFFFFD800  }
0x3c: {  	[spmem:s8] =	stream.linear.scatter [tilespmem:s25], [sflag:$0x2], $0x2800, $0x38;
	[tilespmem:$0x16180] =	vst v63  }
0x3d: {  	_ =	swait.ge [sflag:s26], $0x2800  }
0x3e: {  	[sflag:s26] =	ssyncset.done $0x0  }
0x3f: {  	[sflag:s26] =	ssyncadd.s32 $0xFFFFD800  }
0x40: {  	[spmem:s9] =	stream.linear.scatter [tilespmem:s25], [sflag:$0x2], $0x2800, $0x38;
	[tilespmem:$0x16180] =	vst v63  }
0x41: {  	_ =	swait.ge [sflag:s26], $0x2800  }
0x42: {  	[sflag:s26] =	ssyncset.done $0x0  }
0x43: {  	[sflag:s26] =	ssyncadd.s32 $0xFFFFD800  }
0x44: {  	[spmem:s10] =	stream.linear.scatter [tilespmem:s25], [sflag:$0x2], $0x2800, $0x38;
	[tilespmem:$0x16180] =	vst v63  }
0x45: {  	_ =	swait.ge [sflag:s26], $0x2800  }
0x46: {  	[sflag:s26] =	ssyncset.done $0x0  }
0x47: {  	[sflag:s26] =	ssyncadd.s32 $0xFFFFD800  }
0x48: {  	[spmem:s11] =	stream.linear.scatter [tilespmem:s25], [sflag:$0x2], $0x2800, $0x38;
	[tilespmem:$0x16180] =	vst v63  }
0x49: {  	_ =	swait.ge [sflag:s26], $0x2800  }
0x4a: {  	[sflag:s26] =	ssyncset.done $0x0  }
0x4b: {  	s13 =	simm.s32 @!p0 $0x13980;
	[sflag:s26] =	ssyncadd.s32 $0xFFFFD800  }
0x4c: {  	[spmem:s12] =	stream.linear.scatter @!p0 [tilespmem:s13], [sflag:$0x2], $0x2800, $0x38;
	[tilespmem:$0x16180] =	vst v63  }
0x4d: {  	s15 =	simm.s32 @!p0 $0x2;
	s13 =	simm.s32 $0x0  }
0x4e: {  	_ =	swait.ge @!p0 [sflag:s15], $0x2800;
	s16 =	sand.u32 $0xFE00, s13  }
0x4f: {  	s17 =	sand.u32 $0x70, s13;
	[sflag:s15] =	ssyncset.done @!p0 $0x0;
	s16 =	sshrl.u32 s16, $0x2  }
0x50: {  	s23 =	simm.s32 $0x40;
	[sflag:s15] =	ssyncadd.s32 @!p0 $0xFFFFD800;
	s15 =	sor.u32 s17, s16  }
.LBB2_4:
0x51: {  	p1 =	sne.s32 s23, $0x9FC0  }
0x52: {  	[tilespmem:s15+$0x13980] =	vst v1;
	s13 =	sadd.s32 $0x10, s13;
	s15 =	smov.u32 s23;
	s23 =	sadd.s32 $0x40, s23  }
.Ltmp1:
0x53: {  	(pc) =	sbr.rel @p1 .LBB2_4-.Ltmp1, $4  }
0x54: {  	_ = 	snop  }
0x55: {  	s15 =	sand.u32 $0xFE00, s15  }
0x56: {  	s16 =	sand.u32 $0x70, s13;
	s15 =	sshrl.u32 s15, $0x2  }
0x57: {  	s15 =	sor.u32 s16, s15  }
0x58: {  	[tilespmem:s15+$0x13980] =	vst v1  }
0x59: {  	[bflag:$0x0] =	sbarrier.arrive $0xFFFF  }
0x5a: {  	s13 =	simm.s32 $0x0;
	s16 =	rddreg [dreg:$0x4]  }
0x5b: {  	[tilespmem:s28], [sflag:$0x1] =	stream.linear.gather [hbm4b:s16+s13], $0x50, $0x38;
	[tilespmem:$0x16180] =	vst v63  }
0x5c: {  	_ =	swait.ge [sflag:s29], $0x50  }
0x5d: {  	[sflag:s29] =	ssyncset.done $0x0  }
0x5e: {  	s17 =	sadd.s32 $0x0, s24;
	[sflag:s29] =	ssyncadd.s32 $0xFFFFFFB0  }
0x5f: {  	[tilespmem:s30], [sflag:$0x1] =	stream.linear.gather [hbm4b:s17+s3], $0x50, $0x38;
	[tilespmem:$0x16180] =	vst v63  }
0x60: {  	_ = 	snop  }
0x61: {  	[spmem:s2] =	stream.indirect.scatter.add.f32 [tilespmem:s25], [sflag:$0x3], $0x80, s28, s31, $0xb8;
	[tilespmem:$0x16180] =	vst v63  }
0x62: {  	_ =	swait.ge [sflag:s0], $0x2800  }
0x63: {  	[sflag:s0] =	ssyncset.done $0x0  }
0x64: {  	[sflag:s0] =	ssyncadd.s32 $0xFFFFD800  }
0x65: {  	_ =	swait.ge [sflag:s29], $0x50  }
0x66: {  	s23 =	sshrl.u32 s14, $0x3;
	[sflag:s29] =	ssyncset.done $0x0  }
0x67: {  	s13 =	sadd.s32 s1, s23;
	[sflag:s29] =	ssyncadd.s32 $0xFFFFFFB0  }
0x68: {  	[tilespmem:s28], [sflag:$0x1] =	stream.linear.gather [hbm4b:s13+s3], $0x50, $0x38;
	[tilespmem:$0x16180] =	vst v63  }
0x69: {  	_ = 	snop  }
0x6a: {  	[spmem:s2] =	stream.indirect.scatter.add.f32 [tilespmem:s25], [sflag:$0x2], $0x80, s30, s31, $0xb8;
	[tilespmem:$0x16180] =	vst v63  }
0x6b: {  	_ =	swait.ge [sflag:s26], $0x2800  }
0x6c: {  	s23 =	smov.u32 s14;
	s13 =	simm.s32 $0x14;
	[sflag:s26] =	ssyncset.done $0x0  }
.LBB2_6:
0x6d: {  	p1 =	sne.s32 s13, $0x4C4;
	[sflag:s26] =	ssyncadd.s32 $0xFFFFD800;
	s23 =	sadd.s32 $0xA0, s23  }
0x6e: {  	s15 =	smov.u32 s13;
	s13 =	sadd.s32 $0x14, s13  }
0x6f: {  	_ =	swait.ge [sflag:s29], $0x50  }
0x70: {  	[sflag:s29] =	ssyncset.done $0x0  }
0x71: {  	s15 =	sadd.s32 s15, s24;
	[sflag:s29] =	ssyncadd.s32 $0xFFFFFFB0  }
0x72: {  	[tilespmem:s30], [sflag:$0x1] =	stream.linear.gather [hbm4b:s15+s3], $0x50, $0x38;
	[tilespmem:$0x16180] =	vst v63  }
0x73: {  	_ = 	snop  }
0x74: {  	[spmem:s2] =	stream.indirect.scatter.add.f32 [tilespmem:s25], [sflag:$0x3], $0x80, s28, s31, $0xb8;
	[tilespmem:$0x16180] =	vst v63  }
0x75: {  	_ =	swait.ge [sflag:s0], $0x2800  }
0x76: {  	[sflag:s0] =	ssyncset.done $0x0  }
0x77: {  	[sflag:s0] =	ssyncadd.s32 $0xFFFFD800  }
0x78: {  	_ =	swait.ge [sflag:s29], $0x50  }
0x79: {  	s15 =	sshrl.u32 s23, $0x3;
	[sflag:s29] =	ssyncset.done $0x0  }
0x7a: {  	s15 =	sadd.s32 s1, s15;
	[sflag:s29] =	ssyncadd.s32 $0xFFFFFFB0  }
0x7b: {  	[tilespmem:s28], [sflag:$0x1] =	stream.linear.gather [hbm4b:s15+s3], $0x50, $0x38;
	[tilespmem:$0x16180] =	vst v63  }
.Ltmp2:
0x7c: {  	_ = 	snop;
	(pc) =	sbr.rel @p1 .LBB2_6-.Ltmp2, $4  }
0x7d: {  	_ = 	snop  }
0x7e: {  	[spmem:s2] =	stream.indirect.scatter.add.f32 [tilespmem:s25], [sflag:$0x2], $0x80, s30, s31, $0xb8;
	[tilespmem:$0x16180] =	vst v63  }
0x7f: {  	_ =	swait.ge [sflag:s26], $0x2800  }
0x80: {  	[sflag:s26] =	ssyncset.done $0x0  }
0x81: {  	[sflag:s26] =	ssyncadd.s32 $0xFFFFD800  }
0x82: {  	_ =	swait.ge [sflag:s29], $0x50  }
0x83: {  	[sflag:s29] =	ssyncset.done $0x0  }
0x84: {  	[sflag:s29] =	ssyncadd.s32 $0xFFFFFFB0  }
0x85: {  	[spmem:s2] =	stream.indirect.scatter.add.f32 [tilespmem:s25], [sflag:$0x3], $0x80, s28, s31, $0xb8;
	[tilespmem:$0x16180] =	vst v63  }
0x86: {  	_ =	swait.ge [sflag:s0], $0x2800  }
0x87: {  	[sflag:s0] =	ssyncset.done $0x0  }
0x88: {  	s13 =	stileid.u32;
	[sflag:s0] =	ssyncadd.s32 $0xFFFFD800  }
0x89: {  	s13 =	sshll.u32 s13, $0x6;
	[bflag:$0x0] =	sbarrier.arrive $0xFFFF  }
0x8a: {  	s15 =	sshrl.u32 s5, $0x3;
	s13 =	sor.u32 $0x1C02, s13;
	s16 =	rddreg [dreg:$0x5]  }
0x8b: {  	[hbm:s16], [sflag:s13] =	dma.local [spmem:s15], $0x500  }
0x8c: {  	_ =	swait.ge [sflag:s26], $0x500  }
0x8d: {  	[sflag:s26] =	ssyncset.done $0x0  }
0x8e: {  	s17 =	sshrl.u32 s6, $0x3;
	s23 =	rddreg [dreg:$0x6];
	[sflag:s26] =	ssyncadd.s32 $0xFFFFFB00  }
0x8f: {  	[hbm:s23], [sflag:s13] =	dma.local [spmem:s17], $0x500  }
0x90: {  	_ =	swait.ge [sflag:s26], $0x500  }
0x91: {  	[sflag:s26] =	ssyncset.done $0x0  }
0x92: {  	s17 =	sshrl.u32 s7, $0x3;
	s23 =	rddreg [dreg:$0x7];
	[sflag:s26] =	ssyncadd.s32 $0xFFFFFB00  }
0x93: {  	[hbm:s23], [sflag:s13] =	dma.local [spmem:s17], $0x500  }
0x94: {  	_ =	swait.ge [sflag:s26], $0x500  }
0x95: {  	[sflag:s26] =	ssyncset.done $0x0  }
0x96: {  	s17 =	sshrl.u32 s8, $0x3;
	s23 =	rddreg [dreg:$0x8];
	[sflag:s26] =	ssyncadd.s32 $0xFFFFFB00  }
0x97: {  	[hbm:s23], [sflag:s13] =	dma.local [spmem:s17], $0x500  }
0x98: {  	_ =	swait.ge [sflag:s26], $0x500  }
0x99: {  	[sflag:s26] =	ssyncset.done $0x0  }
0x9a: {  	s16 =	sshrl.u32 s9, $0x3;
	[sflag:s26] =	ssyncadd.s32 $0xFFFFFB00  }
0x9b: {  	[hbm:s18], [sflag:s13] =	dma.local [spmem:s16], $0x500  }
0x9c: {  	_ =	swait.ge [sflag:s26], $0x500  }
0x9d: {  	[sflag:s26] =	ssyncset.done $0x0  }
0x9e: {  	s17 =	sshrl.u32 s10, $0x3;
	[sflag:s26] =	ssyncadd.s32 $0xFFFFFB00  }
0x9f: {  	[hbm:s19], [sflag:s13] =	dma.local [spmem:s17], $0x500  }
0xa0: {  	_ =	swait.ge [sflag:s26], $0x500  }
0xa1: {  	[sflag:s26] =	ssyncset.done $0x0  }
0xa2: {  	s23 =	sshrl.u32 s11, $0x3;
	[sflag:s26] =	ssyncadd.s32 $0xFFFFFB00  }
0xa3: {  	[hbm:s20], [sflag:s13] =	dma.local [spmem:s23], $0x500  }
0xa4: {  	_ =	swait.ge [sflag:s26], $0x500  }
0xa5: {  	s4 =	sadd.s32 $0x1, s4;
	[sflag:s26] =	ssyncset.done $0x0  }
0xa6: {  	p1 =	sne.s32 s4, s22;
	s15 =	sshrl.u32 @!p0 s12, $0x3;
	[sflag:s26] =	ssyncadd.s32 $0xFFFFFB00  }
0xa7: {  	[hbm:s21], [sflag:s13] =	dma.local @!p0 [spmem:s15], $0x500  }
.Ltmp3:
0xa8: {  	_ = 	snop;
	(pc) =	sbr.rel @p1 .LBB2_1-.Ltmp3, $4  }
0xa9: {  	s13 =	simm.s32 @!p0 $0x2  }
0xaa: {  	_ =	swait.ge @!p0 [sflag:s13], $0x500  }
0xab: {  	[sflag:s13] =	ssyncset.done @!p0 $0x0  }
0xac: {  	[sflag:s13] =	ssyncadd.s32 @!p0 $0xFFFFFB00  }
0xad: {  	_ =	sfence.sel $0x180000  }
0xae: {  	[bflag:$0x0] =	sbarrier.arrive $0xFFFF  }
0xaf: {  	_ =	strace $0x90000047  }
0xb0: {  	s0 =	stileid.u32;
	[bflag:$0x2] =	sbarrier.arrive $0xFFFF  }
0xb1: {  	p0 =	sne.s32 s0, $0x0;
	s0 =	rddreg [dreg:$0x3]  }
0xb2: {  	s0 =	sadd.s32 @!p0 $0x100000, s0  }
0xb3: {  	[sflag:s0] =	ssyncadd.tile.s32 @!p0 $0x1;
	_ =	shalt  }
.Lfunc_end2:
_tile_overlayer_lowered:
.L_overlay_start_2:
0xb4: {  	(tag) =	ssettag $0x2  }
0xb5: {  	s0 =	rddreg [dreg:$0x0];
	s2 =	stileid.u32  }
0xb6: {  	s1 =	rddreg [dreg:$0x1];
	p0 =	sne.s32 s2, $0x0  }
0xb7: {  	s3 =	rddreg [dreg:$0x2];
	[bflag:$0x3] =	sbarrier.arrive $0xFFFF;
	s2 =	simm.s32 @!p0 $0x1C02  }
0xb8: {  	[timem:s3], [sflag:s2] =	dma.local @!p0 [hbm:s0], s1  }
0xb9: {  	s0 =	simm.s32 @!p0 $0x2  }
0xba: {  	_ =	swait.ge @!p0 [sflag:s0], s1  }
0xbb: {  	s1 =	ssub.s32 @!p0 $0x0, s1;
	[sflag:s0] =	ssyncset.done @!p0 $0x0  }
0xbc: {  	[sflag:s0] =	ssyncadd.s32 @!p0 s1  }
0xbd: {  	[bflag:$0x3] =	sbarrier.arrive $0xFFFF  }
0xbe: {  	_ =	shalt  }

</sc_bundles>
